<compile_context>
chip_gen: v7x
topology: tpu7x:2x2x1
jax: 0.10.2.dev20260603
libtpu: 0.0.44.dev20260713+nightly
codegen_flags: <defaults>
</compile_context>

<pallas_src>
import jax
import jax.numpy as jnp
from jax import lax
from jax.experimental import pallas as pl
from jax.experimental.pallas import tpu as pltpu
from jax.experimental.pallas import tpu_sc as plsc

N_VOCAB = 1000000
N_EMBED = 64
BATCH = 16384

NC = 2
NS = 16
NW = NC * NS
B_PER_W = BATCH // NW
LANE = 16
ROWS_PER_TILE = 8
N_TILE_ROWS = N_VOCAB // ROWS_PER_TILE
WAVE = 64
N_WAVES = B_PER_W // WAVE


def _gather_body(idx_hbm, table_hbm, out_hbm, idx_v, outbuf_v, sem):
    wid = lax.axis_index("s") * NC + lax.axis_index("c")
    base = wid * B_PER_W
    pltpu.sync_copy(idx_hbm.at[pl.ds(base, B_PER_W)], idx_v)

    def fire_wave(w):
        for kb in range(WAVE // LANE):
            j0 = pl.multiple_of(w * WAVE + kb * LANE, LANE)
            v = idx_v[pl.ds(j0, LANE)]
            hv = lax.shift_right_logical(v, 3)
            rv = lax.bitwise_and(v, 7)
            for b in range(LANE):
                pltpu.async_copy(
                    table_hbm.at[hv[b], rv[b]], outbuf_v.at[j0 + b], sem
                )

    def wait_wave(w):
        pltpu.make_async_copy(
            out_hbm.at[pl.ds(0, WAVE)],
            outbuf_v.at[pl.ds(w * WAVE, WAVE)],
            sem,
        ).wait()

    fire_wave(0)

    def wave_body(i, carry):
        @pl.when(i + 1 < N_WAVES)
        def _():
            fire_wave_dyn(i + 1)
        wait_wave_dyn(i)
        return carry

    def fire_wave_dyn(w):
        for kb in range(WAVE // LANE):
            j0 = pl.multiple_of(w * WAVE + kb * LANE, LANE)
            v = idx_v[pl.ds(j0, LANE)]
            hv = lax.shift_right_logical(v, 3)
            rv = lax.bitwise_and(v, 7)
            for b in range(LANE):
                pltpu.async_copy(
                    table_hbm.at[hv[b], rv[b]], outbuf_v.at[j0 + b], sem
                )

    def wait_wave_dyn(w):
        pltpu.make_async_copy(
            out_hbm.at[pl.ds(0, WAVE)],
            outbuf_v.at[pl.ds(w * WAVE, WAVE)],
            sem,
        ).wait()

    lax.fori_loop(0, N_WAVES, wave_body, jnp.int32(0))
    pltpu.sync_copy(outbuf_v, out_hbm.at[pl.ds(base, B_PER_W)])


@jax.jit
def _gather(idx, table3):
    return pl.kernel(
        _gather_body,
        mesh=plsc.VectorSubcoreMesh(core_axis_name="c", subcore_axis_name="s"),
        out_type=jax.ShapeDtypeStruct((BATCH, N_EMBED), jnp.float32),
        scratch_types=[
            pltpu.VMEM((B_PER_W,), jnp.int32),
            pltpu.VMEM((B_PER_W, N_EMBED), jnp.float32),
            pltpu.SemaphoreType.DMA,
        ],
    )(idx, table3)


def kernel(input_words, W_in):
    idx = input_words.astype(jnp.int32)
    table3 = W_in.reshape(N_TILE_ROWS, ROWS_PER_TILE, N_EMBED)
    return _gather(idx, table3)

# --- scband reference (transcript-rebuilt; emitter-appended) ---
"""Pipeline reference for scband-skip-gram-neg-36266703848208 (READ-ONLY COPY).

The authoritative reference and input builder live on the scoring server;
editing this copy changes nothing except your own understanding.
"""

import jax, jax.numpy as jnp
import numpy as np

N_VOCAB = 1000000
N_EMBED = 64
BATCH = 16384


def setup_inputs(seed: int = 0) -> dict:
    key = jax.random.key(seed)
    k_idx, k_win = jax.random.split(key, 2)
    input_words = jax.random.randint(k_idx, (BATCH,), 0, N_VOCAB, dtype=jnp.int64 if jax.config.jax_enable_x64 else jnp.int32)
    # in_embed weight initialized uniform(-1, 1) as in the torch module
    W_in = jax.random.uniform(k_win, (N_VOCAB, N_EMBED), dtype=jnp.float32, minval=-1.0, maxval=1.0)
    return {"input_words": input_words, "W_in": W_in}


def reference(input_words, W_in):
    # SkipGramNeg.forward_input: input_vectors = self.in_embed(input_words)
    input_vectors = jnp.take(W_in, input_words, axis=0)
    return input_vectors

if __name__ == "__main__":
    import jax
    _d = setup_inputs()
    print(jax.jit(kernel)(*tuple(_d.values())))

</pallas_src>

<mosaic_0001>
#map = affine_map<(d0, d1) -> (0)>
#map1 = affine_map<(d0, d1) -> (0, 0, 0)>
#map2 = affine_map<(d0, d1) -> (0, 0)>
module attributes {stable_mosaic.version = 14 : i64} {
  func.func @_gather_body(%arg0: i32, %arg1: i32, %arg2: memref<16384xi32, #tpu.memory_space<hbm>>, %arg3: memref<125000x8x64xf32, #tpu.memory_space<hbm>>, %arg4: memref<16384x64xf32, #tpu.memory_space<hbm>>, %arg5: memref<512xi32, #tpu.memory_space<vmem>>, %arg6: memref<512x64xf32, #tpu.memory_space<vmem>>, %arg7: memref<!tpu.dma_semaphore, #tpu.memory_space<semaphore_mem>>) attributes {dimension_semantics = [#tpu.dimension_semantics<core_parallel>, #tpu.dimension_semantics<subcore_parallel>], iteration_bounds = array<i64: 2, 16>, scalar_prefetch = 0 : i64, scratch_operands = 3 : i64, tpu.core_type = #tpu.core_type<sc_vector_subcore>, window_params = [{transform_indices = #map}, {transform_indices = #map1}, {transform_indices = #map2}]} {
    %mul3A = arith.constant 2 : i32
    %mul3A_0 = arith.muli %arg1, %mul3A : i32
    %add3A = arith.addi %mul3A_0, %arg0 : i32
    %mul3A_1 = arith.constant 512 : i32
    %mul3A_2 = arith.muli %add3A, %mul3A_1 : i32
    "tpu.region"() ({
      %run_scoped3A = tpu.sem_alloc : memref<!tpu.dma_semaphore, #tpu.memory_space<semaphore_mem>>
      %dma_start3A_1197 = tpu.memref_slice %arg2[%mul3A_2] : memref<16384xi32, #tpu.memory_space<hbm>> -> memref<512xi32, #tpu.memory_space<hbm>>
      %dma_start3A_1198 = tpu.memref_slice %arg2[%mul3A_2] : memref<16384xi32, #tpu.memory_space<hbm>> -> memref<512xi32, #tpu.memory_space<hbm>>
      tpu.enqueue_dma source(%dma_start3A_1198 : memref<512xi32, #tpu.memory_space<hbm>>) target(%arg5 : memref<512xi32, #tpu.memory_space<vmem>>) target_semaphore(%run_scoped3A : memref<!tpu.dma_semaphore, #tpu.memory_space<semaphore_mem>>)
      %dma_wait3A = tpu.memref_slice %arg2[%mul3A_2] : memref<16384xi32, #tpu.memory_space<hbm>> -> memref<512xi32, #tpu.memory_space<hbm>>
      %dma_wait3A_1199 = tpu.memref_slice %arg2[%mul3A_2] : memref<16384xi32, #tpu.memory_space<hbm>> -> memref<512xi32, #tpu.memory_space<hbm>>
      tpu.wait_dma2 semaphore(%run_scoped3A : memref<!tpu.dma_semaphore, #tpu.memory_space<semaphore_mem>>) src(%dma_wait3A_1199 : memref<512xi32, #tpu.memory_space<hbm>>) dst(%arg5 : memref<512xi32, #tpu.memory_space<vmem>>)
      tpu.yield
    }) : () -> ()
    %multiple_of3A = arith.constant 0 : i32
    %multiple_of3A_3 = tpu.assume_multiple %multiple_of3A, 16 : i32
    %get3A = arith.index_cast %multiple_of3A_3 : i32 to index
    %get3A_4 = tpu.vector_load %arg5[%get3A] {strides = array<i32>} : memref<512xi32, #tpu.memory_space<vmem>>, vector<16xi32>,
    %get3A_5 = vector.shape_cast %get3A_4 : vector<16xi32> to vector<16xi32>
    %shift_right_logical3A = arith.constant 3 : i32
    %shift_right_logical3A_6 = vector.broadcast %shift_right_logical3A : i32 to vector<16xi32>
    %shift_right_logical3A_7 = arith.shrui %get3A_5, %shift_right_logical3A_6 : vector<16xi32>
    %and3A = arith.constant 7 : i32
    %and3A_8 = vector.broadcast %and3A : i32 to vector<16xi32>
    %and3A_9 = arith.andi %get3A_5, %and3A_8 : vector<16xi32>
    %slice3A = vector.extract_strided_slice %shift_right_logical3A_7 {offsets = [0], sizes = [1], strides = [1]} : vector<16xi32> to vector<1xi32>
    %squeeze3A = vector.extract %slice3A[0] : i32 from vector<1xi32>
    %slice3A_10 = vector.extract_strided_slice %and3A_9 {offsets = [0], sizes = [1], strides = [1]} : vector<16xi32> to vector<1xi32>
    %squeeze3A_11 = vector.extract %slice3A_10[0] : i32 from vector<1xi32>
    %add3A_12 = arith.constant 0 : i32
    %add3A_13 = arith.addi %multiple_of3A_3, %add3A_12 : i32
    %dma_start3A = arith.constant 0 : i32
    %dma_start3A_14 = tpu.memref_slice %arg6[%add3A_13, %dma_start3A] : memref<512x64xf32, #tpu.memory_space<vmem>> -> memref<1x64xf32, #tpu.memory_space<vmem>>
    %dma_start3A_15 = tpu.memref_squeeze %dma_start3A_14 : memref<1x64xf32, #tpu.memory_space<vmem>> -> memref<64xf32, #tpu.memory_space<vmem>>
    %dma_start3A_16 = arith.constant 0 : i32
    %dma_start3A_17 = tpu.memref_slice %arg3[%squeeze3A, %squeeze3A_11, %dma_start3A_16] : memref<125000x8x64xf32, #tpu.memory_space<hbm>> -> memref<1x1x64xf32, #tpu.memory_space<hbm>>
    %dma_start3A_18 = tpu.memref_squeeze %dma_start3A_17 : memref<1x1x64xf32, #tpu.memory_space<hbm>> -> memref<64xf32, #tpu.memory_space<hbm>>
    %dma_start3A_19 = arith.constant 0 : i32
    %dma_start3A_20 = tpu.memref_slice %arg6[%add3A_13, %dma_start3A_19] : memref<512x64xf32, #tpu.memory_space<vmem>> -> memref<1x64xf32, #tpu.memory_space<vmem>>
    %dma_start3A_21 = tpu.memref_squeeze %dma_start3A_20 : memref<1x64xf32, #tpu.memory_space<vmem>> -> memref<64xf32, #tpu.memory_space<vmem>>
    %dma_start3A_22 = arith.constant 0 : i32
    %dma_start3A_23 = tpu.memref_slice %arg3[%squeeze3A, %squeeze3A_11, %dma_start3A_22] : memref<125000x8x64xf32, #tpu.memory_space<hbm>> -> memref<1x1x64xf32, #tpu.memory_space<hbm>>
    %dma_start3A_24 = tpu.memref_squeeze %dma_start3A_23 : memref<1x1x64xf32, #tpu.memory_space<hbm>> -> memref<64xf32, #tpu.memory_space<hbm>>
    tpu.enqueue_dma source(%dma_start3A_24 : memref<64xf32, #tpu.memory_space<hbm>>) target(%dma_start3A_21 : memref<64xf32, #tpu.memory_space<vmem>>) target_semaphore(%arg7 : memref<!tpu.dma_semaphore, #tpu.memory_space<semaphore_mem>>)
    %slice3A_25 = vector.extract_strided_slice %shift_right_logical3A_7 {offsets = [1], sizes = [1], strides = [1]} : vector<16xi32> to vector<1xi32>
    %squeeze3A_26 = vector.extract %slice3A_25[0] : i32 from vector<1xi32>
    %slice3A_27 = vector.extract_strided_slice %and3A_9 {offsets = [1], sizes = [1], strides = [1]} : vector<16xi32> to vector<1xi32>
    %squeeze3A_28 = vector.extract %slice3A_27[0] : i32 from vector<1xi32>
    %add3A_29 = arith.constant 1 : i32
    %add3A_30 = arith.addi %multiple_of3A_3, %add3A_29 : i32
    %dma_start3A_31 = arith.constant 0 : i32
    %dma_start3A_32 = tpu.memref_slice %arg6[%add3A_30, %dma_start3A_31] : memref<512x64xf32, #tpu.memory_space<vmem>> -> memref<1x64xf32, #tpu.memory_space<vmem>>
    %dma_start3A_33 = tpu.memref_squeeze %dma_start3A_32 : memref<1x64xf32, #tpu.memory_space<vmem>> -> memref<64xf32, #tpu.memory_space<vmem>>
    %dma_start3A_34 = arith.constant 0 : i32
    %dma_start3A_35 = tpu.memref_slice %arg3[%squeeze3A_26, %squeeze3A_28, %dma_start3A_34] : memref<125000x8x64xf32, #tpu.memory_space<hbm>> -> memref<1x1x64xf32, #tpu.memory_space<hbm>>
    %dma_start3A_36 = tpu.memref_squeeze %dma_start3A_35 : memref<1x1x64xf32, #tpu.memory_space<hbm>> -> memref<64xf32, #tpu.memory_space<hbm>>
    %dma_start3A_37 = arith.constant 0 : i32
    %dma_start3A_38 = tpu.memref_slice %arg6[%add3A_30, %dma_start3A_37] : memref<512x64xf32, #tpu.memory_space<vmem>> -> memref<1x64xf32, #tpu.memory_space<vmem>>
    %dma_start3A_39 = tpu.memref_squeeze %dma_start3A_38 : memref<1x64xf32, #tpu.memory_space<vmem>> -> memref<64xf32, #tpu.memory_space<vmem>>
    %dma_start3A_40 = arith.constant 0 : i32
    %dma_start3A_41 = tpu.memref_slice %arg3[%squeeze3A_26, %squeeze3A_28, %dma_start3A_40] : memref<125000x8x64xf32, #tpu.memory_space<hbm>> -> memref<1x1x64xf32, #tpu.memory_space<hbm>>
    %dma_start3A_42 = tpu.memref_squeeze %dma_start3A_41 : memref<1x1x64xf32, #tpu.memory_space<hbm>> -> memref<64xf32, #tpu.memory_space<hbm>>
    tpu.enqueue_dma source(%dma_start3A_42 : memref<64xf32, #tpu.memory_space<hbm>>) target(%dma_start3A_39 : memref<64xf32, #tpu.memory_space<vmem>>) target_semaphore(%arg7 : memref<!tpu.dma_semaphore, #tpu.memory_space<semaphore_mem>>)
    %slice3A_43 = vector.extract_strided_slice %shift_right_logical3A_7 {offsets = [2], sizes = [1], strides = [1]} : vector<16xi32> to vector<1xi32>
    %squeeze3A_44 = vector.extract %slice3A_43[0] : i32 from vector<1xi32>
    %slice3A_45 = vector.extract_strided_slice %and3A_9 {offsets = [2], sizes = [1], strides = [1]} : vector<16xi32> to vector<1xi32>
    %squeeze3A_46 = vector.extract %slice3A_45[0] : i32 from vector<1xi32>
    %add3A_47 = arith.constant 2 : i32
    %add3A_48 = arith.addi %multiple_of3A_3, %add3A_47 : i32
    %dma_start3A_49 = arith.constant 0 : i32
    %dma_start3A_50 = tpu.memref_slice %arg6[%add3A_48, %dma_start3A_49] : memref<512x64xf32, #tpu.memory_space<vmem>> -> memref<1x64xf32, #tpu.memory_space<vmem>>
    %dma_start3A_51 = tpu.memref_squeeze %dma_start3A_50 : memref<1x64xf32, #tpu.memory_space<vmem>> -> memref<64xf32, #tpu.memory_space<vmem>>
    %dma_start3A_52 = arith.constant 0 : i32
    %dma_start3A_53 = tpu.memref_slice %arg3[%squeeze3A_44, %squeeze3A_46, %dma_start3A_52] : memref<125000x8x64xf32, #tpu.memory_space<hbm>> -> memref<1x1x64xf32, #tpu.memory_space<hbm>>
    %dma_start3A_54 = tpu.memref_squeeze %dma_start3A_53 : memref<1x1x64xf32, #tpu.memory_space<hbm>> -> memref<64xf32, #tpu.memory_space<hbm>>
    %dma_start3A_55 = arith.constant 0 : i32
    %dma_start3A_56 = tpu.memref_slice %arg6[%add3A_48, %dma_start3A_55] : memref<512x64xf32, #tpu.memory_space<vmem>> -> memref<1x64xf32, #tpu.memory_space<vmem>>
    %dma_start3A_57 = tpu.memref_squeeze %dma_start3A_56 : memref<1x64xf32, #tpu.memory_space<vmem>> -> memref<64xf32, #tpu.memory_space<vmem>>
    %dma_start3A_58 = arith.constant 0 : i32
    %dma_start3A_59 = tpu.memref_slice %arg3[%squeeze3A_44, %squeeze3A_46, %dma_start3A_58] : memref<125000x8x64xf32, #tpu.memory_space<hbm>> -> memref<1x1x64xf32, #tpu.memory_space<hbm>>
    %dma_start3A_60 = tpu.memref_squeeze %dma_start3A_59 : memref<1x1x64xf32, #tpu.memory_space<hbm>> -> memref<64xf32, #tpu.memory_space<hbm>>
    tpu.enqueue_dma source(%dma_start3A_60 : memref<64xf32, #tpu.memory_space<hbm>>) target(%dma_start3A_57 : memref<64xf32, #tpu.memory_space<vmem>>) target_semaphore(%arg7 : memref<!tpu.dma_semaphore, #tpu.memory_space<semaphore_mem>>)
    %slice3A_61 = vector.extract_strided_slice %shift_right_logical3A_7 {offsets = [3], sizes = [1], strides = [1]} : vector<16xi32> to vector<1xi32>
    %squeeze3A_62 = vector.extract %slice3A_61[0] : i32 from vector<1xi32>
    %slice3A_63 = vector.extract_strided_slice %and3A_9 {offsets = [3], sizes = [1], strides = [1]} : vector<16xi32> to vector<1xi32>
    %squeeze3A_64 = vector.extract %slice3A_63[0] : i32 from vector<1xi32>
    %add3A_65 = arith.constant 3 : i32
    %add3A_66 = arith.addi %multiple_of3A_3, %add3A_65 : i32
    %dma_start3A_67 = arith.constant 0 : i32
    %dma_start3A_68 = tpu.memref_slice %arg6[%add3A_66, %dma_start3A_67] : memref<512x64xf32, #tpu.memory_space<vmem>> -> memref<1x64xf32, #tpu.memory_space<vmem>>
    %dma_start3A_69 = tpu.memref_squeeze %dma_start3A_68 : memref<1x64xf32, #tpu.memory_space<vmem>> -> memref<64xf32, #tpu.memory_space<vmem>>
    %dma_start3A_70 = arith.constant 0 : i32
    %dma_start3A_71 = tpu.memref_slice %arg3[%squeeze3A_62, %squeeze3A_64, %dma_start3A_70] : memref<125000x8x64xf32, #tpu.memory_space<hbm>> -> memref<1x1x64xf32, #tpu.memory_space<hbm>>
    %dma_start3A_72 = tpu.memref_squeeze %dma_start3A_71 : memref<1x1x64xf32, #tpu.memory_space<hbm>> -> memref<64xf32, #tpu.memory_space<hbm>>
    %dma_start3A_73 = arith.constant 0 : i32
    %dma_start3A_74 = tpu.memref_slice %arg6[%add3A_66, %dma_start3A_73] : memref<512x64xf32, #tpu.memory_space<vmem>> -> memref<1x64xf32, #tpu.memory_space<vmem>>
    %dma_start3A_75 = tpu.memref_squeeze %dma_start3A_74 : memref<1x64xf32, #tpu.memory_space<vmem>> -> memref<64xf32, #tpu.memory_space<vmem>>
    %dma_start3A_76 = arith.constant 0 : i32
    %dma_start3A_77 = tpu.memref_slice %arg3[%squeeze3A_62, %squeeze3A_64, %dma_start3A_76] : memref<125000x8x64xf32, #tpu.memory_space<hbm>> -> memref<1x1x64xf32, #tpu.memory_space<hbm>>
    %dma_start3A_78 = tpu.memref_squeeze %dma_start3A_77 : memref<1x1x64xf32, #tpu.memory_space<hbm>> -> memref<64xf32, #tpu.memory_space<hbm>>
    tpu.enqueue_dma source(%dma_start3A_78 : memref<64xf32, #tpu.memory_space<hbm>>) target(%dma_start3A_75 : memref<64xf32, #tpu.memory_space<vmem>>) target_semaphore(%arg7 : memref<!tpu.dma_semaphore, #tpu.memory_space<semaphore_mem>>)
    %slice3A_79 = vector.extract_strided_slice %shift_right_logical3A_7 {offsets = [4], sizes = [1], strides = [1]} : vector<16xi32> to vector<1xi32>
    %squeeze3A_80 = vector.extract %slice3A_79[0] : i32 from vector<1xi32>
    %slice3A_81 = vector.extract_strided_slice %and3A_9 {offsets = [4], sizes = [1], strides = [1]} : vector<16xi32> to vector<1xi32>
    %squeeze3A_82 = vector.extract %slice3A_81[0] : i32 from vector<1xi32>
    %add3A_83 = arith.constant 4 : i32
    %add3A_84 = arith.addi %multiple_of3A_3, %add3A_83 : i32
    %dma_start3A_85 = arith.constant 0 : i32
    %dma_start3A_86 = tpu.memref_slice %arg6[%add3A_84, %dma_start3A_85] : memref<512x64xf32, #tpu.memory_space<vmem>> -> memref<1x64xf32, #tpu.memory_space<vmem>>
    %dma_start3A_87 = tpu.memref_squeeze %dma_start3A_86 : memref<1x64xf32, #tpu.memory_space<vmem>> -> memref<64xf32, #tpu.memory_space<vmem>>
    %dma_start3A_88 = arith.constant 0 : i32
    %dma_start3A_89 = tpu.memref_slice %arg3[%squeeze3A_80, %squeeze3A_82, %dma_start3A_88] : memref<125000x8x64xf32, #tpu.memory_space<hbm>> -> memref<1x1x64xf32, #tpu.memory_space<hbm>>
    %dma_start3A_90 = tpu.memref_squeeze %dma_start3A_89 : memref<1x1x64xf32, #tpu.memory_space<hbm>> -> memref<64xf32, #tpu.memory_space<hbm>>
    %dma_start3A_91 = arith.constant 0 : i32
    %dma_start3A_92 = tpu.memref_slice %arg6[%add3A_84, %dma_start3A_91] : memref<512x64xf32, #tpu.memory_space<vmem>> -> memref<1x64xf32, #tpu.memory_space<vmem>>
    %dma_start3A_93 = tpu.memref_squeeze %dma_start3A_92 : memref<1x64xf32, #tpu.memory_space<vmem>> -> memref<64xf32, #tpu.memory_space<vmem>>
    %dma_start3A_94 = arith.constant 0 : i32
    %dma_start3A_95 = tpu.memref_slice %arg3[%squeeze3A_80, %squeeze3A_82, %dma_start3A_94] : memref<125000x8x64xf32, #tpu.memory_space<hbm>> -> memref<1x1x64xf32, #tpu.memory_space<hbm>>
    %dma_start3A_96 = tpu.memref_squeeze %dma_start3A_95 : memref<1x1x64xf32, #tpu.memory_space<hbm>> -> memref<64xf32, #tpu.memory_space<hbm>>
    tpu.enqueue_dma source(%dma_start3A_96 : memref<64xf32, #tpu.memory_space<hbm>>) target(%dma_start3A_93 : memref<64xf32, #tpu.memory_space<vmem>>) target_semaphore(%arg7 : memref<!tpu.dma_semaphore, #tpu.memory_space<semaphore_mem>>)
    %slice3A_97 = vector.extract_strided_slice %shift_right_logical3A_7 {offsets = [5], sizes = [1], strides = [1]} : vector<16xi32> to vector<1xi32>
    %squeeze3A_98 = vector.extract %slice3A_97[0] : i32 from vector<1xi32>
    %slice3A_99 = vector.extract_strided_slice %and3A_9 {offsets = [5], sizes = [1], strides = [1]} : vector<16xi32> to vector<1xi32>
    %squeeze3A_100 = vector.extract %slice3A_99[0] : i32 from vector<1xi32>
    %add3A_101 = arith.constant 5 : i32
    %add3A_102 = arith.addi %multiple_of3A_3, %add3A_101 : i32
    %dma_start3A_103 = arith.constant 0 : i32
    %dma_start3A_104 = tpu.memref_slice %arg6[%add3A_102, %dma_start3A_103] : memref<512x64xf32, #tpu.memory_space<vmem>> -> memref<1x64xf32, #tpu.memory_space<vmem>>
    %dma_start3A_105 = tpu.memref_squeeze %dma_start3A_104 : memref<1x64xf32, #tpu.memory_space<vmem>> -> memref<64xf32, #tpu.memory_space<vmem>>
    %dma_start3A_106 = arith.constant 0 : i32
    %dma_start3A_107 = tpu.memref_slice %arg3[%squeeze3A_98, %squeeze3A_100, %dma_start3A_106] : memref<125000x8x64xf32, #tpu.memory_space<hbm>> -> memref<1x1x64xf32, #tpu.memory_space<hbm>>
    %dma_start3A_108 = tpu.memref_squeeze %dma_start3A_107 : memref<1x1x64xf32, #tpu.memory_space<hbm>> -> memref<64xf32, #tpu.memory_space<hbm>>
    %dma_start3A_109 = arith.constant 0 : i32
    %dma_start3A_110 = tpu.memref_slice %arg6[%add3A_102, %dma_start3A_109] : memref<512x64xf32, #tpu.memory_space<vmem>> -> memref<1x64xf32, #tpu.memory_space<vmem>>
    %dma_start3A_111 = tpu.memref_squeeze %dma_start3A_110 : memref<1x64xf32, #tpu.memory_space<vmem>> -> memref<64xf32, #tpu.memory_space<vmem>>
    %dma_start3A_112 = arith.constant 0 : i32
    %dma_start3A_113 = tpu.memref_slice %arg3[%squeeze3A_98, %squeeze3A_100, %dma_start3A_112] : memref<125000x8x64xf32, #tpu.memory_space<hbm>> -> memref<1x1x64xf32, #tpu.memory_space<hbm>>
    %dma_start3A_114 = tpu.memref_squeeze %dma_start3A_113 : memref<1x1x64xf32, #tpu.memory_space<hbm>> -> memref<64xf32, #tpu.memory_space<hbm>>
    tpu.enqueue_dma source(%dma_start3A_114 : memref<64xf32, #tpu.memory_space<hbm>>) target(%dma_start3A_111 : memref<64xf32, #tpu.memory_space<vmem>>) target_semaphore(%arg7 : memref<!tpu.dma_semaphore, #tpu.memory_space<semaphore_mem>>)
    %slice3A_115 = vector.extract_strided_slice %shift_right_logical3A_7 {offsets = [6], sizes = [1], strides = [1]} : vector<16xi32> to vector<1xi32>
    %squeeze3A_116 = vector.extract %slice3A_115[0] : i32 from vector<1xi32>
    %slice3A_117 = vector.extract_strided_slice %and3A_9 {offsets = [6], sizes = [1], strides = [1]} : vector<16xi32> to vector<1xi32>
    %squeeze3A_118 = vector.extract %slice3A_117[0] : i32 from vector<1xi32>
    %add3A_119 = arith.constant 6 : i32
    %add3A_120 = arith.addi %multiple_of3A_3, %add3A_119 : i32
    %dma_start3A_121 = arith.constant 0 : i32
    %dma_start3A_122 = tpu.memref_slice %arg6[%add3A_120, %dma_start3A_121] : memref<512x64xf32, #tpu.memory_space<vmem>> -> memref<1x64xf32, #tpu.memory_space<vmem>>
    %dma_start3A_123 = tpu.memref_squeeze %dma_start3A_122 : memref<1x64xf32, #tpu.memory_space<vmem>> -> memref<64xf32, #tpu.memory_space<vmem>>
    %dma_start3A_124 = arith.constant 0 : i32
    %dma_start3A_125 = tpu.memref_slice %arg3[%squeeze3A_116, %squeeze3A_118, %dma_start3A_124] : memref<125000x8x64xf32, #tpu.memory_space<hbm>> -> memref<1x1x64xf32, #tpu.memory_space<hbm>>
    %dma_start3A_126 = tpu.memref_squeeze %dma_start3A_125 : memref<1x1x64xf32, #tpu.memory_space<hbm>> -> memref<64xf32, #tpu.memory_space<hbm>>
    %dma_start3A_127 = arith.constant 0 : i32
    %dma_start3A_128 = tpu.memref_slice %arg6[%add3A_120, %dma_start3A_127] : memref<512x64xf32, #tpu.memory_space<vmem>> -> memref<1x64xf32, #tpu.memory_space<vmem>>
    %dma_start3A_129 = tpu.memref_squeeze %dma_start3A_128 : memref<1x64xf32, #tpu.memory_space<vmem>> -> memref<64xf32, #tpu.memory_space<vmem>>
    %dma_start3A_130 = arith.constant 0 : i32
    %dma_start3A_131 = tpu.memref_slice %arg3[%squeeze3A_116, %squeeze3A_118, %dma_start3A_130] : memref<125000x8x64xf32, #tpu.memory_space<hbm>> -> memref<1x1x64xf32, #tpu.memory_space<hbm>>
    %dma_start3A_132 = tpu.memref_squeeze %dma_start3A_131 : memref<1x1x64xf32, #tpu.memory_space<hbm>> -> memref<64xf32, #tpu.memory_space<hbm>>
    tpu.enqueue_dma source(%dma_start3A_132 : memref<64xf32, #tpu.memory_space<hbm>>) target(%dma_start3A_129 : memref<64xf32, #tpu.memory_space<vmem>>) target_semaphore(%arg7 : memref<!tpu.dma_semaphore, #tpu.memory_space<semaphore_mem>>)
    %slice3A_133 = vector.extract_strided_slice %shift_right_logical3A_7 {offsets = [7], sizes = [1], strides = [1]} : vector<16xi32> to vector<1xi32>
    %squeeze3A_134 = vector.extract %slice3A_133[0] : i32 from vector<1xi32>
    %slice3A_135 = vector.extract_strided_slice %and3A_9 {offsets = [7], sizes = [1], strides = [1]} : vector<16xi32> to vector<1xi32>
    %squeeze3A_136 = vector.extract %slice3A_135[0] : i32 from vector<1xi32>
    %add3A_137 = arith.constant 7 : i32
    %add3A_138 = arith.addi %multiple_of3A_3, %add3A_137 : i32
    %dma_start3A_139 = arith.constant 0 : i32
    %dma_start3A_140 = tpu.memref_slice %arg6[%add3A_138, %dma_start3A_139] : memref<512x64xf32, #tpu.memory_space<vmem>> -> memref<1x64xf32, #tpu.memory_space<vmem>>
    %dma_start3A_141 = tpu.memref_squeeze %dma_start3A_140 : memref<1x64xf32, #tpu.memory_space<vmem>> -> memref<64xf32, #tpu.memory_space<vmem>>
    %dma_start3A_142 = arith.constant 0 : i32
    %dma_start3A_143 = tpu.memref_slice %arg3[%squeeze3A_134, %squeeze3A_136, %dma_start3A_142] : memref<125000x8x64xf32, #tpu.memory_space<hbm>> -> memref<1x1x64xf32, #tpu.memory_space<hbm>>
    %dma_start3A_144 = tpu.memref_squeeze %dma_start3A_143 : memref<1x1x64xf32, #tpu.memory_space<hbm>> -> memref<64xf32, #tpu.memory_space<hbm>>
    %dma_start3A_145 = arith.constant 0 : i32
    %dma_start3A_146 = tpu.memref_slice %arg6[%add3A_138, %dma_start3A_145] : memref<512x64xf32, #tpu.memory_space<vmem>> -> memref<1x64xf32, #tpu.memory_space<vmem>>
    %dma_start3A_147 = tpu.memref_squeeze %dma_start3A_146 : memref<1x64xf32, #tpu.memory_space<vmem>> -> memref<64xf32, #tpu.memory_space<vmem>>
    %dma_start3A_148 = arith.constant 0 : i32
    %dma_start3A_149 = tpu.memref_slice %arg3[%squeeze3A_134, %squeeze3A_136, %dma_start3A_148] : memref<125000x8x64xf32, #tpu.memory_space<hbm>> -> memref<1x1x64xf32, #tpu.memory_space<hbm>>
    %dma_start3A_150 = tpu.memref_squeeze %dma_start3A_149 : memref<1x1x64xf32, #tpu.memory_space<hbm>> -> memref<64xf32, #tpu.memory_space<hbm>>
    tpu.enqueue_dma source(%dma_start3A_150 : memref<64xf32, #tpu.memory_space<hbm>>) target(%dma_start3A_147 : memref<64xf32, #tpu.memory_space<vmem>>) target_semaphore(%arg7 : memref<!tpu.dma_semaphore, #tpu.memory_space<semaphore_mem>>)
    %slice3A_151 = vector.extract_strided_slice %shift_right_logical3A_7 {offsets = [8], sizes = [1], strides = [1]} : vector<16xi32> to vector<1xi32>
    %squeeze3A_152 = vector.extract %slice3A_151[0] : i32 from vector<1xi32>
    %slice3A_153 = vector.extract_strided_slice %and3A_9 {offsets = [8], sizes = [1], strides = [1]} : vector<16xi32> to vector<1xi32>
    %squeeze3A_154 = vector.extract %slice3A_153[0] : i32 from vector<1xi32>
    %add3A_155 = arith.constant 8 : i32
    %add3A_156 = arith.addi %multiple_of3A_3, %add3A_155 : i32
    %dma_start3A_157 = arith.constant 0 : i32
    %dma_start3A_158 = tpu.memref_slice %arg6[%add3A_156, %dma_start3A_157] : memref<512x64xf32, #tpu.memory_space<vmem>> -> memref<1x64xf32, #tpu.memory_space<vmem>>
    %dma_start3A_159 = tpu.memref_squeeze %dma_start3A_158 : memref<1x64xf32, #tpu.memory_space<vmem>> -> memref<64xf32, #tpu.memory_space<vmem>>
    %dma_start3A_160 = arith.constant 0 : i32
    %dma_start3A_161 = tpu.memref_slice %arg3[%squeeze3A_152, %squeeze3A_154, %dma_start3A_160] : memref<125000x8x64xf32, #tpu.memory_space<hbm>> -> memref<1x1x64xf32, #tpu.memory_space<hbm>>
    %dma_start3A_162 = tpu.memref_squeeze %dma_start3A_161 : memref<1x1x64xf32, #tpu.memory_space<hbm>> -> memref<64xf32, #tpu.memory_space<hbm>>
    %dma_start3A_163 = arith.constant 0 : i32
    %dma_start3A_164 = tpu.memref_slice %arg6[%add3A_156, %dma_start3A_163] : memref<512x64xf32, #tpu.memory_space<vmem>> -> memref<1x64xf32, #tpu.memory_space<vmem>>
    %dma_start3A_165 = tpu.memref_squeeze %dma_start3A_164 : memref<1x64xf32, #tpu.memory_space<vmem>> -> memref<64xf32, #tpu.memory_space<vmem>>
    %dma_start3A_166 = arith.constant 0 : i32
    %dma_start3A_167 = tpu.memref_slice %arg3[%squeeze3A_152, %squeeze3A_154, %dma_start3A_166] : memref<125000x8x64xf32, #tpu.memory_space<hbm>> -> memref<1x1x64xf32, #tpu.memory_space<hbm>>
    %dma_start3A_168 = tpu.memref_squeeze %dma_start3A_167 : memref<1x1x64xf32, #tpu.memory_space<hbm>> -> memref<64xf32, #tpu.memory_space<hbm>>
    tpu.enqueue_dma source(%dma_start3A_168 : memref<64xf32, #tpu.memory_space<hbm>>) target(%dma_start3A_165 : memref<64xf32, #tpu.memory_space<vmem>>) target_semaphore(%arg7 : memref<!tpu.dma_semaphore, #tpu.memory_space<semaphore_mem>>)
    %slice3A_169 = vector.extract_strided_slice %shift_right_logical3A_7 {offsets = [9], sizes = [1], strides = [1]} : vector<16xi32> to vector<1xi32>
    %squeeze3A_170 = vector.extract %slice3A_169[0] : i32 from vector<1xi32>
    %slice3A_171 = vector.extract_strided_slice %and3A_9 {offsets = [9], sizes = [1], strides = [1]} : vector<16xi32> to vector<1xi32>
    %squeeze3A_172 = vector.extract %slice3A_171[0] : i32 from vector<1xi32>
    %add3A_173 = arith.constant 9 : i32
    %add3A_174 = arith.addi %multiple_of3A_3, %add3A_173 : i32
    %dma_start3A_175 = arith.constant 0 : i32
    %dma_start3A_176 = tpu.memref_slice %arg6[%add3A_174, %dma_start3A_175] : memref<512x64xf32, #tpu.memory_space<vmem>> -> memref<1x64xf32, #tpu.memory_space<vmem>>
    %dma_start3A_177 = tpu.memref_squeeze %dma_start3A_176 : memref<1x64xf32, #tpu.memory_space<vmem>> -> memref<64xf32, #tpu.memory_space<vmem>>
    %dma_start3A_178 = arith.constant 0 : i32
    %dma_start3A_179 = tpu.memref_slice %arg3[%squeeze3A_170, %squeeze3A_172, %dma_start3A_178] : memref<125000x8x64xf32, #tpu.memory_space<hbm>> -> memref<1x1x64xf32, #tpu.memory_space<hbm>>
    %dma_start3A_180 = tpu.memref_squeeze %dma_start3A_179 : memref<1x1x64xf32, #tpu.memory_space<hbm>> -> memref<64xf32, #tpu.memory_space<hbm>>
    %dma_start3A_181 = arith.constant 0 : i32
    %dma_start3A_182 = tpu.memref_slice %arg6[%add3A_174, %dma_start3A_181] : memref<512x64xf32, #tpu.memory_space<vmem>> -> memref<1x64xf32, #tpu.memory_space<vmem>>
    %dma_start3A_183 = tpu.memref_squeeze %dma_start3A_182 : memref<1x64xf32, #tpu.memory_space<vmem>> -> memref<64xf32, #tpu.memory_space<vmem>>
    %dma_start3A_184 = arith.constant 0 : i32
    %dma_start3A_185 = tpu.memref_slice %arg3[%squeeze3A_170, %squeeze3A_172, %dma_start3A_184] : memref<125000x8x64xf32, #tpu.memory_space<hbm>> -> memref<1x1x64xf32, #tpu.memory_space<hbm>>
    %dma_start3A_186 = tpu.memref_squeeze %dma_start3A_185 : memref<1x1x64xf32, #tpu.memory_space<hbm>> -> memref<64xf32, #tpu.memory_space<hbm>>
    tpu.enqueue_dma source(%dma_start3A_186 : memref<64xf32, #tpu.memory_space<hbm>>) target(%dma_start3A_183 : memref<64xf32, #tpu.memory_space<vmem>>) target_semaphore(%arg7 : memref<!tpu.dma_semaphore, #tpu.memory_space<semaphore_mem>>)
    %slice3A_187 = vector.extract_strided_slice %shift_right_logical3A_7 {offsets = [10], sizes = [1], strides = [1]} : vector<16xi32> to vector<1xi32>
    %squeeze3A_188 = vector.extract %slice3A_187[0] : i32 from vector<1xi32>
    %slice3A_189 = vector.extract_strided_slice %and3A_9 {offsets = [10], sizes = [1], strides = [1]} : vector<16xi32> to vector<1xi32>
    %squeeze3A_190 = vector.extract %slice3A_189[0] : i32 from vector<1xi32>
    %add3A_191 = arith.constant 10 : i32
    %add3A_192 = arith.addi %multiple_of3A_3, %add3A_191 : i32
    %dma_start3A_193 = arith.constant 0 : i32
    %dma_start3A_194 = tpu.memref_slice %arg6[%add3A_192, %dma_start3A_193] : memref<512x64xf32, #tpu.memory_space<vmem>> -> memref<1x64xf32, #tpu.memory_space<vmem>>
    %dma_start3A_195 = tpu.memref_squeeze %dma_start3A_194 : memref<1x64xf32, #tpu.memory_space<vmem>> -> memref<64xf32, #tpu.memory_space<vmem>>
    %dma_start3A_196 = arith.constant 0 : i32
    %dma_start3A_197 = tpu.memref_slice %arg3[%squeeze3A_188, %squeeze3A_190, %dma_start3A_196] : memref<125000x8x64xf32, #tpu.memory_space<hbm>> -> memref<1x1x64xf32, #tpu.memory_space<hbm>>
    %dma_start3A_198 = tpu.memref_squeeze %dma_start3A_197 : memref<1x1x64xf32, #tpu.memory_space<hbm>> -> memref<64xf32, #tpu.memory_space<hbm>>
    %dma_start3A_199 = arith.constant 0 : i32
    %dma_start3A_200 = tpu.memref_slice %arg6[%add3A_192, %dma_start3A_199] : memref<512x64xf32, #tpu.memory_space<vmem>> -> memref<1x64xf32, #tpu.memory_space<vmem>>
    %dma_start3A_201 = tpu.memref_squeeze %dma_start3A_200 : memref<1x64xf32, #tpu.memory_space<vmem>> -> memref<64xf32, #tpu.memory_space<vmem>>
    %dma_start3A_202 = arith.constant 0 : i32
    %dma_start3A_203 = tpu.memref_slice %arg3[%squeeze3A_188, %squeeze3A_190, %dma_start3A_202] : memref<125000x8x64xf32, #tpu.memory_space<hbm>> -> memref<1x1x64xf32, #tpu.memory_space<hbm>>
    %dma_start3A_204 = tpu.memref_squeeze %dma_start3A_203 : memref<1x1x64xf32, #tpu.memory_space<hbm>> -> memref<64xf32, #tpu.memory_space<hbm>>
    tpu.enqueue_dma source(%dma_start3A_204 : memref<64xf32, #tpu.memory_space<hbm>>) target(%dma_start3A_201 : memref<64xf32, #tpu.memory_space<vmem>>) target_semaphore(%arg7 : memref<!tpu.dma_semaphore, #tpu.memory_space<semaphore_mem>>)
    %slice3A_205 = vector.extract_strided_slice %shift_right_logical3A_7 {offsets = [11], sizes = [1], strides = [1]} : vector<16xi32> to vector<1xi32>
    %squeeze3A_206 = vector.extract %slice3A_205[0] : i32 from vector<1xi32>
    %slice3A_207 = vector.extract_strided_slice %and3A_9 {offsets = [11], sizes = [1], strides = [1]} : vector<16xi32> to vector<1xi32>
    %squeeze3A_208 = vector.extract %slice3A_207[0] : i32 from vector<1xi32>
    %add3A_209 = arith.constant 11 : i32
    %add3A_210 = arith.addi %multiple_of3A_3, %add3A_209 : i32
    %dma_start3A_211 = arith.constant 0 : i32
    %dma_start3A_212 = tpu.memref_slice %arg6[%add3A_210, %dma_start3A_211] : memref<512x64xf32, #tpu.memory_space<vmem>> -> memref<1x64xf32, #tpu.memory_space<vmem>>
    %dma_start3A_213 = tpu.memref_squeeze %dma_start3A_212 : memref<1x64xf32, #tpu.memory_space<vmem>> -> memref<64xf32, #tpu.memory_space<vmem>>
    %dma_start3A_214 = arith.constant 0 : i32
    %dma_start3A_215 = tpu.memref_slice %arg3[%squeeze3A_206, %squeeze3A_208, %dma_start3A_214] : memref<125000x8x64xf32, #tpu.memory_space<hbm>> -> memref<1x1x64xf32, #tpu.memory_space<hbm>>
    %dma_start3A_216 = tpu.memref_squeeze %dma_start3A_215 : memref<1x1x64xf32, #tpu.memory_space<hbm>> -> memref<64xf32, #tpu.memory_space<hbm>>
    %dma_start3A_217 = arith.constant 0 : i32
    %dma_start3A_218 = tpu.memref_slice %arg6[%add3A_210, %dma_start3A_217] : memref<512x64xf32, #tpu.memory_space<vmem>> -> memref<1x64xf32, #tpu.memory_space<vmem>>
    %dma_start3A_219 = tpu.memref_squeeze %dma_start3A_218 : memref<1x64xf32, #tpu.memory_space<vmem>> -> memref<64xf32, #tpu.memory_space<vmem>>
    %dma_start3A_220 = arith.constant 0 : i32
    %dma_start3A_221 = tpu.memref_slice %arg3[%squeeze3A_206, %squeeze3A_208, %dma_start3A_220] : memref<125000x8x64xf32, #tpu.memory_space<hbm>> -> memref<1x1x64xf32, #tpu.memory_space<hbm>>
    %dma_start3A_222 = tpu.memref_squeeze %dma_start3A_221 : memref<1x1x64xf32, #tpu.memory_space<hbm>> -> memref<64xf32, #tpu.memory_space<hbm>>
    tpu.enqueue_dma source(%dma_start3A_222 : memref<64xf32, #tpu.memory_space<hbm>>) target(%dma_start3A_219 : memref<64xf32, #tpu.memory_space<vmem>>) target_semaphore(%arg7 : memref<!tpu.dma_semaphore, #tpu.memory_space<semaphore_mem>>)
    %slice3A_223 = vector.extract_strided_slice %shift_right_logical3A_7 {offsets = [12], sizes = [1], strides = [1]} : vector<16xi32> to vector<1xi32>
    %squeeze3A_224 = vector.extract %slice3A_223[0] : i32 from vector<1xi32>
    %slice3A_225 = vector.extract_strided_slice %and3A_9 {offsets = [12], sizes = [1], strides = [1]} : vector<16xi32> to vector<1xi32>
    %squeeze3A_226 = vector.extract %slice3A_225[0] : i32 from vector<1xi32>
    %add3A_227 = arith.constant 12 : i32
    %add3A_228 = arith.addi %multiple_of3A_3, %add3A_227 : i32
    %dma_start3A_229 = arith.constant 0 : i32
    %dma_start3A_230 = tpu.memref_slice %arg6[%add3A_228, %dma_start3A_229] : memref<512x64xf32, #tpu.memory_space<vmem>> -> memref<1x64xf32, #tpu.memory_space<vmem>>
    %dma_start3A_231 = tpu.memref_squeeze %dma_start3A_230 : memref<1x64xf32, #tpu.memory_space<vmem>> -> memref<64xf32, #tpu.memory_space<vmem>>
    %dma_start3A_232 = arith.constant 0 : i32
    %dma_start3A_233 = tpu.memref_slice %arg3[%squeeze3A_224, %squeeze3A_226, %dma_start3A_232] : memref<125000x8x64xf32, #tpu.memory_space<hbm>> -> memref<1x1x64xf32, #tpu.memory_space<hbm>>
    %dma_start3A_234 = tpu.memref_squeeze %dma_start3A_233 : memref<1x1x64xf32, #tpu.memory_space<hbm>> -> memref<64xf32, #tpu.memory_space<hbm>>
    %dma_start3A_235 = arith.constant 0 : i32
    %dma_start3A_236 = tpu.memref_slice %arg6[%add3A_228, %dma_start3A_235] : memref<512x64xf32, #tpu.memory_space<vmem>> -> memref<1x64xf32, #tpu.memory_space<vmem>>
    %dma_start3A_237 = tpu.memref_squeeze %dma_start3A_236 : memref<1x64xf32, #tpu.memory_space<vmem>> -> memref<64xf32, #tpu.memory_space<vmem>>
    %dma_start3A_238 = arith.constant 0 : i32
    %dma_start3A_239 = tpu.memref_slice %arg3[%squeeze3A_224, %squeeze3A_226, %dma_start3A_238] : memref<125000x8x64xf32, #tpu.memory_space<hbm>> -> memref<1x1x64xf32, #tpu.memory_space<hbm>>
    %dma_start3A_240 = tpu.memref_squeeze %dma_start3A_239 : memref<1x1x64xf32, #tpu.memory_space<hbm>> -> memref<64xf32, #tpu.memory_space<hbm>>
    tpu.enqueue_dma source(%dma_start3A_240 : memref<64xf32, #tpu.memory_space<hbm>>) target(%dma_start3A_237 : memref<64xf32, #tpu.memory_space<vmem>>) target_semaphore(%arg7 : memref<!tpu.dma_semaphore, #tpu.memory_space<semaphore_mem>>)
    %slice3A_241 = vector.extract_strided_slice %shift_right_logical3A_7 {offsets = [13], sizes = [1], strides = [1]} : vector<16xi32> to vector<1xi32>
    %squeeze3A_242 = vector.extract %slice3A_241[0] : i32 from vector<1xi32>
    %slice3A_243 = vector.extract_strided_slice %and3A_9 {offsets = [13], sizes = [1], strides = [1]} : vector<16xi32> to vector<1xi32>
    %squeeze3A_244 = vector.extract %slice3A_243[0] : i32 from vector<1xi32>
    %add3A_245 = arith.constant 13 : i32
    %add3A_246 = arith.addi %multiple_of3A_3, %add3A_245 : i32
    %dma_start3A_247 = arith.constant 0 : i32
    %dma_start3A_248 = tpu.memref_slice %arg6[%add3A_246, %dma_start3A_247] : memref<512x64xf32, #tpu.memory_space<vmem>> -> memref<1x64xf32, #tpu.memory_space<vmem>>
    %dma_start3A_249 = tpu.memref_squeeze %dma_start3A_248 : memref<1x64xf32, #tpu.memory_space<vmem>> -> memref<64xf32, #tpu.memory_space<vmem>>
    %dma_start3A_250 = arith.constant 0 : i32
    %dma_start3A_251 = tpu.memref_slice %arg3[%squeeze3A_242, %squeeze3A_244, %dma_start3A_250] : memref<125000x8x64xf32, #tpu.memory_space<hbm>> -> memref<1x1x64xf32, #tpu.memory_space<hbm>>
    %dma_start3A_252 = tpu.memref_squeeze %dma_start3A_251 : memref<1x1x64xf32, #tpu.memory_space<hbm>> -> memref<64xf32, #tpu.memory_space<hbm>>
    %dma_start3A_253 = arith.constant 0 : i32
    %dma_start3A_254 = tpu.memref_slice %arg6[%add3A_246, %dma_start3A_253] : memref<512x64xf32, #tpu.memory_space<vmem>> -> memref<1x64xf32, #tpu.memory_space<vmem>>
    %dma_start3A_255 = tpu.memref_squeeze %dma_start3A_254 : memref<1x64xf32, #tpu.memory_space<vmem>> -> memref<64xf32, #tpu.memory_space<vmem>>
    %dma_start3A_256 = arith.constant 0 : i32
    %dma_start3A_257 = tpu.memref_slice %arg3[%squeeze3A_242, %squeeze3A_244, %dma_start3A_256] : memref<125000x8x64xf32, #tpu.memory_space<hbm>> -> memref<1x1x64xf32, #tpu.memory_space<hbm>>
    %dma_start3A_258 = tpu.memref_squeeze %dma_start3A_257 : memref<1x1x64xf32, #tpu.memory_space<hbm>> -> memref<64xf32, #tpu.memory_space<hbm>>
    tpu.enqueue_dma source(%dma_start3A_258 : memref<64xf32, #tpu.memory_space<hbm>>) target(%dma_start3A_255 : memref<64xf32, #tpu.memory_space<vmem>>) target_semaphore(%arg7 : memref<!tpu.dma_semaphore, #tpu.memory_space<semaphore_mem>>)
    %slice3A_259 = vector.extract_strided_slice %shift_right_logical3A_7 {offsets = [14], sizes = [1], strides = [1]} : vector<16xi32> to vector<1xi32>
    %squeeze3A_260 = vector.extract %slice3A_259[0] : i32 from vector<1xi32>
    %slice3A_261 = vector.extract_strided_slice %and3A_9 {offsets = [14], sizes = [1], strides = [1]} : vector<16xi32> to vector<1xi32>
    %squeeze3A_262 = vector.extract %slice3A_261[0] : i32 from vector<1xi32>
    %add3A_263 = arith.constant 14 : i32
    %add3A_264 = arith.addi %multiple_of3A_3, %add3A_263 : i32
    %dma_start3A_265 = arith.constant 0 : i32
    %dma_start3A_266 = tpu.memref_slice %arg6[%add3A_264, %dma_start3A_265] : memref<512x64xf32, #tpu.memory_space<vmem>> -> memref<1x64xf32, #tpu.memory_space<vmem>>
    %dma_start3A_267 = tpu.memref_squeeze %dma_start3A_266 : memref<1x64xf32, #tpu.memory_space<vmem>> -> memref<64xf32, #tpu.memory_space<vmem>>
    %dma_start3A_268 = arith.constant 0 : i32
    %dma_start3A_269 = tpu.memref_slice %arg3[%squeeze3A_260, %squeeze3A_262, %dma_start3A_268] : memref<125000x8x64xf32, #tpu.memory_space<hbm>> -> memref<1x1x64xf32, #tpu.memory_space<hbm>>
    %dma_start3A_270 = tpu.memref_squeeze %dma_start3A_269 : memref<1x1x64xf32, #tpu.memory_space<hbm>> -> memref<64xf32, #tpu.memory_space<hbm>>
    %dma_start3A_271 = arith.constant 0 : i32
    %dma_start3A_272 = tpu.memref_slice %arg6[%add3A_264, %dma_start3A_271] : memref<512x64xf32, #tpu.memory_space<vmem>> -> memref<1x64xf32, #tpu.memory_space<vmem>>
    %dma_start3A_273 = tpu.memref_squeeze %dma_start3A_272 : memref<1x64xf32, #tpu.memory_space<vmem>> -> memref<64xf32, #tpu.memory_space<vmem>>
    %dma_start3A_274 = arith.constant 0 : i32
    %dma_start3A_275 = tpu.memref_slice %arg3[%squeeze3A_260, %squeeze3A_262, %dma_start3A_274] : memref<125000x8x64xf32, #tpu.memory_space<hbm>> -> memref<1x1x64xf32, #tpu.memory_space<hbm>>
    %dma_start3A_276 = tpu.memref_squeeze %dma_start3A_275 : memref<1x1x64xf32, #tpu.memory_space<hbm>> -> memref<64xf32, #tpu.memory_space<hbm>>
    tpu.enqueue_dma source(%dma_start3A_276 : memref<64xf32, #tpu.memory_space<hbm>>) target(%dma_start3A_273 : memref<64xf32, #tpu.memory_space<vmem>>) target_semaphore(%arg7 : memref<!tpu.dma_semaphore, #tpu.memory_space<semaphore_mem>>)
    %slice3A_277 = vector.extract_strided_slice %shift_right_logical3A_7 {offsets = [15], sizes = [1], strides = [1]} : vector<16xi32> to vector<1xi32>
    %squeeze3A_278 = vector.extract %slice3A_277[0] : i32 from vector<1xi32>
    %slice3A_279 = vector.extract_strided_slice %and3A_9 {offsets = [15], sizes = [1], strides = [1]} : vector<16xi32> to vector<1xi32>
    %squeeze3A_280 = vector.extract %slice3A_279[0] : i32 from vector<1xi32>
    %add3A_281 = arith.constant 15 : i32
    %add3A_282 = arith.addi %multiple_of3A_3, %add3A_281 : i32
    %dma_start3A_283 = arith.constant 0 : i32
    %dma_start3A_284 = tpu.memref_slice %arg6[%add3A_282, %dma_start3A_283] : memref<512x64xf32, #tpu.memory_space<vmem>> -> memref<1x64xf32, #tpu.memory_space<vmem>>
    %dma_start3A_285 = tpu.memref_squeeze %dma_start3A_284 : memref<1x64xf32, #tpu.memory_space<vmem>> -> memref<64xf32, #tpu.memory_space<vmem>>
    %dma_start3A_286 = arith.constant 0 : i32
    %dma_start3A_287 = tpu.memref_slice %arg3[%squeeze3A_278, %squeeze3A_280, %dma_start3A_286] : memref<125000x8x64xf32, #tpu.memory_space<hbm>> -> memref<1x1x64xf32, #tpu.memory_space<hbm>>
    %dma_start3A_288 = tpu.memref_squeeze %dma_start3A_287 : memref<1x1x64xf32, #tpu.memory_space<hbm>> -> memref<64xf32, #tpu.memory_space<hbm>>
    %dma_start3A_289 = arith.constant 0 : i32
    %dma_start3A_290 = tpu.memref_slice %arg6[%add3A_282, %dma_start3A_289] : memref<512x64xf32, #tpu.memory_space<vmem>> -> memref<1x64xf32, #tpu.memory_space<vmem>>
    %dma_start3A_291 = tpu.memref_squeeze %dma_start3A_290 : memref<1x64xf32, #tpu.memory_space<vmem>> -> memref<64xf32, #tpu.memory_space<vmem>>
    %dma_start3A_292 = arith.constant 0 : i32
    %dma_start3A_293 = tpu.memref_slice %arg3[%squeeze3A_278, %squeeze3A_280, %dma_start3A_292] : memref<125000x8x64xf32, #tpu.memory_space<hbm>> -> memref<1x1x64xf32, #tpu.memory_space<hbm>>
    %dma_start3A_294 = tpu.memref_squeeze %dma_start3A_293 : memref<1x1x64xf32, #tpu.memory_space<hbm>> -> memref<64xf32, #tpu.memory_space<hbm>>
    tpu.enqueue_dma source(%dma_start3A_294 : memref<64xf32, #tpu.memory_space<hbm>>) target(%dma_start3A_291 : memref<64xf32, #tpu.memory_space<vmem>>) target_semaphore(%arg7 : memref<!tpu.dma_semaphore, #tpu.memory_space<semaphore_mem>>)
    %multiple_of3A_295 = arith.constant 16 : i32
    %multiple_of3A_296 = tpu.assume_multiple %multiple_of3A_295, 16 : i32
    %get3A_297 = arith.index_cast %multiple_of3A_296 : i32 to index
    %get3A_298 = tpu.vector_load %arg5[%get3A_297] {strides = array<i32>} : memref<512xi32, #tpu.memory_space<vmem>>, vector<16xi32>,
    %get3A_299 = vector.shape_cast %get3A_298 : vector<16xi32> to vector<16xi32>
    %shift_right_logical3A_300 = arith.constant 3 : i32
    %shift_right_logical3A_301 = vector.broadcast %shift_right_logical3A_300 : i32 to vector<16xi32>
    %shift_right_logical3A_302 = arith.shrui %get3A_299, %shift_right_logical3A_301 : vector<16xi32>
    %and3A_303 = arith.constant 7 : i32
    %and3A_304 = vector.broadcast %and3A_303 : i32 to vector<16xi32>
    %and3A_305 = arith.andi %get3A_299, %and3A_304 : vector<16xi32>
    %slice3A_306 = vector.extract_strided_slice %shift_right_logical3A_302 {offsets = [0], sizes = [1], strides = [1]} : vector<16xi32> to vector<1xi32>
    %squeeze3A_307 = vector.extract %slice3A_306[0] : i32 from vector<1xi32>
    %slice3A_308 = vector.extract_strided_slice %and3A_305 {offsets = [0], sizes = [1], strides = [1]} : vector<16xi32> to vector<1xi32>
    %squeeze3A_309 = vector.extract %slice3A_308[0] : i32 from vector<1xi32>
    %add3A_310 = arith.constant 0 : i32
    %add3A_311 = arith.addi %multiple_of3A_296, %add3A_310 : i32
    %dma_start3A_312 = arith.constant 0 : i32
    %dma_start3A_313 = tpu.memref_slice %arg6[%add3A_311, %dma_start3A_312] : memref<512x64xf32, #tpu.memory_space<vmem>> -> memref<1x64xf32, #tpu.memory_space<vmem>>
    %dma_start3A_314 = tpu.memref_squeeze %dma_start3A_313 : memref<1x64xf32, #tpu.memory_space<vmem>> -> memref<64xf32, #tpu.memory_space<vmem>>
    %dma_start3A_315 = arith.constant 0 : i32
    %dma_start3A_316 = tpu.memref_slice %arg3[%squeeze3A_307, %squeeze3A_309, %dma_start3A_315] : memref<125000x8x64xf32, #tpu.memory_space<hbm>> -> memref<1x1x64xf32, #tpu.memory_space<hbm>>
    %dma_start3A_317 = tpu.memref_squeeze %dma_start3A_316 : memref<1x1x64xf32, #tpu.memory_space<hbm>> -> memref<64xf32, #tpu.memory_space<hbm>>
    %dma_start3A_318 = arith.constant 0 : i32
    %dma_start3A_319 = tpu.memref_slice %arg6[%add3A_311, %dma_start3A_318] : memref<512x64xf32, #tpu.memory_space<vmem>> -> memref<1x64xf32, #tpu.memory_space<vmem>>
    %dma_start3A_320 = tpu.memref_squeeze %dma_start3A_319 : memref<1x64xf32, #tpu.memory_space<vmem>> -> memref<64xf32, #tpu.memory_space<vmem>>
    %dma_start3A_321 = arith.constant 0 : i32
    %dma_start3A_322 = tpu.memref_slice %arg3[%squeeze3A_307, %squeeze3A_309, %dma_start3A_321] : memref<125000x8x64xf32, #tpu.memory_space<hbm>> -> memref<1x1x64xf32, #tpu.memory_space<hbm>>
    %dma_start3A_323 = tpu.memref_squeeze %dma_start3A_322 : memref<1x1x64xf32, #tpu.memory_space<hbm>> -> memref<64xf32, #tpu.memory_space<hbm>>
    tpu.enqueue_dma source(%dma_start3A_323 : memref<64xf32, #tpu.memory_space<hbm>>) target(%dma_start3A_320 : memref<64xf32, #tpu.memory_space<vmem>>) target_semaphore(%arg7 : memref<!tpu.dma_semaphore, #tpu.memory_space<semaphore_mem>>)
    %slice3A_324 = vector.extract_strided_slice %shift_right_logical3A_302 {offsets = [1], sizes = [1], strides = [1]} : vector<16xi32> to vector<1xi32>
    %squeeze3A_325 = vector.extract %slice3A_324[0] : i32 from vector<1xi32>
    %slice3A_326 = vector.extract_strided_slice %and3A_305 {offsets = [1], sizes = [1], strides = [1]} : vector<16xi32> to vector<1xi32>
    %squeeze3A_327 = vector.extract %slice3A_326[0] : i32 from vector<1xi32>
    %add3A_328 = arith.constant 1 : i32
    %add3A_329 = arith.addi %multiple_of3A_296, %add3A_328 : i32
    %dma_start3A_330 = arith.constant 0 : i32
    %dma_start3A_331 = tpu.memref_slice %arg6[%add3A_329, %dma_start3A_330] : memref<512x64xf32, #tpu.memory_space<vmem>> -> memref<1x64xf32, #tpu.memory_space<vmem>>
    %dma_start3A_332 = tpu.memref_squeeze %dma_start3A_331 : memref<1x64xf32, #tpu.memory_space<vmem>> -> memref<64xf32, #tpu.memory_space<vmem>>
    %dma_start3A_333 = arith.constant 0 : i32
    %dma_start3A_334 = tpu.memref_slice %arg3[%squeeze3A_325, %squeeze3A_327, %dma_start3A_333] : memref<125000x8x64xf32, #tpu.memory_space<hbm>> -> memref<1x1x64xf32, #tpu.memory_space<hbm>>
    %dma_start3A_335 = tpu.memref_squeeze %dma_start3A_334 : memref<1x1x64xf32, #tpu.memory_space<hbm>> -> memref<64xf32, #tpu.memory_space<hbm>>
    %dma_start3A_336 = arith.constant 0 : i32
    %dma_start3A_337 = tpu.memref_slice %arg6[%add3A_329, %dma_start3A_336] : memref<512x64xf32, #tpu.memory_space<vmem>> -> memref<1x64xf32, #tpu.memory_space<vmem>>
    %dma_start3A_338 = tpu.memref_squeeze %dma_start3A_337 : memref<1x64xf32, #tpu.memory_space<vmem>> -> memref<64xf32, #tpu.memory_space<vmem>>
    %dma_start3A_339 = arith.constant 0 : i32
    %dma_start3A_340 = tpu.memref_slice %arg3[%squeeze3A_325, %squeeze3A_327, %dma_start3A_339] : memref<125000x8x64xf32, #tpu.memory_space<hbm>> -> memref<1x1x64xf32, #tpu.memory_space<hbm>>
    %dma_start3A_341 = tpu.memref_squeeze %dma_start3A_340 : memref<1x1x64xf32, #tpu.memory_space<hbm>> -> memref<64xf32, #tpu.memory_space<hbm>>
    tpu.enqueue_dma source(%dma_start3A_341 : memref<64xf32, #tpu.memory_space<hbm>>) target(%dma_start3A_338 : memref<64xf32, #tpu.memory_space<vmem>>) target_semaphore(%arg7 : memref<!tpu.dma_semaphore, #tpu.memory_space<semaphore_mem>>)
    %slice3A_342 = vector.extract_strided_slice %shift_right_logical3A_302 {offsets = [2], sizes = [1], strides = [1]} : vector<16xi32> to vector<1xi32>
    %squeeze3A_343 = vector.extract %slice3A_342[0] : i32 from vector<1xi32>
    %slice3A_344 = vector.extract_strided_slice %and3A_305 {offsets = [2], sizes = [1], strides = [1]} : vector<16xi32> to vector<1xi32>
    %squeeze3A_345 = vector.extract %slice3A_344[0] : i32 from vector<1xi32>
    %add3A_346 = arith.constant 2 : i32
    %add3A_347 = arith.addi %multiple_of3A_296, %add3A_346 : i32
    %dma_start3A_348 = arith.constant 0 : i32
    %dma_start3A_349 = tpu.memref_slice %arg6[%add3A_347, %dma_start3A_348] : memref<512x64xf32, #tpu.memory_space<vmem>> -> memref<1x64xf32, #tpu.memory_space<vmem>>
    %dma_start3A_350 = tpu.memref_squeeze %dma_start3A_349 : memref<1x64xf32, #tpu.memory_space<vmem>> -> memref<64xf32, #tpu.memory_space<vmem>>
    %dma_start3A_351 = arith.constant 0 : i32
    %dma_start3A_352 = tpu.memref_slice %arg3[%squeeze3A_343, %squeeze3A_345, %dma_start3A_351] : memref<125000x8x64xf32, #tpu.memory_space<hbm>> -> memref<1x1x64xf32, #tpu.memory_space<hbm>>
    %dma_start3A_353 = tpu.memref_squeeze %dma_start3A_352 : memref<1x1x64xf32, #tpu.memory_space<hbm>> -> memref<64xf32, #tpu.memory_space<hbm>>
    %dma_start3A_354 = arith.constant 0 : i32
    %dma_start3A_355 = tpu.memref_slice %arg6[%add3A_347, %dma_start3A_354] : memref<512x64xf32, #tpu.memory_space<vmem>> -> memref<1x64xf32, #tpu.memory_space<vmem>>
    %dma_start3A_356 = tpu.memref_squeeze %dma_start3A_355 : memref<1x64xf32, #tpu.memory_space<vmem>> -> memref<64xf32, #tpu.memory_space<vmem>>
    %dma_start3A_357 = arith.constant 0 : i32
    %dma_start3A_358 = tpu.memref_slice %arg3[%squeeze3A_343, %squeeze3A_345, %dma_start3A_357] : memref<125000x8x64xf32, #tpu.memory_space<hbm>> -> memref<1x1x64xf32, #tpu.memory_space<hbm>>
    %dma_start3A_359 = tpu.memref_squeeze %dma_start3A_358 : memref<1x1x64xf32, #tpu.memory_space<hbm>> -> memref<64xf32, #tpu.memory_space<hbm>>
    tpu.enqueue_dma source(%dma_start3A_359 : memref<64xf32, #tpu.memory_space<hbm>>) target(%dma_start3A_356 : memref<64xf32, #tpu.memory_space<vmem>>) target_semaphore(%arg7 : memref<!tpu.dma_semaphore, #tpu.memory_space<semaphore_mem>>)
    %slice3A_360 = vector.extract_strided_slice %shift_right_logical3A_302 {offsets = [3], sizes = [1], strides = [1]} : vector<16xi32> to vector<1xi32>
    %squeeze3A_361 = vector.extract %slice3A_360[0] : i32 from vector<1xi32>
    %slice3A_362 = vector.extract_strided_slice %and3A_305 {offsets = [3], sizes = [1], strides = [1]} : vector<16xi32> to vector<1xi32>
    %squeeze3A_363 = vector.extract %slice3A_362[0] : i32 from vector<1xi32>
    %add3A_364 = arith.constant 3 : i32
    %add3A_365 = arith.addi %multiple_of3A_296, %add3A_364 : i32
    %dma_start3A_366 = arith.constant 0 : i32
    %dma_start3A_367 = tpu.memref_slice %arg6[%add3A_365, %dma_start3A_366] : memref<512x64xf32, #tpu.memory_space<vmem>> -> memref<1x64xf32, #tpu.memory_space<vmem>>
    %dma_start3A_368 = tpu.memref_squeeze %dma_start3A_367 : memref<1x64xf32, #tpu.memory_space<vmem>> -> memref<64xf32, #tpu.memory_space<vmem>>
    %dma_start3A_369 = arith.constant 0 : i32
    %dma_start3A_370 = tpu.memref_slice %arg3[%squeeze3A_361, %squeeze3A_363, %dma_start3A_369] : memref<125000x8x64xf32, #tpu.memory_space<hbm>> -> memref<1x1x64xf32, #tpu.memory_space<hbm>>
    %dma_start3A_371 = tpu.memref_squeeze %dma_start3A_370 : memref<1x1x64xf32, #tpu.memory_space<hbm>> -> memref<64xf32, #tpu.memory_space<hbm>>
    %dma_start3A_372 = arith.constant 0 : i32
    %dma_start3A_373 = tpu.memref_slice %arg6[%add3A_365, %dma_start3A_372] : memref<512x64xf32, #tpu.memory_space<vmem>> -> memref<1x64xf32, #tpu.memory_space<vmem>>
    %dma_start3A_374 = tpu.memref_squeeze %dma_start3A_373 : memref<1x64xf32, #tpu.memory_space<vmem>> -> memref<64xf32, #tpu.memory_space<vmem>>
    %dma_start3A_375 = arith.constant 0 : i32
    %dma_start3A_376 = tpu.memref_slice %arg3[%squeeze3A_361, %squeeze3A_363, %dma_start3A_375] : memref<125000x8x64xf32, #tpu.memory_space<hbm>> -> memref<1x1x64xf32, #tpu.memory_space<hbm>>
    %dma_start3A_377 = tpu.memref_squeeze %dma_start3A_376 : memref<1x1x64xf32, #tpu.memory_space<hbm>> -> memref<64xf32, #tpu.memory_space<hbm>>
    tpu.enqueue_dma source(%dma_start3A_377 : memref<64xf32, #tpu.memory_space<hbm>>) target(%dma_start3A_374 : memref<64xf32, #tpu.memory_space<vmem>>) target_semaphore(%arg7 : memref<!tpu.dma_semaphore, #tpu.memory_space<semaphore_mem>>)
    %slice3A_378 = vector.extract_strided_slice %shift_right_logical3A_302 {offsets = [4], sizes = [1], strides = [1]} : vector<16xi32> to vector<1xi32>
    %squeeze3A_379 = vector.extract %slice3A_378[0] : i32 from vector<1xi32>
    %slice3A_380 = vector.extract_strided_slice %and3A_305 {offsets = [4], sizes = [1], strides = [1]} : vector<16xi32> to vector<1xi32>
    %squeeze3A_381 = vector.extract %slice3A_380[0] : i32 from vector<1xi32>
    %add3A_382 = arith.constant 4 : i32
    %add3A_383 = arith.addi %multiple_of3A_296, %add3A_382 : i32
    %dma_start3A_384 = arith.constant 0 : i32
    %dma_start3A_385 = tpu.memref_slice %arg6[%add3A_383, %dma_start3A_384] : memref<512x64xf32, #tpu.memory_space<vmem>> -> memref<1x64xf32, #tpu.memory_space<vmem>>
    %dma_start3A_386 = tpu.memref_squeeze %dma_start3A_385 : memref<1x64xf32, #tpu.memory_space<vmem>> -> memref<64xf32, #tpu.memory_space<vmem>>
    %dma_start3A_387 = arith.constant 0 : i32
    %dma_start3A_388 = tpu.memref_slice %arg3[%squeeze3A_379, %squeeze3A_381, %dma_start3A_387] : memref<125000x8x64xf32, #tpu.memory_space<hbm>> -> memref<1x1x64xf32, #tpu.memory_space<hbm>>
    %dma_start3A_389 = tpu.memref_squeeze %dma_start3A_388 : memref<1x1x64xf32, #tpu.memory_space<hbm>> -> memref<64xf32, #tpu.memory_space<hbm>>
    %dma_start3A_390 = arith.constant 0 : i32
    %dma_start3A_391 = tpu.memref_slice %arg6[%add3A_383, %dma_start3A_390] : memref<512x64xf32, #tpu.memory_space<vmem>> -> memref<1x64xf32, #tpu.memory_space<vmem>>
    %dma_start3A_392 = tpu.memref_squeeze %dma_start3A_391 : memref<1x64xf32, #tpu.memory_space<vmem>> -> memref<64xf32, #tpu.memory_space<vmem>>
    %dma_start3A_393 = arith.constant 0 : i32
    %dma_start3A_394 = tpu.memref_slice %arg3[%squeeze3A_379, %squeeze3A_381, %dma_start3A_393] : memref<125000x8x64xf32, #tpu.memory_space<hbm>> -> memref<1x1x64xf32, #tpu.memory_space<hbm>>
    %dma_start3A_395 = tpu.memref_squeeze %dma_start3A_394 : memref<1x1x64xf32, #tpu.memory_space<hbm>> -> memref<64xf32, #tpu.memory_space<hbm>>
    tpu.enqueue_dma source(%dma_start3A_395 : memref<64xf32, #tpu.memory_space<hbm>>) target(%dma_start3A_392 : memref<64xf32, #tpu.memory_space<vmem>>) target_semaphore(%arg7 : memref<!tpu.dma_semaphore, #tpu.memory_space<semaphore_mem>>)
    %slice3A_396 = vector.extract_strided_slice %shift_right_logical3A_302 {offsets = [5], sizes = [1], strides = [1]} : vector<16xi32> to vector<1xi32>
    %squeeze3A_397 = vector.extract %slice3A_396[0] : i32 from vector<1xi32>
    %slice3A_398 = vector.extract_strided_slice %and3A_305 {offsets = [5], sizes = [1], strides = [1]} : vector<16xi32> to vector<1xi32>
    %squeeze3A_399 = vector.extract %slice3A_398[0] : i32 from vector<1xi32>
    %add3A_400 = arith.constant 5 : i32
    %add3A_401 = arith.addi %multiple_of3A_296, %add3A_400 : i32
    %dma_start3A_402 = arith.constant 0 : i32
    %dma_start3A_403 = tpu.memref_slice %arg6[%add3A_401, %dma_start3A_402] : memref<512x64xf32, #tpu.memory_space<vmem>> -> memref<1x64xf32, #tpu.memory_space<vmem>>
    %dma_start3A_404 = tpu.memref_squeeze %dma_start3A_403 : memref<1x64xf32, #tpu.memory_space<vmem>> -> memref<64xf32, #tpu.memory_space<vmem>>
    %dma_start3A_405 = arith.constant 0 : i32
    %dma_start3A_406 = tpu.memref_slice %arg3[%squeeze3A_397, %squeeze3A_399, %dma_start3A_405] : memref<125000x8x64xf32, #tpu.memory_space<hbm>> -> memref<1x1x64xf32, #tpu.memory_space<hbm>>
    %dma_start3A_407 = tpu.memref_squeeze %dma_start3A_406 : memref<1x1x64xf32, #tpu.memory_space<hbm>> -> memref<64xf32, #tpu.memory_space<hbm>>
    %dma_start3A_408 = arith.constant 0 : i32
    %dma_start3A_409 = tpu.memref_slice %arg6[%add3A_401, %dma_start3A_408] : memref<512x64xf32, #tpu.memory_space<vmem>> -> memref<1x64xf32, #tpu.memory_space<vmem>>
    %dma_start3A_410 = tpu.memref_squeeze %dma_start3A_409 : memref<1x64xf32, #tpu.memory_space<vmem>> -> memref<64xf32, #tpu.memory_space<vmem>>
    %dma_start3A_411 = arith.constant 0 : i32
    %dma_start3A_412 = tpu.memref_slice %arg3[%squeeze3A_397, %squeeze3A_399, %dma_start3A_411] : memref<125000x8x64xf32, #tpu.memory_space<hbm>> -> memref<1x1x64xf32, #tpu.memory_space<hbm>>
    %dma_start3A_413 = tpu.memref_squeeze %dma_start3A_412 : memref<1x1x64xf32, #tpu.memory_space<hbm>> -> memref<64xf32, #tpu.memory_space<hbm>>
    tpu.enqueue_dma source(%dma_start3A_413 : memref<64xf32, #tpu.memory_space<hbm>>) target(%dma_start3A_410 : memref<64xf32, #tpu.memory_space<vmem>>) target_semaphore(%arg7 : memref<!tpu.dma_semaphore, #tpu.memory_space<semaphore_mem>>)
    %slice3A_414 = vector.extract_strided_slice %shift_right_logical3A_302 {offsets = [6], sizes = [1], strides = [1]} : vector<16xi32> to vector<1xi32>
    %squeeze3A_415 = vector.extract %slice3A_414[0] : i32 from vector<1xi32>
    %slice3A_416 = vector.extract_strided_slice %and3A_305 {offsets = [6], sizes = [1], strides = [1]} : vector<16xi32> to vector<1xi32>
    %squeeze3A_417 = vector.extract %slice3A_416[0] : i32 from vector<1xi32>
    %add3A_418 = arith.constant 6 : i32
    %add3A_419 = arith.addi %multiple_of3A_296, %add3A_418 : i32
    %dma_start3A_420 = arith.constant 0 : i32
    %dma_start3A_421 = tpu.memref_slice %arg6[%add3A_419, %dma_start3A_420] : memref<512x64xf32, #tpu.memory_space<vmem>> -> memref<1x64xf32, #tpu.memory_space<vmem>>
    %dma_start3A_422 = tpu.memref_squeeze %dma_start3A_421 : memref<1x64xf32, #tpu.memory_space<vmem>> -> memref<64xf32, #tpu.memory_space<vmem>>
    %dma_start3A_423 = arith.constant 0 : i32
    %dma_start3A_424 = tpu.memref_slice %arg3[%squeeze3A_415, %squeeze3A_417, %dma_start3A_423] : memref<125000x8x64xf32, #tpu.memory_space<hbm>> -> memref<1x1x64xf32, #tpu.memory_space<hbm>>
    %dma_start3A_425 = tpu.memref_squeeze %dma_start3A_424 : memref<1x1x64xf32, #tpu.memory_space<hbm>> -> memref<64xf32, #tpu.memory_space<hbm>>
    %dma_start3A_426 = arith.constant 0 : i32
    %dma_start3A_427 = tpu.memref_slice %arg6[%add3A_419, %dma_start3A_426] : memref<512x64xf32, #tpu.memory_space<vmem>> -> memref<1x64xf32, #tpu.memory_space<vmem>>
    %dma_start3A_428 = tpu.memref_squeeze %dma_start3A_427 : memref<1x64xf32, #tpu.memory_space<vmem>> -> memref<64xf32, #tpu.memory_space<vmem>>
    %dma_start3A_429 = arith.constant 0 : i32
    %dma_start3A_430 = tpu.memref_slice %arg3[%squeeze3A_415, %squeeze3A_417, %dma_start3A_429] : memref<125000x8x64xf32, #tpu.memory_space<hbm>> -> memref<1x1x64xf32, #tpu.memory_space<hbm>>
    %dma_start3A_431 = tpu.memref_squeeze %dma_start3A_430 : memref<1x1x64xf32, #tpu.memory_space<hbm>> -> memref<64xf32, #tpu.memory_space<hbm>>
    tpu.enqueue_dma source(%dma_start3A_431 : memref<64xf32, #tpu.memory_space<hbm>>) target(%dma_start3A_428 : memref<64xf32, #tpu.memory_space<vmem>>) target_semaphore(%arg7 : memref<!tpu.dma_semaphore, #tpu.memory_space<semaphore_mem>>)
    %slice3A_432 = vector.extract_strided_slice %shift_right_logical3A_302 {offsets = [7], sizes = [1], strides = [1]} : vector<16xi32> to vector<1xi32>
    %squeeze3A_433 = vector.extract %slice3A_432[0] : i32 from vector<1xi32>
    %slice3A_434 = vector.extract_strided_slice %and3A_305 {offsets = [7], sizes = [1], strides = [1]} : vector<16xi32> to vector<1xi32>
    %squeeze3A_435 = vector.extract %slice3A_434[0] : i32 from vector<1xi32>
    %add3A_436 = arith.constant 7 : i32
    %add3A_437 = arith.addi %multiple_of3A_296, %add3A_436 : i32
    %dma_start3A_438 = arith.constant 0 : i32
    %dma_start3A_439 = tpu.memref_slice %arg6[%add3A_437, %dma_start3A_438] : memref<512x64xf32, #tpu.memory_space<vmem>> -> memref<1x64xf32, #tpu.memory_space<vmem>>
    %dma_start3A_440 = tpu.memref_squeeze %dma_start3A_439 : memref<1x64xf32, #tpu.memory_space<vmem>> -> memref<64xf32, #tpu.memory_space<vmem>>
    %dma_start3A_441 = arith.constant 0 : i32
    %dma_start3A_442 = tpu.memref_slice %arg3[%squeeze3A_433, %squeeze3A_435, %dma_start3A_441] : memref<125000x8x64xf32, #tpu.memory_space<hbm>> -> memref<1x1x64xf32, #tpu.memory_space<hbm>>
    %dma_start3A_443 = tpu.memref_squeeze %dma_start3A_442 : memref<1x1x64xf32, #tpu.memory_space<hbm>> -> memref<64xf32, #tpu.memory_space<hbm>>
    %dma_start3A_444 = arith.constant 0 : i32
    %dma_start3A_445 = tpu.memref_slice %arg6[%add3A_437, %dma_start3A_444] : memref<512x64xf32, #tpu.memory_space<vmem>> -> memref<1x64xf32, #tpu.memory_space<vmem>>
    %dma_start3A_446 = tpu.memref_squeeze %dma_start3A_445 : memref<1x64xf32, #tpu.memory_space<vmem>> -> memref<64xf32, #tpu.memory_space<vmem>>
    %dma_start3A_447 = arith.constant 0 : i32
    %dma_start3A_448 = tpu.memref_slice %arg3[%squeeze3A_433, %squeeze3A_435, %dma_start3A_447] : memref<125000x8x64xf32, #tpu.memory_space<hbm>> -> memref<1x1x64xf32, #tpu.memory_space<hbm>>
    %dma_start3A_449 = tpu.memref_squeeze %dma_start3A_448 : memref<1x1x64xf32, #tpu.memory_space<hbm>> -> memref<64xf32, #tpu.memory_space<hbm>>
    tpu.enqueue_dma source(%dma_start3A_449 : memref<64xf32, #tpu.memory_space<hbm>>) target(%dma_start3A_446 : memref<64xf32, #tpu.memory_space<vmem>>) target_semaphore(%arg7 : memref<!tpu.dma_semaphore, #tpu.memory_space<semaphore_mem>>)
    %slice3A_450 = vector.extract_strided_slice %shift_right_logical3A_302 {offsets = [8], sizes = [1], strides = [1]} : vector<16xi32> to vector<1xi32>
    %squeeze3A_451 = vector.extract %slice3A_450[0] : i32 from vector<1xi32>
    %slice3A_452 = vector.extract_strided_slice %and3A_305 {offsets = [8], sizes = [1], strides = [1]} : vector<16xi32> to vector<1xi32>
    %squeeze3A_453 = vector.extract %slice3A_452[0] : i32 from vector<1xi32>
    %add3A_454 = arith.constant 8 : i32
    %add3A_455 = arith.addi %multiple_of3A_296, %add3A_454 : i32
    %dma_start3A_456 = arith.constant 0 : i32
    %dma_start3A_457 = tpu.memref_slice %arg6[%add3A_455, %dma_start3A_456] : memref<512x64xf32, #tpu.memory_space<vmem>> -> memref<1x64xf32, #tpu.memory_space<vmem>>
    %dma_start3A_458 = tpu.memref_squeeze %dma_start3A_457 : memref<1x64xf32, #tpu.memory_space<vmem>> -> memref<64xf32, #tpu.memory_space<vmem>>
    %dma_start3A_459 = arith.constant 0 : i32
    %dma_start3A_460 = tpu.memref_slice %arg3[%squeeze3A_451, %squeeze3A_453, %dma_start3A_459] : memref<125000x8x64xf32, #tpu.memory_space<hbm>> -> memref<1x1x64xf32, #tpu.memory_space<hbm>>
    %dma_start3A_461 = tpu.memref_squeeze %dma_start3A_460 : memref<1x1x64xf32, #tpu.memory_space<hbm>> -> memref<64xf32, #tpu.memory_space<hbm>>
    %dma_start3A_462 = arith.constant 0 : i32
    %dma_start3A_463 = tpu.memref_slice %arg6[%add3A_455, %dma_start3A_462] : memref<512x64xf32, #tpu.memory_space<vmem>> -> memref<1x64xf32, #tpu.memory_space<vmem>>
    %dma_start3A_464 = tpu.memref_squeeze %dma_start3A_463 : memref<1x64xf32, #tpu.memory_space<vmem>> -> memref<64xf32, #tpu.memory_space<vmem>>
    %dma_start3A_465 = arith.constant 0 : i32
    %dma_start3A_466 = tpu.memref_slice %arg3[%squeeze3A_451, %squeeze3A_453, %dma_start3A_465] : memref<125000x8x64xf32, #tpu.memory_space<hbm>> -> memref<1x1x64xf32, #tpu.memory_space<hbm>>
    %dma_start3A_467 = tpu.memref_squeeze %dma_start3A_466 : memref<1x1x64xf32, #tpu.memory_space<hbm>> -> memref<64xf32, #tpu.memory_space<hbm>>
    tpu.enqueue_dma source(%dma_start3A_467 : memref<64xf32, #tpu.memory_space<hbm>>) target(%dma_start3A_464 : memref<64xf32, #tpu.memory_space<vmem>>) target_semaphore(%arg7 : memref<!tpu.dma_semaphore, #tpu.memory_space<semaphore_mem>>)
    %slice3A_468 = vector.extract_strided_slice %shift_right_logical3A_302 {offsets = [9], sizes = [1], strides = [1]} : vector<16xi32> to vector<1xi32>
    %squeeze3A_469 = vector.extract %slice3A_468[0] : i32 from vector<1xi32>
    %slice3A_470 = vector.extract_strided_slice %and3A_305 {offsets = [9], sizes = [1], strides = [1]} : vector<16xi32> to vector<1xi32>
    %squeeze3A_471 = vector.extract %slice3A_470[0] : i32 from vector<1xi32>
    %add3A_472 = arith.constant 9 : i32
    %add3A_473 = arith.addi %multiple_of3A_296, %add3A_472 : i32
    %dma_start3A_474 = arith.constant 0 : i32
    %dma_start3A_475 = tpu.memref_slice %arg6[%add3A_473, %dma_start3A_474] : memref<512x64xf32, #tpu.memory_space<vmem>> -> memref<1x64xf32, #tpu.memory_space<vmem>>
    %dma_start3A_476 = tpu.memref_squeeze %dma_start3A_475 : memref<1x64xf32, #tpu.memory_space<vmem>> -> memref<64xf32, #tpu.memory_space<vmem>>
    %dma_start3A_477 = arith.constant 0 : i32
    %dma_start3A_478 = tpu.memref_slice %arg3[%squeeze3A_469, %squeeze3A_471, %dma_start3A_477] : memref<125000x8x64xf32, #tpu.memory_space<hbm>> -> memref<1x1x64xf32, #tpu.memory_space<hbm>>
    %dma_start3A_479 = tpu.memref_squeeze %dma_start3A_478 : memref<1x1x64xf32, #tpu.memory_space<hbm>> -> memref<64xf32, #tpu.memory_space<hbm>>
    %dma_start3A_480 = arith.constant 0 : i32
    %dma_start3A_481 = tpu.memref_slice %arg6[%add3A_473, %dma_start3A_480] : memref<512x64xf32, #tpu.memory_space<vmem>> -> memref<1x64xf32, #tpu.memory_space<vmem>>
    %dma_start3A_482 = tpu.memref_squeeze %dma_start3A_481 : memref<1x64xf32, #tpu.memory_space<vmem>> -> memref<64xf32, #tpu.memory_space<vmem>>
    %dma_start3A_483 = arith.constant 0 : i32
    %dma_start3A_484 = tpu.memref_slice %arg3[%squeeze3A_469, %squeeze3A_471, %dma_start3A_483] : memref<125000x8x64xf32, #tpu.memory_space<hbm>> -> memref<1x1x64xf32, #tpu.memory_space<hbm>>
    %dma_start3A_485 = tpu.memref_squeeze %dma_start3A_484 : memref<1x1x64xf32, #tpu.memory_space<hbm>> -> memref<64xf32, #tpu.memory_space<hbm>>
    tpu.enqueue_dma source(%dma_start3A_485 : memref<64xf32, #tpu.memory_space<hbm>>) target(%dma_start3A_482 : memref<64xf32, #tpu.memory_space<vmem>>) target_semaphore(%arg7 : memref<!tpu.dma_semaphore, #tpu.memory_space<semaphore_mem>>)
    %slice3A_486 = vector.extract_strided_slice %shift_right_logical3A_302 {offsets = [10], sizes = [1], strides = [1]} : vector<16xi32> to vector<1xi32>
    %squeeze3A_487 = vector.extract %slice3A_486[0] : i32 from vector<1xi32>
    %slice3A_488 = vector.extract_strided_slice %and3A_305 {offsets = [10], sizes = [1], strides = [1]} : vector<16xi32> to vector<1xi32>
    %squeeze3A_489 = vector.extract %slice3A_488[0] : i32 from vector<1xi32>
    %add3A_490 = arith.constant 10 : i32
    %add3A_491 = arith.addi %multiple_of3A_296, %add3A_490 : i32
    %dma_start3A_492 = arith.constant 0 : i32
    %dma_start3A_493 = tpu.memref_slice %arg6[%add3A_491, %dma_start3A_492] : memref<512x64xf32, #tpu.memory_space<vmem>> -> memref<1x64xf32, #tpu.memory_space<vmem>>
    %dma_start3A_494 = tpu.memref_squeeze %dma_start3A_493 : memref<1x64xf32, #tpu.memory_space<vmem>> -> memref<64xf32, #tpu.memory_space<vmem>>
    %dma_start3A_495 = arith.constant 0 : i32
    %dma_start3A_496 = tpu.memref_slice %arg3[%squeeze3A_487, %squeeze3A_489, %dma_start3A_495] : memref<125000x8x64xf32, #tpu.memory_space<hbm>> -> memref<1x1x64xf32, #tpu.memory_space<hbm>>
    %dma_start3A_497 = tpu.memref_squeeze %dma_start3A_496 : memref<1x1x64xf32, #tpu.memory_space<hbm>> -> memref<64xf32, #tpu.memory_space<hbm>>
    %dma_start3A_498 = arith.constant 0 : i32
    %dma_start3A_499 = tpu.memref_slice %arg6[%add3A_491, %dma_start3A_498] : memref<512x64xf32, #tpu.memory_space<vmem>> -> memref<1x64xf32, #tpu.memory_space<vmem>>
    %dma_start3A_500 = tpu.memref_squeeze %dma_start3A_499 : memref<1x64xf32, #tpu.memory_space<vmem>> -> memref<64xf32, #tpu.memory_space<vmem>>
    %dma_start3A_501 = arith.constant 0 : i32
    %dma_start3A_502 = tpu.memref_slice %arg3[%squeeze3A_487, %squeeze3A_489, %dma_start3A_501] : memref<125000x8x64xf32, #tpu.memory_space<hbm>> -> memref<1x1x64xf32, #tpu.memory_space<hbm>>
    %dma_start3A_503 = tpu.memref_squeeze %dma_start3A_502 : memref<1x1x64xf32, #tpu.memory_space<hbm>> -> memref<64xf32, #tpu.memory_space<hbm>>
    tpu.enqueue_dma source(%dma_start3A_503 : memref<64xf32, #tpu.memory_space<hbm>>) target(%dma_start3A_500 : memref<64xf32, #tpu.memory_space<vmem>>) target_semaphore(%arg7 : memref<!tpu.dma_semaphore, #tpu.memory_space<semaphore_mem>>)
    %slice3A_504 = vector.extract_strided_slice %shift_right_logical3A_302 {offsets = [11], sizes = [1], strides = [1]} : vector<16xi32> to vector<1xi32>
    %squeeze3A_505 = vector.extract %slice3A_504[0] : i32 from vector<1xi32>
    %slice3A_506 = vector.extract_strided_slice %and3A_305 {offsets = [11], sizes = [1], strides = [1]} : vector<16xi32> to vector<1xi32>
    %squeeze3A_507 = vector.extract %slice3A_506[0] : i32 from vector<1xi32>
    %add3A_508 = arith.constant 11 : i32
    %add3A_509 = arith.addi %multiple_of3A_296, %add3A_508 : i32
    %dma_start3A_510 = arith.constant 0 : i32
    %dma_start3A_511 = tpu.memref_slice %arg6[%add3A_509, %dma_start3A_510] : memref<512x64xf32, #tpu.memory_space<vmem>> -> memref<1x64xf32, #tpu.memory_space<vmem>>
    %dma_start3A_512 = tpu.memref_squeeze %dma_start3A_511 : memref<1x64xf32, #tpu.memory_space<vmem>> -> memref<64xf32, #tpu.memory_space<vmem>>
    %dma_start3A_513 = arith.constant 0 : i32
    %dma_start3A_514 = tpu.memref_slice %arg3[%squeeze3A_505, %squeeze3A_507, %dma_start3A_513] : memref<125000x8x64xf32, #tpu.memory_space<hbm>> -> memref<1x1x64xf32, #tpu.memory_space<hbm>>
    %dma_start3A_515 = tpu.memref_squeeze %dma_start3A_514 : memref<1x1x64xf32, #tpu.memory_space<hbm>> -> memref<64xf32, #tpu.memory_space<hbm>>
    %dma_start3A_516 = arith.constant 0 : i32
    %dma_start3A_517 = tpu.memref_slice %arg6[%add3A_509, %dma_start3A_516] : memref<512x64xf32, #tpu.memory_space<vmem>> -> memref<1x64xf32, #tpu.memory_space<vmem>>
    %dma_start3A_518 = tpu.memref_squeeze %dma_start3A_517 : memref<1x64xf32, #tpu.memory_space<vmem>> -> memref<64xf32, #tpu.memory_space<vmem>>
    %dma_start3A_519 = arith.constant 0 : i32
    %dma_start3A_520 = tpu.memref_slice %arg3[%squeeze3A_505, %squeeze3A_507, %dma_start3A_519] : memref<125000x8x64xf32, #tpu.memory_space<hbm>> -> memref<1x1x64xf32, #tpu.memory_space<hbm>>
    %dma_start3A_521 = tpu.memref_squeeze %dma_start3A_520 : memref<1x1x64xf32, #tpu.memory_space<hbm>> -> memref<64xf32, #tpu.memory_space<hbm>>
    tpu.enqueue_dma source(%dma_start3A_521 : memref<64xf32, #tpu.memory_space<hbm>>) target(%dma_start3A_518 : memref<64xf32, #tpu.memory_space<vmem>>) target_semaphore(%arg7 : memref<!tpu.dma_semaphore, #tpu.memory_space<semaphore_mem>>)
    %slice3A_522 = vector.extract_strided_slice %shift_right_logical3A_302 {offsets = [12], sizes = [1], strides = [1]} : vector<16xi32> to vector<1xi32>
    %squeeze3A_523 = vector.extract %slice3A_522[0] : i32 from vector<1xi32>
    %slice3A_524 = vector.extract_strided_slice %and3A_305 {offsets = [12], sizes = [1], strides = [1]} : vector<16xi32> to vector<1xi32>
    %squeeze3A_525 = vector.extract %slice3A_524[0] : i32 from vector<1xi32>
    %add3A_526 = arith.constant 12 : i32
    %add3A_527 = arith.addi %multiple_of3A_296, %add3A_526 : i32
    %dma_start3A_528 = arith.constant 0 : i32
    %dma_start3A_529 = tpu.memref_slice %arg6[%add3A_527, %dma_start3A_528] : memref<512x64xf32, #tpu.memory_space<vmem>> -> memref<1x64xf32, #tpu.memory_space<vmem>>
    %dma_start3A_530 = tpu.memref_squeeze %dma_start3A_529 : memref<1x64xf32, #tpu.memory_space<vmem>> -> memref<64xf32, #tpu.memory_space<vmem>>
    %dma_start3A_531 = arith.constant 0 : i32
    %dma_start3A_532 = tpu.memref_slice %arg3[%squeeze3A_523, %squeeze3A_525, %dma_start3A_531] : memref<125000x8x64xf32, #tpu.memory_space<hbm>> -> memref<1x1x64xf32, #tpu.memory_space<hbm>>
    %dma_start3A_533 = tpu.memref_squeeze %dma_start3A_532 : memref<1x1x64xf32, #tpu.memory_space<hbm>> -> memref<64xf32, #tpu.memory_space<hbm>>
    %dma_start3A_534 = arith.constant 0 : i32
    %dma_start3A_535 = tpu.memref_slice %arg6[%add3A_527, %dma_start3A_534] : memref<512x64xf32, #tpu.memory_space<vmem>> -> memref<1x64xf32, #tpu.memory_space<vmem>>
    %dma_start3A_536 = tpu.memref_squeeze %dma_start3A_535 : memref<1x64xf32, #tpu.memory_space<vmem>> -> memref<64xf32, #tpu.memory_space<vmem>>
    %dma_start3A_537 = arith.constant 0 : i32
    %dma_start3A_538 = tpu.memref_slice %arg3[%squeeze3A_523, %squeeze3A_525, %dma_start3A_537] : memref<125000x8x64xf32, #tpu.memory_space<hbm>> -> memref<1x1x64xf32, #tpu.memory_space<hbm>>
    %dma_start3A_539 = tpu.memref_squeeze %dma_start3A_538 : memref<1x1x64xf32, #tpu.memory_space<hbm>> -> memref<64xf32, #tpu.memory_space<hbm>>
    tpu.enqueue_dma source(%dma_start3A_539 : memref<64xf32, #tpu.memory_space<hbm>>) target(%dma_start3A_536 : memref<64xf32, #tpu.memory_space<vmem>>) target_semaphore(%arg7 : memref<!tpu.dma_semaphore, #tpu.memory_space<semaphore_mem>>)
    %slice3A_540 = vector.extract_strided_slice %shift_right_logical3A_302 {offsets = [13], sizes = [1], strides = [1]} : vector<16xi32> to vector<1xi32>
    %squeeze3A_541 = vector.extract %slice3A_540[0] : i32 from vector<1xi32>
    %slice3A_542 = vector.extract_strided_slice %and3A_305 {offsets = [13], sizes = [1], strides = [1]} : vector<16xi32> to vector<1xi32>
    %squeeze3A_543 = vector.extract %slice3A_542[0] : i32 from vector<1xi32>
    %add3A_544 = arith.constant 13 : i32
    %add3A_545 = arith.addi %multiple_of3A_296, %add3A_544 : i32
    %dma_start3A_546 = arith.constant 0 : i32
    %dma_start3A_547 = tpu.memref_slice %arg6[%add3A_545, %dma_start3A_546] : memref<512x64xf32, #tpu.memory_space<vmem>> -> memref<1x64xf32, #tpu.memory_space<vmem>>
    %dma_start3A_548 = tpu.memref_squeeze %dma_start3A_547 : memref<1x64xf32, #tpu.memory_space<vmem>> -> memref<64xf32, #tpu.memory_space<vmem>>
    %dma_start3A_549 = arith.constant 0 : i32
    %dma_start3A_550 = tpu.memref_slice %arg3[%squeeze3A_541, %squeeze3A_543, %dma_start3A_549] : memref<125000x8x64xf32, #tpu.memory_space<hbm>> -> memref<1x1x64xf32, #tpu.memory_space<hbm>>
    %dma_start3A_551 = tpu.memref_squeeze %dma_start3A_550 : memref<1x1x64xf32, #tpu.memory_space<hbm>> -> memref<64xf32, #tpu.memory_space<hbm>>
    %dma_start3A_552 = arith.constant 0 : i32
    %dma_start3A_553 = tpu.memref_slice %arg6[%add3A_545, %dma_start3A_552] : memref<512x64xf32, #tpu.memory_space<vmem>> -> memref<1x64xf32, #tpu.memory_space<vmem>>
    %dma_start3A_554 = tpu.memref_squeeze %dma_start3A_553 : memref<1x64xf32, #tpu.memory_space<vmem>> -> memref<64xf32, #tpu.memory_space<vmem>>
    %dma_start3A_555 = arith.constant 0 : i32
    %dma_start3A_556 = tpu.memref_slice %arg3[%squeeze3A_541, %squeeze3A_543, %dma_start3A_555] : memref<125000x8x64xf32, #tpu.memory_space<hbm>> -> memref<1x1x64xf32, #tpu.memory_space<hbm>>
    %dma_start3A_557 = tpu.memref_squeeze %dma_start3A_556 : memref<1x1x64xf32, #tpu.memory_space<hbm>> -> memref<64xf32, #tpu.memory_space<hbm>>
    tpu.enqueue_dma source(%dma_start3A_557 : memref<64xf32, #tpu.memory_space<hbm>>) target(%dma_start3A_554 : memref<64xf32, #tpu.memory_space<vmem>>) target_semaphore(%arg7 : memref<!tpu.dma_semaphore, #tpu.memory_space<semaphore_mem>>)
    %slice3A_558 = vector.extract_strided_slice %shift_right_logical3A_302 {offsets = [14], sizes = [1], strides = [1]} : vector<16xi32> to vector<1xi32>
    %squeeze3A_559 = vector.extract %slice3A_558[0] : i32 from vector<1xi32>
    %slice3A_560 = vector.extract_strided_slice %and3A_305 {offsets = [14], sizes = [1], strides = [1]} : vector<16xi32> to vector<1xi32>
    %squeeze3A_561 = vector.extract %slice3A_560[0] : i32 from vector<1xi32>
    %add3A_562 = arith.constant 14 : i32
    %add3A_563 = arith.addi %multiple_of3A_296, %add3A_562 : i32
    %dma_start3A_564 = arith.constant 0 : i32
    %dma_start3A_565 = tpu.memref_slice %arg6[%add3A_563, %dma_start3A_564] : memref<512x64xf32, #tpu.memory_space<vmem>> -> memref<1x64xf32, #tpu.memory_space<vmem>>
    %dma_start3A_566 = tpu.memref_squeeze %dma_start3A_565 : memref<1x64xf32, #tpu.memory_space<vmem>> -> memref<64xf32, #tpu.memory_space<vmem>>
    %dma_start3A_567 = arith.constant 0 : i32
    %dma_start3A_568 = tpu.memref_slice %arg3[%squeeze3A_559, %squeeze3A_561, %dma_start3A_567] : memref<125000x8x64xf32, #tpu.memory_space<hbm>> -> memref<1x1x64xf32, #tpu.memory_space<hbm>>
    %dma_start3A_569 = tpu.memref_squeeze %dma_start3A_568 : memref<1x1x64xf32, #tpu.memory_space<hbm>> -> memref<64xf32, #tpu.memory_space<hbm>>
    %dma_start3A_570 = arith.constant 0 : i32
    %dma_start3A_571 = tpu.memref_slice %arg6[%add3A_563, %dma_start3A_570] : memref<512x64xf32, #tpu.memory_space<vmem>> -> memref<1x64xf32, #tpu.memory_space<vmem>>
    %dma_start3A_572 = tpu.memref_squeeze %dma_start3A_571 : memref<1x64xf32, #tpu.memory_space<vmem>> -> memref<64xf32, #tpu.memory_space<vmem>>
    %dma_start3A_573 = arith.constant 0 : i32
    %dma_start3A_574 = tpu.memref_slice %arg3[%squeeze3A_559, %squeeze3A_561, %dma_start3A_573] : memref<125000x8x64xf32, #tpu.memory_space<hbm>> -> memref<1x1x64xf32, #tpu.memory_space<hbm>>
    %dma_start3A_575 = tpu.memref_squeeze %dma_start3A_574 : memref<1x1x64xf32, #tpu.memory_space<hbm>> -> memref<64xf32, #tpu.memory_space<hbm>>
    tpu.enqueue_dma source(%dma_start3A_575 : memref<64xf32, #tpu.memory_space<hbm>>) target(%dma_start3A_572 : memref<64xf32, #tpu.memory_space<vmem>>) target_semaphore(%arg7 : memref<!tpu.dma_semaphore, #tpu.memory_space<semaphore_mem>>)
    %slice3A_576 = vector.extract_strided_slice %shift_right_logical3A_302 {offsets = [15], sizes = [1], strides = [1]} : vector<16xi32> to vector<1xi32>
    %squeeze3A_577 = vector.extract %slice3A_576[0] : i32 from vector<1xi32>
    %slice3A_578 = vector.extract_strided_slice %and3A_305 {offsets = [15], sizes = [1], strides = [1]} : vector<16xi32> to vector<1xi32>
    %squeeze3A_579 = vector.extract %slice3A_578[0] : i32 from vector<1xi32>
    %add3A_580 = arith.constant 15 : i32
    %add3A_581 = arith.addi %multiple_of3A_296, %add3A_580 : i32
    %dma_start3A_582 = arith.constant 0 : i32
    %dma_start3A_583 = tpu.memref_slice %arg6[%add3A_581, %dma_start3A_582] : memref<512x64xf32, #tpu.memory_space<vmem>> -> memref<1x64xf32, #tpu.memory_space<vmem>>
    %dma_start3A_584 = tpu.memref_squeeze %dma_start3A_583 : memref<1x64xf32, #tpu.memory_space<vmem>> -> memref<64xf32, #tpu.memory_space<vmem>>
    %dma_start3A_585 = arith.constant 0 : i32
    %dma_start3A_586 = tpu.memref_slice %arg3[%squeeze3A_577, %squeeze3A_579, %dma_start3A_585] : memref<125000x8x64xf32, #tpu.memory_space<hbm>> -> memref<1x1x64xf32, #tpu.memory_space<hbm>>
    %dma_start3A_587 = tpu.memref_squeeze %dma_start3A_586 : memref<1x1x64xf32, #tpu.memory_space<hbm>> -> memref<64xf32, #tpu.memory_space<hbm>>
    %dma_start3A_588 = arith.constant 0 : i32
    %dma_start3A_589 = tpu.memref_slice %arg6[%add3A_581, %dma_start3A_588] : memref<512x64xf32, #tpu.memory_space<vmem>> -> memref<1x64xf32, #tpu.memory_space<vmem>>
    %dma_start3A_590 = tpu.memref_squeeze %dma_start3A_589 : memref<1x64xf32, #tpu.memory_space<vmem>> -> memref<64xf32, #tpu.memory_space<vmem>>
    %dma_start3A_591 = arith.constant 0 : i32
    %dma_start3A_592 = tpu.memref_slice %arg3[%squeeze3A_577, %squeeze3A_579, %dma_start3A_591] : memref<125000x8x64xf32, #tpu.memory_space<hbm>> -> memref<1x1x64xf32, #tpu.memory_space<hbm>>
    %dma_start3A_593 = tpu.memref_squeeze %dma_start3A_592 : memref<1x1x64xf32, #tpu.memory_space<hbm>> -> memref<64xf32, #tpu.memory_space<hbm>>
    tpu.enqueue_dma source(%dma_start3A_593 : memref<64xf32, #tpu.memory_space<hbm>>) target(%dma_start3A_590 : memref<64xf32, #tpu.memory_space<vmem>>) target_semaphore(%arg7 : memref<!tpu.dma_semaphore, #tpu.memory_space<semaphore_mem>>)
    %multiple_of3A_594 = arith.constant 32 : i32
    %multiple_of3A_595 = tpu.assume_multiple %multiple_of3A_594, 16 : i32
    %get3A_596 = arith.index_cast %multiple_of3A_595 : i32 to index
    %get3A_597 = tpu.vector_load %arg5[%get3A_596] {strides = array<i32>} : memref<512xi32, #tpu.memory_space<vmem>>, vector<16xi32>,
    %get3A_598 = vector.shape_cast %get3A_597 : vector<16xi32> to vector<16xi32>
    %shift_right_logical3A_599 = arith.constant 3 : i32
    %shift_right_logical3A_600 = vector.broadcast %shift_right_logical3A_599 : i32 to vector<16xi32>
    %shift_right_logical3A_601 = arith.shrui %get3A_598, %shift_right_logical3A_600 : vector<16xi32>
    %and3A_602 = arith.constant 7 : i32
    %and3A_603 = vector.broadcast %and3A_602 : i32 to vector<16xi32>
    %and3A_604 = arith.andi %get3A_598, %and3A_603 : vector<16xi32>
    %slice3A_605 = vector.extract_strided_slice %shift_right_logical3A_601 {offsets = [0], sizes = [1], strides = [1]} : vector<16xi32> to vector<1xi32>
    %squeeze3A_606 = vector.extract %slice3A_605[0] : i32 from vector<1xi32>
    %slice3A_607 = vector.extract_strided_slice %and3A_604 {offsets = [0], sizes = [1], strides = [1]} : vector<16xi32> to vector<1xi32>
    %squeeze3A_608 = vector.extract %slice3A_607[0] : i32 from vector<1xi32>
    %add3A_609 = arith.constant 0 : i32
    %add3A_610 = arith.addi %multiple_of3A_595, %add3A_609 : i32
    %dma_start3A_611 = arith.constant 0 : i32
    %dma_start3A_612 = tpu.memref_slice %arg6[%add3A_610, %dma_start3A_611] : memref<512x64xf32, #tpu.memory_space<vmem>> -> memref<1x64xf32, #tpu.memory_space<vmem>>
    %dma_start3A_613 = tpu.memref_squeeze %dma_start3A_612 : memref<1x64xf32, #tpu.memory_space<vmem>> -> memref<64xf32, #tpu.memory_space<vmem>>
    %dma_start3A_614 = arith.constant 0 : i32
    %dma_start3A_615 = tpu.memref_slice %arg3[%squeeze3A_606, %squeeze3A_608, %dma_start3A_614] : memref<125000x8x64xf32, #tpu.memory_space<hbm>> -> memref<1x1x64xf32, #tpu.memory_space<hbm>>
    %dma_start3A_616 = tpu.memref_squeeze %dma_start3A_615 : memref<1x1x64xf32, #tpu.memory_space<hbm>> -> memref<64xf32, #tpu.memory_space<hbm>>
    %dma_start3A_617 = arith.constant 0 : i32
    %dma_start3A_618 = tpu.memref_slice %arg6[%add3A_610, %dma_start3A_617] : memref<512x64xf32, #tpu.memory_space<vmem>> -> memref<1x64xf32, #tpu.memory_space<vmem>>
    %dma_start3A_619 = tpu.memref_squeeze %dma_start3A_618 : memref<1x64xf32, #tpu.memory_space<vmem>> -> memref<64xf32, #tpu.memory_space<vmem>>
    %dma_start3A_620 = arith.constant 0 : i32
    %dma_start3A_621 = tpu.memref_slice %arg3[%squeeze3A_606, %squeeze3A_608, %dma_start3A_620] : memref<125000x8x64xf32, #tpu.memory_space<hbm>> -> memref<1x1x64xf32, #tpu.memory_space<hbm>>
    %dma_start3A_622 = tpu.memref_squeeze %dma_start3A_621 : memref<1x1x64xf32, #tpu.memory_space<hbm>> -> memref<64xf32, #tpu.memory_space<hbm>>
    tpu.enqueue_dma source(%dma_start3A_622 : memref<64xf32, #tpu.memory_space<hbm>>) target(%dma_start3A_619 : memref<64xf32, #tpu.memory_space<vmem>>) target_semaphore(%arg7 : memref<!tpu.dma_semaphore, #tpu.memory_space<semaphore_mem>>)
    %slice3A_623 = vector.extract_strided_slice %shift_right_logical3A_601 {offsets = [1], sizes = [1], strides = [1]} : vector<16xi32> to vector<1xi32>
    %squeeze3A_624 = vector.extract %slice3A_623[0] : i32 from vector<1xi32>
    %slice3A_625 = vector.extract_strided_slice %and3A_604 {offsets = [1], sizes = [1], strides = [1]} : vector<16xi32> to vector<1xi32>
    %squeeze3A_626 = vector.extract %slice3A_625[0] : i32 from vector<1xi32>
    %add3A_627 = arith.constant 1 : i32
    %add3A_628 = arith.addi %multiple_of3A_595, %add3A_627 : i32
    %dma_start3A_629 = arith.constant 0 : i32
    %dma_start3A_630 = tpu.memref_slice %arg6[%add3A_628, %dma_start3A_629] : memref<512x64xf32, #tpu.memory_space<vmem>> -> memref<1x64xf32, #tpu.memory_space<vmem>>
    %dma_start3A_631 = tpu.memref_squeeze %dma_start3A_630 : memref<1x64xf32, #tpu.memory_space<vmem>> -> memref<64xf32, #tpu.memory_space<vmem>>
    %dma_start3A_632 = arith.constant 0 : i32
    %dma_start3A_633 = tpu.memref_slice %arg3[%squeeze3A_624, %squeeze3A_626, %dma_start3A_632] : memref<125000x8x64xf32, #tpu.memory_space<hbm>> -> memref<1x1x64xf32, #tpu.memory_space<hbm>>
    %dma_start3A_634 = tpu.memref_squeeze %dma_start3A_633 : memref<1x1x64xf32, #tpu.memory_space<hbm>> -> memref<64xf32, #tpu.memory_space<hbm>>
    %dma_start3A_635 = arith.constant 0 : i32
    %dma_start3A_636 = tpu.memref_slice %arg6[%add3A_628, %dma_start3A_635] : memref<512x64xf32, #tpu.memory_space<vmem>> -> memref<1x64xf32, #tpu.memory_space<vmem>>
    %dma_start3A_637 = tpu.memref_squeeze %dma_start3A_636 : memref<1x64xf32, #tpu.memory_space<vmem>> -> memref<64xf32, #tpu.memory_space<vmem>>
    %dma_start3A_638 = arith.constant 0 : i32
    %dma_start3A_639 = tpu.memref_slice %arg3[%squeeze3A_624, %squeeze3A_626, %dma_start3A_638] : memref<125000x8x64xf32, #tpu.memory_space<hbm>> -> memref<1x1x64xf32, #tpu.memory_space<hbm>>
    %dma_start3A_640 = tpu.memref_squeeze %dma_start3A_639 : memref<1x1x64xf32, #tpu.memory_space<hbm>> -> memref<64xf32, #tpu.memory_space<hbm>>
    tpu.enqueue_dma source(%dma_start3A_640 : memref<64xf32, #tpu.memory_space<hbm>>) target(%dma_start3A_637 : memref<64xf32, #tpu.memory_space<vmem>>) target_semaphore(%arg7 : memref<!tpu.dma_semaphore, #tpu.memory_space<semaphore_mem>>)
    %slice3A_641 = vector.extract_strided_slice %shift_right_logical3A_601 {offsets = [2], sizes = [1], strides = [1]} : vector<16xi32> to vector<1xi32>
    %squeeze3A_642 = vector.extract %slice3A_641[0] : i32 from vector<1xi32>
    %slice3A_643 = vector.extract_strided_slice %and3A_604 {offsets = [2], sizes = [1], strides = [1]} : vector<16xi32> to vector<1xi32>
    %squeeze3A_644 = vector.extract %slice3A_643[0] : i32 from vector<1xi32>
    %add3A_645 = arith.constant 2 : i32
    %add3A_646 = arith.addi %multiple_of3A_595, %add3A_645 : i32
    %dma_start3A_647 = arith.constant 0 : i32
    %dma_start3A_648 = tpu.memref_slice %arg6[%add3A_646, %dma_start3A_647] : memref<512x64xf32, #tpu.memory_space<vmem>> -> memref<1x64xf32, #tpu.memory_space<vmem>>
    %dma_start3A_649 = tpu.memref_squeeze %dma_start3A_648 : memref<1x64xf32, #tpu.memory_space<vmem>> -> memref<64xf32, #tpu.memory_space<vmem>>
    %dma_start3A_650 = arith.constant 0 : i32
    %dma_start3A_651 = tpu.memref_slice %arg3[%squeeze3A_642, %squeeze3A_644, %dma_start3A_650] : memref<125000x8x64xf32, #tpu.memory_space<hbm>> -> memref<1x1x64xf32, #tpu.memory_space<hbm>>
    %dma_start3A_652 = tpu.memref_squeeze %dma_start3A_651 : memref<1x1x64xf32, #tpu.memory_space<hbm>> -> memref<64xf32, #tpu.memory_space<hbm>>
    %dma_start3A_653 = arith.constant 0 : i32
    %dma_start3A_654 = tpu.memref_slice %arg6[%add3A_646, %dma_start3A_653] : memref<512x64xf32, #tpu.memory_space<vmem>> -> memref<1x64xf32, #tpu.memory_space<vmem>>
    %dma_start3A_655 = tpu.memref_squeeze %dma_start3A_654 : memref<1x64xf32, #tpu.memory_space<vmem>> -> memref<64xf32, #tpu.memory_space<vmem>>
    %dma_start3A_656 = arith.constant 0 : i32
    %dma_start3A_657 = tpu.memref_slice %arg3[%squeeze3A_642, %squeeze3A_644, %dma_start3A_656] : memref<125000x8x64xf32, #tpu.memory_space<hbm>> -> memref<1x1x64xf32, #tpu.memory_space<hbm>>
    %dma_start3A_658 = tpu.memref_squeeze %dma_start3A_657 : memref<1x1x64xf32, #tpu.memory_space<hbm>> -> memref<64xf32, #tpu.memory_space<hbm>>
    tpu.enqueue_dma source(%dma_start3A_658 : memref<64xf32, #tpu.memory_space<hbm>>) target(%dma_start3A_655 : memref<64xf32, #tpu.memory_space<vmem>>) target_semaphore(%arg7 : memref<!tpu.dma_semaphore, #tpu.memory_space<semaphore_mem>>)
    %slice3A_659 = vector.extract_strided_slice %shift_right_logical3A_601 {offsets = [3], sizes = [1], strides = [1]} : vector<16xi32> to vector<1xi32>
    %squeeze3A_660 = vector.extract %slice3A_659[0] : i32 from vector<1xi32>
    %slice3A_661 = vector.extract_strided_slice %and3A_604 {offsets = [3], sizes = [1], strides = [1]} : vector<16xi32> to vector<1xi32>
    %squeeze3A_662 = vector.extract %slice3A_661[0] : i32 from vector<1xi32>
    %add3A_663 = arith.constant 3 : i32
    %add3A_664 = arith.addi %multiple_of3A_595, %add3A_663 : i32
    %dma_start3A_665 = arith.constant 0 : i32
    %dma_start3A_666 = tpu.memref_slice %arg6[%add3A_664, %dma_start3A_665] : memref<512x64xf32, #tpu.memory_space<vmem>> -> memref<1x64xf32, #tpu.memory_space<vmem>>
    %dma_start3A_667 = tpu.memref_squeeze %dma_start3A_666 : memref<1x64xf32, #tpu.memory_space<vmem>> -> memref<64xf32, #tpu.memory_space<vmem>>
    %dma_start3A_668 = arith.constant 0 : i32
    %dma_start3A_669 = tpu.memref_slice %arg3[%squeeze3A_660, %squeeze3A_662, %dma_start3A_668] : memref<125000x8x64xf32, #tpu.memory_space<hbm>> -> memref<1x1x64xf32, #tpu.memory_space<hbm>>
    %dma_start3A_670 = tpu.memref_squeeze %dma_start3A_669 : memref<1x1x64xf32, #tpu.memory_space<hbm>> -> memref<64xf32, #tpu.memory_space<hbm>>
    %dma_start3A_671 = arith.constant 0 : i32
    %dma_start3A_672 = tpu.memref_slice %arg6[%add3A_664, %dma_start3A_671] : memref<512x64xf32, #tpu.memory_space<vmem>> -> memref<1x64xf32, #tpu.memory_space<vmem>>
    %dma_start3A_673 = tpu.memref_squeeze %dma_start3A_672 : memref<1x64xf32, #tpu.memory_space<vmem>> -> memref<64xf32, #tpu.memory_space<vmem>>
    %dma_start3A_674 = arith.constant 0 : i32
    %dma_start3A_675 = tpu.memref_slice %arg3[%squeeze3A_660, %squeeze3A_662, %dma_start3A_674] : memref<125000x8x64xf32, #tpu.memory_space<hbm>> -> memref<1x1x64xf32, #tpu.memory_space<hbm>>
    %dma_start3A_676 = tpu.memref_squeeze %dma_start3A_675 : memref<1x1x64xf32, #tpu.memory_space<hbm>> -> memref<64xf32, #tpu.memory_space<hbm>>
    tpu.enqueue_dma source(%dma_start3A_676 : memref<64xf32, #tpu.memory_space<hbm>>) target(%dma_start3A_673 : memref<64xf32, #tpu.memory_space<vmem>>) target_semaphore(%arg7 : memref<!tpu.dma_semaphore, #tpu.memory_space<semaphore_mem>>)
    %slice3A_677 = vector.extract_strided_slice %shift_right_logical3A_601 {offsets = [4], sizes = [1], strides = [1]} : vector<16xi32> to vector<1xi32>
    %squeeze3A_678 = vector.extract %slice3A_677[0] : i32 from vector<1xi32>
    %slice3A_679 = vector.extract_strided_slice %and3A_604 {offsets = [4], sizes = [1], strides = [1]} : vector<16xi32> to vector<1xi32>
    %squeeze3A_680 = vector.extract %slice3A_679[0] : i32 from vector<1xi32>
    %add3A_681 = arith.constant 4 : i32
    %add3A_682 = arith.addi %multiple_of3A_595, %add3A_681 : i32
    %dma_start3A_683 = arith.constant 0 : i32
    %dma_start3A_684 = tpu.memref_slice %arg6[%add3A_682, %dma_start3A_683] : memref<512x64xf32, #tpu.memory_space<vmem>> -> memref<1x64xf32, #tpu.memory_space<vmem>>
    %dma_start3A_685 = tpu.memref_squeeze %dma_start3A_684 : memref<1x64xf32, #tpu.memory_space<vmem>> -> memref<64xf32, #tpu.memory_space<vmem>>
    %dma_start3A_686 = arith.constant 0 : i32
    %dma_start3A_687 = tpu.memref_slice %arg3[%squeeze3A_678, %squeeze3A_680, %dma_start3A_686] : memref<125000x8x64xf32, #tpu.memory_space<hbm>> -> memref<1x1x64xf32, #tpu.memory_space<hbm>>
    %dma_start3A_688 = tpu.memref_squeeze %dma_start3A_687 : memref<1x1x64xf32, #tpu.memory_space<hbm>> -> memref<64xf32, #tpu.memory_space<hbm>>
    %dma_start3A_689 = arith.constant 0 : i32
    %dma_start3A_690 = tpu.memref_slice %arg6[%add3A_682, %dma_start3A_689] : memref<512x64xf32, #tpu.memory_space<vmem>> -> memref<1x64xf32, #tpu.memory_space<vmem>>
    %dma_start3A_691 = tpu.memref_squeeze %dma_start3A_690 : memref<1x64xf32, #tpu.memory_space<vmem>> -> memref<64xf32, #tpu.memory_space<vmem>>
    %dma_start3A_692 = arith.constant 0 : i32
    %dma_start3A_693 = tpu.memref_slice %arg3[%squeeze3A_678, %squeeze3A_680, %dma_start3A_692] : memref<125000x8x64xf32, #tpu.memory_space<hbm>> -> memref<1x1x64xf32, #tpu.memory_space<hbm>>
    %dma_start3A_694 = tpu.memref_squeeze %dma_start3A_693 : memref<1x1x64xf32, #tpu.memory_space<hbm>> -> memref<64xf32, #tpu.memory_space<hbm>>
    tpu.enqueue_dma source(%dma_start3A_694 : memref<64xf32, #tpu.memory_space<hbm>>) target(%dma_start3A_691 : memref<64xf32, #tpu.memory_space<vmem>>) target_semaphore(%arg7 : memref<!tpu.dma_semaphore, #tpu.memory_space<semaphore_mem>>)
    %slice3A_695 = vector.extract_strided_slice %shift_right_logical3A_601 {offsets = [5], sizes = [1], strides = [1]} : vector<16xi32> to vector<1xi32>
    %squeeze3A_696 = vector.extract %slice3A_695[0] : i32 from vector<1xi32>
    %slice3A_697 = vector.extract_strided_slice %and3A_604 {offsets = [5], sizes = [1], strides = [1]} : vector<16xi32> to vector<1xi32>
    %squeeze3A_698 = vector.extract %slice3A_697[0] : i32 from vector<1xi32>
    %add3A_699 = arith.constant 5 : i32
    %add3A_700 = arith.addi %multiple_of3A_595, %add3A_699 : i32
    %dma_start3A_701 = arith.constant 0 : i32
    %dma_start3A_702 = tpu.memref_slice %arg6[%add3A_700, %dma_start3A_701] : memref<512x64xf32, #tpu.memory_space<vmem>> -> memref<1x64xf32, #tpu.memory_space<vmem>>
    %dma_start3A_703 = tpu.memref_squeeze %dma_start3A_702 : memref<1x64xf32, #tpu.memory_space<vmem>> -> memref<64xf32, #tpu.memory_space<vmem>>
    %dma_start3A_704 = arith.constant 0 : i32
    %dma_start3A_705 = tpu.memref_slice %arg3[%squeeze3A_696, %squeeze3A_698, %dma_start3A_704] : memref<125000x8x64xf32, #tpu.memory_space<hbm>> -> memref<1x1x64xf32, #tpu.memory_space<hbm>>
    %dma_start3A_706 = tpu.memref_squeeze %dma_start3A_705 : memref<1x1x64xf32, #tpu.memory_space<hbm>> -> memref<64xf32, #tpu.memory_space<hbm>>
    %dma_start3A_707 = arith.constant 0 : i32
    %dma_start3A_708 = tpu.memref_slice %arg6[%add3A_700, %dma_start3A_707] : memref<512x64xf32, #tpu.memory_space<vmem>> -> memref<1x64xf32, #tpu.memory_space<vmem>>
    %dma_start3A_709 = tpu.memref_squeeze %dma_start3A_708 : memref<1x64xf32, #tpu.memory_space<vmem>> -> memref<64xf32, #tpu.memory_space<vmem>>
    %dma_start3A_710 = arith.constant 0 : i32
    %dma_start3A_711 = tpu.memref_slice %arg3[%squeeze3A_696, %squeeze3A_698, %dma_start3A_710] : memref<125000x8x64xf32, #tpu.memory_space<hbm>> -> memref<1x1x64xf32, #tpu.memory_space<hbm>>
    %dma_start3A_712 = tpu.memref_squeeze %dma_start3A_711 : memref<1x1x64xf32, #tpu.memory_space<hbm>> -> memref<64xf32, #tpu.memory_space<hbm>>
    tpu.enqueue_dma source(%dma_start3A_712 : memref<64xf32, #tpu.memory_space<hbm>>) target(%dma_start3A_709 : memref<64xf32, #tpu.memory_space<vmem>>) target_semaphore(%arg7 : memref<!tpu.dma_semaphore, #tpu.memory_space<semaphore_mem>>)
    %slice3A_713 = vector.extract_strided_slice %shift_right_logical3A_601 {offsets = [6], sizes = [1], strides = [1]} : vector<16xi32> to vector<1xi32>
    %squeeze3A_714 = vector.extract %slice3A_713[0] : i32 from vector<1xi32>
    %slice3A_715 = vector.extract_strided_slice %and3A_604 {offsets = [6], sizes = [1], strides = [1]} : vector<16xi32> to vector<1xi32>
    %squeeze3A_716 = vector.extract %slice3A_715[0] : i32 from vector<1xi32>
    %add3A_717 = arith.constant 6 : i32
    %add3A_718 = arith.addi %multiple_of3A_595, %add3A_717 : i32
    %dma_start3A_719 = arith.constant 0 : i32
    %dma_start3A_720 = tpu.memref_slice %arg6[%add3A_718, %dma_start3A_719] : memref<512x64xf32, #tpu.memory_space<vmem>> -> memref<1x64xf32, #tpu.memory_space<vmem>>
    %dma_start3A_721 = tpu.memref_squeeze %dma_start3A_720 : memref<1x64xf32, #tpu.memory_space<vmem>> -> memref<64xf32, #tpu.memory_space<vmem>>
    %dma_start3A_722 = arith.constant 0 : i32
    %dma_start3A_723 = tpu.memref_slice %arg3[%squeeze3A_714, %squeeze3A_716, %dma_start3A_722] : memref<125000x8x64xf32, #tpu.memory_space<hbm>> -> memref<1x1x64xf32, #tpu.memory_space<hbm>>
    %dma_start3A_724 = tpu.memref_squeeze %dma_start3A_723 : memref<1x1x64xf32, #tpu.memory_space<hbm>> -> memref<64xf32, #tpu.memory_space<hbm>>
    %dma_start3A_725 = arith.constant 0 : i32
    %dma_start3A_726 = tpu.memref_slice %arg6[%add3A_718, %dma_start3A_725] : memref<512x64xf32, #tpu.memory_space<vmem>> -> memref<1x64xf32, #tpu.memory_space<vmem>>
    %dma_start3A_727 = tpu.memref_squeeze %dma_start3A_726 : memref<1x64xf32, #tpu.memory_space<vmem>> -> memref<64xf32, #tpu.memory_space<vmem>>
    %dma_start3A_728 = arith.constant 0 : i32
    %dma_start3A_729 = tpu.memref_slice %arg3[%squeeze3A_714, %squeeze3A_716, %dma_start3A_728] : memref<125000x8x64xf32, #tpu.memory_space<hbm>> -> memref<1x1x64xf32, #tpu.memory_space<hbm>>
    %dma_start3A_730 = tpu.memref_squeeze %dma_start3A_729 : memref<1x1x64xf32, #tpu.memory_space<hbm>> -> memref<64xf32, #tpu.memory_space<hbm>>
    tpu.enqueue_dma source(%dma_start3A_730 : memref<64xf32, #tpu.memory_space<hbm>>) target(%dma_start3A_727 : memref<64xf32, #tpu.memory_space<vmem>>) target_semaphore(%arg7 : memref<!tpu.dma_semaphore, #tpu.memory_space<semaphore_mem>>)
    %slice3A_731 = vector.extract_strided_slice %shift_right_logical3A_601 {offsets = [7], sizes = [1], strides = [1]} : vector<16xi32> to vector<1xi32>
    %squeeze3A_732 = vector.extract %slice3A_731[0] : i32 from vector<1xi32>
    %slice3A_733 = vector.extract_strided_slice %and3A_604 {offsets = [7], sizes = [1], strides = [1]} : vector<16xi32> to vector<1xi32>
    %squeeze3A_734 = vector.extract %slice3A_733[0] : i32 from vector<1xi32>
    %add3A_735 = arith.constant 7 : i32
    %add3A_736 = arith.addi %multiple_of3A_595, %add3A_735 : i32
    %dma_start3A_737 = arith.constant 0 : i32
    %dma_start3A_738 = tpu.memref_slice %arg6[%add3A_736, %dma_start3A_737] : memref<512x64xf32, #tpu.memory_space<vmem>> -> memref<1x64xf32, #tpu.memory_space<vmem>>
    %dma_start3A_739 = tpu.memref_squeeze %dma_start3A_738 : memref<1x64xf32, #tpu.memory_space<vmem>> -> memref<64xf32, #tpu.memory_space<vmem>>
    %dma_start3A_740 = arith.constant 0 : i32
    %dma_start3A_741 = tpu.memref_slice %arg3[%squeeze3A_732, %squeeze3A_734, %dma_start3A_740] : memref<125000x8x64xf32, #tpu.memory_space<hbm>> -> memref<1x1x64xf32, #tpu.memory_space<hbm>>
    %dma_start3A_742 = tpu.memref_squeeze %dma_start3A_741 : memref<1x1x64xf32, #tpu.memory_space<hbm>> -> memref<64xf32, #tpu.memory_space<hbm>>
    %dma_start3A_743 = arith.constant 0 : i32
    %dma_start3A_744 = tpu.memref_slice %arg6[%add3A_736, %dma_start3A_743] : memref<512x64xf32, #tpu.memory_space<vmem>> -> memref<1x64xf32, #tpu.memory_space<vmem>>
    %dma_start3A_745 = tpu.memref_squeeze %dma_start3A_744 : memref<1x64xf32, #tpu.memory_space<vmem>> -> memref<64xf32, #tpu.memory_space<vmem>>
    %dma_start3A_746 = arith.constant 0 : i32
    %dma_start3A_747 = tpu.memref_slice %arg3[%squeeze3A_732, %squeeze3A_734, %dma_start3A_746] : memref<125000x8x64xf32, #tpu.memory_space<hbm>> -> memref<1x1x64xf32, #tpu.memory_space<hbm>>
    %dma_start3A_748 = tpu.memref_squeeze %dma_start3A_747 : memref<1x1x64xf32, #tpu.memory_space<hbm>> -> memref<64xf32, #tpu.memory_space<hbm>>
    tpu.enqueue_dma source(%dma_start3A_748 : memref<64xf32, #tpu.memory_space<hbm>>) target(%dma_start3A_745 : memref<64xf32, #tpu.memory_space<vmem>>) target_semaphore(%arg7 : memref<!tpu.dma_semaphore, #tpu.memory_space<semaphore_mem>>)
    %slice3A_749 = vector.extract_strided_slice %shift_right_logical3A_601 {offsets = [8], sizes = [1], strides = [1]} : vector<16xi32> to vector<1xi32>
    %squeeze3A_750 = vector.extract %slice3A_749[0] : i32 from vector<1xi32>
    %slice3A_751 = vector.extract_strided_slice %and3A_604 {offsets = [8], sizes = [1], strides = [1]} : vector<16xi32> to vector<1xi32>
    %squeeze3A_752 = vector.extract %slice3A_751[0] : i32 from vector<1xi32>
    %add3A_753 = arith.constant 8 : i32
    %add3A_754 = arith.addi %multiple_of3A_595, %add3A_753 : i32
    %dma_start3A_755 = arith.constant 0 : i32
    %dma_start3A_756 = tpu.memref_slice %arg6[%add3A_754, %dma_start3A_755] : memref<512x64xf32, #tpu.memory_space<vmem>> -> memref<1x64xf32, #tpu.memory_space<vmem>>
    %dma_start3A_757 = tpu.memref_squeeze %dma_start3A_756 : memref<1x64xf32, #tpu.memory_space<vmem>> -> memref<64xf32, #tpu.memory_space<vmem>>
    %dma_start3A_758 = arith.constant 0 : i32
    %dma_start3A_759 = tpu.memref_slice %arg3[%squeeze3A_750, %squeeze3A_752, %dma_start3A_758] : memref<125000x8x64xf32, #tpu.memory_space<hbm>> -> memref<1x1x64xf32, #tpu.memory_space<hbm>>
    %dma_start3A_760 = tpu.memref_squeeze %dma_start3A_759 : memref<1x1x64xf32, #tpu.memory_space<hbm>> -> memref<64xf32, #tpu.memory_space<hbm>>
    %dma_start3A_761 = arith.constant 0 : i32
    %dma_start3A_762 = tpu.memref_slice %arg6[%add3A_754, %dma_start3A_761] : memref<512x64xf32, #tpu.memory_space<vmem>> -> memref<1x64xf32, #tpu.memory_space<vmem>>
    %dma_start3A_763 = tpu.memref_squeeze %dma_start3A_762 : memref<1x64xf32, #tpu.memory_space<vmem>> -> memref<64xf32, #tpu.memory_space<vmem>>
    %dma_start3A_764 = arith.constant 0 : i32
    %dma_start3A_765 = tpu.memref_slice %arg3[%squeeze3A_750, %squeeze3A_752, %dma_start3A_764] : memref<125000x8x64xf32, #tpu.memory_space<hbm>> -> memref<1x1x64xf32, #tpu.memory_space<hbm>>
    %dma_start3A_766 = tpu.memref_squeeze %dma_start3A_765 : memref<1x1x64xf32, #tpu.memory_space<hbm>> -> memref<64xf32, #tpu.memory_space<hbm>>
    tpu.enqueue_dma source(%dma_start3A_766 : memref<64xf32, #tpu.memory_space<hbm>>) target(%dma_start3A_763 : memref<64xf32, #tpu.memory_space<vmem>>) target_semaphore(%arg7 : memref<!tpu.dma_semaphore, #tpu.memory_space<semaphore_mem>>)
    %slice3A_767 = vector.extract_strided_slice %shift_right_logical3A_601 {offsets = [9], sizes = [1], strides = [1]} : vector<16xi32> to vector<1xi32>
    %squeeze3A_768 = vector.extract %slice3A_767[0] : i32 from vector<1xi32>
    %slice3A_769 = vector.extract_strided_slice %and3A_604 {offsets = [9], sizes = [1], strides = [1]} : vector<16xi32> to vector<1xi32>
    %squeeze3A_770 = vector.extract %slice3A_769[0] : i32 from vector<1xi32>
    %add3A_771 = arith.constant 9 : i32
    %add3A_772 = arith.addi %multiple_of3A_595, %add3A_771 : i32
    %dma_start3A_773 = arith.constant 0 : i32
    %dma_start3A_774 = tpu.memref_slice %arg6[%add3A_772, %dma_start3A_773] : memref<512x64xf32, #tpu.memory_space<vmem>> -> memref<1x64xf32, #tpu.memory_space<vmem>>
    %dma_start3A_775 = tpu.memref_squeeze %dma_start3A_774 : memref<1x64xf32, #tpu.memory_space<vmem>> -> memref<64xf32, #tpu.memory_space<vmem>>
    %dma_start3A_776 = arith.constant 0 : i32
    %dma_start3A_777 = tpu.memref_slice %arg3[%squeeze3A_768, %squeeze3A_770, %dma_start3A_776] : memref<125000x8x64xf32, #tpu.memory_space<hbm>> -> memref<1x1x64xf32, #tpu.memory_space<hbm>>
    %dma_start3A_778 = tpu.memref_squeeze %dma_start3A_777 : memref<1x1x64xf32, #tpu.memory_space<hbm>> -> memref<64xf32, #tpu.memory_space<hbm>>
    %dma_start3A_779 = arith.constant 0 : i32
    %dma_start3A_780 = tpu.memref_slice %arg6[%add3A_772, %dma_start3A_779] : memref<512x64xf32, #tpu.memory_space<vmem>> -> memref<1x64xf32, #tpu.memory_space<vmem>>
    %dma_start3A_781 = tpu.memref_squeeze %dma_start3A_780 : memref<1x64xf32, #tpu.memory_space<vmem>> -> memref<64xf32, #tpu.memory_space<vmem>>
    %dma_start3A_782 = arith.constant 0 : i32
    %dma_start3A_783 = tpu.memref_slice %arg3[%squeeze3A_768, %squeeze3A_770, %dma_start3A_782] : memref<125000x8x64xf32, #tpu.memory_space<hbm>> -> memref<1x1x64xf32, #tpu.memory_space<hbm>>
    %dma_start3A_784 = tpu.memref_squeeze %dma_start3A_783 : memref<1x1x64xf32, #tpu.memory_space<hbm>> -> memref<64xf32, #tpu.memory_space<hbm>>
    tpu.enqueue_dma source(%dma_start3A_784 : memref<64xf32, #tpu.memory_space<hbm>>) target(%dma_start3A_781 : memref<64xf32, #tpu.memory_space<vmem>>) target_semaphore(%arg7 : memref<!tpu.dma_semaphore, #tpu.memory_space<semaphore_mem>>)
    %slice3A_785 = vector.extract_strided_slice %shift_right_logical3A_601 {offsets = [10], sizes = [1], strides = [1]} : vector<16xi32> to vector<1xi32>
    %squeeze3A_786 = vector.extract %slice3A_785[0] : i32 from vector<1xi32>
    %slice3A_787 = vector.extract_strided_slice %and3A_604 {offsets = [10], sizes = [1], strides = [1]} : vector<16xi32> to vector<1xi32>
    %squeeze3A_788 = vector.extract %slice3A_787[0] : i32 from vector<1xi32>
    %add3A_789 = arith.constant 10 : i32
    %add3A_790 = arith.addi %multiple_of3A_595, %add3A_789 : i32
    %dma_start3A_791 = arith.constant 0 : i32
    %dma_start3A_792 = tpu.memref_slice %arg6[%add3A_790, %dma_start3A_791] : memref<512x64xf32, #tpu.memory_space<vmem>> -> memref<1x64xf32, #tpu.memory_space<vmem>>
    %dma_start3A_793 = tpu.memref_squeeze %dma_start3A_792 : memref<1x64xf32, #tpu.memory_space<vmem>> -> memref<64xf32, #tpu.memory_space<vmem>>
    %dma_start3A_794 = arith.constant 0 : i32
    %dma_start3A_795 = tpu.memref_slice %arg3[%squeeze3A_786, %squeeze3A_788, %dma_start3A_794] : memref<125000x8x64xf32, #tpu.memory_space<hbm>> -> memref<1x1x64xf32, #tpu.memory_space<hbm>>
    %dma_start3A_796 = tpu.memref_squeeze %dma_start3A_795 : memref<1x1x64xf32, #tpu.memory_space<hbm>> -> memref<64xf32, #tpu.memory_space<hbm>>
    %dma_start3A_797 = arith.constant 0 : i32
    %dma_start3A_798 = tpu.memref_slice %arg6[%add3A_790, %dma_start3A_797] : memref<512x64xf32, #tpu.memory_space<vmem>> -> memref<1x64xf32, #tpu.memory_space<vmem>>
    %dma_start3A_799 = tpu.memref_squeeze %dma_start3A_798 : memref<1x64xf32, #tpu.memory_space<vmem>> -> memref<64xf32, #tpu.memory_space<vmem>>
    %dma_start3A_800 = arith.constant 0 : i32
    %dma_start3A_801 = tpu.memref_slice %arg3[%squeeze3A_786, %squeeze3A_788, %dma_start3A_800] : memref<125000x8x64xf32, #tpu.memory_space<hbm>> -> memref<1x1x64xf32, #tpu.memory_space<hbm>>
    %dma_start3A_802 = tpu.memref_squeeze %dma_start3A_801 : memref<1x1x64xf32, #tpu.memory_space<hbm>> -> memref<64xf32, #tpu.memory_space<hbm>>
    tpu.enqueue_dma source(%dma_start3A_802 : memref<64xf32, #tpu.memory_space<hbm>>) target(%dma_start3A_799 : memref<64xf32, #tpu.memory_space<vmem>>) target_semaphore(%arg7 : memref<!tpu.dma_semaphore, #tpu.memory_space<semaphore_mem>>)
    %slice3A_803 = vector.extract_strided_slice %shift_right_logical3A_601 {offsets = [11], sizes = [1], strides = [1]} : vector<16xi32> to vector<1xi32>
    %squeeze3A_804 = vector.extract %slice3A_803[0] : i32 from vector<1xi32>
    %slice3A_805 = vector.extract_strided_slice %and3A_604 {offsets = [11], sizes = [1], strides = [1]} : vector<16xi32> to vector<1xi32>
    %squeeze3A_806 = vector.extract %slice3A_805[0] : i32 from vector<1xi32>
    %add3A_807 = arith.constant 11 : i32
    %add3A_808 = arith.addi %multiple_of3A_595, %add3A_807 : i32
    %dma_start3A_809 = arith.constant 0 : i32
    %dma_start3A_810 = tpu.memref_slice %arg6[%add3A_808, %dma_start3A_809] : memref<512x64xf32, #tpu.memory_space<vmem>> -> memref<1x64xf32, #tpu.memory_space<vmem>>
    %dma_start3A_811 = tpu.memref_squeeze %dma_start3A_810 : memref<1x64xf32, #tpu.memory_space<vmem>> -> memref<64xf32, #tpu.memory_space<vmem>>
    %dma_start3A_812 = arith.constant 0 : i32
    %dma_start3A_813 = tpu.memref_slice %arg3[%squeeze3A_804, %squeeze3A_806, %dma_start3A_812] : memref<125000x8x64xf32, #tpu.memory_space<hbm>> -> memref<1x1x64xf32, #tpu.memory_space<hbm>>
    %dma_start3A_814 = tpu.memref_squeeze %dma_start3A_813 : memref<1x1x64xf32, #tpu.memory_space<hbm>> -> memref<64xf32, #tpu.memory_space<hbm>>
    %dma_start3A_815 = arith.constant 0 : i32
    %dma_start3A_816 = tpu.memref_slice %arg6[%add3A_808, %dma_start3A_815] : memref<512x64xf32, #tpu.memory_space<vmem>> -> memref<1x64xf32, #tpu.memory_space<vmem>>
    %dma_start3A_817 = tpu.memref_squeeze %dma_start3A_816 : memref<1x64xf32, #tpu.memory_space<vmem>> -> memref<64xf32, #tpu.memory_space<vmem>>
    %dma_start3A_818 = arith.constant 0 : i32
    %dma_start3A_819 = tpu.memref_slice %arg3[%squeeze3A_804, %squeeze3A_806, %dma_start3A_818] : memref<125000x8x64xf32, #tpu.memory_space<hbm>> -> memref<1x1x64xf32, #tpu.memory_space<hbm>>
    %dma_start3A_820 = tpu.memref_squeeze %dma_start3A_819 : memref<1x1x64xf32, #tpu.memory_space<hbm>> -> memref<64xf32, #tpu.memory_space<hbm>>
    tpu.enqueue_dma source(%dma_start3A_820 : memref<64xf32, #tpu.memory_space<hbm>>) target(%dma_start3A_817 : memref<64xf32, #tpu.memory_space<vmem>>) target_semaphore(%arg7 : memref<!tpu.dma_semaphore, #tpu.memory_space<semaphore_mem>>)
    %slice3A_821 = vector.extract_strided_slice %shift_right_logical3A_601 {offsets = [12], sizes = [1], strides = [1]} : vector<16xi32> to vector<1xi32>
    %squeeze3A_822 = vector.extract %slice3A_821[0] : i32 from vector<1xi32>
    %slice3A_823 = vector.extract_strided_slice %and3A_604 {offsets = [12], sizes = [1], strides = [1]} : vector<16xi32> to vector<1xi32>
    %squeeze3A_824 = vector.extract %slice3A_823[0] : i32 from vector<1xi32>
    %add3A_825 = arith.constant 12 : i32
    %add3A_826 = arith.addi %multiple_of3A_595, %add3A_825 : i32
    %dma_start3A_827 = arith.constant 0 : i32
    %dma_start3A_828 = tpu.memref_slice %arg6[%add3A_826, %dma_start3A_827] : memref<512x64xf32, #tpu.memory_space<vmem>> -> memref<1x64xf32, #tpu.memory_space<vmem>>
    %dma_start3A_829 = tpu.memref_squeeze %dma_start3A_828 : memref<1x64xf32, #tpu.memory_space<vmem>> -> memref<64xf32, #tpu.memory_space<vmem>>
    %dma_start3A_830 = arith.constant 0 : i32
    %dma_start3A_831 = tpu.memref_slice %arg3[%squeeze3A_822, %squeeze3A_824, %dma_start3A_830] : memref<125000x8x64xf32, #tpu.memory_space<hbm>> -> memref<1x1x64xf32, #tpu.memory_space<hbm>>
    %dma_start3A_832 = tpu.memref_squeeze %dma_start3A_831 : memref<1x1x64xf32, #tpu.memory_space<hbm>> -> memref<64xf32, #tpu.memory_space<hbm>>
    %dma_start3A_833 = arith.constant 0 : i32
    %dma_start3A_834 = tpu.memref_slice %arg6[%add3A_826, %dma_start3A_833] : memref<512x64xf32, #tpu.memory_space<vmem>> -> memref<1x64xf32, #tpu.memory_space<vmem>>
    %dma_start3A_835 = tpu.memref_squeeze %dma_start3A_834 : memref<1x64xf32, #tpu.memory_space<vmem>> -> memref<64xf32, #tpu.memory_space<vmem>>
    %dma_start3A_836 = arith.constant 0 : i32
    %dma_start3A_837 = tpu.memref_slice %arg3[%squeeze3A_822, %squeeze3A_824, %dma_start3A_836] : memref<125000x8x64xf32, #tpu.memory_space<hbm>> -> memref<1x1x64xf32, #tpu.memory_space<hbm>>
    %dma_start3A_838 = tpu.memref_squeeze %dma_start3A_837 : memref<1x1x64xf32, #tpu.memory_space<hbm>> -> memref<64xf32, #tpu.memory_space<hbm>>
    tpu.enqueue_dma source(%dma_start3A_838 : memref<64xf32, #tpu.memory_space<hbm>>) target(%dma_start3A_835 : memref<64xf32, #tpu.memory_space<vmem>>) target_semaphore(%arg7 : memref<!tpu.dma_semaphore, #tpu.memory_space<semaphore_mem>>)
    %slice3A_839 = vector.extract_strided_slice %shift_right_logical3A_601 {offsets = [13], sizes = [1], strides = [1]} : vector<16xi32> to vector<1xi32>
    %squeeze3A_840 = vector.extract %slice3A_839[0] : i32 from vector<1xi32>
    %slice3A_841 = vector.extract_strided_slice %and3A_604 {offsets = [13], sizes = [1], strides = [1]} : vector<16xi32> to vector<1xi32>
    %squeeze3A_842 = vector.extract %slice3A_841[0] : i32 from vector<1xi32>
    %add3A_843 = arith.constant 13 : i32
    %add3A_844 = arith.addi %multiple_of3A_595, %add3A_843 : i32
    %dma_start3A_845 = arith.constant 0 : i32
    %dma_start3A_846 = tpu.memref_slice %arg6[%add3A_844, %dma_start3A_845] : memref<512x64xf32, #tpu.memory_space<vmem>> -> memref<1x64xf32, #tpu.memory_space<vmem>>
    %dma_start3A_847 = tpu.memref_squeeze %dma_start3A_846 : memref<1x64xf32, #tpu.memory_space<vmem>> -> memref<64xf32, #tpu.memory_space<vmem>>
    %dma_start3A_848 = arith.constant 0 : i32
    %dma_start3A_849 = tpu.memref_slice %arg3[%squeeze3A_840, %squeeze3A_842, %dma_start3A_848] : memref<125000x8x64xf32, #tpu.memory_space<hbm>> -> memref<1x1x64xf32, #tpu.memory_space<hbm>>
    %dma_start3A_850 = tpu.memref_squeeze %dma_start3A_849 : memref<1x1x64xf32, #tpu.memory_space<hbm>> -> memref<64xf32, #tpu.memory_space<hbm>>
    %dma_start3A_851 = arith.constant 0 : i32
    %dma_start3A_852 = tpu.memref_slice %arg6[%add3A_844, %dma_start3A_851] : memref<512x64xf32, #tpu.memory_space<vmem>> -> memref<1x64xf32, #tpu.memory_space<vmem>>
    %dma_start3A_853 = tpu.memref_squeeze %dma_start3A_852 : memref<1x64xf32, #tpu.memory_space<vmem>> -> memref<64xf32, #tpu.memory_space<vmem>>
    %dma_start3A_854 = arith.constant 0 : i32
    %dma_start3A_855 = tpu.memref_slice %arg3[%squeeze3A_840, %squeeze3A_842, %dma_start3A_854] : memref<125000x8x64xf32, #tpu.memory_space<hbm>> -> memref<1x1x64xf32, #tpu.memory_space<hbm>>
    %dma_start3A_856 = tpu.memref_squeeze %dma_start3A_855 : memref<1x1x64xf32, #tpu.memory_space<hbm>> -> memref<64xf32, #tpu.memory_space<hbm>>
    tpu.enqueue_dma source(%dma_start3A_856 : memref<64xf32, #tpu.memory_space<hbm>>) target(%dma_start3A_853 : memref<64xf32, #tpu.memory_space<vmem>>) target_semaphore(%arg7 : memref<!tpu.dma_semaphore, #tpu.memory_space<semaphore_mem>>)
    %slice3A_857 = vector.extract_strided_slice %shift_right_logical3A_601 {offsets = [14], sizes = [1], strides = [1]} : vector<16xi32> to vector<1xi32>
    %squeeze3A_858 = vector.extract %slice3A_857[0] : i32 from vector<1xi32>
    %slice3A_859 = vector.extract_strided_slice %and3A_604 {offsets = [14], sizes = [1], strides = [1]} : vector<16xi32> to vector<1xi32>
    %squeeze3A_860 = vector.extract %slice3A_859[0] : i32 from vector<1xi32>
    %add3A_861 = arith.constant 14 : i32
    %add3A_862 = arith.addi %multiple_of3A_595, %add3A_861 : i32
    %dma_start3A_863 = arith.constant 0 : i32
    %dma_start3A_864 = tpu.memref_slice %arg6[%add3A_862, %dma_start3A_863] : memref<512x64xf32, #tpu.memory_space<vmem>> -> memref<1x64xf32, #tpu.memory_space<vmem>>
    %dma_start3A_865 = tpu.memref_squeeze %dma_start3A_864 : memref<1x64xf32, #tpu.memory_space<vmem>> -> memref<64xf32, #tpu.memory_space<vmem>>
    %dma_start3A_866 = arith.constant 0 : i32
    %dma_start3A_867 = tpu.memref_slice %arg3[%squeeze3A_858, %squeeze3A_860, %dma_start3A_866] : memref<125000x8x64xf32, #tpu.memory_space<hbm>> -> memref<1x1x64xf32, #tpu.memory_space<hbm>>
    %dma_start3A_868 = tpu.memref_squeeze %dma_start3A_867 : memref<1x1x64xf32, #tpu.memory_space<hbm>> -> memref<64xf32, #tpu.memory_space<hbm>>
    %dma_start3A_869 = arith.constant 0 : i32
    %dma_start3A_870 = tpu.memref_slice %arg6[%add3A_862, %dma_start3A_869] : memref<512x64xf32, #tpu.memory_space<vmem>> -> memref<1x64xf32, #tpu.memory_space<vmem>>
    %dma_start3A_871 = tpu.memref_squeeze %dma_start3A_870 : memref<1x64xf32, #tpu.memory_space<vmem>> -> memref<64xf32, #tpu.memory_space<vmem>>
    %dma_start3A_872 = arith.constant 0 : i32
    %dma_start3A_873 = tpu.memref_slice %arg3[%squeeze3A_858, %squeeze3A_860, %dma_start3A_872] : memref<125000x8x64xf32, #tpu.memory_space<hbm>> -> memref<1x1x64xf32, #tpu.memory_space<hbm>>
    %dma_start3A_874 = tpu.memref_squeeze %dma_start3A_873 : memref<1x1x64xf32, #tpu.memory_space<hbm>> -> memref<64xf32, #tpu.memory_space<hbm>>
    tpu.enqueue_dma source(%dma_start3A_874 : memref<64xf32, #tpu.memory_space<hbm>>) target(%dma_start3A_871 : memref<64xf32, #tpu.memory_space<vmem>>) target_semaphore(%arg7 : memref<!tpu.dma_semaphore, #tpu.memory_space<semaphore_mem>>)
    %slice3A_875 = vector.extract_strided_slice %shift_right_logical3A_601 {offsets = [15], sizes = [1], strides = [1]} : vector<16xi32> to vector<1xi32>
    %squeeze3A_876 = vector.extract %slice3A_875[0] : i32 from vector<1xi32>
    %slice3A_877 = vector.extract_strided_slice %and3A_604 {offsets = [15], sizes = [1], strides = [1]} : vector<16xi32> to vector<1xi32>
    %squeeze3A_878 = vector.extract %slice3A_877[0] : i32 from vector<1xi32>
    %add3A_879 = arith.constant 15 : i32
    %add3A_880 = arith.addi %multiple_of3A_595, %add3A_879 : i32
    %dma_start3A_881 = arith.constant 0 : i32
    %dma_start3A_882 = tpu.memref_slice %arg6[%add3A_880, %dma_start3A_881] : memref<512x64xf32, #tpu.memory_space<vmem>> -> memref<1x64xf32, #tpu.memory_space<vmem>>
    %dma_start3A_883 = tpu.memref_squeeze %dma_start3A_882 : memref<1x64xf32, #tpu.memory_space<vmem>> -> memref<64xf32, #tpu.memory_space<vmem>>
    %dma_start3A_884 = arith.constant 0 : i32
    %dma_start3A_885 = tpu.memref_slice %arg3[%squeeze3A_876, %squeeze3A_878, %dma_start3A_884] : memref<125000x8x64xf32, #tpu.memory_space<hbm>> -> memref<1x1x64xf32, #tpu.memory_space<hbm>>
    %dma_start3A_886 = tpu.memref_squeeze %dma_start3A_885 : memref<1x1x64xf32, #tpu.memory_space<hbm>> -> memref<64xf32, #tpu.memory_space<hbm>>
    %dma_start3A_887 = arith.constant 0 : i32
    %dma_start3A_888 = tpu.memref_slice %arg6[%add3A_880, %dma_start3A_887] : memref<512x64xf32, #tpu.memory_space<vmem>> -> memref<1x64xf32, #tpu.memory_space<vmem>>
    %dma_start3A_889 = tpu.memref_squeeze %dma_start3A_888 : memref<1x64xf32, #tpu.memory_space<vmem>> -> memref<64xf32, #tpu.memory_space<vmem>>
    %dma_start3A_890 = arith.constant 0 : i32
    %dma_start3A_891 = tpu.memref_slice %arg3[%squeeze3A_876, %squeeze3A_878, %dma_start3A_890] : memref<125000x8x64xf32, #tpu.memory_space<hbm>> -> memref<1x1x64xf32, #tpu.memory_space<hbm>>
    %dma_start3A_892 = tpu.memref_squeeze %dma_start3A_891 : memref<1x1x64xf32, #tpu.memory_space<hbm>> -> memref<64xf32, #tpu.memory_space<hbm>>
    tpu.enqueue_dma source(%dma_start3A_892 : memref<64xf32, #tpu.memory_space<hbm>>) target(%dma_start3A_889 : memref<64xf32, #tpu.memory_space<vmem>>) target_semaphore(%arg7 : memref<!tpu.dma_semaphore, #tpu.memory_space<semaphore_mem>>)
    %multiple_of3A_893 = arith.constant 48 : i32
    %multiple_of3A_894 = tpu.assume_multiple %multiple_of3A_893, 16 : i32
    %get3A_895 = arith.index_cast %multiple_of3A_894 : i32 to index
    %get3A_896 = tpu.vector_load %arg5[%get3A_895] {strides = array<i32>} : memref<512xi32, #tpu.memory_space<vmem>>, vector<16xi32>,
    %get3A_897 = vector.shape_cast %get3A_896 : vector<16xi32> to vector<16xi32>
    %shift_right_logical3A_898 = arith.constant 3 : i32
    %shift_right_logical3A_899 = vector.broadcast %shift_right_logical3A_898 : i32 to vector<16xi32>
    %shift_right_logical3A_900 = arith.shrui %get3A_897, %shift_right_logical3A_899 : vector<16xi32>
    %and3A_901 = arith.constant 7 : i32
    %and3A_902 = vector.broadcast %and3A_901 : i32 to vector<16xi32>
    %and3A_903 = arith.andi %get3A_897, %and3A_902 : vector<16xi32>
    %slice3A_904 = vector.extract_strided_slice %shift_right_logical3A_900 {offsets = [0], sizes = [1], strides = [1]} : vector<16xi32> to vector<1xi32>
    %squeeze3A_905 = vector.extract %slice3A_904[0] : i32 from vector<1xi32>
    %slice3A_906 = vector.extract_strided_slice %and3A_903 {offsets = [0], sizes = [1], strides = [1]} : vector<16xi32> to vector<1xi32>
    %squeeze3A_907 = vector.extract %slice3A_906[0] : i32 from vector<1xi32>
    %add3A_908 = arith.constant 0 : i32
    %add3A_909 = arith.addi %multiple_of3A_894, %add3A_908 : i32
    %dma_start3A_910 = arith.constant 0 : i32
    %dma_start3A_911 = tpu.memref_slice %arg6[%add3A_909, %dma_start3A_910] : memref<512x64xf32, #tpu.memory_space<vmem>> -> memref<1x64xf32, #tpu.memory_space<vmem>>
    %dma_start3A_912 = tpu.memref_squeeze %dma_start3A_911 : memref<1x64xf32, #tpu.memory_space<vmem>> -> memref<64xf32, #tpu.memory_space<vmem>>
    %dma_start3A_913 = arith.constant 0 : i32
    %dma_start3A_914 = tpu.memref_slice %arg3[%squeeze3A_905, %squeeze3A_907, %dma_start3A_913] : memref<125000x8x64xf32, #tpu.memory_space<hbm>> -> memref<1x1x64xf32, #tpu.memory_space<hbm>>
    %dma_start3A_915 = tpu.memref_squeeze %dma_start3A_914 : memref<1x1x64xf32, #tpu.memory_space<hbm>> -> memref<64xf32, #tpu.memory_space<hbm>>
    %dma_start3A_916 = arith.constant 0 : i32
    %dma_start3A_917 = tpu.memref_slice %arg6[%add3A_909, %dma_start3A_916] : memref<512x64xf32, #tpu.memory_space<vmem>> -> memref<1x64xf32, #tpu.memory_space<vmem>>
    %dma_start3A_918 = tpu.memref_squeeze %dma_start3A_917 : memref<1x64xf32, #tpu.memory_space<vmem>> -> memref<64xf32, #tpu.memory_space<vmem>>
    %dma_start3A_919 = arith.constant 0 : i32
    %dma_start3A_920 = tpu.memref_slice %arg3[%squeeze3A_905, %squeeze3A_907, %dma_start3A_919] : memref<125000x8x64xf32, #tpu.memory_space<hbm>> -> memref<1x1x64xf32, #tpu.memory_space<hbm>>
    %dma_start3A_921 = tpu.memref_squeeze %dma_start3A_920 : memref<1x1x64xf32, #tpu.memory_space<hbm>> -> memref<64xf32, #tpu.memory_space<hbm>>
    tpu.enqueue_dma source(%dma_start3A_921 : memref<64xf32, #tpu.memory_space<hbm>>) target(%dma_start3A_918 : memref<64xf32, #tpu.memory_space<vmem>>) target_semaphore(%arg7 : memref<!tpu.dma_semaphore, #tpu.memory_space<semaphore_mem>>)
    %slice3A_922 = vector.extract_strided_slice %shift_right_logical3A_900 {offsets = [1], sizes = [1], strides = [1]} : vector<16xi32> to vector<1xi32>
    %squeeze3A_923 = vector.extract %slice3A_922[0] : i32 from vector<1xi32>
    %slice3A_924 = vector.extract_strided_slice %and3A_903 {offsets = [1], sizes = [1], strides = [1]} : vector<16xi32> to vector<1xi32>
    %squeeze3A_925 = vector.extract %slice3A_924[0] : i32 from vector<1xi32>
    %add3A_926 = arith.constant 1 : i32
    %add3A_927 = arith.addi %multiple_of3A_894, %add3A_926 : i32
    %dma_start3A_928 = arith.constant 0 : i32
    %dma_start3A_929 = tpu.memref_slice %arg6[%add3A_927, %dma_start3A_928] : memref<512x64xf32, #tpu.memory_space<vmem>> -> memref<1x64xf32, #tpu.memory_space<vmem>>
    %dma_start3A_930 = tpu.memref_squeeze %dma_start3A_929 : memref<1x64xf32, #tpu.memory_space<vmem>> -> memref<64xf32, #tpu.memory_space<vmem>>
    %dma_start3A_931 = arith.constant 0 : i32
    %dma_start3A_932 = tpu.memref_slice %arg3[%squeeze3A_923, %squeeze3A_925, %dma_start3A_931] : memref<125000x8x64xf32, #tpu.memory_space<hbm>> -> memref<1x1x64xf32, #tpu.memory_space<hbm>>
    %dma_start3A_933 = tpu.memref_squeeze %dma_start3A_932 : memref<1x1x64xf32, #tpu.memory_space<hbm>> -> memref<64xf32, #tpu.memory_space<hbm>>
    %dma_start3A_934 = arith.constant 0 : i32
    %dma_start3A_935 = tpu.memref_slice %arg6[%add3A_927, %dma_start3A_934] : memref<512x64xf32, #tpu.memory_space<vmem>> -> memref<1x64xf32, #tpu.memory_space<vmem>>
    %dma_start3A_936 = tpu.memref_squeeze %dma_start3A_935 : memref<1x64xf32, #tpu.memory_space<vmem>> -> memref<64xf32, #tpu.memory_space<vmem>>
    %dma_start3A_937 = arith.constant 0 : i32
    %dma_start3A_938 = tpu.memref_slice %arg3[%squeeze3A_923, %squeeze3A_925, %dma_start3A_937] : memref<125000x8x64xf32, #tpu.memory_space<hbm>> -> memref<1x1x64xf32, #tpu.memory_space<hbm>>
    %dma_start3A_939 = tpu.memref_squeeze %dma_start3A_938 : memref<1x1x64xf32, #tpu.memory_space<hbm>> -> memref<64xf32, #tpu.memory_space<hbm>>
    tpu.enqueue_dma source(%dma_start3A_939 : memref<64xf32, #tpu.memory_space<hbm>>) target(%dma_start3A_936 : memref<64xf32, #tpu.memory_space<vmem>>) target_semaphore(%arg7 : memref<!tpu.dma_semaphore, #tpu.memory_space<semaphore_mem>>)
    %slice3A_940 = vector.extract_strided_slice %shift_right_logical3A_900 {offsets = [2], sizes = [1], strides = [1]} : vector<16xi32> to vector<1xi32>
    %squeeze3A_941 = vector.extract %slice3A_940[0] : i32 from vector<1xi32>
    %slice3A_942 = vector.extract_strided_slice %and3A_903 {offsets = [2], sizes = [1], strides = [1]} : vector<16xi32> to vector<1xi32>
    %squeeze3A_943 = vector.extract %slice3A_942[0] : i32 from vector<1xi32>
    %add3A_944 = arith.constant 2 : i32
    %add3A_945 = arith.addi %multiple_of3A_894, %add3A_944 : i32
    %dma_start3A_946 = arith.constant 0 : i32
    %dma_start3A_947 = tpu.memref_slice %arg6[%add3A_945, %dma_start3A_946] : memref<512x64xf32, #tpu.memory_space<vmem>> -> memref<1x64xf32, #tpu.memory_space<vmem>>
    %dma_start3A_948 = tpu.memref_squeeze %dma_start3A_947 : memref<1x64xf32, #tpu.memory_space<vmem>> -> memref<64xf32, #tpu.memory_space<vmem>>
    %dma_start3A_949 = arith.constant 0 : i32
    %dma_start3A_950 = tpu.memref_slice %arg3[%squeeze3A_941, %squeeze3A_943, %dma_start3A_949] : memref<125000x8x64xf32, #tpu.memory_space<hbm>> -> memref<1x1x64xf32, #tpu.memory_space<hbm>>
    %dma_start3A_951 = tpu.memref_squeeze %dma_start3A_950 : memref<1x1x64xf32, #tpu.memory_space<hbm>> -> memref<64xf32, #tpu.memory_space<hbm>>
    %dma_start3A_952 = arith.constant 0 : i32
    %dma_start3A_953 = tpu.memref_slice %arg6[%add3A_945, %dma_start3A_952] : memref<512x64xf32, #tpu.memory_space<vmem>> -> memref<1x64xf32, #tpu.memory_space<vmem>>
    %dma_start3A_954 = tpu.memref_squeeze %dma_start3A_953 : memref<1x64xf32, #tpu.memory_space<vmem>> -> memref<64xf32, #tpu.memory_space<vmem>>
    %dma_start3A_955 = arith.constant 0 : i32
    %dma_start3A_956 = tpu.memref_slice %arg3[%squeeze3A_941, %squeeze3A_943, %dma_start3A_955] : memref<125000x8x64xf32, #tpu.memory_space<hbm>> -> memref<1x1x64xf32, #tpu.memory_space<hbm>>
    %dma_start3A_957 = tpu.memref_squeeze %dma_start3A_956 : memref<1x1x64xf32, #tpu.memory_space<hbm>> -> memref<64xf32, #tpu.memory_space<hbm>>
    tpu.enqueue_dma source(%dma_start3A_957 : memref<64xf32, #tpu.memory_space<hbm>>) target(%dma_start3A_954 : memref<64xf32, #tpu.memory_space<vmem>>) target_semaphore(%arg7 : memref<!tpu.dma_semaphore, #tpu.memory_space<semaphore_mem>>)
    %slice3A_958 = vector.extract_strided_slice %shift_right_logical3A_900 {offsets = [3], sizes = [1], strides = [1]} : vector<16xi32> to vector<1xi32>
    %squeeze3A_959 = vector.extract %slice3A_958[0] : i32 from vector<1xi32>
    %slice3A_960 = vector.extract_strided_slice %and3A_903 {offsets = [3], sizes = [1], strides = [1]} : vector<16xi32> to vector<1xi32>
    %squeeze3A_961 = vector.extract %slice3A_960[0] : i32 from vector<1xi32>
    %add3A_962 = arith.constant 3 : i32
    %add3A_963 = arith.addi %multiple_of3A_894, %add3A_962 : i32
    %dma_start3A_964 = arith.constant 0 : i32
    %dma_start3A_965 = tpu.memref_slice %arg6[%add3A_963, %dma_start3A_964] : memref<512x64xf32, #tpu.memory_space<vmem>> -> memref<1x64xf32, #tpu.memory_space<vmem>>
    %dma_start3A_966 = tpu.memref_squeeze %dma_start3A_965 : memref<1x64xf32, #tpu.memory_space<vmem>> -> memref<64xf32, #tpu.memory_space<vmem>>
    %dma_start3A_967 = arith.constant 0 : i32
    %dma_start3A_968 = tpu.memref_slice %arg3[%squeeze3A_959, %squeeze3A_961, %dma_start3A_967] : memref<125000x8x64xf32, #tpu.memory_space<hbm>> -> memref<1x1x64xf32, #tpu.memory_space<hbm>>
    %dma_start3A_969 = tpu.memref_squeeze %dma_start3A_968 : memref<1x1x64xf32, #tpu.memory_space<hbm>> -> memref<64xf32, #tpu.memory_space<hbm>>
    %dma_start3A_970 = arith.constant 0 : i32
    %dma_start3A_971 = tpu.memref_slice %arg6[%add3A_963, %dma_start3A_970] : memref<512x64xf32, #tpu.memory_space<vmem>> -> memref<1x64xf32, #tpu.memory_space<vmem>>
    %dma_start3A_972 = tpu.memref_squeeze %dma_start3A_971 : memref<1x64xf32, #tpu.memory_space<vmem>> -> memref<64xf32, #tpu.memory_space<vmem>>
    %dma_start3A_973 = arith.constant 0 : i32
    %dma_start3A_974 = tpu.memref_slice %arg3[%squeeze3A_959, %squeeze3A_961, %dma_start3A_973] : memref<125000x8x64xf32, #tpu.memory_space<hbm>> -> memref<1x1x64xf32, #tpu.memory_space<hbm>>
    %dma_start3A_975 = tpu.memref_squeeze %dma_start3A_974 : memref<1x1x64xf32, #tpu.memory_space<hbm>> -> memref<64xf32, #tpu.memory_space<hbm>>
    tpu.enqueue_dma source(%dma_start3A_975 : memref<64xf32, #tpu.memory_space<hbm>>) target(%dma_start3A_972 : memref<64xf32, #tpu.memory_space<vmem>>) target_semaphore(%arg7 : memref<!tpu.dma_semaphore, #tpu.memory_space<semaphore_mem>>)
    %slice3A_976 = vector.extract_strided_slice %shift_right_logical3A_900 {offsets = [4], sizes = [1], strides = [1]} : vector<16xi32> to vector<1xi32>
    %squeeze3A_977 = vector.extract %slice3A_976[0] : i32 from vector<1xi32>
    %slice3A_978 = vector.extract_strided_slice %and3A_903 {offsets = [4], sizes = [1], strides = [1]} : vector<16xi32> to vector<1xi32>
    %squeeze3A_979 = vector.extract %slice3A_978[0] : i32 from vector<1xi32>
    %add3A_980 = arith.constant 4 : i32
    %add3A_981 = arith.addi %multiple_of3A_894, %add3A_980 : i32
    %dma_start3A_982 = arith.constant 0 : i32
    %dma_start3A_983 = tpu.memref_slice %arg6[%add3A_981, %dma_start3A_982] : memref<512x64xf32, #tpu.memory_space<vmem>> -> memref<1x64xf32, #tpu.memory_space<vmem>>
    %dma_start3A_984 = tpu.memref_squeeze %dma_start3A_983 : memref<1x64xf32, #tpu.memory_space<vmem>> -> memref<64xf32, #tpu.memory_space<vmem>>
    %dma_start3A_985 = arith.constant 0 : i32
    %dma_start3A_986 = tpu.memref_slice %arg3[%squeeze3A_977, %squeeze3A_979, %dma_start3A_985] : memref<125000x8x64xf32, #tpu.memory_space<hbm>> -> memref<1x1x64xf32, #tpu.memory_space<hbm>>
    %dma_start3A_987 = tpu.memref_squeeze %dma_start3A_986 : memref<1x1x64xf32, #tpu.memory_space<hbm>> -> memref<64xf32, #tpu.memory_space<hbm>>
    %dma_start3A_988 = arith.constant 0 : i32
    %dma_start3A_989 = tpu.memref_slice %arg6[%add3A_981, %dma_start3A_988] : memref<512x64xf32, #tpu.memory_space<vmem>> -> memref<1x64xf32, #tpu.memory_space<vmem>>
    %dma_start3A_990 = tpu.memref_squeeze %dma_start3A_989 : memref<1x64xf32, #tpu.memory_space<vmem>> -> memref<64xf32, #tpu.memory_space<vmem>>
    %dma_start3A_991 = arith.constant 0 : i32
    %dma_start3A_992 = tpu.memref_slice %arg3[%squeeze3A_977, %squeeze3A_979, %dma_start3A_991] : memref<125000x8x64xf32, #tpu.memory_space<hbm>> -> memref<1x1x64xf32, #tpu.memory_space<hbm>>
    %dma_start3A_993 = tpu.memref_squeeze %dma_start3A_992 : memref<1x1x64xf32, #tpu.memory_space<hbm>> -> memref<64xf32, #tpu.memory_space<hbm>>
    tpu.enqueue_dma source(%dma_start3A_993 : memref<64xf32, #tpu.memory_space<hbm>>) target(%dma_start3A_990 : memref<64xf32, #tpu.memory_space<vmem>>) target_semaphore(%arg7 : memref<!tpu.dma_semaphore, #tpu.memory_space<semaphore_mem>>)
    %slice3A_994 = vector.extract_strided_slice %shift_right_logical3A_900 {offsets = [5], sizes = [1], strides = [1]} : vector<16xi32> to vector<1xi32>
    %squeeze3A_995 = vector.extract %slice3A_994[0] : i32 from vector<1xi32>
    %slice3A_996 = vector.extract_strided_slice %and3A_903 {offsets = [5], sizes = [1], strides = [1]} : vector<16xi32> to vector<1xi32>
    %squeeze3A_997 = vector.extract %slice3A_996[0] : i32 from vector<1xi32>
    %add3A_998 = arith.constant 5 : i32
    %add3A_999 = arith.addi %multiple_of3A_894, %add3A_998 : i32
    %dma_start3A_1000 = arith.constant 0 : i32
    %dma_start3A_1001 = tpu.memref_slice %arg6[%add3A_999, %dma_start3A_1000] : memref<512x64xf32, #tpu.memory_space<vmem>> -> memref<1x64xf32, #tpu.memory_space<vmem>>
    %dma_start3A_1002 = tpu.memref_squeeze %dma_start3A_1001 : memref<1x64xf32, #tpu.memory_space<vmem>> -> memref<64xf32, #tpu.memory_space<vmem>>
    %dma_start3A_1003 = arith.constant 0 : i32
    %dma_start3A_1004 = tpu.memref_slice %arg3[%squeeze3A_995, %squeeze3A_997, %dma_start3A_1003] : memref<125000x8x64xf32, #tpu.memory_space<hbm>> -> memref<1x1x64xf32, #tpu.memory_space<hbm>>
    %dma_start3A_1005 = tpu.memref_squeeze %dma_start3A_1004 : memref<1x1x64xf32, #tpu.memory_space<hbm>> -> memref<64xf32, #tpu.memory_space<hbm>>
    %dma_start3A_1006 = arith.constant 0 : i32
    %dma_start3A_1007 = tpu.memref_slice %arg6[%add3A_999, %dma_start3A_1006] : memref<512x64xf32, #tpu.memory_space<vmem>> -> memref<1x64xf32, #tpu.memory_space<vmem>>
    %dma_start3A_1008 = tpu.memref_squeeze %dma_start3A_1007 : memref<1x64xf32, #tpu.memory_space<vmem>> -> memref<64xf32, #tpu.memory_space<vmem>>
    %dma_start3A_1009 = arith.constant 0 : i32
    %dma_start3A_1010 = tpu.memref_slice %arg3[%squeeze3A_995, %squeeze3A_997, %dma_start3A_1009] : memref<125000x8x64xf32, #tpu.memory_space<hbm>> -> memref<1x1x64xf32, #tpu.memory_space<hbm>>
    %dma_start3A_1011 = tpu.memref_squeeze %dma_start3A_1010 : memref<1x1x64xf32, #tpu.memory_space<hbm>> -> memref<64xf32, #tpu.memory_space<hbm>>
    tpu.enqueue_dma source(%dma_start3A_1011 : memref<64xf32, #tpu.memory_space<hbm>>) target(%dma_start3A_1008 : memref<64xf32, #tpu.memory_space<vmem>>) target_semaphore(%arg7 : memref<!tpu.dma_semaphore, #tpu.memory_space<semaphore_mem>>)
    %slice3A_1012 = vector.extract_strided_slice %shift_right_logical3A_900 {offsets = [6], sizes = [1], strides = [1]} : vector<16xi32> to vector<1xi32>
    %squeeze3A_1013 = vector.extract %slice3A_1012[0] : i32 from vector<1xi32>
    %slice3A_1014 = vector.extract_strided_slice %and3A_903 {offsets = [6], sizes = [1], strides = [1]} : vector<16xi32> to vector<1xi32>
    %squeeze3A_1015 = vector.extract %slice3A_1014[0] : i32 from vector<1xi32>
    %add3A_1016 = arith.constant 6 : i32
    %add3A_1017 = arith.addi %multiple_of3A_894, %add3A_1016 : i32
    %dma_start3A_1018 = arith.constant 0 : i32
    %dma_start3A_1019 = tpu.memref_slice %arg6[%add3A_1017, %dma_start3A_1018] : memref<512x64xf32, #tpu.memory_space<vmem>> -> memref<1x64xf32, #tpu.memory_space<vmem>>
    %dma_start3A_1020 = tpu.memref_squeeze %dma_start3A_1019 : memref<1x64xf32, #tpu.memory_space<vmem>> -> memref<64xf32, #tpu.memory_space<vmem>>
    %dma_start3A_1021 = arith.constant 0 : i32
    %dma_start3A_1022 = tpu.memref_slice %arg3[%squeeze3A_1013, %squeeze3A_1015, %dma_start3A_1021] : memref<125000x8x64xf32, #tpu.memory_space<hbm>> -> memref<1x1x64xf32, #tpu.memory_space<hbm>>
    %dma_start3A_1023 = tpu.memref_squeeze %dma_start3A_1022 : memref<1x1x64xf32, #tpu.memory_space<hbm>> -> memref<64xf32, #tpu.memory_space<hbm>>
    %dma_start3A_1024 = arith.constant 0 : i32
    %dma_start3A_1025 = tpu.memref_slice %arg6[%add3A_1017, %dma_start3A_1024] : memref<512x64xf32, #tpu.memory_space<vmem>> -> memref<1x64xf32, #tpu.memory_space<vmem>>
    %dma_start3A_1026 = tpu.memref_squeeze %dma_start3A_1025 : memref<1x64xf32, #tpu.memory_space<vmem>> -> memref<64xf32, #tpu.memory_space<vmem>>
    %dma_start3A_1027 = arith.constant 0 : i32
    %dma_start3A_1028 = tpu.memref_slice %arg3[%squeeze3A_1013, %squeeze3A_1015, %dma_start3A_1027] : memref<125000x8x64xf32, #tpu.memory_space<hbm>> -> memref<1x1x64xf32, #tpu.memory_space<hbm>>
    %dma_start3A_1029 = tpu.memref_squeeze %dma_start3A_1028 : memref<1x1x64xf32, #tpu.memory_space<hbm>> -> memref<64xf32, #tpu.memory_space<hbm>>
    tpu.enqueue_dma source(%dma_start3A_1029 : memref<64xf32, #tpu.memory_space<hbm>>) target(%dma_start3A_1026 : memref<64xf32, #tpu.memory_space<vmem>>) target_semaphore(%arg7 : memref<!tpu.dma_semaphore, #tpu.memory_space<semaphore_mem>>)
    %slice3A_1030 = vector.extract_strided_slice %shift_right_logical3A_900 {offsets = [7], sizes = [1], strides = [1]} : vector<16xi32> to vector<1xi32>
    %squeeze3A_1031 = vector.extract %slice3A_1030[0] : i32 from vector<1xi32>
    %slice3A_1032 = vector.extract_strided_slice %and3A_903 {offsets = [7], sizes = [1], strides = [1]} : vector<16xi32> to vector<1xi32>
    %squeeze3A_1033 = vector.extract %slice3A_1032[0] : i32 from vector<1xi32>
    %add3A_1034 = arith.constant 7 : i32
    %add3A_1035 = arith.addi %multiple_of3A_894, %add3A_1034 : i32
    %dma_start3A_1036 = arith.constant 0 : i32
    %dma_start3A_1037 = tpu.memref_slice %arg6[%add3A_1035, %dma_start3A_1036] : memref<512x64xf32, #tpu.memory_space<vmem>> -> memref<1x64xf32, #tpu.memory_space<vmem>>
    %dma_start3A_1038 = tpu.memref_squeeze %dma_start3A_1037 : memref<1x64xf32, #tpu.memory_space<vmem>> -> memref<64xf32, #tpu.memory_space<vmem>>
    %dma_start3A_1039 = arith.constant 0 : i32
    %dma_start3A_1040 = tpu.memref_slice %arg3[%squeeze3A_1031, %squeeze3A_1033, %dma_start3A_1039] : memref<125000x8x64xf32, #tpu.memory_space<hbm>> -> memref<1x1x64xf32, #tpu.memory_space<hbm>>
    %dma_start3A_1041 = tpu.memref_squeeze %dma_start3A_1040 : memref<1x1x64xf32, #tpu.memory_space<hbm>> -> memref<64xf32, #tpu.memory_space<hbm>>
    %dma_start3A_1042 = arith.constant 0 : i32
    %dma_start3A_1043 = tpu.memref_slice %arg6[%add3A_1035, %dma_start3A_1042] : memref<512x64xf32, #tpu.memory_space<vmem>> -> memref<1x64xf32, #tpu.memory_space<vmem>>
    %dma_start3A_1044 = tpu.memref_squeeze %dma_start3A_1043 : memref<1x64xf32, #tpu.memory_space<vmem>> -> memref<64xf32, #tpu.memory_space<vmem>>
    %dma_start3A_1045 = arith.constant 0 : i32
    %dma_start3A_1046 = tpu.memref_slice %arg3[%squeeze3A_1031, %squeeze3A_1033, %dma_start3A_1045] : memref<125000x8x64xf32, #tpu.memory_space<hbm>> -> memref<1x1x64xf32, #tpu.memory_space<hbm>>
    %dma_start3A_1047 = tpu.memref_squeeze %dma_start3A_1046 : memref<1x1x64xf32, #tpu.memory_space<hbm>> -> memref<64xf32, #tpu.memory_space<hbm>>
    tpu.enqueue_dma source(%dma_start3A_1047 : memref<64xf32, #tpu.memory_space<hbm>>) target(%dma_start3A_1044 : memref<64xf32, #tpu.memory_space<vmem>>) target_semaphore(%arg7 : memref<!tpu.dma_semaphore, #tpu.memory_space<semaphore_mem>>)
    %slice3A_1048 = vector.extract_strided_slice %shift_right_logical3A_900 {offsets = [8], sizes = [1], strides = [1]} : vector<16xi32> to vector<1xi32>
    %squeeze3A_1049 = vector.extract %slice3A_1048[0] : i32 from vector<1xi32>
    %slice3A_1050 = vector.extract_strided_slice %and3A_903 {offsets = [8], sizes = [1], strides = [1]} : vector<16xi32> to vector<1xi32>
    %squeeze3A_1051 = vector.extract %slice3A_1050[0] : i32 from vector<1xi32>
    %add3A_1052 = arith.constant 8 : i32
    %add3A_1053 = arith.addi %multiple_of3A_894, %add3A_1052 : i32
    %dma_start3A_1054 = arith.constant 0 : i32
    %dma_start3A_1055 = tpu.memref_slice %arg6[%add3A_1053, %dma_start3A_1054] : memref<512x64xf32, #tpu.memory_space<vmem>> -> memref<1x64xf32, #tpu.memory_space<vmem>>
    %dma_start3A_1056 = tpu.memref_squeeze %dma_start3A_1055 : memref<1x64xf32, #tpu.memory_space<vmem>> -> memref<64xf32, #tpu.memory_space<vmem>>
    %dma_start3A_1057 = arith.constant 0 : i32
    %dma_start3A_1058 = tpu.memref_slice %arg3[%squeeze3A_1049, %squeeze3A_1051, %dma_start3A_1057] : memref<125000x8x64xf32, #tpu.memory_space<hbm>> -> memref<1x1x64xf32, #tpu.memory_space<hbm>>
    %dma_start3A_1059 = tpu.memref_squeeze %dma_start3A_1058 : memref<1x1x64xf32, #tpu.memory_space<hbm>> -> memref<64xf32, #tpu.memory_space<hbm>>
    %dma_start3A_1060 = arith.constant 0 : i32
    %dma_start3A_1061 = tpu.memref_slice %arg6[%add3A_1053, %dma_start3A_1060] : memref<512x64xf32, #tpu.memory_space<vmem>> -> memref<1x64xf32, #tpu.memory_space<vmem>>
    %dma_start3A_1062 = tpu.memref_squeeze %dma_start3A_1061 : memref<1x64xf32, #tpu.memory_space<vmem>> -> memref<64xf32, #tpu.memory_space<vmem>>
    %dma_start3A_1063 = arith.constant 0 : i32
    %dma_start3A_1064 = tpu.memref_slice %arg3[%squeeze3A_1049, %squeeze3A_1051, %dma_start3A_1063] : memref<125000x8x64xf32, #tpu.memory_space<hbm>> -> memref<1x1x64xf32, #tpu.memory_space<hbm>>
    %dma_start3A_1065 = tpu.memref_squeeze %dma_start3A_1064 : memref<1x1x64xf32, #tpu.memory_space<hbm>> -> memref<64xf32, #tpu.memory_space<hbm>>
    tpu.enqueue_dma source(%dma_start3A_1065 : memref<64xf32, #tpu.memory_space<hbm>>) target(%dma_start3A_1062 : memref<64xf32, #tpu.memory_space<vmem>>) target_semaphore(%arg7 : memref<!tpu.dma_semaphore, #tpu.memory_space<semaphore_mem>>)
    %slice3A_1066 = vector.extract_strided_slice %shift_right_logical3A_900 {offsets = [9], sizes = [1], strides = [1]} : vector<16xi32> to vector<1xi32>
    %squeeze3A_1067 = vector.extract %slice3A_1066[0] : i32 from vector<1xi32>
    %slice3A_1068 = vector.extract_strided_slice %and3A_903 {offsets = [9], sizes = [1], strides = [1]} : vector<16xi32> to vector<1xi32>
    %squeeze3A_1069 = vector.extract %slice3A_1068[0] : i32 from vector<1xi32>
    %add3A_1070 = arith.constant 9 : i32
    %add3A_1071 = arith.addi %multiple_of3A_894, %add3A_1070 : i32
    %dma_start3A_1072 = arith.constant 0 : i32
    %dma_start3A_1073 = tpu.memref_slice %arg6[%add3A_1071, %dma_start3A_1072] : memref<512x64xf32, #tpu.memory_space<vmem>> -> memref<1x64xf32, #tpu.memory_space<vmem>>
    %dma_start3A_1074 = tpu.memref_squeeze %dma_start3A_1073 : memref<1x64xf32, #tpu.memory_space<vmem>> -> memref<64xf32, #tpu.memory_space<vmem>>
    %dma_start3A_1075 = arith.constant 0 : i32
    %dma_start3A_1076 = tpu.memref_slice %arg3[%squeeze3A_1067, %squeeze3A_1069, %dma_start3A_1075] : memref<125000x8x64xf32, #tpu.memory_space<hbm>> -> memref<1x1x64xf32, #tpu.memory_space<hbm>>
    %dma_start3A_1077 = tpu.memref_squeeze %dma_start3A_1076 : memref<1x1x64xf32, #tpu.memory_space<hbm>> -> memref<64xf32, #tpu.memory_space<hbm>>
    %dma_start3A_1078 = arith.constant 0 : i32
    %dma_start3A_1079 = tpu.memref_slice %arg6[%add3A_1071, %dma_start3A_1078] : memref<512x64xf32, #tpu.memory_space<vmem>> -> memref<1x64xf32, #tpu.memory_space<vmem>>
    %dma_start3A_1080 = tpu.memref_squeeze %dma_start3A_1079 : memref<1x64xf32, #tpu.memory_space<vmem>> -> memref<64xf32, #tpu.memory_space<vmem>>
    %dma_start3A_1081 = arith.constant 0 : i32
    %dma_start3A_1082 = tpu.memref_slice %arg3[%squeeze3A_1067, %squeeze3A_1069, %dma_start3A_1081] : memref<125000x8x64xf32, #tpu.memory_space<hbm>> -> memref<1x1x64xf32, #tpu.memory_space<hbm>>
    %dma_start3A_1083 = tpu.memref_squeeze %dma_start3A_1082 : memref<1x1x64xf32, #tpu.memory_space<hbm>> -> memref<64xf32, #tpu.memory_space<hbm>>
    tpu.enqueue_dma source(%dma_start3A_1083 : memref<64xf32, #tpu.memory_space<hbm>>) target(%dma_start3A_1080 : memref<64xf32, #tpu.memory_space<vmem>>) target_semaphore(%arg7 : memref<!tpu.dma_semaphore, #tpu.memory_space<semaphore_mem>>)
    %slice3A_1084 = vector.extract_strided_slice %shift_right_logical3A_900 {offsets = [10], sizes = [1], strides = [1]} : vector<16xi32> to vector<1xi32>
    %squeeze3A_1085 = vector.extract %slice3A_1084[0] : i32 from vector<1xi32>
    %slice3A_1086 = vector.extract_strided_slice %and3A_903 {offsets = [10], sizes = [1], strides = [1]} : vector<16xi32> to vector<1xi32>
    %squeeze3A_1087 = vector.extract %slice3A_1086[0] : i32 from vector<1xi32>
    %add3A_1088 = arith.constant 10 : i32
    %add3A_1089 = arith.addi %multiple_of3A_894, %add3A_1088 : i32
    %dma_start3A_1090 = arith.constant 0 : i32
    %dma_start3A_1091 = tpu.memref_slice %arg6[%add3A_1089, %dma_start3A_1090] : memref<512x64xf32, #tpu.memory_space<vmem>> -> memref<1x64xf32, #tpu.memory_space<vmem>>
    %dma_start3A_1092 = tpu.memref_squeeze %dma_start3A_1091 : memref<1x64xf32, #tpu.memory_space<vmem>> -> memref<64xf32, #tpu.memory_space<vmem>>
    %dma_start3A_1093 = arith.constant 0 : i32
    %dma_start3A_1094 = tpu.memref_slice %arg3[%squeeze3A_1085, %squeeze3A_1087, %dma_start3A_1093] : memref<125000x8x64xf32, #tpu.memory_space<hbm>> -> memref<1x1x64xf32, #tpu.memory_space<hbm>>
    %dma_start3A_1095 = tpu.memref_squeeze %dma_start3A_1094 : memref<1x1x64xf32, #tpu.memory_space<hbm>> -> memref<64xf32, #tpu.memory_space<hbm>>
    %dma_start3A_1096 = arith.constant 0 : i32
    %dma_start3A_1097 = tpu.memref_slice %arg6[%add3A_1089, %dma_start3A_1096] : memref<512x64xf32, #tpu.memory_space<vmem>> -> memref<1x64xf32, #tpu.memory_space<vmem>>
    %dma_start3A_1098 = tpu.memref_squeeze %dma_start3A_1097 : memref<1x64xf32, #tpu.memory_space<vmem>> -> memref<64xf32, #tpu.memory_space<vmem>>
    %dma_start3A_1099 = arith.constant 0 : i32
    %dma_start3A_1100 = tpu.memref_slice %arg3[%squeeze3A_1085, %squeeze3A_1087, %dma_start3A_1099] : memref<125000x8x64xf32, #tpu.memory_space<hbm>> -> memref<1x1x64xf32, #tpu.memory_space<hbm>>
    %dma_start3A_1101 = tpu.memref_squeeze %dma_start3A_1100 : memref<1x1x64xf32, #tpu.memory_space<hbm>> -> memref<64xf32, #tpu.memory_space<hbm>>
    tpu.enqueue_dma source(%dma_start3A_1101 : memref<64xf32, #tpu.memory_space<hbm>>) target(%dma_start3A_1098 : memref<64xf32, #tpu.memory_space<vmem>>) target_semaphore(%arg7 : memref<!tpu.dma_semaphore, #tpu.memory_space<semaphore_mem>>)
    %slice3A_1102 = vector.extract_strided_slice %shift_right_logical3A_900 {offsets = [11], sizes = [1], strides = [1]} : vector<16xi32> to vector<1xi32>
    %squeeze3A_1103 = vector.extract %slice3A_1102[0] : i32 from vector<1xi32>
    %slice3A_1104 = vector.extract_strided_slice %and3A_903 {offsets = [11], sizes = [1], strides = [1]} : vector<16xi32> to vector<1xi32>
    %squeeze3A_1105 = vector.extract %slice3A_1104[0] : i32 from vector<1xi32>
    %add3A_1106 = arith.constant 11 : i32
    %add3A_1107 = arith.addi %multiple_of3A_894, %add3A_1106 : i32
    %dma_start3A_1108 = arith.constant 0 : i32
    %dma_start3A_1109 = tpu.memref_slice %arg6[%add3A_1107, %dma_start3A_1108] : memref<512x64xf32, #tpu.memory_space<vmem>> -> memref<1x64xf32, #tpu.memory_space<vmem>>
    %dma_start3A_1110 = tpu.memref_squeeze %dma_start3A_1109 : memref<1x64xf32, #tpu.memory_space<vmem>> -> memref<64xf32, #tpu.memory_space<vmem>>
    %dma_start3A_1111 = arith.constant 0 : i32
    %dma_start3A_1112 = tpu.memref_slice %arg3[%squeeze3A_1103, %squeeze3A_1105, %dma_start3A_1111] : memref<125000x8x64xf32, #tpu.memory_space<hbm>> -> memref<1x1x64xf32, #tpu.memory_space<hbm>>
    %dma_start3A_1113 = tpu.memref_squeeze %dma_start3A_1112 : memref<1x1x64xf32, #tpu.memory_space<hbm>> -> memref<64xf32, #tpu.memory_space<hbm>>
    %dma_start3A_1114 = arith.constant 0 : i32
    %dma_start3A_1115 = tpu.memref_slice %arg6[%add3A_1107, %dma_start3A_1114] : memref<512x64xf32, #tpu.memory_space<vmem>> -> memref<1x64xf32, #tpu.memory_space<vmem>>
    %dma_start3A_1116 = tpu.memref_squeeze %dma_start3A_1115 : memref<1x64xf32, #tpu.memory_space<vmem>> -> memref<64xf32, #tpu.memory_space<vmem>>
    %dma_start3A_1117 = arith.constant 0 : i32
    %dma_start3A_1118 = tpu.memref_slice %arg3[%squeeze3A_1103, %squeeze3A_1105, %dma_start3A_1117] : memref<125000x8x64xf32, #tpu.memory_space<hbm>> -> memref<1x1x64xf32, #tpu.memory_space<hbm>>
    %dma_start3A_1119 = tpu.memref_squeeze %dma_start3A_1118 : memref<1x1x64xf32, #tpu.memory_space<hbm>> -> memref<64xf32, #tpu.memory_space<hbm>>
    tpu.enqueue_dma source(%dma_start3A_1119 : memref<64xf32, #tpu.memory_space<hbm>>) target(%dma_start3A_1116 : memref<64xf32, #tpu.memory_space<vmem>>) target_semaphore(%arg7 : memref<!tpu.dma_semaphore, #tpu.memory_space<semaphore_mem>>)
    %slice3A_1120 = vector.extract_strided_slice %shift_right_logical3A_900 {offsets = [12], sizes = [1], strides = [1]} : vector<16xi32> to vector<1xi32>
    %squeeze3A_1121 = vector.extract %slice3A_1120[0] : i32 from vector<1xi32>
    %slice3A_1122 = vector.extract_strided_slice %and3A_903 {offsets = [12], sizes = [1], strides = [1]} : vector<16xi32> to vector<1xi32>
    %squeeze3A_1123 = vector.extract %slice3A_1122[0] : i32 from vector<1xi32>
    %add3A_1124 = arith.constant 12 : i32
    %add3A_1125 = arith.addi %multiple_of3A_894, %add3A_1124 : i32
    %dma_start3A_1126 = arith.constant 0 : i32
    %dma_start3A_1127 = tpu.memref_slice %arg6[%add3A_1125, %dma_start3A_1126] : memref<512x64xf32, #tpu.memory_space<vmem>> -> memref<1x64xf32, #tpu.memory_space<vmem>>
    %dma_start3A_1128 = tpu.memref_squeeze %dma_start3A_1127 : memref<1x64xf32, #tpu.memory_space<vmem>> -> memref<64xf32, #tpu.memory_space<vmem>>
    %dma_start3A_1129 = arith.constant 0 : i32
    %dma_start3A_1130 = tpu.memref_slice %arg3[%squeeze3A_1121, %squeeze3A_1123, %dma_start3A_1129] : memref<125000x8x64xf32, #tpu.memory_space<hbm>> -> memref<1x1x64xf32, #tpu.memory_space<hbm>>
    %dma_start3A_1131 = tpu.memref_squeeze %dma_start3A_1130 : memref<1x1x64xf32, #tpu.memory_space<hbm>> -> memref<64xf32, #tpu.memory_space<hbm>>
    %dma_start3A_1132 = arith.constant 0 : i32
    %dma_start3A_1133 = tpu.memref_slice %arg6[%add3A_1125, %dma_start3A_1132] : memref<512x64xf32, #tpu.memory_space<vmem>> -> memref<1x64xf32, #tpu.memory_space<vmem>>
    %dma_start3A_1134 = tpu.memref_squeeze %dma_start3A_1133 : memref<1x64xf32, #tpu.memory_space<vmem>> -> memref<64xf32, #tpu.memory_space<vmem>>
    %dma_start3A_1135 = arith.constant 0 : i32
    %dma_start3A_1136 = tpu.memref_slice %arg3[%squeeze3A_1121, %squeeze3A_1123, %dma_start3A_1135] : memref<125000x8x64xf32, #tpu.memory_space<hbm>> -> memref<1x1x64xf32, #tpu.memory_space<hbm>>
    %dma_start3A_1137 = tpu.memref_squeeze %dma_start3A_1136 : memref<1x1x64xf32, #tpu.memory_space<hbm>> -> memref<64xf32, #tpu.memory_space<hbm>>
    tpu.enqueue_dma source(%dma_start3A_1137 : memref<64xf32, #tpu.memory_space<hbm>>) target(%dma_start3A_1134 : memref<64xf32, #tpu.memory_space<vmem>>) target_semaphore(%arg7 : memref<!tpu.dma_semaphore, #tpu.memory_space<semaphore_mem>>)
    %slice3A_1138 = vector.extract_strided_slice %shift_right_logical3A_900 {offsets = [13], sizes = [1], strides = [1]} : vector<16xi32> to vector<1xi32>
    %squeeze3A_1139 = vector.extract %slice3A_1138[0] : i32 from vector<1xi32>
    %slice3A_1140 = vector.extract_strided_slice %and3A_903 {offsets = [13], sizes = [1], strides = [1]} : vector<16xi32> to vector<1xi32>
    %squeeze3A_1141 = vector.extract %slice3A_1140[0] : i32 from vector<1xi32>
    %add3A_1142 = arith.constant 13 : i32
    %add3A_1143 = arith.addi %multiple_of3A_894, %add3A_1142 : i32
    %dma_start3A_1144 = arith.constant 0 : i32
    %dma_start3A_1145 = tpu.memref_slice %arg6[%add3A_1143, %dma_start3A_1144] : memref<512x64xf32, #tpu.memory_space<vmem>> -> memref<1x64xf32, #tpu.memory_space<vmem>>
    %dma_start3A_1146 = tpu.memref_squeeze %dma_start3A_1145 : memref<1x64xf32, #tpu.memory_space<vmem>> -> memref<64xf32, #tpu.memory_space<vmem>>
    %dma_start3A_1147 = arith.constant 0 : i32
    %dma_start3A_1148 = tpu.memref_slice %arg3[%squeeze3A_1139, %squeeze3A_1141, %dma_start3A_1147] : memref<125000x8x64xf32, #tpu.memory_space<hbm>> -> memref<1x1x64xf32, #tpu.memory_space<hbm>>
    %dma_start3A_1149 = tpu.memref_squeeze %dma_start3A_1148 : memref<1x1x64xf32, #tpu.memory_space<hbm>> -> memref<64xf32, #tpu.memory_space<hbm>>
    %dma_start3A_1150 = arith.constant 0 : i32
    %dma_start3A_1151 = tpu.memref_slice %arg6[%add3A_1143, %dma_start3A_1150] : memref<512x64xf32, #tpu.memory_space<vmem>> -> memref<1x64xf32, #tpu.memory_space<vmem>>
    %dma_start3A_1152 = tpu.memref_squeeze %dma_start3A_1151 : memref<1x64xf32, #tpu.memory_space<vmem>> -> memref<64xf32, #tpu.memory_space<vmem>>
    %dma_start3A_1153 = arith.constant 0 : i32
    %dma_start3A_1154 = tpu.memref_slice %arg3[%squeeze3A_1139, %squeeze3A_1141, %dma_start3A_1153] : memref<125000x8x64xf32, #tpu.memory_space<hbm>> -> memref<1x1x64xf32, #tpu.memory_space<hbm>>
    %dma_start3A_1155 = tpu.memref_squeeze %dma_start3A_1154 : memref<1x1x64xf32, #tpu.memory_space<hbm>> -> memref<64xf32, #tpu.memory_space<hbm>>
    tpu.enqueue_dma source(%dma_start3A_1155 : memref<64xf32, #tpu.memory_space<hbm>>) target(%dma_start3A_1152 : memref<64xf32, #tpu.memory_space<vmem>>) target_semaphore(%arg7 : memref<!tpu.dma_semaphore, #tpu.memory_space<semaphore_mem>>)
    %slice3A_1156 = vector.extract_strided_slice %shift_right_logical3A_900 {offsets = [14], sizes = [1], strides = [1]} : vector<16xi32> to vector<1xi32>
    %squeeze3A_1157 = vector.extract %slice3A_1156[0] : i32 from vector<1xi32>
    %slice3A_1158 = vector.extract_strided_slice %and3A_903 {offsets = [14], sizes = [1], strides = [1]} : vector<16xi32> to vector<1xi32>
    %squeeze3A_1159 = vector.extract %slice3A_1158[0] : i32 from vector<1xi32>
    %add3A_1160 = arith.constant 14 : i32
    %add3A_1161 = arith.addi %multiple_of3A_894, %add3A_1160 : i32
    %dma_start3A_1162 = arith.constant 0 : i32
    %dma_start3A_1163 = tpu.memref_slice %arg6[%add3A_1161, %dma_start3A_1162] : memref<512x64xf32, #tpu.memory_space<vmem>> -> memref<1x64xf32, #tpu.memory_space<vmem>>
    %dma_start3A_1164 = tpu.memref_squeeze %dma_start3A_1163 : memref<1x64xf32, #tpu.memory_space<vmem>> -> memref<64xf32, #tpu.memory_space<vmem>>
    %dma_start3A_1165 = arith.constant 0 : i32
    %dma_start3A_1166 = tpu.memref_slice %arg3[%squeeze3A_1157, %squeeze3A_1159, %dma_start3A_1165] : memref<125000x8x64xf32, #tpu.memory_space<hbm>> -> memref<1x1x64xf32, #tpu.memory_space<hbm>>
    %dma_start3A_1167 = tpu.memref_squeeze %dma_start3A_1166 : memref<1x1x64xf32, #tpu.memory_space<hbm>> -> memref<64xf32, #tpu.memory_space<hbm>>
    %dma_start3A_1168 = arith.constant 0 : i32
    %dma_start3A_1169 = tpu.memref_slice %arg6[%add3A_1161, %dma_start3A_1168] : memref<512x64xf32, #tpu.memory_space<vmem>> -> memref<1x64xf32, #tpu.memory_space<vmem>>
    %dma_start3A_1170 = tpu.memref_squeeze %dma_start3A_1169 : memref<1x64xf32, #tpu.memory_space<vmem>> -> memref<64xf32, #tpu.memory_space<vmem>>
    %dma_start3A_1171 = arith.constant 0 : i32
    %dma_start3A_1172 = tpu.memref_slice %arg3[%squeeze3A_1157, %squeeze3A_1159, %dma_start3A_1171] : memref<125000x8x64xf32, #tpu.memory_space<hbm>> -> memref<1x1x64xf32, #tpu.memory_space<hbm>>
    %dma_start3A_1173 = tpu.memref_squeeze %dma_start3A_1172 : memref<1x1x64xf32, #tpu.memory_space<hbm>> -> memref<64xf32, #tpu.memory_space<hbm>>
    tpu.enqueue_dma source(%dma_start3A_1173 : memref<64xf32, #tpu.memory_space<hbm>>) target(%dma_start3A_1170 : memref<64xf32, #tpu.memory_space<vmem>>) target_semaphore(%arg7 : memref<!tpu.dma_semaphore, #tpu.memory_space<semaphore_mem>>)
    %slice3A_1174 = vector.extract_strided_slice %shift_right_logical3A_900 {offsets = [15], sizes = [1], strides = [1]} : vector<16xi32> to vector<1xi32>
    %squeeze3A_1175 = vector.extract %slice3A_1174[0] : i32 from vector<1xi32>
    %slice3A_1176 = vector.extract_strided_slice %and3A_903 {offsets = [15], sizes = [1], strides = [1]} : vector<16xi32> to vector<1xi32>
    %squeeze3A_1177 = vector.extract %slice3A_1176[0] : i32 from vector<1xi32>
    %add3A_1178 = arith.constant 15 : i32
    %add3A_1179 = arith.addi %multiple_of3A_894, %add3A_1178 : i32
    %dma_start3A_1180 = arith.constant 0 : i32
    %dma_start3A_1181 = tpu.memref_slice %arg6[%add3A_1179, %dma_start3A_1180] : memref<512x64xf32, #tpu.memory_space<vmem>> -> memref<1x64xf32, #tpu.memory_space<vmem>>
    %dma_start3A_1182 = tpu.memref_squeeze %dma_start3A_1181 : memref<1x64xf32, #tpu.memory_space<vmem>> -> memref<64xf32, #tpu.memory_space<vmem>>
    %dma_start3A_1183 = arith.constant 0 : i32
    %dma_start3A_1184 = tpu.memref_slice %arg3[%squeeze3A_1175, %squeeze3A_1177, %dma_start3A_1183] : memref<125000x8x64xf32, #tpu.memory_space<hbm>> -> memref<1x1x64xf32, #tpu.memory_space<hbm>>
    %dma_start3A_1185 = tpu.memref_squeeze %dma_start3A_1184 : memref<1x1x64xf32, #tpu.memory_space<hbm>> -> memref<64xf32, #tpu.memory_space<hbm>>
    %dma_start3A_1186 = arith.constant 0 : i32
    %dma_start3A_1187 = tpu.memref_slice %arg6[%add3A_1179, %dma_start3A_1186] : memref<512x64xf32, #tpu.memory_space<vmem>> -> memref<1x64xf32, #tpu.memory_space<vmem>>
    %dma_start3A_1188 = tpu.memref_squeeze %dma_start3A_1187 : memref<1x64xf32, #tpu.memory_space<vmem>> -> memref<64xf32, #tpu.memory_space<vmem>>
    %dma_start3A_1189 = arith.constant 0 : i32
    %dma_start3A_1190 = tpu.memref_slice %arg3[%squeeze3A_1175, %squeeze3A_1177, %dma_start3A_1189] : memref<125000x8x64xf32, #tpu.memory_space<hbm>> -> memref<1x1x64xf32, #tpu.memory_space<hbm>>
    %dma_start3A_1191 = tpu.memref_squeeze %dma_start3A_1190 : memref<1x1x64xf32, #tpu.memory_space<hbm>> -> memref<64xf32, #tpu.memory_space<hbm>>
    tpu.enqueue_dma source(%dma_start3A_1191 : memref<64xf32, #tpu.memory_space<hbm>>) target(%dma_start3A_1188 : memref<64xf32, #tpu.memory_space<vmem>>) target_semaphore(%arg7 : memref<!tpu.dma_semaphore, #tpu.memory_space<semaphore_mem>>)
    %scan3A = arith.constant 0 : i32
    %scan3A_1192 = arith.constant 0 : i32
    %scan3A_1193 = arith.constant 8 : i32
    %scan3A_1194 = arith.addi %scan3A_1192, %scan3A_1193 : i32
    %scan3A_1195 = arith.constant 1 : i32
    scf.for %scan3A_1197 = %scan3A_1192 to %scan3A_1194 step %scan3A_1195  : i32 {
      %add3A_1198 = arith.constant 1 : i32
      %add3A_1199 = arith.addi %scan3A_1197, %add3A_1198 : i32
      %lt3A = arith.constant 8 : i32
      %lt3A_1200 = arith.cmpi slt, %add3A_1199, %lt3A : i32
      %convert_element_type3A = arith.extui %lt3A_1200 : i1 to i32
      %cond3A = arith.constant 0 : i32
      %cond3A_1201 = arith.cmpi ne, %convert_element_type3A, %cond3A : i32
      scf.if %cond3A_1201 {
        %add3A_1213 = arith.constant 1 : i32
        %add3A_1214 = arith.addi %scan3A_1197, %add3A_1213 : i32
        %mul3A_1215 = arith.constant 64 : i32
        %mul3A_1216 = arith.muli %add3A_1214, %mul3A_1215 : i32
        %add3A_1217 = arith.constant 0 : i32
        %add3A_1218 = arith.addi %mul3A_1216, %add3A_1217 : i32
        %multiple_of3A_1219 = tpu.assume_multiple %add3A_1218, 16 : i32
        %get3A_1220 = arith.index_cast %multiple_of3A_1219 : i32 to index
        %get3A_1221 = tpu.vector_load %arg5[%get3A_1220] {strides = array<i32>} : memref<512xi32, #tpu.memory_space<vmem>>, vector<16xi32>,
        %get3A_1222 = vector.shape_cast %get3A_1221 : vector<16xi32> to vector<16xi32>
        %shift_right_logical3A_1223 = arith.constant 3 : i32
        %shift_right_logical3A_1224 = vector.broadcast %shift_right_logical3A_1223 : i32 to vector<16xi32>
        %shift_right_logical3A_1225 = arith.shrui %get3A_1222, %shift_right_logical3A_1224 : vector<16xi32>
        %and3A_1226 = arith.constant 7 : i32
        %and3A_1227 = vector.broadcast %and3A_1226 : i32 to vector<16xi32>
        %and3A_1228 = arith.andi %get3A_1222, %and3A_1227 : vector<16xi32>
        %slice3A_1229 = vector.extract_strided_slice %shift_right_logical3A_1225 {offsets = [0], sizes = [1], strides = [1]} : vector<16xi32> to vector<1xi32>
        %squeeze3A_1230 = vector.extract %slice3A_1229[0] : i32 from vector<1xi32>
        %slice3A_1231 = vector.extract_strided_slice %and3A_1228 {offsets = [0], sizes = [1], strides = [1]} : vector<16xi32> to vector<1xi32>
        %squeeze3A_1232 = vector.extract %slice3A_1231[0] : i32 from vector<1xi32>
        %add3A_1233 = arith.constant 0 : i32
        %add3A_1234 = arith.addi %multiple_of3A_1219, %add3A_1233 : i32
        %dma_start3A_1235 = arith.constant 0 : i32
        %dma_start3A_1236 = tpu.memref_slice %arg6[%add3A_1234, %dma_start3A_1235] : memref<512x64xf32, #tpu.memory_space<vmem>> -> memref<1x64xf32, #tpu.memory_space<vmem>>
        %dma_start3A_1237 = tpu.memref_squeeze %dma_start3A_1236 : memref<1x64xf32, #tpu.memory_space<vmem>> -> memref<64xf32, #tpu.memory_space<vmem>>
        %dma_start3A_1238 = arith.constant 0 : i32
        %dma_start3A_1239 = tpu.memref_slice %arg3[%squeeze3A_1230, %squeeze3A_1232, %dma_start3A_1238] : memref<125000x8x64xf32, #tpu.memory_space<hbm>> -> memref<1x1x64xf32, #tpu.memory_space<hbm>>
        %dma_start3A_1240 = tpu.memref_squeeze %dma_start3A_1239 : memref<1x1x64xf32, #tpu.memory_space<hbm>> -> memref<64xf32, #tpu.memory_space<hbm>>
        %dma_start3A_1241 = arith.constant 0 : i32
        %dma_start3A_1242 = tpu.memref_slice %arg6[%add3A_1234, %dma_start3A_1241] : memref<512x64xf32, #tpu.memory_space<vmem>> -> memref<1x64xf32, #tpu.memory_space<vmem>>
        %dma_start3A_1243 = tpu.memref_squeeze %dma_start3A_1242 : memref<1x64xf32, #tpu.memory_space<vmem>> -> memref<64xf32, #tpu.memory_space<vmem>>
        %dma_start3A_1244 = arith.constant 0 : i32
        %dma_start3A_1245 = tpu.memref_slice %arg3[%squeeze3A_1230, %squeeze3A_1232, %dma_start3A_1244] : memref<125000x8x64xf32, #tpu.memory_space<hbm>> -> memref<1x1x64xf32, #tpu.memory_space<hbm>>
        %dma_start3A_1246 = tpu.memref_squeeze %dma_start3A_1245 : memref<1x1x64xf32, #tpu.memory_space<hbm>> -> memref<64xf32, #tpu.memory_space<hbm>>
        tpu.enqueue_dma source(%dma_start3A_1246 : memref<64xf32, #tpu.memory_space<hbm>>) target(%dma_start3A_1243 : memref<64xf32, #tpu.memory_space<vmem>>) target_semaphore(%arg7 : memref<!tpu.dma_semaphore, #tpu.memory_space<semaphore_mem>>)
        %slice3A_1247 = vector.extract_strided_slice %shift_right_logical3A_1225 {offsets = [1], sizes = [1], strides = [1]} : vector<16xi32> to vector<1xi32>
        %squeeze3A_1248 = vector.extract %slice3A_1247[0] : i32 from vector<1xi32>
        %slice3A_1249 = vector.extract_strided_slice %and3A_1228 {offsets = [1], sizes = [1], strides = [1]} : vector<16xi32> to vector<1xi32>
        %squeeze3A_1250 = vector.extract %slice3A_1249[0] : i32 from vector<1xi32>
        %add3A_1251 = arith.constant 1 : i32
        %add3A_1252 = arith.addi %multiple_of3A_1219, %add3A_1251 : i32
        %dma_start3A_1253 = arith.constant 0 : i32
        %dma_start3A_1254 = tpu.memref_slice %arg6[%add3A_1252, %dma_start3A_1253] : memref<512x64xf32, #tpu.memory_space<vmem>> -> memref<1x64xf32, #tpu.memory_space<vmem>>
        %dma_start3A_1255 = tpu.memref_squeeze %dma_start3A_1254 : memref<1x64xf32, #tpu.memory_space<vmem>> -> memref<64xf32, #tpu.memory_space<vmem>>
        %dma_start3A_1256 = arith.constant 0 : i32
        %dma_start3A_1257 = tpu.memref_slice %arg3[%squeeze3A_1248, %squeeze3A_1250, %dma_start3A_1256] : memref<125000x8x64xf32, #tpu.memory_space<hbm>> -> memref<1x1x64xf32, #tpu.memory_space<hbm>>
        %dma_start3A_1258 = tpu.memref_squeeze %dma_start3A_1257 : memref<1x1x64xf32, #tpu.memory_space<hbm>> -> memref<64xf32, #tpu.memory_space<hbm>>
        %dma_start3A_1259 = arith.constant 0 : i32
        %dma_start3A_1260 = tpu.memref_slice %arg6[%add3A_1252, %dma_start3A_1259] : memref<512x64xf32, #tpu.memory_space<vmem>> -> memref<1x64xf32, #tpu.memory_space<vmem>>
        %dma_start3A_1261 = tpu.memref_squeeze %dma_start3A_1260 : memref<1x64xf32, #tpu.memory_space<vmem>> -> memref<64xf32, #tpu.memory_space<vmem>>
        %dma_start3A_1262 = arith.constant 0 : i32
        %dma_start3A_1263 = tpu.memref_slice %arg3[%squeeze3A_1248, %squeeze3A_1250, %dma_start3A_1262] : memref<125000x8x64xf32, #tpu.memory_space<hbm>> -> memref<1x1x64xf32, #tpu.memory_space<hbm>>
        %dma_start3A_1264 = tpu.memref_squeeze %dma_start3A_1263 : memref<1x1x64xf32, #tpu.memory_space<hbm>> -> memref<64xf32, #tpu.memory_space<hbm>>
        tpu.enqueue_dma source(%dma_start3A_1264 : memref<64xf32, #tpu.memory_space<hbm>>) target(%dma_start3A_1261 : memref<64xf32, #tpu.memory_space<vmem>>) target_semaphore(%arg7 : memref<!tpu.dma_semaphore, #tpu.memory_space<semaphore_mem>>)
        %slice3A_1265 = vector.extract_strided_slice %shift_right_logical3A_1225 {offsets = [2], sizes = [1], strides = [1]} : vector<16xi32> to vector<1xi32>
        %squeeze3A_1266 = vector.extract %slice3A_1265[0] : i32 from vector<1xi32>
        %slice3A_1267 = vector.extract_strided_slice %and3A_1228 {offsets = [2], sizes = [1], strides = [1]} : vector<16xi32> to vector<1xi32>
        %squeeze3A_1268 = vector.extract %slice3A_1267[0] : i32 from vector<1xi32>
        %add3A_1269 = arith.constant 2 : i32
        %add3A_1270 = arith.addi %multiple_of3A_1219, %add3A_1269 : i32
        %dma_start3A_1271 = arith.constant 0 : i32
        %dma_start3A_1272 = tpu.memref_slice %arg6[%add3A_1270, %dma_start3A_1271] : memref<512x64xf32, #tpu.memory_space<vmem>> -> memref<1x64xf32, #tpu.memory_space<vmem>>
        %dma_start3A_1273 = tpu.memref_squeeze %dma_start3A_1272 : memref<1x64xf32, #tpu.memory_space<vmem>> -> memref<64xf32, #tpu.memory_space<vmem>>
        %dma_start3A_1274 = arith.constant 0 : i32
        %dma_start3A_1275 = tpu.memref_slice %arg3[%squeeze3A_1266, %squeeze3A_1268, %dma_start3A_1274] : memref<125000x8x64xf32, #tpu.memory_space<hbm>> -> memref<1x1x64xf32, #tpu.memory_space<hbm>>
        %dma_start3A_1276 = tpu.memref_squeeze %dma_start3A_1275 : memref<1x1x64xf32, #tpu.memory_space<hbm>> -> memref<64xf32, #tpu.memory_space<hbm>>
        %dma_start3A_1277 = arith.constant 0 : i32
        %dma_start3A_1278 = tpu.memref_slice %arg6[%add3A_1270, %dma_start3A_1277] : memref<512x64xf32, #tpu.memory_space<vmem>> -> memref<1x64xf32, #tpu.memory_space<vmem>>
        %dma_start3A_1279 = tpu.memref_squeeze %dma_start3A_1278 : memref<1x64xf32, #tpu.memory_space<vmem>> -> memref<64xf32, #tpu.memory_space<vmem>>
        %dma_start3A_1280 = arith.constant 0 : i32
        %dma_start3A_1281 = tpu.memref_slice %arg3[%squeeze3A_1266, %squeeze3A_1268, %dma_start3A_1280] : memref<125000x8x64xf32, #tpu.memory_space<hbm>> -> memref<1x1x64xf32, #tpu.memory_space<hbm>>
        %dma_start3A_1282 = tpu.memref_squeeze %dma_start3A_1281 : memref<1x1x64xf32, #tpu.memory_space<hbm>> -> memref<64xf32, #tpu.memory_space<hbm>>
        tpu.enqueue_dma source(%dma_start3A_1282 : memref<64xf32, #tpu.memory_space<hbm>>) target(%dma_start3A_1279 : memref<64xf32, #tpu.memory_space<vmem>>) target_semaphore(%arg7 : memref<!tpu.dma_semaphore, #tpu.memory_space<semaphore_mem>>)
        %slice3A_1283 = vector.extract_strided_slice %shift_right_logical3A_1225 {offsets = [3], sizes = [1], strides = [1]} : vector<16xi32> to vector<1xi32>
        %squeeze3A_1284 = vector.extract %slice3A_1283[0] : i32 from vector<1xi32>
        %slice3A_1285 = vector.extract_strided_slice %and3A_1228 {offsets = [3], sizes = [1], strides = [1]} : vector<16xi32> to vector<1xi32>
        %squeeze3A_1286 = vector.extract %slice3A_1285[0] : i32 from vector<1xi32>
        %add3A_1287 = arith.constant 3 : i32
        %add3A_1288 = arith.addi %multiple_of3A_1219, %add3A_1287 : i32
        %dma_start3A_1289 = arith.constant 0 : i32
        %dma_start3A_1290 = tpu.memref_slice %arg6[%add3A_1288, %dma_start3A_1289] : memref<512x64xf32, #tpu.memory_space<vmem>> -> memref<1x64xf32, #tpu.memory_space<vmem>>
        %dma_start3A_1291 = tpu.memref_squeeze %dma_start3A_1290 : memref<1x64xf32, #tpu.memory_space<vmem>> -> memref<64xf32, #tpu.memory_space<vmem>>
        %dma_start3A_1292 = arith.constant 0 : i32
        %dma_start3A_1293 = tpu.memref_slice %arg3[%squeeze3A_1284, %squeeze3A_1286, %dma_start3A_1292] : memref<125000x8x64xf32, #tpu.memory_space<hbm>> -> memref<1x1x64xf32, #tpu.memory_space<hbm>>
        %dma_start3A_1294 = tpu.memref_squeeze %dma_start3A_1293 : memref<1x1x64xf32, #tpu.memory_space<hbm>> -> memref<64xf32, #tpu.memory_space<hbm>>
        %dma_start3A_1295 = arith.constant 0 : i32
        %dma_start3A_1296 = tpu.memref_slice %arg6[%add3A_1288, %dma_start3A_1295] : memref<512x64xf32, #tpu.memory_space<vmem>> -> memref<1x64xf32, #tpu.memory_space<vmem>>
        %dma_start3A_1297 = tpu.memref_squeeze %dma_start3A_1296 : memref<1x64xf32, #tpu.memory_space<vmem>> -> memref<64xf32, #tpu.memory_space<vmem>>
        %dma_start3A_1298 = arith.constant 0 : i32
        %dma_start3A_1299 = tpu.memref_slice %arg3[%squeeze3A_1284, %squeeze3A_1286, %dma_start3A_1298] : memref<125000x8x64xf32, #tpu.memory_space<hbm>> -> memref<1x1x64xf32, #tpu.memory_space<hbm>>
        %dma_start3A_1300 = tpu.memref_squeeze %dma_start3A_1299 : memref<1x1x64xf32, #tpu.memory_space<hbm>> -> memref<64xf32, #tpu.memory_space<hbm>>
        tpu.enqueue_dma source(%dma_start3A_1300 : memref<64xf32, #tpu.memory_space<hbm>>) target(%dma_start3A_1297 : memref<64xf32, #tpu.memory_space<vmem>>) target_semaphore(%arg7 : memref<!tpu.dma_semaphore, #tpu.memory_space<semaphore_mem>>)
        %slice3A_1301 = vector.extract_strided_slice %shift_right_logical3A_1225 {offsets = [4], sizes = [1], strides = [1]} : vector<16xi32> to vector<1xi32>
        %squeeze3A_1302 = vector.extract %slice3A_1301[0] : i32 from vector<1xi32>
        %slice3A_1303 = vector.extract_strided_slice %and3A_1228 {offsets = [4], sizes = [1], strides = [1]} : vector<16xi32> to vector<1xi32>
        %squeeze3A_1304 = vector.extract %slice3A_1303[0] : i32 from vector<1xi32>
        %add3A_1305 = arith.constant 4 : i32
        %add3A_1306 = arith.addi %multiple_of3A_1219, %add3A_1305 : i32
        %dma_start3A_1307 = arith.constant 0 : i32
        %dma_start3A_1308 = tpu.memref_slice %arg6[%add3A_1306, %dma_start3A_1307] : memref<512x64xf32, #tpu.memory_space<vmem>> -> memref<1x64xf32, #tpu.memory_space<vmem>>
        %dma_start3A_1309 = tpu.memref_squeeze %dma_start3A_1308 : memref<1x64xf32, #tpu.memory_space<vmem>> -> memref<64xf32, #tpu.memory_space<vmem>>
        %dma_start3A_1310 = arith.constant 0 : i32
        %dma_start3A_1311 = tpu.memref_slice %arg3[%squeeze3A_1302, %squeeze3A_1304, %dma_start3A_1310] : memref<125000x8x64xf32, #tpu.memory_space<hbm>> -> memref<1x1x64xf32, #tpu.memory_space<hbm>>
        %dma_start3A_1312 = tpu.memref_squeeze %dma_start3A_1311 : memref<1x1x64xf32, #tpu.memory_space<hbm>> -> memref<64xf32, #tpu.memory_space<hbm>>
        %dma_start3A_1313 = arith.constant 0 : i32
        %dma_start3A_1314 = tpu.memref_slice %arg6[%add3A_1306, %dma_start3A_1313] : memref<512x64xf32, #tpu.memory_space<vmem>> -> memref<1x64xf32, #tpu.memory_space<vmem>>
        %dma_start3A_1315 = tpu.memref_squeeze %dma_start3A_1314 : memref<1x64xf32, #tpu.memory_space<vmem>> -> memref<64xf32, #tpu.memory_space<vmem>>
        %dma_start3A_1316 = arith.constant 0 : i32
        %dma_start3A_1317 = tpu.memref_slice %arg3[%squeeze3A_1302, %squeeze3A_1304, %dma_start3A_1316] : memref<125000x8x64xf32, #tpu.memory_space<hbm>> -> memref<1x1x64xf32, #tpu.memory_space<hbm>>
        %dma_start3A_1318 = tpu.memref_squeeze %dma_start3A_1317 : memref<1x1x64xf32, #tpu.memory_space<hbm>> -> memref<64xf32, #tpu.memory_space<hbm>>
        tpu.enqueue_dma source(%dma_start3A_1318 : memref<64xf32, #tpu.memory_space<hbm>>) target(%dma_start3A_1315 : memref<64xf32, #tpu.memory_space<vmem>>) target_semaphore(%arg7 : memref<!tpu.dma_semaphore, #tpu.memory_space<semaphore_mem>>)
        %slice3A_1319 = vector.extract_strided_slice %shift_right_logical3A_1225 {offsets = [5], sizes = [1], strides = [1]} : vector<16xi32> to vector<1xi32>
        %squeeze3A_1320 = vector.extract %slice3A_1319[0] : i32 from vector<1xi32>
        %slice3A_1321 = vector.extract_strided_slice %and3A_1228 {offsets = [5], sizes = [1], strides = [1]} : vector<16xi32> to vector<1xi32>
        %squeeze3A_1322 = vector.extract %slice3A_1321[0] : i32 from vector<1xi32>
        %add3A_1323 = arith.constant 5 : i32
        %add3A_1324 = arith.addi %multiple_of3A_1219, %add3A_1323 : i32
        %dma_start3A_1325 = arith.constant 0 : i32
        %dma_start3A_1326 = tpu.memref_slice %arg6[%add3A_1324, %dma_start3A_1325] : memref<512x64xf32, #tpu.memory_space<vmem>> -> memref<1x64xf32, #tpu.memory_space<vmem>>
        %dma_start3A_1327 = tpu.memref_squeeze %dma_start3A_1326 : memref<1x64xf32, #tpu.memory_space<vmem>> -> memref<64xf32, #tpu.memory_space<vmem>>
        %dma_start3A_1328 = arith.constant 0 : i32
        %dma_start3A_1329 = tpu.memref_slice %arg3[%squeeze3A_1320, %squeeze3A_1322, %dma_start3A_1328] : memref<125000x8x64xf32, #tpu.memory_space<hbm>> -> memref<1x1x64xf32, #tpu.memory_space<hbm>>
        %dma_start3A_1330 = tpu.memref_squeeze %dma_start3A_1329 : memref<1x1x64xf32, #tpu.memory_space<hbm>> -> memref<64xf32, #tpu.memory_space<hbm>>
        %dma_start3A_1331 = arith.constant 0 : i32
        %dma_start3A_1332 = tpu.memref_slice %arg6[%add3A_1324, %dma_start3A_1331] : memref<512x64xf32, #tpu.memory_space<vmem>> -> memref<1x64xf32, #tpu.memory_space<vmem>>
        %dma_start3A_1333 = tpu.memref_squeeze %dma_start3A_1332 : memref<1x64xf32, #tpu.memory_space<vmem>> -> memref<64xf32, #tpu.memory_space<vmem>>
        %dma_start3A_1334 = arith.constant 0 : i32
        %dma_start3A_1335 = tpu.memref_slice %arg3[%squeeze3A_1320, %squeeze3A_1322, %dma_start3A_1334] : memref<125000x8x64xf32, #tpu.memory_space<hbm>> -> memref<1x1x64xf32, #tpu.memory_space<hbm>>
        %dma_start3A_1336 = tpu.memref_squeeze %dma_start3A_1335 : memref<1x1x64xf32, #tpu.memory_space<hbm>> -> memref<64xf32, #tpu.memory_space<hbm>>
        tpu.enqueue_dma source(%dma_start3A_1336 : memref<64xf32, #tpu.memory_space<hbm>>) target(%dma_start3A_1333 : memref<64xf32, #tpu.memory_space<vmem>>) target_semaphore(%arg7 : memref<!tpu.dma_semaphore, #tpu.memory_space<semaphore_mem>>)
        %slice3A_1337 = vector.extract_strided_slice %shift_right_logical3A_1225 {offsets = [6], sizes = [1], strides = [1]} : vector<16xi32> to vector<1xi32>
        %squeeze3A_1338 = vector.extract %slice3A_1337[0] : i32 from vector<1xi32>
        %slice3A_1339 = vector.extract_strided_slice %and3A_1228 {offsets = [6], sizes = [1], strides = [1]} : vector<16xi32> to vector<1xi32>
        %squeeze3A_1340 = vector.extract %slice3A_1339[0] : i32 from vector<1xi32>
        %add3A_1341 = arith.constant 6 : i32
        %add3A_1342 = arith.addi %multiple_of3A_1219, %add3A_1341 : i32
        %dma_start3A_1343 = arith.constant 0 : i32
        %dma_start3A_1344 = tpu.memref_slice %arg6[%add3A_1342, %dma_start3A_1343] : memref<512x64xf32, #tpu.memory_space<vmem>> -> memref<1x64xf32, #tpu.memory_space<vmem>>
        %dma_start3A_1345 = tpu.memref_squeeze %dma_start3A_1344 : memref<1x64xf32, #tpu.memory_space<vmem>> -> memref<64xf32, #tpu.memory_space<vmem>>
        %dma_start3A_1346 = arith.constant 0 : i32
        %dma_start3A_1347 = tpu.memref_slice %arg3[%squeeze3A_1338, %squeeze3A_1340, %dma_start3A_1346] : memref<125000x8x64xf32, #tpu.memory_space<hbm>> -> memref<1x1x64xf32, #tpu.memory_space<hbm>>
        %dma_start3A_1348 = tpu.memref_squeeze %dma_start3A_1347 : memref<1x1x64xf32, #tpu.memory_space<hbm>> -> memref<64xf32, #tpu.memory_space<hbm>>
        %dma_start3A_1349 = arith.constant 0 : i32
        %dma_start3A_1350 = tpu.memref_slice %arg6[%add3A_1342, %dma_start3A_1349] : memref<512x64xf32, #tpu.memory_space<vmem>> -> memref<1x64xf32, #tpu.memory_space<vmem>>
        %dma_start3A_1351 = tpu.memref_squeeze %dma_start3A_1350 : memref<1x64xf32, #tpu.memory_space<vmem>> -> memref<64xf32, #tpu.memory_space<vmem>>
        %dma_start3A_1352 = arith.constant 0 : i32
        %dma_start3A_1353 = tpu.memref_slice %arg3[%squeeze3A_1338, %squeeze3A_1340, %dma_start3A_1352] : memref<125000x8x64xf32, #tpu.memory_space<hbm>> -> memref<1x1x64xf32, #tpu.memory_space<hbm>>
        %dma_start3A_1354 = tpu.memref_squeeze %dma_start3A_1353 : memref<1x1x64xf32, #tpu.memory_space<hbm>> -> memref<64xf32, #tpu.memory_space<hbm>>
        tpu.enqueue_dma source(%dma_start3A_1354 : memref<64xf32, #tpu.memory_space<hbm>>) target(%dma_start3A_1351 : memref<64xf32, #tpu.memory_space<vmem>>) target_semaphore(%arg7 : memref<!tpu.dma_semaphore, #tpu.memory_space<semaphore_mem>>)
        %slice3A_1355 = vector.extract_strided_slice %shift_right_logical3A_1225 {offsets = [7], sizes = [1], strides = [1]} : vector<16xi32> to vector<1xi32>
        %squeeze3A_1356 = vector.extract %slice3A_1355[0] : i32 from vector<1xi32>
        %slice3A_1357 = vector.extract_strided_slice %and3A_1228 {offsets = [7], sizes = [1], strides = [1]} : vector<16xi32> to vector<1xi32>
        %squeeze3A_1358 = vector.extract %slice3A_1357[0] : i32 from vector<1xi32>
        %add3A_1359 = arith.constant 7 : i32
        %add3A_1360 = arith.addi %multiple_of3A_1219, %add3A_1359 : i32
        %dma_start3A_1361 = arith.constant 0 : i32
        %dma_start3A_1362 = tpu.memref_slice %arg6[%add3A_1360, %dma_start3A_1361] : memref<512x64xf32, #tpu.memory_space<vmem>> -> memref<1x64xf32, #tpu.memory_space<vmem>>
        %dma_start3A_1363 = tpu.memref_squeeze %dma_start3A_1362 : memref<1x64xf32, #tpu.memory_space<vmem>> -> memref<64xf32, #tpu.memory_space<vmem>>
        %dma_start3A_1364 = arith.constant 0 : i32
        %dma_start3A_1365 = tpu.memref_slice %arg3[%squeeze3A_1356, %squeeze3A_1358, %dma_start3A_1364] : memref<125000x8x64xf32, #tpu.memory_space<hbm>> -> memref<1x1x64xf32, #tpu.memory_space<hbm>>
        %dma_start3A_1366 = tpu.memref_squeeze %dma_start3A_1365 : memref<1x1x64xf32, #tpu.memory_space<hbm>> -> memref<64xf32, #tpu.memory_space<hbm>>
        %dma_start3A_1367 = arith.constant 0 : i32
        %dma_start3A_1368 = tpu.memref_slice %arg6[%add3A_1360, %dma_start3A_1367] : memref<512x64xf32, #tpu.memory_space<vmem>> -> memref<1x64xf32, #tpu.memory_space<vmem>>
        %dma_start3A_1369 = tpu.memref_squeeze %dma_start3A_1368 : memref<1x64xf32, #tpu.memory_space<vmem>> -> memref<64xf32, #tpu.memory_space<vmem>>
        %dma_start3A_1370 = arith.constant 0 : i32
        %dma_start3A_1371 = tpu.memref_slice %arg3[%squeeze3A_1356, %squeeze3A_1358, %dma_start3A_1370] : memref<125000x8x64xf32, #tpu.memory_space<hbm>> -> memref<1x1x64xf32, #tpu.memory_space<hbm>>
        %dma_start3A_1372 = tpu.memref_squeeze %dma_start3A_1371 : memref<1x1x64xf32, #tpu.memory_space<hbm>> -> memref<64xf32, #tpu.memory_space<hbm>>
        tpu.enqueue_dma source(%dma_start3A_1372 : memref<64xf32, #tpu.memory_space<hbm>>) target(%dma_start3A_1369 : memref<64xf32, #tpu.memory_space<vmem>>) target_semaphore(%arg7 : memref<!tpu.dma_semaphore, #tpu.memory_space<semaphore_mem>>)
        %slice3A_1373 = vector.extract_strided_slice %shift_right_logical3A_1225 {offsets = [8], sizes = [1], strides = [1]} : vector<16xi32> to vector<1xi32>
        %squeeze3A_1374 = vector.extract %slice3A_1373[0] : i32 from vector<1xi32>
        %slice3A_1375 = vector.extract_strided_slice %and3A_1228 {offsets = [8], sizes = [1], strides = [1]} : vector<16xi32> to vector<1xi32>
        %squeeze3A_1376 = vector.extract %slice3A_1375[0] : i32 from vector<1xi32>
        %add3A_1377 = arith.constant 8 : i32
        %add3A_1378 = arith.addi %multiple_of3A_1219, %add3A_1377 : i32
        %dma_start3A_1379 = arith.constant 0 : i32
        %dma_start3A_1380 = tpu.memref_slice %arg6[%add3A_1378, %dma_start3A_1379] : memref<512x64xf32, #tpu.memory_space<vmem>> -> memref<1x64xf32, #tpu.memory_space<vmem>>
        %dma_start3A_1381 = tpu.memref_squeeze %dma_start3A_1380 : memref<1x64xf32, #tpu.memory_space<vmem>> -> memref<64xf32, #tpu.memory_space<vmem>>
        %dma_start3A_1382 = arith.constant 0 : i32
        %dma_start3A_1383 = tpu.memref_slice %arg3[%squeeze3A_1374, %squeeze3A_1376, %dma_start3A_1382] : memref<125000x8x64xf32, #tpu.memory_space<hbm>> -> memref<1x1x64xf32, #tpu.memory_space<hbm>>
        %dma_start3A_1384 = tpu.memref_squeeze %dma_start3A_1383 : memref<1x1x64xf32, #tpu.memory_space<hbm>> -> memref<64xf32, #tpu.memory_space<hbm>>
        %dma_start3A_1385 = arith.constant 0 : i32
        %dma_start3A_1386 = tpu.memref_slice %arg6[%add3A_1378, %dma_start3A_1385] : memref<512x64xf32, #tpu.memory_space<vmem>> -> memref<1x64xf32, #tpu.memory_space<vmem>>
        %dma_start3A_1387 = tpu.memref_squeeze %dma_start3A_1386 : memref<1x64xf32, #tpu.memory_space<vmem>> -> memref<64xf32, #tpu.memory_space<vmem>>
        %dma_start3A_1388 = arith.constant 0 : i32
        %dma_start3A_1389 = tpu.memref_slice %arg3[%squeeze3A_1374, %squeeze3A_1376, %dma_start3A_1388] : memref<125000x8x64xf32, #tpu.memory_space<hbm>> -> memref<1x1x64xf32, #tpu.memory_space<hbm>>
        %dma_start3A_1390 = tpu.memref_squeeze %dma_start3A_1389 : memref<1x1x64xf32, #tpu.memory_space<hbm>> -> memref<64xf32, #tpu.memory_space<hbm>>
        tpu.enqueue_dma source(%dma_start3A_1390 : memref<64xf32, #tpu.memory_space<hbm>>) target(%dma_start3A_1387 : memref<64xf32, #tpu.memory_space<vmem>>) target_semaphore(%arg7 : memref<!tpu.dma_semaphore, #tpu.memory_space<semaphore_mem>>)
        %slice3A_1391 = vector.extract_strided_slice %shift_right_logical3A_1225 {offsets = [9], sizes = [1], strides = [1]} : vector<16xi32> to vector<1xi32>
        %squeeze3A_1392 = vector.extract %slice3A_1391[0] : i32 from vector<1xi32>
        %slice3A_1393 = vector.extract_strided_slice %and3A_1228 {offsets = [9], sizes = [1], strides = [1]} : vector<16xi32> to vector<1xi32>
        %squeeze3A_1394 = vector.extract %slice3A_1393[0] : i32 from vector<1xi32>
        %add3A_1395 = arith.constant 9 : i32
        %add3A_1396 = arith.addi %multiple_of3A_1219, %add3A_1395 : i32
        %dma_start3A_1397 = arith.constant 0 : i32
        %dma_start3A_1398 = tpu.memref_slice %arg6[%add3A_1396, %dma_start3A_1397] : memref<512x64xf32, #tpu.memory_space<vmem>> -> memref<1x64xf32, #tpu.memory_space<vmem>>
        %dma_start3A_1399 = tpu.memref_squeeze %dma_start3A_1398 : memref<1x64xf32, #tpu.memory_space<vmem>> -> memref<64xf32, #tpu.memory_space<vmem>>
        %dma_start3A_1400 = arith.constant 0 : i32
        %dma_start3A_1401 = tpu.memref_slice %arg3[%squeeze3A_1392, %squeeze3A_1394, %dma_start3A_1400] : memref<125000x8x64xf32, #tpu.memory_space<hbm>> -> memref<1x1x64xf32, #tpu.memory_space<hbm>>
        %dma_start3A_1402 = tpu.memref_squeeze %dma_start3A_1401 : memref<1x1x64xf32, #tpu.memory_space<hbm>> -> memref<64xf32, #tpu.memory_space<hbm>>
        %dma_start3A_1403 = arith.constant 0 : i32
        %dma_start3A_1404 = tpu.memref_slice %arg6[%add3A_1396, %dma_start3A_1403] : memref<512x64xf32, #tpu.memory_space<vmem>> -> memref<1x64xf32, #tpu.memory_space<vmem>>
        %dma_start3A_1405 = tpu.memref_squeeze %dma_start3A_1404 : memref<1x64xf32, #tpu.memory_space<vmem>> -> memref<64xf32, #tpu.memory_space<vmem>>
        %dma_start3A_1406 = arith.constant 0 : i32
        %dma_start3A_1407 = tpu.memref_slice %arg3[%squeeze3A_1392, %squeeze3A_1394, %dma_start3A_1406] : memref<125000x8x64xf32, #tpu.memory_space<hbm>> -> memref<1x1x64xf32, #tpu.memory_space<hbm>>
        %dma_start3A_1408 = tpu.memref_squeeze %dma_start3A_1407 : memref<1x1x64xf32, #tpu.memory_space<hbm>> -> memref<64xf32, #tpu.memory_space<hbm>>
        tpu.enqueue_dma source(%dma_start3A_1408 : memref<64xf32, #tpu.memory_space<hbm>>) target(%dma_start3A_1405 : memref<64xf32, #tpu.memory_space<vmem>>) target_semaphore(%arg7 : memref<!tpu.dma_semaphore, #tpu.memory_space<semaphore_mem>>)
        %slice3A_1409 = vector.extract_strided_slice %shift_right_logical3A_1225 {offsets = [10], sizes = [1], strides = [1]} : vector<16xi32> to vector<1xi32>
        %squeeze3A_1410 = vector.extract %slice3A_1409[0] : i32 from vector<1xi32>
        %slice3A_1411 = vector.extract_strided_slice %and3A_1228 {offsets = [10], sizes = [1], strides = [1]} : vector<16xi32> to vector<1xi32>
        %squeeze3A_1412 = vector.extract %slice3A_1411[0] : i32 from vector<1xi32>
        %add3A_1413 = arith.constant 10 : i32
        %add3A_1414 = arith.addi %multiple_of3A_1219, %add3A_1413 : i32
        %dma_start3A_1415 = arith.constant 0 : i32
        %dma_start3A_1416 = tpu.memref_slice %arg6[%add3A_1414, %dma_start3A_1415] : memref<512x64xf32, #tpu.memory_space<vmem>> -> memref<1x64xf32, #tpu.memory_space<vmem>>
        %dma_start3A_1417 = tpu.memref_squeeze %dma_start3A_1416 : memref<1x64xf32, #tpu.memory_space<vmem>> -> memref<64xf32, #tpu.memory_space<vmem>>
        %dma_start3A_1418 = arith.constant 0 : i32
        %dma_start3A_1419 = tpu.memref_slice %arg3[%squeeze3A_1410, %squeeze3A_1412, %dma_start3A_1418] : memref<125000x8x64xf32, #tpu.memory_space<hbm>> -> memref<1x1x64xf32, #tpu.memory_space<hbm>>
        %dma_start3A_1420 = tpu.memref_squeeze %dma_start3A_1419 : memref<1x1x64xf32, #tpu.memory_space<hbm>> -> memref<64xf32, #tpu.memory_space<hbm>>
        %dma_start3A_1421 = arith.constant 0 : i32
        %dma_start3A_1422 = tpu.memref_slice %arg6[%add3A_1414, %dma_start3A_1421] : memref<512x64xf32, #tpu.memory_space<vmem>> -> memref<1x64xf32, #tpu.memory_space<vmem>>
        %dma_start3A_1423 = tpu.memref_squeeze %dma_start3A_1422 : memref<1x64xf32, #tpu.memory_space<vmem>> -> memref<64xf32, #tpu.memory_space<vmem>>
        %dma_start3A_1424 = arith.constant 0 : i32
        %dma_start3A_1425 = tpu.memref_slice %arg3[%squeeze3A_1410, %squeeze3A_1412, %dma_start3A_1424] : memref<125000x8x64xf32, #tpu.memory_space<hbm>> -> memref<1x1x64xf32, #tpu.memory_space<hbm>>
        %dma_start3A_1426 = tpu.memref_squeeze %dma_start3A_1425 : memref<1x1x64xf32, #tpu.memory_space<hbm>> -> memref<64xf32, #tpu.memory_space<hbm>>
        tpu.enqueue_dma source(%dma_start3A_1426 : memref<64xf32, #tpu.memory_space<hbm>>) target(%dma_start3A_1423 : memref<64xf32, #tpu.memory_space<vmem>>) target_semaphore(%arg7 : memref<!tpu.dma_semaphore, #tpu.memory_space<semaphore_mem>>)
        %slice3A_1427 = vector.extract_strided_slice %shift_right_logical3A_1225 {offsets = [11], sizes = [1], strides = [1]} : vector<16xi32> to vector<1xi32>
        %squeeze3A_1428 = vector.extract %slice3A_1427[0] : i32 from vector<1xi32>
        %slice3A_1429 = vector.extract_strided_slice %and3A_1228 {offsets = [11], sizes = [1], strides = [1]} : vector<16xi32> to vector<1xi32>
        %squeeze3A_1430 = vector.extract %slice3A_1429[0] : i32 from vector<1xi32>
        %add3A_1431 = arith.constant 11 : i32
        %add3A_1432 = arith.addi %multiple_of3A_1219, %add3A_1431 : i32
        %dma_start3A_1433 = arith.constant 0 : i32
        %dma_start3A_1434 = tpu.memref_slice %arg6[%add3A_1432, %dma_start3A_1433] : memref<512x64xf32, #tpu.memory_space<vmem>> -> memref<1x64xf32, #tpu.memory_space<vmem>>
        %dma_start3A_1435 = tpu.memref_squeeze %dma_start3A_1434 : memref<1x64xf32, #tpu.memory_space<vmem>> -> memref<64xf32, #tpu.memory_space<vmem>>
        %dma_start3A_1436 = arith.constant 0 : i32
        %dma_start3A_1437 = tpu.memref_slice %arg3[%squeeze3A_1428, %squeeze3A_1430, %dma_start3A_1436] : memref<125000x8x64xf32, #tpu.memory_space<hbm>> -> memref<1x1x64xf32, #tpu.memory_space<hbm>>
        %dma_start3A_1438 = tpu.memref_squeeze %dma_start3A_1437 : memref<1x1x64xf32, #tpu.memory_space<hbm>> -> memref<64xf32, #tpu.memory_space<hbm>>
        %dma_start3A_1439 = arith.constant 0 : i32
        %dma_start3A_1440 = tpu.memref_slice %arg6[%add3A_1432, %dma_start3A_1439] : memref<512x64xf32, #tpu.memory_space<vmem>> -> memref<1x64xf32, #tpu.memory_space<vmem>>
        %dma_start3A_1441 = tpu.memref_squeeze %dma_start3A_1440 : memref<1x64xf32, #tpu.memory_space<vmem>> -> memref<64xf32, #tpu.memory_space<vmem>>
        %dma_start3A_1442 = arith.constant 0 : i32
        %dma_start3A_1443 = tpu.memref_slice %arg3[%squeeze3A_1428, %squeeze3A_1430, %dma_start3A_1442] : memref<125000x8x64xf32, #tpu.memory_space<hbm>> -> memref<1x1x64xf32, #tpu.memory_space<hbm>>
        %dma_start3A_1444 = tpu.memref_squeeze %dma_start3A_1443 : memref<1x1x64xf32, #tpu.memory_space<hbm>> -> memref<64xf32, #tpu.memory_space<hbm>>
        tpu.enqueue_dma source(%dma_start3A_1444 : memref<64xf32, #tpu.memory_space<hbm>>) target(%dma_start3A_1441 : memref<64xf32, #tpu.memory_space<vmem>>) target_semaphore(%arg7 : memref<!tpu.dma_semaphore, #tpu.memory_space<semaphore_mem>>)
        %slice3A_1445 = vector.extract_strided_slice %shift_right_logical3A_1225 {offsets = [12], sizes = [1], strides = [1]} : vector<16xi32> to vector<1xi32>
        %squeeze3A_1446 = vector.extract %slice3A_1445[0] : i32 from vector<1xi32>
        %slice3A_1447 = vector.extract_strided_slice %and3A_1228 {offsets = [12], sizes = [1], strides = [1]} : vector<16xi32> to vector<1xi32>
        %squeeze3A_1448 = vector.extract %slice3A_1447[0] : i32 from vector<1xi32>
        %add3A_1449 = arith.constant 12 : i32
        %add3A_1450 = arith.addi %multiple_of3A_1219, %add3A_1449 : i32
        %dma_start3A_1451 = arith.constant 0 : i32
        %dma_start3A_1452 = tpu.memref_slice %arg6[%add3A_1450, %dma_start3A_1451] : memref<512x64xf32, #tpu.memory_space<vmem>> -> memref<1x64xf32, #tpu.memory_space<vmem>>
        %dma_start3A_1453 = tpu.memref_squeeze %dma_start3A_1452 : memref<1x64xf32, #tpu.memory_space<vmem>> -> memref<64xf32, #tpu.memory_space<vmem>>
        %dma_start3A_1454 = arith.constant 0 : i32
        %dma_start3A_1455 = tpu.memref_slice %arg3[%squeeze3A_1446, %squeeze3A_1448, %dma_start3A_1454] : memref<125000x8x64xf32, #tpu.memory_space<hbm>> -> memref<1x1x64xf32, #tpu.memory_space<hbm>>
        %dma_start3A_1456 = tpu.memref_squeeze %dma_start3A_1455 : memref<1x1x64xf32, #tpu.memory_space<hbm>> -> memref<64xf32, #tpu.memory_space<hbm>>
        %dma_start3A_1457 = arith.constant 0 : i32
        %dma_start3A_1458 = tpu.memref_slice %arg6[%add3A_1450, %dma_start3A_1457] : memref<512x64xf32, #tpu.memory_space<vmem>> -> memref<1x64xf32, #tpu.memory_space<vmem>>
        %dma_start3A_1459 = tpu.memref_squeeze %dma_start3A_1458 : memref<1x64xf32, #tpu.memory_space<vmem>> -> memref<64xf32, #tpu.memory_space<vmem>>
        %dma_start3A_1460 = arith.constant 0 : i32
        %dma_start3A_1461 = tpu.memref_slice %arg3[%squeeze3A_1446, %squeeze3A_1448, %dma_start3A_1460] : memref<125000x8x64xf32, #tpu.memory_space<hbm>> -> memref<1x1x64xf32, #tpu.memory_space<hbm>>
        %dma_start3A_1462 = tpu.memref_squeeze %dma_start3A_1461 : memref<1x1x64xf32, #tpu.memory_space<hbm>> -> memref<64xf32, #tpu.memory_space<hbm>>
        tpu.enqueue_dma source(%dma_start3A_1462 : memref<64xf32, #tpu.memory_space<hbm>>) target(%dma_start3A_1459 : memref<64xf32, #tpu.memory_space<vmem>>) target_semaphore(%arg7 : memref<!tpu.dma_semaphore, #tpu.memory_space<semaphore_mem>>)
        %slice3A_1463 = vector.extract_strided_slice %shift_right_logical3A_1225 {offsets = [13], sizes = [1], strides = [1]} : vector<16xi32> to vector<1xi32>
        %squeeze3A_1464 = vector.extract %slice3A_1463[0] : i32 from vector<1xi32>
        %slice3A_1465 = vector.extract_strided_slice %and3A_1228 {offsets = [13], sizes = [1], strides = [1]} : vector<16xi32> to vector<1xi32>
        %squeeze3A_1466 = vector.extract %slice3A_1465[0] : i32 from vector<1xi32>
        %add3A_1467 = arith.constant 13 : i32
        %add3A_1468 = arith.addi %multiple_of3A_1219, %add3A_1467 : i32
        %dma_start3A_1469 = arith.constant 0 : i32
        %dma_start3A_1470 = tpu.memref_slice %arg6[%add3A_1468, %dma_start3A_1469] : memref<512x64xf32, #tpu.memory_space<vmem>> -> memref<1x64xf32, #tpu.memory_space<vmem>>
        %dma_start3A_1471 = tpu.memref_squeeze %dma_start3A_1470 : memref<1x64xf32, #tpu.memory_space<vmem>> -> memref<64xf32, #tpu.memory_space<vmem>>
        %dma_start3A_1472 = arith.constant 0 : i32
        %dma_start3A_1473 = tpu.memref_slice %arg3[%squeeze3A_1464, %squeeze3A_1466, %dma_start3A_1472] : memref<125000x8x64xf32, #tpu.memory_space<hbm>> -> memref<1x1x64xf32, #tpu.memory_space<hbm>>
        %dma_start3A_1474 = tpu.memref_squeeze %dma_start3A_1473 : memref<1x1x64xf32, #tpu.memory_space<hbm>> -> memref<64xf32, #tpu.memory_space<hbm>>
        %dma_start3A_1475 = arith.constant 0 : i32
        %dma_start3A_1476 = tpu.memref_slice %arg6[%add3A_1468, %dma_start3A_1475] : memref<512x64xf32, #tpu.memory_space<vmem>> -> memref<1x64xf32, #tpu.memory_space<vmem>>
        %dma_start3A_1477 = tpu.memref_squeeze %dma_start3A_1476 : memref<1x64xf32, #tpu.memory_space<vmem>> -> memref<64xf32, #tpu.memory_space<vmem>>
        %dma_start3A_1478 = arith.constant 0 : i32
        %dma_start3A_1479 = tpu.memref_slice %arg3[%squeeze3A_1464, %squeeze3A_1466, %dma_start3A_1478] : memref<125000x8x64xf32, #tpu.memory_space<hbm>> -> memref<1x1x64xf32, #tpu.memory_space<hbm>>
        %dma_start3A_1480 = tpu.memref_squeeze %dma_start3A_1479 : memref<1x1x64xf32, #tpu.memory_space<hbm>> -> memref<64xf32, #tpu.memory_space<hbm>>
        tpu.enqueue_dma source(%dma_start3A_1480 : memref<64xf32, #tpu.memory_space<hbm>>) target(%dma_start3A_1477 : memref<64xf32, #tpu.memory_space<vmem>>) target_semaphore(%arg7 : memref<!tpu.dma_semaphore, #tpu.memory_space<semaphore_mem>>)
        %slice3A_1481 = vector.extract_strided_slice %shift_right_logical3A_1225 {offsets = [14], sizes = [1], strides = [1]} : vector<16xi32> to vector<1xi32>
        %squeeze3A_1482 = vector.extract %slice3A_1481[0] : i32 from vector<1xi32>
        %slice3A_1483 = vector.extract_strided_slice %and3A_1228 {offsets = [14], sizes = [1], strides = [1]} : vector<16xi32> to vector<1xi32>
        %squeeze3A_1484 = vector.extract %slice3A_1483[0] : i32 from vector<1xi32>
        %add3A_1485 = arith.constant 14 : i32
        %add3A_1486 = arith.addi %multiple_of3A_1219, %add3A_1485 : i32
        %dma_start3A_1487 = arith.constant 0 : i32
        %dma_start3A_1488 = tpu.memref_slice %arg6[%add3A_1486, %dma_start3A_1487] : memref<512x64xf32, #tpu.memory_space<vmem>> -> memref<1x64xf32, #tpu.memory_space<vmem>>
        %dma_start3A_1489 = tpu.memref_squeeze %dma_start3A_1488 : memref<1x64xf32, #tpu.memory_space<vmem>> -> memref<64xf32, #tpu.memory_space<vmem>>
        %dma_start3A_1490 = arith.constant 0 : i32
        %dma_start3A_1491 = tpu.memref_slice %arg3[%squeeze3A_1482, %squeeze3A_1484, %dma_start3A_1490] : memref<125000x8x64xf32, #tpu.memory_space<hbm>> -> memref<1x1x64xf32, #tpu.memory_space<hbm>>
        %dma_start3A_1492 = tpu.memref_squeeze %dma_start3A_1491 : memref<1x1x64xf32, #tpu.memory_space<hbm>> -> memref<64xf32, #tpu.memory_space<hbm>>
        %dma_start3A_1493 = arith.constant 0 : i32
        %dma_start3A_1494 = tpu.memref_slice %arg6[%add3A_1486, %dma_start3A_1493] : memref<512x64xf32, #tpu.memory_space<vmem>> -> memref<1x64xf32, #tpu.memory_space<vmem>>
        %dma_start3A_1495 = tpu.memref_squeeze %dma_start3A_1494 : memref<1x64xf32, #tpu.memory_space<vmem>> -> memref<64xf32, #tpu.memory_space<vmem>>
        %dma_start3A_1496 = arith.constant 0 : i32
        %dma_start3A_1497 = tpu.memref_slice %arg3[%squeeze3A_1482, %squeeze3A_1484, %dma_start3A_1496] : memref<125000x8x64xf32, #tpu.memory_space<hbm>> -> memref<1x1x64xf32, #tpu.memory_space<hbm>>
        %dma_start3A_1498 = tpu.memref_squeeze %dma_start3A_1497 : memref<1x1x64xf32, #tpu.memory_space<hbm>> -> memref<64xf32, #tpu.memory_space<hbm>>
        tpu.enqueue_dma source(%dma_start3A_1498 : memref<64xf32, #tpu.memory_space<hbm>>) target(%dma_start3A_1495 : memref<64xf32, #tpu.memory_space<vmem>>) target_semaphore(%arg7 : memref<!tpu.dma_semaphore, #tpu.memory_space<semaphore_mem>>)
        %slice3A_1499 = vector.extract_strided_slice %shift_right_logical3A_1225 {offsets = [15], sizes = [1], strides = [1]} : vector<16xi32> to vector<1xi32>
        %squeeze3A_1500 = vector.extract %slice3A_1499[0] : i32 from vector<1xi32>
        %slice3A_1501 = vector.extract_strided_slice %and3A_1228 {offsets = [15], sizes = [1], strides = [1]} : vector<16xi32> to vector<1xi32>
        %squeeze3A_1502 = vector.extract %slice3A_1501[0] : i32 from vector<1xi32>
        %add3A_1503 = arith.constant 15 : i32
        %add3A_1504 = arith.addi %multiple_of3A_1219, %add3A_1503 : i32
        %dma_start3A_1505 = arith.constant 0 : i32
        %dma_start3A_1506 = tpu.memref_slice %arg6[%add3A_1504, %dma_start3A_1505] : memref<512x64xf32, #tpu.memory_space<vmem>> -> memref<1x64xf32, #tpu.memory_space<vmem>>
        %dma_start3A_1507 = tpu.memref_squeeze %dma_start3A_1506 : memref<1x64xf32, #tpu.memory_space<vmem>> -> memref<64xf32, #tpu.memory_space<vmem>>
        %dma_start3A_1508 = arith.constant 0 : i32
        %dma_start3A_1509 = tpu.memref_slice %arg3[%squeeze3A_1500, %squeeze3A_1502, %dma_start3A_1508] : memref<125000x8x64xf32, #tpu.memory_space<hbm>> -> memref<1x1x64xf32, #tpu.memory_space<hbm>>
        %dma_start3A_1510 = tpu.memref_squeeze %dma_start3A_1509 : memref<1x1x64xf32, #tpu.memory_space<hbm>> -> memref<64xf32, #tpu.memory_space<hbm>>
        %dma_start3A_1511 = arith.constant 0 : i32
        %dma_start3A_1512 = tpu.memref_slice %arg6[%add3A_1504, %dma_start3A_1511] : memref<512x64xf32, #tpu.memory_space<vmem>> -> memref<1x64xf32, #tpu.memory_space<vmem>>
        %dma_start3A_1513 = tpu.memref_squeeze %dma_start3A_1512 : memref<1x64xf32, #tpu.memory_space<vmem>> -> memref<64xf32, #tpu.memory_space<vmem>>
        %dma_start3A_1514 = arith.constant 0 : i32
        %dma_start3A_1515 = tpu.memref_slice %arg3[%squeeze3A_1500, %squeeze3A_1502, %dma_start3A_1514] : memref<125000x8x64xf32, #tpu.memory_space<hbm>> -> memref<1x1x64xf32, #tpu.memory_space<hbm>>
        %dma_start3A_1516 = tpu.memref_squeeze %dma_start3A_1515 : memref<1x1x64xf32, #tpu.memory_space<hbm>> -> memref<64xf32, #tpu.memory_space<hbm>>
        tpu.enqueue_dma source(%dma_start3A_1516 : memref<64xf32, #tpu.memory_space<hbm>>) target(%dma_start3A_1513 : memref<64xf32, #tpu.memory_space<vmem>>) target_semaphore(%arg7 : memref<!tpu.dma_semaphore, #tpu.memory_space<semaphore_mem>>)
        %mul3A_1517 = arith.constant 64 : i32
        %mul3A_1518 = arith.muli %add3A_1214, %mul3A_1517 : i32
        %add3A_1519 = arith.constant 16 : i32
        %add3A_1520 = arith.addi %mul3A_1518, %add3A_1519 : i32
        %multiple_of3A_1521 = tpu.assume_multiple %add3A_1520, 16 : i32
        %get3A_1522 = arith.index_cast %multiple_of3A_1521 : i32 to index
        %get3A_1523 = tpu.vector_load %arg5[%get3A_1522] {strides = array<i32>} : memref<512xi32, #tpu.memory_space<vmem>>, vector<16xi32>,
        %get3A_1524 = vector.shape_cast %get3A_1523 : vector<16xi32> to vector<16xi32>
        %shift_right_logical3A_1525 = arith.constant 3 : i32
        %shift_right_logical3A_1526 = vector.broadcast %shift_right_logical3A_1525 : i32 to vector<16xi32>
        %shift_right_logical3A_1527 = arith.shrui %get3A_1524, %shift_right_logical3A_1526 : vector<16xi32>
        %and3A_1528 = arith.constant 7 : i32
        %and3A_1529 = vector.broadcast %and3A_1528 : i32 to vector<16xi32>
        %and3A_1530 = arith.andi %get3A_1524, %and3A_1529 : vector<16xi32>
        %slice3A_1531 = vector.extract_strided_slice %shift_right_logical3A_1527 {offsets = [0], sizes = [1], strides = [1]} : vector<16xi32> to vector<1xi32>
        %squeeze3A_1532 = vector.extract %slice3A_1531[0] : i32 from vector<1xi32>
        %slice3A_1533 = vector.extract_strided_slice %and3A_1530 {offsets = [0], sizes = [1], strides = [1]} : vector<16xi32> to vector<1xi32>
        %squeeze3A_1534 = vector.extract %slice3A_1533[0] : i32 from vector<1xi32>
        %add3A_1535 = arith.constant 0 : i32
        %add3A_1536 = arith.addi %multiple_of3A_1521, %add3A_1535 : i32
        %dma_start3A_1537 = arith.constant 0 : i32
        %dma_start3A_1538 = tpu.memref_slice %arg6[%add3A_1536, %dma_start3A_1537] : memref<512x64xf32, #tpu.memory_space<vmem>> -> memref<1x64xf32, #tpu.memory_space<vmem>>
        %dma_start3A_1539 = tpu.memref_squeeze %dma_start3A_1538 : memref<1x64xf32, #tpu.memory_space<vmem>> -> memref<64xf32, #tpu.memory_space<vmem>>
        %dma_start3A_1540 = arith.constant 0 : i32
        %dma_start3A_1541 = tpu.memref_slice %arg3[%squeeze3A_1532, %squeeze3A_1534, %dma_start3A_1540] : memref<125000x8x64xf32, #tpu.memory_space<hbm>> -> memref<1x1x64xf32, #tpu.memory_space<hbm>>
        %dma_start3A_1542 = tpu.memref_squeeze %dma_start3A_1541 : memref<1x1x64xf32, #tpu.memory_space<hbm>> -> memref<64xf32, #tpu.memory_space<hbm>>
        %dma_start3A_1543 = arith.constant 0 : i32
        %dma_start3A_1544 = tpu.memref_slice %arg6[%add3A_1536, %dma_start3A_1543] : memref<512x64xf32, #tpu.memory_space<vmem>> -> memref<1x64xf32, #tpu.memory_space<vmem>>
        %dma_start3A_1545 = tpu.memref_squeeze %dma_start3A_1544 : memref<1x64xf32, #tpu.memory_space<vmem>> -> memref<64xf32, #tpu.memory_space<vmem>>
        %dma_start3A_1546 = arith.constant 0 : i32
        %dma_start3A_1547 = tpu.memref_slice %arg3[%squeeze3A_1532, %squeeze3A_1534, %dma_start3A_1546] : memref<125000x8x64xf32, #tpu.memory_space<hbm>> -> memref<1x1x64xf32, #tpu.memory_space<hbm>>
        %dma_start3A_1548 = tpu.memref_squeeze %dma_start3A_1547 : memref<1x1x64xf32, #tpu.memory_space<hbm>> -> memref<64xf32, #tpu.memory_space<hbm>>
        tpu.enqueue_dma source(%dma_start3A_1548 : memref<64xf32, #tpu.memory_space<hbm>>) target(%dma_start3A_1545 : memref<64xf32, #tpu.memory_space<vmem>>) target_semaphore(%arg7 : memref<!tpu.dma_semaphore, #tpu.memory_space<semaphore_mem>>)
        %slice3A_1549 = vector.extract_strided_slice %shift_right_logical3A_1527 {offsets = [1], sizes = [1], strides = [1]} : vector<16xi32> to vector<1xi32>
        %squeeze3A_1550 = vector.extract %slice3A_1549[0] : i32 from vector<1xi32>
        %slice3A_1551 = vector.extract_strided_slice %and3A_1530 {offsets = [1], sizes = [1], strides = [1]} : vector<16xi32> to vector<1xi32>
        %squeeze3A_1552 = vector.extract %slice3A_1551[0] : i32 from vector<1xi32>
        %add3A_1553 = arith.constant 1 : i32
        %add3A_1554 = arith.addi %multiple_of3A_1521, %add3A_1553 : i32
        %dma_start3A_1555 = arith.constant 0 : i32
        %dma_start3A_1556 = tpu.memref_slice %arg6[%add3A_1554, %dma_start3A_1555] : memref<512x64xf32, #tpu.memory_space<vmem>> -> memref<1x64xf32, #tpu.memory_space<vmem>>
        %dma_start3A_1557 = tpu.memref_squeeze %dma_start3A_1556 : memref<1x64xf32, #tpu.memory_space<vmem>> -> memref<64xf32, #tpu.memory_space<vmem>>
        %dma_start3A_1558 = arith.constant 0 : i32
        %dma_start3A_1559 = tpu.memref_slice %arg3[%squeeze3A_1550, %squeeze3A_1552, %dma_start3A_1558] : memref<125000x8x64xf32, #tpu.memory_space<hbm>> -> memref<1x1x64xf32, #tpu.memory_space<hbm>>
        %dma_start3A_1560 = tpu.memref_squeeze %dma_start3A_1559 : memref<1x1x64xf32, #tpu.memory_space<hbm>> -> memref<64xf32, #tpu.memory_space<hbm>>
        %dma_start3A_1561 = arith.constant 0 : i32
        %dma_start3A_1562 = tpu.memref_slice %arg6[%add3A_1554, %dma_start3A_1561] : memref<512x64xf32, #tpu.memory_space<vmem>> -> memref<1x64xf32, #tpu.memory_space<vmem>>
        %dma_start3A_1563 = tpu.memref_squeeze %dma_start3A_1562 : memref<1x64xf32, #tpu.memory_space<vmem>> -> memref<64xf32, #tpu.memory_space<vmem>>
        %dma_start3A_1564 = arith.constant 0 : i32
        %dma_start3A_1565 = tpu.memref_slice %arg3[%squeeze3A_1550, %squeeze3A_1552, %dma_start3A_1564] : memref<125000x8x64xf32, #tpu.memory_space<hbm>> -> memref<1x1x64xf32, #tpu.memory_space<hbm>>
        %dma_start3A_1566 = tpu.memref_squeeze %dma_start3A_1565 : memref<1x1x64xf32, #tpu.memory_space<hbm>> -> memref<64xf32, #tpu.memory_space<hbm>>
        tpu.enqueue_dma source(%dma_start3A_1566 : memref<64xf32, #tpu.memory_space<hbm>>) target(%dma_start3A_1563 : memref<64xf32, #tpu.memory_space<vmem>>) target_semaphore(%arg7 : memref<!tpu.dma_semaphore, #tpu.memory_space<semaphore_mem>>)
        %slice3A_1567 = vector.extract_strided_slice %shift_right_logical3A_1527 {offsets = [2], sizes = [1], strides = [1]} : vector<16xi32> to vector<1xi32>
        %squeeze3A_1568 = vector.extract %slice3A_1567[0] : i32 from vector<1xi32>
        %slice3A_1569 = vector.extract_strided_slice %and3A_1530 {offsets = [2], sizes = [1], strides = [1]} : vector<16xi32> to vector<1xi32>
        %squeeze3A_1570 = vector.extract %slice3A_1569[0] : i32 from vector<1xi32>
        %add3A_1571 = arith.constant 2 : i32
        %add3A_1572 = arith.addi %multiple_of3A_1521, %add3A_1571 : i32
        %dma_start3A_1573 = arith.constant 0 : i32
        %dma_start3A_1574 = tpu.memref_slice %arg6[%add3A_1572, %dma_start3A_1573] : memref<512x64xf32, #tpu.memory_space<vmem>> -> memref<1x64xf32, #tpu.memory_space<vmem>>
        %dma_start3A_1575 = tpu.memref_squeeze %dma_start3A_1574 : memref<1x64xf32, #tpu.memory_space<vmem>> -> memref<64xf32, #tpu.memory_space<vmem>>
        %dma_start3A_1576 = arith.constant 0 : i32
        %dma_start3A_1577 = tpu.memref_slice %arg3[%squeeze3A_1568, %squeeze3A_1570, %dma_start3A_1576] : memref<125000x8x64xf32, #tpu.memory_space<hbm>> -> memref<1x1x64xf32, #tpu.memory_space<hbm>>
        %dma_start3A_1578 = tpu.memref_squeeze %dma_start3A_1577 : memref<1x1x64xf32, #tpu.memory_space<hbm>> -> memref<64xf32, #tpu.memory_space<hbm>>
        %dma_start3A_1579 = arith.constant 0 : i32
        %dma_start3A_1580 = tpu.memref_slice %arg6[%add3A_1572, %dma_start3A_1579] : memref<512x64xf32, #tpu.memory_space<vmem>> -> memref<1x64xf32, #tpu.memory_space<vmem>>
        %dma_start3A_1581 = tpu.memref_squeeze %dma_start3A_1580 : memref<1x64xf32, #tpu.memory_space<vmem>> -> memref<64xf32, #tpu.memory_space<vmem>>
        %dma_start3A_1582 = arith.constant 0 : i32
        %dma_start3A_1583 = tpu.memref_slice %arg3[%squeeze3A_1568, %squeeze3A_1570, %dma_start3A_1582] : memref<125000x8x64xf32, #tpu.memory_space<hbm>> -> memref<1x1x64xf32, #tpu.memory_space<hbm>>
        %dma_start3A_1584 = tpu.memref_squeeze %dma_start3A_1583 : memref<1x1x64xf32, #tpu.memory_space<hbm>> -> memref<64xf32, #tpu.memory_space<hbm>>
        tpu.enqueue_dma source(%dma_start3A_1584 : memref<64xf32, #tpu.memory_space<hbm>>) target(%dma_start3A_1581 : memref<64xf32, #tpu.memory_space<vmem>>) target_semaphore(%arg7 : memref<!tpu.dma_semaphore, #tpu.memory_space<semaphore_mem>>)
        %slice3A_1585 = vector.extract_strided_slice %shift_right_logical3A_1527 {offsets = [3], sizes = [1], strides = [1]} : vector<16xi32> to vector<1xi32>
        %squeeze3A_1586 = vector.extract %slice3A_1585[0] : i32 from vector<1xi32>
        %slice3A_1587 = vector.extract_strided_slice %and3A_1530 {offsets = [3], sizes = [1], strides = [1]} : vector<16xi32> to vector<1xi32>
        %squeeze3A_1588 = vector.extract %slice3A_1587[0] : i32 from vector<1xi32>
        %add3A_1589 = arith.constant 3 : i32
        %add3A_1590 = arith.addi %multiple_of3A_1521, %add3A_1589 : i32
        %dma_start3A_1591 = arith.constant 0 : i32
        %dma_start3A_1592 = tpu.memref_slice %arg6[%add3A_1590, %dma_start3A_1591] : memref<512x64xf32, #tpu.memory_space<vmem>> -> memref<1x64xf32, #tpu.memory_space<vmem>>
        %dma_start3A_1593 = tpu.memref_squeeze %dma_start3A_1592 : memref<1x64xf32, #tpu.memory_space<vmem>> -> memref<64xf32, #tpu.memory_space<vmem>>
        %dma_start3A_1594 = arith.constant 0 : i32
        %dma_start3A_1595 = tpu.memref_slice %arg3[%squeeze3A_1586, %squeeze3A_1588, %dma_start3A_1594] : memref<125000x8x64xf32, #tpu.memory_space<hbm>> -> memref<1x1x64xf32, #tpu.memory_space<hbm>>
        %dma_start3A_1596 = tpu.memref_squeeze %dma_start3A_1595 : memref<1x1x64xf32, #tpu.memory_space<hbm>> -> memref<64xf32, #tpu.memory_space<hbm>>
        %dma_start3A_1597 = arith.constant 0 : i32
        %dma_start3A_1598 = tpu.memref_slice %arg6[%add3A_1590, %dma_start3A_1597] : memref<512x64xf32, #tpu.memory_space<vmem>> -> memref<1x64xf32, #tpu.memory_space<vmem>>
        %dma_start3A_1599 = tpu.memref_squeeze %dma_start3A_1598 : memref<1x64xf32, #tpu.memory_space<vmem>> -> memref<64xf32, #tpu.memory_space<vmem>>
        %dma_start3A_1600 = arith.constant 0 : i32
        %dma_start3A_1601 = tpu.memref_slice %arg3[%squeeze3A_1586, %squeeze3A_1588, %dma_start3A_1600] : memref<125000x8x64xf32, #tpu.memory_space<hbm>> -> memref<1x1x64xf32, #tpu.memory_space<hbm>>
        %dma_start3A_1602 = tpu.memref_squeeze %dma_start3A_1601 : memref<1x1x64xf32, #tpu.memory_space<hbm>> -> memref<64xf32, #tpu.memory_space<hbm>>
        tpu.enqueue_dma source(%dma_start3A_1602 : memref<64xf32, #tpu.memory_space<hbm>>) target(%dma_start3A_1599 : memref<64xf32, #tpu.memory_space<vmem>>) target_semaphore(%arg7 : memref<!tpu.dma_semaphore, #tpu.memory_space<semaphore_mem>>)
        %slice3A_1603 = vector.extract_strided_slice %shift_right_logical3A_1527 {offsets = [4], sizes = [1], strides = [1]} : vector<16xi32> to vector<1xi32>
        %squeeze3A_1604 = vector.extract %slice3A_1603[0] : i32 from vector<1xi32>
        %slice3A_1605 = vector.extract_strided_slice %and3A_1530 {offsets = [4], sizes = [1], strides = [1]} : vector<16xi32> to vector<1xi32>
        %squeeze3A_1606 = vector.extract %slice3A_1605[0] : i32 from vector<1xi32>
        %add3A_1607 = arith.constant 4 : i32
        %add3A_1608 = arith.addi %multiple_of3A_1521, %add3A_1607 : i32
        %dma_start3A_1609 = arith.constant 0 : i32
        %dma_start3A_1610 = tpu.memref_slice %arg6[%add3A_1608, %dma_start3A_1609] : memref<512x64xf32, #tpu.memory_space<vmem>> -> memref<1x64xf32, #tpu.memory_space<vmem>>
        %dma_start3A_1611 = tpu.memref_squeeze %dma_start3A_1610 : memref<1x64xf32, #tpu.memory_space<vmem>> -> memref<64xf32, #tpu.memory_space<vmem>>
        %dma_start3A_1612 = arith.constant 0 : i32
        %dma_start3A_1613 = tpu.memref_slice %arg3[%squeeze3A_1604, %squeeze3A_1606, %dma_start3A_1612] : memref<125000x8x64xf32, #tpu.memory_space<hbm>> -> memref<1x1x64xf32, #tpu.memory_space<hbm>>
        %dma_start3A_1614 = tpu.memref_squeeze %dma_start3A_1613 : memref<1x1x64xf32, #tpu.memory_space<hbm>> -> memref<64xf32, #tpu.memory_space<hbm>>
        %dma_start3A_1615 = arith.constant 0 : i32
        %dma_start3A_1616 = tpu.memref_slice %arg6[%add3A_1608, %dma_start3A_1615] : memref<512x64xf32, #tpu.memory_space<vmem>> -> memref<1x64xf32, #tpu.memory_space<vmem>>
        %dma_start3A_1617 = tpu.memref_squeeze %dma_start3A_1616 : memref<1x64xf32, #tpu.memory_space<vmem>> -> memref<64xf32, #tpu.memory_space<vmem>>
        %dma_start3A_1618 = arith.constant 0 : i32
        %dma_start3A_1619 = tpu.memref_slice %arg3[%squeeze3A_1604, %squeeze3A_1606, %dma_start3A_1618] : memref<125000x8x64xf32, #tpu.memory_space<hbm>> -> memref<1x1x64xf32, #tpu.memory_space<hbm>>
        %dma_start3A_1620 = tpu.memref_squeeze %dma_start3A_1619 : memref<1x1x64xf32, #tpu.memory_space<hbm>> -> memref<64xf32, #tpu.memory_space<hbm>>
        tpu.enqueue_dma source(%dma_start3A_1620 : memref<64xf32, #tpu.memory_space<hbm>>) target(%dma_start3A_1617 : memref<64xf32, #tpu.memory_space<vmem>>) target_semaphore(%arg7 : memref<!tpu.dma_semaphore, #tpu.memory_space<semaphore_mem>>)
        %slice3A_1621 = vector.extract_strided_slice %shift_right_logical3A_1527 {offsets = [5], sizes = [1], strides = [1]} : vector<16xi32> to vector<1xi32>
        %squeeze3A_1622 = vector.extract %slice3A_1621[0] : i32 from vector<1xi32>
        %slice3A_1623 = vector.extract_strided_slice %and3A_1530 {offsets = [5], sizes = [1], strides = [1]} : vector<16xi32> to vector<1xi32>
        %squeeze3A_1624 = vector.extract %slice3A_1623[0] : i32 from vector<1xi32>
        %add3A_1625 = arith.constant 5 : i32
        %add3A_1626 = arith.addi %multiple_of3A_1521, %add3A_1625 : i32
        %dma_start3A_1627 = arith.constant 0 : i32
        %dma_start3A_1628 = tpu.memref_slice %arg6[%add3A_1626, %dma_start3A_1627] : memref<512x64xf32, #tpu.memory_space<vmem>> -> memref<1x64xf32, #tpu.memory_space<vmem>>
        %dma_start3A_1629 = tpu.memref_squeeze %dma_start3A_1628 : memref<1x64xf32, #tpu.memory_space<vmem>> -> memref<64xf32, #tpu.memory_space<vmem>>
        %dma_start3A_1630 = arith.constant 0 : i32
        %dma_start3A_1631 = tpu.memref_slice %arg3[%squeeze3A_1622, %squeeze3A_1624, %dma_start3A_1630] : memref<125000x8x64xf32, #tpu.memory_space<hbm>> -> memref<1x1x64xf32, #tpu.memory_space<hbm>>
        %dma_start3A_1632 = tpu.memref_squeeze %dma_start3A_1631 : memref<1x1x64xf32, #tpu.memory_space<hbm>> -> memref<64xf32, #tpu.memory_space<hbm>>
        %dma_start3A_1633 = arith.constant 0 : i32
        %dma_start3A_1634 = tpu.memref_slice %arg6[%add3A_1626, %dma_start3A_1633] : memref<512x64xf32, #tpu.memory_space<vmem>> -> memref<1x64xf32, #tpu.memory_space<vmem>>
        %dma_start3A_1635 = tpu.memref_squeeze %dma_start3A_1634 : memref<1x64xf32, #tpu.memory_space<vmem>> -> memref<64xf32, #tpu.memory_space<vmem>>
        %dma_start3A_1636 = arith.constant 0 : i32
        %dma_start3A_1637 = tpu.memref_slice %arg3[%squeeze3A_1622, %squeeze3A_1624, %dma_start3A_1636] : memref<125000x8x64xf32, #tpu.memory_space<hbm>> -> memref<1x1x64xf32, #tpu.memory_space<hbm>>
        %dma_start3A_1638 = tpu.memref_squeeze %dma_start3A_1637 : memref<1x1x64xf32, #tpu.memory_space<hbm>> -> memref<64xf32, #tpu.memory_space<hbm>>
        tpu.enqueue_dma source(%dma_start3A_1638 : memref<64xf32, #tpu.memory_space<hbm>>) target(%dma_start3A_1635 : memref<64xf32, #tpu.memory_space<vmem>>) target_semaphore(%arg7 : memref<!tpu.dma_semaphore, #tpu.memory_space<semaphore_mem>>)
        %slice3A_1639 = vector.extract_strided_slice %shift_right_logical3A_1527 {offsets = [6], sizes = [1], strides = [1]} : vector<16xi32> to vector<1xi32>
        %squeeze3A_1640 = vector.extract %slice3A_1639[0] : i32 from vector<1xi32>
        %slice3A_1641 = vector.extract_strided_slice %and3A_1530 {offsets = [6], sizes = [1], strides = [1]} : vector<16xi32> to vector<1xi32>
        %squeeze3A_1642 = vector.extract %slice3A_1641[0] : i32 from vector<1xi32>
        %add3A_1643 = arith.constant 6 : i32
        %add3A_1644 = arith.addi %multiple_of3A_1521, %add3A_1643 : i32
        %dma_start3A_1645 = arith.constant 0 : i32
        %dma_start3A_1646 = tpu.memref_slice %arg6[%add3A_1644, %dma_start3A_1645] : memref<512x64xf32, #tpu.memory_space<vmem>> -> memref<1x64xf32, #tpu.memory_space<vmem>>
        %dma_start3A_1647 = tpu.memref_squeeze %dma_start3A_1646 : memref<1x64xf32, #tpu.memory_space<vmem>> -> memref<64xf32, #tpu.memory_space<vmem>>
        %dma_start3A_1648 = arith.constant 0 : i32
        %dma_start3A_1649 = tpu.memref_slice %arg3[%squeeze3A_1640, %squeeze3A_1642, %dma_start3A_1648] : memref<125000x8x64xf32, #tpu.memory_space<hbm>> -> memref<1x1x64xf32, #tpu.memory_space<hbm>>
        %dma_start3A_1650 = tpu.memref_squeeze %dma_start3A_1649 : memref<1x1x64xf32, #tpu.memory_space<hbm>> -> memref<64xf32, #tpu.memory_space<hbm>>
        %dma_start3A_1651 = arith.constant 0 : i32
        %dma_start3A_1652 = tpu.memref_slice %arg6[%add3A_1644, %dma_start3A_1651] : memref<512x64xf32, #tpu.memory_space<vmem>> -> memref<1x64xf32, #tpu.memory_space<vmem>>
        %dma_start3A_1653 = tpu.memref_squeeze %dma_start3A_1652 : memref<1x64xf32, #tpu.memory_space<vmem>> -> memref<64xf32, #tpu.memory_space<vmem>>
        %dma_start3A_1654 = arith.constant 0 : i32
        %dma_start3A_1655 = tpu.memref_slice %arg3[%squeeze3A_1640, %squeeze3A_1642, %dma_start3A_1654] : memref<125000x8x64xf32, #tpu.memory_space<hbm>> -> memref<1x1x64xf32, #tpu.memory_space<hbm>>
        %dma_start3A_1656 = tpu.memref_squeeze %dma_start3A_1655 : memref<1x1x64xf32, #tpu.memory_space<hbm>> -> memref<64xf32, #tpu.memory_space<hbm>>
        tpu.enqueue_dma source(%dma_start3A_1656 : memref<64xf32, #tpu.memory_space<hbm>>) target(%dma_start3A_1653 : memref<64xf32, #tpu.memory_space<vmem>>) target_semaphore(%arg7 : memref<!tpu.dma_semaphore, #tpu.memory_space<semaphore_mem>>)
        %slice3A_1657 = vector.extract_strided_slice %shift_right_logical3A_1527 {offsets = [7], sizes = [1], strides = [1]} : vector<16xi32> to vector<1xi32>
        %squeeze3A_1658 = vector.extract %slice3A_1657[0] : i32 from vector<1xi32>
        %slice3A_1659 = vector.extract_strided_slice %and3A_1530 {offsets = [7], sizes = [1], strides = [1]} : vector<16xi32> to vector<1xi32>
        %squeeze3A_1660 = vector.extract %slice3A_1659[0] : i32 from vector<1xi32>
        %add3A_1661 = arith.constant 7 : i32
        %add3A_1662 = arith.addi %multiple_of3A_1521, %add3A_1661 : i32
        %dma_start3A_1663 = arith.constant 0 : i32
        %dma_start3A_1664 = tpu.memref_slice %arg6[%add3A_1662, %dma_start3A_1663] : memref<512x64xf32, #tpu.memory_space<vmem>> -> memref<1x64xf32, #tpu.memory_space<vmem>>
        %dma_start3A_1665 = tpu.memref_squeeze %dma_start3A_1664 : memref<1x64xf32, #tpu.memory_space<vmem>> -> memref<64xf32, #tpu.memory_space<vmem>>
        %dma_start3A_1666 = arith.constant 0 : i32
        %dma_start3A_1667 = tpu.memref_slice %arg3[%squeeze3A_1658, %squeeze3A_1660, %dma_start3A_1666] : memref<125000x8x64xf32, #tpu.memory_space<hbm>> -> memref<1x1x64xf32, #tpu.memory_space<hbm>>
        %dma_start3A_1668 = tpu.memref_squeeze %dma_start3A_1667 : memref<1x1x64xf32, #tpu.memory_space<hbm>> -> memref<64xf32, #tpu.memory_space<hbm>>
        %dma_start3A_1669 = arith.constant 0 : i32
        %dma_start3A_1670 = tpu.memref_slice %arg6[%add3A_1662, %dma_start3A_1669] : memref<512x64xf32, #tpu.memory_space<vmem>> -> memref<1x64xf32, #tpu.memory_space<vmem>>
        %dma_start3A_1671 = tpu.memref_squeeze %dma_start3A_1670 : memref<1x64xf32, #tpu.memory_space<vmem>> -> memref<64xf32, #tpu.memory_space<vmem>>
        %dma_start3A_1672 = arith.constant 0 : i32
        %dma_start3A_1673 = tpu.memref_slice %arg3[%squeeze3A_1658, %squeeze3A_1660, %dma_start3A_1672] : memref<125000x8x64xf32, #tpu.memory_space<hbm>> -> memref<1x1x64xf32, #tpu.memory_space<hbm>>
        %dma_start3A_1674 = tpu.memref_squeeze %dma_start3A_1673 : memref<1x1x64xf32, #tpu.memory_space<hbm>> -> memref<64xf32, #tpu.memory_space<hbm>>
        tpu.enqueue_dma source(%dma_start3A_1674 : memref<64xf32, #tpu.memory_space<hbm>>) target(%dma_start3A_1671 : memref<64xf32, #tpu.memory_space<vmem>>) target_semaphore(%arg7 : memref<!tpu.dma_semaphore, #tpu.memory_space<semaphore_mem>>)
        %slice3A_1675 = vector.extract_strided_slice %shift_right_logical3A_1527 {offsets = [8], sizes = [1], strides = [1]} : vector<16xi32> to vector<1xi32>
        %squeeze3A_1676 = vector.extract %slice3A_1675[0] : i32 from vector<1xi32>
        %slice3A_1677 = vector.extract_strided_slice %and3A_1530 {offsets = [8], sizes = [1], strides = [1]} : vector<16xi32> to vector<1xi32>
        %squeeze3A_1678 = vector.extract %slice3A_1677[0] : i32 from vector<1xi32>
        %add3A_1679 = arith.constant 8 : i32
        %add3A_1680 = arith.addi %multiple_of3A_1521, %add3A_1679 : i32
        %dma_start3A_1681 = arith.constant 0 : i32
        %dma_start3A_1682 = tpu.memref_slice %arg6[%add3A_1680, %dma_start3A_1681] : memref<512x64xf32, #tpu.memory_space<vmem>> -> memref<1x64xf32, #tpu.memory_space<vmem>>
        %dma_start3A_1683 = tpu.memref_squeeze %dma_start3A_1682 : memref<1x64xf32, #tpu.memory_space<vmem>> -> memref<64xf32, #tpu.memory_space<vmem>>
        %dma_start3A_1684 = arith.constant 0 : i32
        %dma_start3A_1685 = tpu.memref_slice %arg3[%squeeze3A_1676, %squeeze3A_1678, %dma_start3A_1684] : memref<125000x8x64xf32, #tpu.memory_space<hbm>> -> memref<1x1x64xf32, #tpu.memory_space<hbm>>
        %dma_start3A_1686 = tpu.memref_squeeze %dma_start3A_1685 : memref<1x1x64xf32, #tpu.memory_space<hbm>> -> memref<64xf32, #tpu.memory_space<hbm>>
        %dma_start3A_1687 = arith.constant 0 : i32
        %dma_start3A_1688 = tpu.memref_slice %arg6[%add3A_1680, %dma_start3A_1687] : memref<512x64xf32, #tpu.memory_space<vmem>> -> memref<1x64xf32, #tpu.memory_space<vmem>>
        %dma_start3A_1689 = tpu.memref_squeeze %dma_start3A_1688 : memref<1x64xf32, #tpu.memory_space<vmem>> -> memref<64xf32, #tpu.memory_space<vmem>>
        %dma_start3A_1690 = arith.constant 0 : i32
        %dma_start3A_1691 = tpu.memref_slice %arg3[%squeeze3A_1676, %squeeze3A_1678, %dma_start3A_1690] : memref<125000x8x64xf32, #tpu.memory_space<hbm>> -> memref<1x1x64xf32, #tpu.memory_space<hbm>>
        %dma_start3A_1692 = tpu.memref_squeeze %dma_start3A_1691 : memref<1x1x64xf32, #tpu.memory_space<hbm>> -> memref<64xf32, #tpu.memory_space<hbm>>
        tpu.enqueue_dma source(%dma_start3A_1692 : memref<64xf32, #tpu.memory_space<hbm>>) target(%dma_start3A_1689 : memref<64xf32, #tpu.memory_space<vmem>>) target_semaphore(%arg7 : memref<!tpu.dma_semaphore, #tpu.memory_space<semaphore_mem>>)
        %slice3A_1693 = vector.extract_strided_slice %shift_right_logical3A_1527 {offsets = [9], sizes = [1], strides = [1]} : vector<16xi32> to vector<1xi32>
        %squeeze3A_1694 = vector.extract %slice3A_1693[0] : i32 from vector<1xi32>
        %slice3A_1695 = vector.extract_strided_slice %and3A_1530 {offsets = [9], sizes = [1], strides = [1]} : vector<16xi32> to vector<1xi32>
        %squeeze3A_1696 = vector.extract %slice3A_1695[0] : i32 from vector<1xi32>
        %add3A_1697 = arith.constant 9 : i32
        %add3A_1698 = arith.addi %multiple_of3A_1521, %add3A_1697 : i32
        %dma_start3A_1699 = arith.constant 0 : i32
        %dma_start3A_1700 = tpu.memref_slice %arg6[%add3A_1698, %dma_start3A_1699] : memref<512x64xf32, #tpu.memory_space<vmem>> -> memref<1x64xf32, #tpu.memory_space<vmem>>
        %dma_start3A_1701 = tpu.memref_squeeze %dma_start3A_1700 : memref<1x64xf32, #tpu.memory_space<vmem>> -> memref<64xf32, #tpu.memory_space<vmem>>
        %dma_start3A_1702 = arith.constant 0 : i32
        %dma_start3A_1703 = tpu.memref_slice %arg3[%squeeze3A_1694, %squeeze3A_1696, %dma_start3A_1702] : memref<125000x8x64xf32, #tpu.memory_space<hbm>> -> memref<1x1x64xf32, #tpu.memory_space<hbm>>
        %dma_start3A_1704 = tpu.memref_squeeze %dma_start3A_1703 : memref<1x1x64xf32, #tpu.memory_space<hbm>> -> memref<64xf32, #tpu.memory_space<hbm>>
        %dma_start3A_1705 = arith.constant 0 : i32
        %dma_start3A_1706 = tpu.memref_slice %arg6[%add3A_1698, %dma_start3A_1705] : memref<512x64xf32, #tpu.memory_space<vmem>> -> memref<1x64xf32, #tpu.memory_space<vmem>>
        %dma_start3A_1707 = tpu.memref_squeeze %dma_start3A_1706 : memref<1x64xf32, #tpu.memory_space<vmem>> -> memref<64xf32, #tpu.memory_space<vmem>>
        %dma_start3A_1708 = arith.constant 0 : i32
        %dma_start3A_1709 = tpu.memref_slice %arg3[%squeeze3A_1694, %squeeze3A_1696, %dma_start3A_1708] : memref<125000x8x64xf32, #tpu.memory_space<hbm>> -> memref<1x1x64xf32, #tpu.memory_space<hbm>>
        %dma_start3A_1710 = tpu.memref_squeeze %dma_start3A_1709 : memref<1x1x64xf32, #tpu.memory_space<hbm>> -> memref<64xf32, #tpu.memory_space<hbm>>
        tpu.enqueue_dma source(%dma_start3A_1710 : memref<64xf32, #tpu.memory_space<hbm>>) target(%dma_start3A_1707 : memref<64xf32, #tpu.memory_space<vmem>>) target_semaphore(%arg7 : memref<!tpu.dma_semaphore, #tpu.memory_space<semaphore_mem>>)
        %slice3A_1711 = vector.extract_strided_slice %shift_right_logical3A_1527 {offsets = [10], sizes = [1], strides = [1]} : vector<16xi32> to vector<1xi32>
        %squeeze3A_1712 = vector.extract %slice3A_1711[0] : i32 from vector<1xi32>
        %slice3A_1713 = vector.extract_strided_slice %and3A_1530 {offsets = [10], sizes = [1], strides = [1]} : vector<16xi32> to vector<1xi32>
        %squeeze3A_1714 = vector.extract %slice3A_1713[0] : i32 from vector<1xi32>
        %add3A_1715 = arith.constant 10 : i32
        %add3A_1716 = arith.addi %multiple_of3A_1521, %add3A_1715 : i32
        %dma_start3A_1717 = arith.constant 0 : i32
        %dma_start3A_1718 = tpu.memref_slice %arg6[%add3A_1716, %dma_start3A_1717] : memref<512x64xf32, #tpu.memory_space<vmem>> -> memref<1x64xf32, #tpu.memory_space<vmem>>
        %dma_start3A_1719 = tpu.memref_squeeze %dma_start3A_1718 : memref<1x64xf32, #tpu.memory_space<vmem>> -> memref<64xf32, #tpu.memory_space<vmem>>
        %dma_start3A_1720 = arith.constant 0 : i32
        %dma_start3A_1721 = tpu.memref_slice %arg3[%squeeze3A_1712, %squeeze3A_1714, %dma_start3A_1720] : memref<125000x8x64xf32, #tpu.memory_space<hbm>> -> memref<1x1x64xf32, #tpu.memory_space<hbm>>
        %dma_start3A_1722 = tpu.memref_squeeze %dma_start3A_1721 : memref<1x1x64xf32, #tpu.memory_space<hbm>> -> memref<64xf32, #tpu.memory_space<hbm>>
        %dma_start3A_1723 = arith.constant 0 : i32
        %dma_start3A_1724 = tpu.memref_slice %arg6[%add3A_1716, %dma_start3A_1723] : memref<512x64xf32, #tpu.memory_space<vmem>> -> memref<1x64xf32, #tpu.memory_space<vmem>>
        %dma_start3A_1725 = tpu.memref_squeeze %dma_start3A_1724 : memref<1x64xf32, #tpu.memory_space<vmem>> -> memref<64xf32, #tpu.memory_space<vmem>>
        %dma_start3A_1726 = arith.constant 0 : i32
        %dma_start3A_1727 = tpu.memref_slice %arg3[%squeeze3A_1712, %squeeze3A_1714, %dma_start3A_1726] : memref<125000x8x64xf32, #tpu.memory_space<hbm>> -> memref<1x1x64xf32, #tpu.memory_space<hbm>>
        %dma_start3A_1728 = tpu.memref_squeeze %dma_start3A_1727 : memref<1x1x64xf32, #tpu.memory_space<hbm>> -> memref<64xf32, #tpu.memory_space<hbm>>
        tpu.enqueue_dma source(%dma_start3A_1728 : memref<64xf32, #tpu.memory_space<hbm>>) target(%dma_start3A_1725 : memref<64xf32, #tpu.memory_space<vmem>>) target_semaphore(%arg7 : memref<!tpu.dma_semaphore, #tpu.memory_space<semaphore_mem>>)
        %slice3A_1729 = vector.extract_strided_slice %shift_right_logical3A_1527 {offsets = [11], sizes = [1], strides = [1]} : vector<16xi32> to vector<1xi32>
        %squeeze3A_1730 = vector.extract %slice3A_1729[0] : i32 from vector<1xi32>
        %slice3A_1731 = vector.extract_strided_slice %and3A_1530 {offsets = [11], sizes = [1], strides = [1]} : vector<16xi32> to vector<1xi32>
        %squeeze3A_1732 = vector.extract %slice3A_1731[0] : i32 from vector<1xi32>
        %add3A_1733 = arith.constant 11 : i32
        %add3A_1734 = arith.addi %multiple_of3A_1521, %add3A_1733 : i32
        %dma_start3A_1735 = arith.constant 0 : i32
        %dma_start3A_1736 = tpu.memref_slice %arg6[%add3A_1734, %dma_start3A_1735] : memref<512x64xf32, #tpu.memory_space<vmem>> -> memref<1x64xf32, #tpu.memory_space<vmem>>
        %dma_start3A_1737 = tpu.memref_squeeze %dma_start3A_1736 : memref<1x64xf32, #tpu.memory_space<vmem>> -> memref<64xf32, #tpu.memory_space<vmem>>
        %dma_start3A_1738 = arith.constant 0 : i32
        %dma_start3A_1739 = tpu.memref_slice %arg3[%squeeze3A_1730, %squeeze3A_1732, %dma_start3A_1738] : memref<125000x8x64xf32, #tpu.memory_space<hbm>> -> memref<1x1x64xf32, #tpu.memory_space<hbm>>
        %dma_start3A_1740 = tpu.memref_squeeze %dma_start3A_1739 : memref<1x1x64xf32, #tpu.memory_space<hbm>> -> memref<64xf32, #tpu.memory_space<hbm>>
        %dma_start3A_1741 = arith.constant 0 : i32
        %dma_start3A_1742 = tpu.memref_slice %arg6[%add3A_1734, %dma_start3A_1741] : memref<512x64xf32, #tpu.memory_space<vmem>> -> memref<1x64xf32, #tpu.memory_space<vmem>>
        %dma_start3A_1743 = tpu.memref_squeeze %dma_start3A_1742 : memref<1x64xf32, #tpu.memory_space<vmem>> -> memref<64xf32, #tpu.memory_space<vmem>>
        %dma_start3A_1744 = arith.constant 0 : i32
        %dma_start3A_1745 = tpu.memref_slice %arg3[%squeeze3A_1730, %squeeze3A_1732, %dma_start3A_1744] : memref<125000x8x64xf32, #tpu.memory_space<hbm>> -> memref<1x1x64xf32, #tpu.memory_space<hbm>>
        %dma_start3A_1746 = tpu.memref_squeeze %dma_start3A_1745 : memref<1x1x64xf32, #tpu.memory_space<hbm>> -> memref<64xf32, #tpu.memory_space<hbm>>
        tpu.enqueue_dma source(%dma_start3A_1746 : memref<64xf32, #tpu.memory_space<hbm>>) target(%dma_start3A_1743 : memref<64xf32, #tpu.memory_space<vmem>>) target_semaphore(%arg7 : memref<!tpu.dma_semaphore, #tpu.memory_space<semaphore_mem>>)
        %slice3A_1747 = vector.extract_strided_slice %shift_right_logical3A_1527 {offsets = [12], sizes = [1], strides = [1]} : vector<16xi32> to vector<1xi32>
        %squeeze3A_1748 = vector.extract %slice3A_1747[0] : i32 from vector<1xi32>
        %slice3A_1749 = vector.extract_strided_slice %and3A_1530 {offsets = [12], sizes = [1], strides = [1]} : vector<16xi32> to vector<1xi32>
        %squeeze3A_1750 = vector.extract %slice3A_1749[0] : i32 from vector<1xi32>
        %add3A_1751 = arith.constant 12 : i32
        %add3A_1752 = arith.addi %multiple_of3A_1521, %add3A_1751 : i32
        %dma_start3A_1753 = arith.constant 0 : i32
        %dma_start3A_1754 = tpu.memref_slice %arg6[%add3A_1752, %dma_start3A_1753] : memref<512x64xf32, #tpu.memory_space<vmem>> -> memref<1x64xf32, #tpu.memory_space<vmem>>
        %dma_start3A_1755 = tpu.memref_squeeze %dma_start3A_1754 : memref<1x64xf32, #tpu.memory_space<vmem>> -> memref<64xf32, #tpu.memory_space<vmem>>
        %dma_start3A_1756 = arith.constant 0 : i32
        %dma_start3A_1757 = tpu.memref_slice %arg3[%squeeze3A_1748, %squeeze3A_1750, %dma_start3A_1756] : memref<125000x8x64xf32, #tpu.memory_space<hbm>> -> memref<1x1x64xf32, #tpu.memory_space<hbm>>
        %dma_start3A_1758 = tpu.memref_squeeze %dma_start3A_1757 : memref<1x1x64xf32, #tpu.memory_space<hbm>> -> memref<64xf32, #tpu.memory_space<hbm>>
        %dma_start3A_1759 = arith.constant 0 : i32
        %dma_start3A_1760 = tpu.memref_slice %arg6[%add3A_1752, %dma_start3A_1759] : memref<512x64xf32, #tpu.memory_space<vmem>> -> memref<1x64xf32, #tpu.memory_space<vmem>>
        %dma_start3A_1761 = tpu.memref_squeeze %dma_start3A_1760 : memref<1x64xf32, #tpu.memory_space<vmem>> -> memref<64xf32, #tpu.memory_space<vmem>>
        %dma_start3A_1762 = arith.constant 0 : i32
        %dma_start3A_1763 = tpu.memref_slice %arg3[%squeeze3A_1748, %squeeze3A_1750, %dma_start3A_1762] : memref<125000x8x64xf32, #tpu.memory_space<hbm>> -> memref<1x1x64xf32, #tpu.memory_space<hbm>>
        %dma_start3A_1764 = tpu.memref_squeeze %dma_start3A_1763 : memref<1x1x64xf32, #tpu.memory_space<hbm>> -> memref<64xf32, #tpu.memory_space<hbm>>
        tpu.enqueue_dma source(%dma_start3A_1764 : memref<64xf32, #tpu.memory_space<hbm>>) target(%dma_start3A_1761 : memref<64xf32, #tpu.memory_space<vmem>>) target_semaphore(%arg7 : memref<!tpu.dma_semaphore, #tpu.memory_space<semaphore_mem>>)
        %slice3A_1765 = vector.extract_strided_slice %shift_right_logical3A_1527 {offsets = [13], sizes = [1], strides = [1]} : vector<16xi32> to vector<1xi32>
        %squeeze3A_1766 = vector.extract %slice3A_1765[0] : i32 from vector<1xi32>
        %slice3A_1767 = vector.extract_strided_slice %and3A_1530 {offsets = [13], sizes = [1], strides = [1]} : vector<16xi32> to vector<1xi32>
        %squeeze3A_1768 = vector.extract %slice3A_1767[0] : i32 from vector<1xi32>
        %add3A_1769 = arith.constant 13 : i32
        %add3A_1770 = arith.addi %multiple_of3A_1521, %add3A_1769 : i32
        %dma_start3A_1771 = arith.constant 0 : i32
        %dma_start3A_1772 = tpu.memref_slice %arg6[%add3A_1770, %dma_start3A_1771] : memref<512x64xf32, #tpu.memory_space<vmem>> -> memref<1x64xf32, #tpu.memory_space<vmem>>
        %dma_start3A_1773 = tpu.memref_squeeze %dma_start3A_1772 : memref<1x64xf32, #tpu.memory_space<vmem>> -> memref<64xf32, #tpu.memory_space<vmem>>
        %dma_start3A_1774 = arith.constant 0 : i32
        %dma_start3A_1775 = tpu.memref_slice %arg3[%squeeze3A_1766, %squeeze3A_1768, %dma_start3A_1774] : memref<125000x8x64xf32, #tpu.memory_space<hbm>> -> memref<1x1x64xf32, #tpu.memory_space<hbm>>
        %dma_start3A_1776 = tpu.memref_squeeze %dma_start3A_1775 : memref<1x1x64xf32, #tpu.memory_space<hbm>> -> memref<64xf32, #tpu.memory_space<hbm>>
        %dma_start3A_1777 = arith.constant 0 : i32
        %dma_start3A_1778 = tpu.memref_slice %arg6[%add3A_1770, %dma_start3A_1777] : memref<512x64xf32, #tpu.memory_space<vmem>> -> memref<1x64xf32, #tpu.memory_space<vmem>>
        %dma_start3A_1779 = tpu.memref_squeeze %dma_start3A_1778 : memref<1x64xf32, #tpu.memory_space<vmem>> -> memref<64xf32, #tpu.memory_space<vmem>>
        %dma_start3A_1780 = arith.constant 0 : i32
        %dma_start3A_1781 = tpu.memref_slice %arg3[%squeeze3A_1766, %squeeze3A_1768, %dma_start3A_1780] : memref<125000x8x64xf32, #tpu.memory_space<hbm>> -> memref<1x1x64xf32, #tpu.memory_space<hbm>>
        %dma_start3A_1782 = tpu.memref_squeeze %dma_start3A_1781 : memref<1x1x64xf32, #tpu.memory_space<hbm>> -> memref<64xf32, #tpu.memory_space<hbm>>
        tpu.enqueue_dma source(%dma_start3A_1782 : memref<64xf32, #tpu.memory_space<hbm>>) target(%dma_start3A_1779 : memref<64xf32, #tpu.memory_space<vmem>>) target_semaphore(%arg7 : memref<!tpu.dma_semaphore, #tpu.memory_space<semaphore_mem>>)
        %slice3A_1783 = vector.extract_strided_slice %shift_right_logical3A_1527 {offsets = [14], sizes = [1], strides = [1]} : vector<16xi32> to vector<1xi32>
        %squeeze3A_1784 = vector.extract %slice3A_1783[0] : i32 from vector<1xi32>
        %slice3A_1785 = vector.extract_strided_slice %and3A_1530 {offsets = [14], sizes = [1], strides = [1]} : vector<16xi32> to vector<1xi32>
        %squeeze3A_1786 = vector.extract %slice3A_1785[0] : i32 from vector<1xi32>
        %add3A_1787 = arith.constant 14 : i32
        %add3A_1788 = arith.addi %multiple_of3A_1521, %add3A_1787 : i32
        %dma_start3A_1789 = arith.constant 0 : i32
        %dma_start3A_1790 = tpu.memref_slice %arg6[%add3A_1788, %dma_start3A_1789] : memref<512x64xf32, #tpu.memory_space<vmem>> -> memref<1x64xf32, #tpu.memory_space<vmem>>
        %dma_start3A_1791 = tpu.memref_squeeze %dma_start3A_1790 : memref<1x64xf32, #tpu.memory_space<vmem>> -> memref<64xf32, #tpu.memory_space<vmem>>
        %dma_start3A_1792 = arith.constant 0 : i32
        %dma_start3A_1793 = tpu.memref_slice %arg3[%squeeze3A_1784, %squeeze3A_1786, %dma_start3A_1792] : memref<125000x8x64xf32, #tpu.memory_space<hbm>> -> memref<1x1x64xf32, #tpu.memory_space<hbm>>
        %dma_start3A_1794 = tpu.memref_squeeze %dma_start3A_1793 : memref<1x1x64xf32, #tpu.memory_space<hbm>> -> memref<64xf32, #tpu.memory_space<hbm>>
        %dma_start3A_1795 = arith.constant 0 : i32
        %dma_start3A_1796 = tpu.memref_slice %arg6[%add3A_1788, %dma_start3A_1795] : memref<512x64xf32, #tpu.memory_space<vmem>> -> memref<1x64xf32, #tpu.memory_space<vmem>>
        %dma_start3A_1797 = tpu.memref_squeeze %dma_start3A_1796 : memref<1x64xf32, #tpu.memory_space<vmem>> -> memref<64xf32, #tpu.memory_space<vmem>>
        %dma_start3A_1798 = arith.constant 0 : i32
        %dma_start3A_1799 = tpu.memref_slice %arg3[%squeeze3A_1784, %squeeze3A_1786, %dma_start3A_1798] : memref<125000x8x64xf32, #tpu.memory_space<hbm>> -> memref<1x1x64xf32, #tpu.memory_space<hbm>>
        %dma_start3A_1800 = tpu.memref_squeeze %dma_start3A_1799 : memref<1x1x64xf32, #tpu.memory_space<hbm>> -> memref<64xf32, #tpu.memory_space<hbm>>
        tpu.enqueue_dma source(%dma_start3A_1800 : memref<64xf32, #tpu.memory_space<hbm>>) target(%dma_start3A_1797 : memref<64xf32, #tpu.memory_space<vmem>>) target_semaphore(%arg7 : memref<!tpu.dma_semaphore, #tpu.memory_space<semaphore_mem>>)
        %slice3A_1801 = vector.extract_strided_slice %shift_right_logical3A_1527 {offsets = [15], sizes = [1], strides = [1]} : vector<16xi32> to vector<1xi32>
        %squeeze3A_1802 = vector.extract %slice3A_1801[0] : i32 from vector<1xi32>
        %slice3A_1803 = vector.extract_strided_slice %and3A_1530 {offsets = [15], sizes = [1], strides = [1]} : vector<16xi32> to vector<1xi32>
        %squeeze3A_1804 = vector.extract %slice3A_1803[0] : i32 from vector<1xi32>
        %add3A_1805 = arith.constant 15 : i32
        %add3A_1806 = arith.addi %multiple_of3A_1521, %add3A_1805 : i32
        %dma_start3A_1807 = arith.constant 0 : i32
        %dma_start3A_1808 = tpu.memref_slice %arg6[%add3A_1806, %dma_start3A_1807] : memref<512x64xf32, #tpu.memory_space<vmem>> -> memref<1x64xf32, #tpu.memory_space<vmem>>
        %dma_start3A_1809 = tpu.memref_squeeze %dma_start3A_1808 : memref<1x64xf32, #tpu.memory_space<vmem>> -> memref<64xf32, #tpu.memory_space<vmem>>
        %dma_start3A_1810 = arith.constant 0 : i32
        %dma_start3A_1811 = tpu.memref_slice %arg3[%squeeze3A_1802, %squeeze3A_1804, %dma_start3A_1810] : memref<125000x8x64xf32, #tpu.memory_space<hbm>> -> memref<1x1x64xf32, #tpu.memory_space<hbm>>
        %dma_start3A_1812 = tpu.memref_squeeze %dma_start3A_1811 : memref<1x1x64xf32, #tpu.memory_space<hbm>> -> memref<64xf32, #tpu.memory_space<hbm>>
        %dma_start3A_1813 = arith.constant 0 : i32
        %dma_start3A_1814 = tpu.memref_slice %arg6[%add3A_1806, %dma_start3A_1813] : memref<512x64xf32, #tpu.memory_space<vmem>> -> memref<1x64xf32, #tpu.memory_space<vmem>>
        %dma_start3A_1815 = tpu.memref_squeeze %dma_start3A_1814 : memref<1x64xf32, #tpu.memory_space<vmem>> -> memref<64xf32, #tpu.memory_space<vmem>>
        %dma_start3A_1816 = arith.constant 0 : i32
        %dma_start3A_1817 = tpu.memref_slice %arg3[%squeeze3A_1802, %squeeze3A_1804, %dma_start3A_1816] : memref<125000x8x64xf32, #tpu.memory_space<hbm>> -> memref<1x1x64xf32, #tpu.memory_space<hbm>>
        %dma_start3A_1818 = tpu.memref_squeeze %dma_start3A_1817 : memref<1x1x64xf32, #tpu.memory_space<hbm>> -> memref<64xf32, #tpu.memory_space<hbm>>
        tpu.enqueue_dma source(%dma_start3A_1818 : memref<64xf32, #tpu.memory_space<hbm>>) target(%dma_start3A_1815 : memref<64xf32, #tpu.memory_space<vmem>>) target_semaphore(%arg7 : memref<!tpu.dma_semaphore, #tpu.memory_space<semaphore_mem>>)
        %mul3A_1819 = arith.constant 64 : i32
        %mul3A_1820 = arith.muli %add3A_1214, %mul3A_1819 : i32
        %add3A_1821 = arith.constant 32 : i32
        %add3A_1822 = arith.addi %mul3A_1820, %add3A_1821 : i32
        %multiple_of3A_1823 = tpu.assume_multiple %add3A_1822, 16 : i32
        %get3A_1824 = arith.index_cast %multiple_of3A_1823 : i32 to index
        %get3A_1825 = tpu.vector_load %arg5[%get3A_1824] {strides = array<i32>} : memref<512xi32, #tpu.memory_space<vmem>>, vector<16xi32>,
        %get3A_1826 = vector.shape_cast %get3A_1825 : vector<16xi32> to vector<16xi32>
        %shift_right_logical3A_1827 = arith.constant 3 : i32
        %shift_right_logical3A_1828 = vector.broadcast %shift_right_logical3A_1827 : i32 to vector<16xi32>
        %shift_right_logical3A_1829 = arith.shrui %get3A_1826, %shift_right_logical3A_1828 : vector<16xi32>
        %and3A_1830 = arith.constant 7 : i32
        %and3A_1831 = vector.broadcast %and3A_1830 : i32 to vector<16xi32>
        %and3A_1832 = arith.andi %get3A_1826, %and3A_1831 : vector<16xi32>
        %slice3A_1833 = vector.extract_strided_slice %shift_right_logical3A_1829 {offsets = [0], sizes = [1], strides = [1]} : vector<16xi32> to vector<1xi32>
        %squeeze3A_1834 = vector.extract %slice3A_1833[0] : i32 from vector<1xi32>
        %slice3A_1835 = vector.extract_strided_slice %and3A_1832 {offsets = [0], sizes = [1], strides = [1]} : vector<16xi32> to vector<1xi32>
        %squeeze3A_1836 = vector.extract %slice3A_1835[0] : i32 from vector<1xi32>
        %add3A_1837 = arith.constant 0 : i32
        %add3A_1838 = arith.addi %multiple_of3A_1823, %add3A_1837 : i32
        %dma_start3A_1839 = arith.constant 0 : i32
        %dma_start3A_1840 = tpu.memref_slice %arg6[%add3A_1838, %dma_start3A_1839] : memref<512x64xf32, #tpu.memory_space<vmem>> -> memref<1x64xf32, #tpu.memory_space<vmem>>
        %dma_start3A_1841 = tpu.memref_squeeze %dma_start3A_1840 : memref<1x64xf32, #tpu.memory_space<vmem>> -> memref<64xf32, #tpu.memory_space<vmem>>
        %dma_start3A_1842 = arith.constant 0 : i32
        %dma_start3A_1843 = tpu.memref_slice %arg3[%squeeze3A_1834, %squeeze3A_1836, %dma_start3A_1842] : memref<125000x8x64xf32, #tpu.memory_space<hbm>> -> memref<1x1x64xf32, #tpu.memory_space<hbm>>
        %dma_start3A_1844 = tpu.memref_squeeze %dma_start3A_1843 : memref<1x1x64xf32, #tpu.memory_space<hbm>> -> memref<64xf32, #tpu.memory_space<hbm>>
        %dma_start3A_1845 = arith.constant 0 : i32
        %dma_start3A_1846 = tpu.memref_slice %arg6[%add3A_1838, %dma_start3A_1845] : memref<512x64xf32, #tpu.memory_space<vmem>> -> memref<1x64xf32, #tpu.memory_space<vmem>>
        %dma_start3A_1847 = tpu.memref_squeeze %dma_start3A_1846 : memref<1x64xf32, #tpu.memory_space<vmem>> -> memref<64xf32, #tpu.memory_space<vmem>>
        %dma_start3A_1848 = arith.constant 0 : i32
        %dma_start3A_1849 = tpu.memref_slice %arg3[%squeeze3A_1834, %squeeze3A_1836, %dma_start3A_1848] : memref<125000x8x64xf32, #tpu.memory_space<hbm>> -> memref<1x1x64xf32, #tpu.memory_space<hbm>>
        %dma_start3A_1850 = tpu.memref_squeeze %dma_start3A_1849 : memref<1x1x64xf32, #tpu.memory_space<hbm>> -> memref<64xf32, #tpu.memory_space<hbm>>
        tpu.enqueue_dma source(%dma_start3A_1850 : memref<64xf32, #tpu.memory_space<hbm>>) target(%dma_start3A_1847 : memref<64xf32, #tpu.memory_space<vmem>>) target_semaphore(%arg7 : memref<!tpu.dma_semaphore, #tpu.memory_space<semaphore_mem>>)
        %slice3A_1851 = vector.extract_strided_slice %shift_right_logical3A_1829 {offsets = [1], sizes = [1], strides = [1]} : vector<16xi32> to vector<1xi32>
        %squeeze3A_1852 = vector.extract %slice3A_1851[0] : i32 from vector<1xi32>
        %slice3A_1853 = vector.extract_strided_slice %and3A_1832 {offsets = [1], sizes = [1], strides = [1]} : vector<16xi32> to vector<1xi32>
        %squeeze3A_1854 = vector.extract %slice3A_1853[0] : i32 from vector<1xi32>
        %add3A_1855 = arith.constant 1 : i32
        %add3A_1856 = arith.addi %multiple_of3A_1823, %add3A_1855 : i32
        %dma_start3A_1857 = arith.constant 0 : i32
        %dma_start3A_1858 = tpu.memref_slice %arg6[%add3A_1856, %dma_start3A_1857] : memref<512x64xf32, #tpu.memory_space<vmem>> -> memref<1x64xf32, #tpu.memory_space<vmem>>
        %dma_start3A_1859 = tpu.memref_squeeze %dma_start3A_1858 : memref<1x64xf32, #tpu.memory_space<vmem>> -> memref<64xf32, #tpu.memory_space<vmem>>
        %dma_start3A_1860 = arith.constant 0 : i32
        %dma_start3A_1861 = tpu.memref_slice %arg3[%squeeze3A_1852, %squeeze3A_1854, %dma_start3A_1860] : memref<125000x8x64xf32, #tpu.memory_space<hbm>> -> memref<1x1x64xf32, #tpu.memory_space<hbm>>
        %dma_start3A_1862 = tpu.memref_squeeze %dma_start3A_1861 : memref<1x1x64xf32, #tpu.memory_space<hbm>> -> memref<64xf32, #tpu.memory_space<hbm>>
        %dma_start3A_1863 = arith.constant 0 : i32
        %dma_start3A_1864 = tpu.memref_slice %arg6[%add3A_1856, %dma_start3A_1863] : memref<512x64xf32, #tpu.memory_space<vmem>> -> memref<1x64xf32, #tpu.memory_space<vmem>>
        %dma_start3A_1865 = tpu.memref_squeeze %dma_start3A_1864 : memref<1x64xf32, #tpu.memory_space<vmem>> -> memref<64xf32, #tpu.memory_space<vmem>>
        %dma_start3A_1866 = arith.constant 0 : i32
        %dma_start3A_1867 = tpu.memref_slice %arg3[%squeeze3A_1852, %squeeze3A_1854, %dma_start3A_1866] : memref<125000x8x64xf32, #tpu.memory_space<hbm>> -> memref<1x1x64xf32, #tpu.memory_space<hbm>>
        %dma_start3A_1868 = tpu.memref_squeeze %dma_start3A_1867 : memref<1x1x64xf32, #tpu.memory_space<hbm>> -> memref<64xf32, #tpu.memory_space<hbm>>
        tpu.enqueue_dma source(%dma_start3A_1868 : memref<64xf32, #tpu.memory_space<hbm>>) target(%dma_start3A_1865 : memref<64xf32, #tpu.memory_space<vmem>>) target_semaphore(%arg7 : memref<!tpu.dma_semaphore, #tpu.memory_space<semaphore_mem>>)
        %slice3A_1869 = vector.extract_strided_slice %shift_right_logical3A_1829 {offsets = [2], sizes = [1], strides = [1]} : vector<16xi32> to vector<1xi32>
        %squeeze3A_1870 = vector.extract %slice3A_1869[0] : i32 from vector<1xi32>
        %slice3A_1871 = vector.extract_strided_slice %and3A_1832 {offsets = [2], sizes = [1], strides = [1]} : vector<16xi32> to vector<1xi32>
        %squeeze3A_1872 = vector.extract %slice3A_1871[0] : i32 from vector<1xi32>
        %add3A_1873 = arith.constant 2 : i32
        %add3A_1874 = arith.addi %multiple_of3A_1823, %add3A_1873 : i32
        %dma_start3A_1875 = arith.constant 0 : i32
        %dma_start3A_1876 = tpu.memref_slice %arg6[%add3A_1874, %dma_start3A_1875] : memref<512x64xf32, #tpu.memory_space<vmem>> -> memref<1x64xf32, #tpu.memory_space<vmem>>
        %dma_start3A_1877 = tpu.memref_squeeze %dma_start3A_1876 : memref<1x64xf32, #tpu.memory_space<vmem>> -> memref<64xf32, #tpu.memory_space<vmem>>
        %dma_start3A_1878 = arith.constant 0 : i32
        %dma_start3A_1879 = tpu.memref_slice %arg3[%squeeze3A_1870, %squeeze3A_1872, %dma_start3A_1878] : memref<125000x8x64xf32, #tpu.memory_space<hbm>> -> memref<1x1x64xf32, #tpu.memory_space<hbm>>
        %dma_start3A_1880 = tpu.memref_squeeze %dma_start3A_1879 : memref<1x1x64xf32, #tpu.memory_space<hbm>> -> memref<64xf32, #tpu.memory_space<hbm>>
        %dma_start3A_1881 = arith.constant 0 : i32
        %dma_start3A_1882 = tpu.memref_slice %arg6[%add3A_1874, %dma_start3A_1881] : memref<512x64xf32, #tpu.memory_space<vmem>> -> memref<1x64xf32, #tpu.memory_space<vmem>>
        %dma_start3A_1883 = tpu.memref_squeeze %dma_start3A_1882 : memref<1x64xf32, #tpu.memory_space<vmem>> -> memref<64xf32, #tpu.memory_space<vmem>>
        %dma_start3A_1884 = arith.constant 0 : i32
        %dma_start3A_1885 = tpu.memref_slice %arg3[%squeeze3A_1870, %squeeze3A_1872, %dma_start3A_1884] : memref<125000x8x64xf32, #tpu.memory_space<hbm>> -> memref<1x1x64xf32, #tpu.memory_space<hbm>>
        %dma_start3A_1886 = tpu.memref_squeeze %dma_start3A_1885 : memref<1x1x64xf32, #tpu.memory_space<hbm>> -> memref<64xf32, #tpu.memory_space<hbm>>
        tpu.enqueue_dma source(%dma_start3A_1886 : memref<64xf32, #tpu.memory_space<hbm>>) target(%dma_start3A_1883 : memref<64xf32, #tpu.memory_space<vmem>>) target_semaphore(%arg7 : memref<!tpu.dma_semaphore, #tpu.memory_space<semaphore_mem>>)
        %slice3A_1887 = vector.extract_strided_slice %shift_right_logical3A_1829 {offsets = [3], sizes = [1], strides = [1]} : vector<16xi32> to vector<1xi32>
        %squeeze3A_1888 = vector.extract %slice3A_1887[0] : i32 from vector<1xi32>
        %slice3A_1889 = vector.extract_strided_slice %and3A_1832 {offsets = [3], sizes = [1], strides = [1]} : vector<16xi32> to vector<1xi32>
        %squeeze3A_1890 = vector.extract %slice3A_1889[0] : i32 from vector<1xi32>
        %add3A_1891 = arith.constant 3 : i32
        %add3A_1892 = arith.addi %multiple_of3A_1823, %add3A_1891 : i32
        %dma_start3A_1893 = arith.constant 0 : i32
        %dma_start3A_1894 = tpu.memref_slice %arg6[%add3A_1892, %dma_start3A_1893] : memref<512x64xf32, #tpu.memory_space<vmem>> -> memref<1x64xf32, #tpu.memory_space<vmem>>
        %dma_start3A_1895 = tpu.memref_squeeze %dma_start3A_1894 : memref<1x64xf32, #tpu.memory_space<vmem>> -> memref<64xf32, #tpu.memory_space<vmem>>
        %dma_start3A_1896 = arith.constant 0 : i32
        %dma_start3A_1897 = tpu.memref_slice %arg3[%squeeze3A_1888, %squeeze3A_1890, %dma_start3A_1896] : memref<125000x8x64xf32, #tpu.memory_space<hbm>> -> memref<1x1x64xf32, #tpu.memory_space<hbm>>
        %dma_start3A_1898 = tpu.memref_squeeze %dma_start3A_1897 : memref<1x1x64xf32, #tpu.memory_space<hbm>> -> memref<64xf32, #tpu.memory_space<hbm>>
        %dma_start3A_1899 = arith.constant 0 : i32
        %dma_start3A_1900 = tpu.memref_slice %arg6[%add3A_1892, %dma_start3A_1899] : memref<512x64xf32, #tpu.memory_space<vmem>> -> memref<1x64xf32, #tpu.memory_space<vmem>>
        %dma_start3A_1901 = tpu.memref_squeeze %dma_start3A_1900 : memref<1x64xf32, #tpu.memory_space<vmem>> -> memref<64xf32, #tpu.memory_space<vmem>>
        %dma_start3A_1902 = arith.constant 0 : i32
        %dma_start3A_1903 = tpu.memref_slice %arg3[%squeeze3A_1888, %squeeze3A_1890, %dma_start3A_1902] : memref<125000x8x64xf32, #tpu.memory_space<hbm>> -> memref<1x1x64xf32, #tpu.memory_space<hbm>>
        %dma_start3A_1904 = tpu.memref_squeeze %dma_start3A_1903 : memref<1x1x64xf32, #tpu.memory_space<hbm>> -> memref<64xf32, #tpu.memory_space<hbm>>
        tpu.enqueue_dma source(%dma_start3A_1904 : memref<64xf32, #tpu.memory_space<hbm>>) target(%dma_start3A_1901 : memref<64xf32, #tpu.memory_space<vmem>>) target_semaphore(%arg7 : memref<!tpu.dma_semaphore, #tpu.memory_space<semaphore_mem>>)
        %slice3A_1905 = vector.extract_strided_slice %shift_right_logical3A_1829 {offsets = [4], sizes = [1], strides = [1]} : vector<16xi32> to vector<1xi32>
        %squeeze3A_1906 = vector.extract %slice3A_1905[0] : i32 from vector<1xi32>
        %slice3A_1907 = vector.extract_strided_slice %and3A_1832 {offsets = [4], sizes = [1], strides = [1]} : vector<16xi32> to vector<1xi32>
        %squeeze3A_1908 = vector.extract %slice3A_1907[0] : i32 from vector<1xi32>
        %add3A_1909 = arith.constant 4 : i32
        %add3A_1910 = arith.addi %multiple_of3A_1823, %add3A_1909 : i32
        %dma_start3A_1911 = arith.constant 0 : i32
        %dma_start3A_1912 = tpu.memref_slice %arg6[%add3A_1910, %dma_start3A_1911] : memref<512x64xf32, #tpu.memory_space<vmem>> -> memref<1x64xf32, #tpu.memory_space<vmem>>
        %dma_start3A_1913 = tpu.memref_squeeze %dma_start3A_1912 : memref<1x64xf32, #tpu.memory_space<vmem>> -> memref<64xf32, #tpu.memory_space<vmem>>
        %dma_start3A_1914 = arith.constant 0 : i32
        %dma_start3A_1915 = tpu.memref_slice %arg3[%squeeze3A_1906, %squeeze3A_1908, %dma_start3A_1914] : memref<125000x8x64xf32, #tpu.memory_space<hbm>> -> memref<1x1x64xf32, #tpu.memory_space<hbm>>
        %dma_start3A_1916 = tpu.memref_squeeze %dma_start3A_1915 : memref<1x1x64xf32, #tpu.memory_space<hbm>> -> memref<64xf32, #tpu.memory_space<hbm>>
        %dma_start3A_1917 = arith.constant 0 : i32
        %dma_start3A_1918 = tpu.memref_slice %arg6[%add3A_1910, %dma_start3A_1917] : memref<512x64xf32, #tpu.memory_space<vmem>> -> memref<1x64xf32, #tpu.memory_space<vmem>>
        %dma_start3A_1919 = tpu.memref_squeeze %dma_start3A_1918 : memref<1x64xf32, #tpu.memory_space<vmem>> -> memref<64xf32, #tpu.memory_space<vmem>>
        %dma_start3A_1920 = arith.constant 0 : i32
        %dma_start3A_1921 = tpu.memref_slice %arg3[%squeeze3A_1906, %squeeze3A_1908, %dma_start3A_1920] : memref<125000x8x64xf32, #tpu.memory_space<hbm>> -> memref<1x1x64xf32, #tpu.memory_space<hbm>>
        %dma_start3A_1922 = tpu.memref_squeeze %dma_start3A_1921 : memref<1x1x64xf32, #tpu.memory_space<hbm>> -> memref<64xf32, #tpu.memory_space<hbm>>
        tpu.enqueue_dma source(%dma_start3A_1922 : memref<64xf32, #tpu.memory_space<hbm>>) target(%dma_start3A_1919 : memref<64xf32, #tpu.memory_space<vmem>>) target_semaphore(%arg7 : memref<!tpu.dma_semaphore, #tpu.memory_space<semaphore_mem>>)
        %slice3A_1923 = vector.extract_strided_slice %shift_right_logical3A_1829 {offsets = [5], sizes = [1], strides = [1]} : vector<16xi32> to vector<1xi32>
        %squeeze3A_1924 = vector.extract %slice3A_1923[0] : i32 from vector<1xi32>
        %slice3A_1925 = vector.extract_strided_slice %and3A_1832 {offsets = [5], sizes = [1], strides = [1]} : vector<16xi32> to vector<1xi32>
        %squeeze3A_1926 = vector.extract %slice3A_1925[0] : i32 from vector<1xi32>
        %add3A_1927 = arith.constant 5 : i32
        %add3A_1928 = arith.addi %multiple_of3A_1823, %add3A_1927 : i32
        %dma_start3A_1929 = arith.constant 0 : i32
        %dma_start3A_1930 = tpu.memref_slice %arg6[%add3A_1928, %dma_start3A_1929] : memref<512x64xf32, #tpu.memory_space<vmem>> -> memref<1x64xf32, #tpu.memory_space<vmem>>
        %dma_start3A_1931 = tpu.memref_squeeze %dma_start3A_1930 : memref<1x64xf32, #tpu.memory_space<vmem>> -> memref<64xf32, #tpu.memory_space<vmem>>
        %dma_start3A_1932 = arith.constant 0 : i32
        %dma_start3A_1933 = tpu.memref_slice %arg3[%squeeze3A_1924, %squeeze3A_1926, %dma_start3A_1932] : memref<125000x8x64xf32, #tpu.memory_space<hbm>> -> memref<1x1x64xf32, #tpu.memory_space<hbm>>
        %dma_start3A_1934 = tpu.memref_squeeze %dma_start3A_1933 : memref<1x1x64xf32, #tpu.memory_space<hbm>> -> memref<64xf32, #tpu.memory_space<hbm>>
        %dma_start3A_1935 = arith.constant 0 : i32
        %dma_start3A_1936 = tpu.memref_slice %arg6[%add3A_1928, %dma_start3A_1935] : memref<512x64xf32, #tpu.memory_space<vmem>> -> memref<1x64xf32, #tpu.memory_space<vmem>>
        %dma_start3A_1937 = tpu.memref_squeeze %dma_start3A_1936 : memref<1x64xf32, #tpu.memory_space<vmem>> -> memref<64xf32, #tpu.memory_space<vmem>>
        %dma_start3A_1938 = arith.constant 0 : i32
        %dma_start3A_1939 = tpu.memref_slice %arg3[%squeeze3A_1924, %squeeze3A_1926, %dma_start3A_1938] : memref<125000x8x64xf32, #tpu.memory_space<hbm>> -> memref<1x1x64xf32, #tpu.memory_space<hbm>>
        %dma_start3A_1940 = tpu.memref_squeeze %dma_start3A_1939 : memref<1x1x64xf32, #tpu.memory_space<hbm>> -> memref<64xf32, #tpu.memory_space<hbm>>
        tpu.enqueue_dma source(%dma_start3A_1940 : memref<64xf32, #tpu.memory_space<hbm>>) target(%dma_start3A_1937 : memref<64xf32, #tpu.memory_space<vmem>>) target_semaphore(%arg7 : memref<!tpu.dma_semaphore, #tpu.memory_space<semaphore_mem>>)
        %slice3A_1941 = vector.extract_strided_slice %shift_right_logical3A_1829 {offsets = [6], sizes = [1], strides = [1]} : vector<16xi32> to vector<1xi32>
        %squeeze3A_1942 = vector.extract %slice3A_1941[0] : i32 from vector<1xi32>
        %slice3A_1943 = vector.extract_strided_slice %and3A_1832 {offsets = [6], sizes = [1], strides = [1]} : vector<16xi32> to vector<1xi32>
        %squeeze3A_1944 = vector.extract %slice3A_1943[0] : i32 from vector<1xi32>
        %add3A_1945 = arith.constant 6 : i32
        %add3A_1946 = arith.addi %multiple_of3A_1823, %add3A_1945 : i32
        %dma_start3A_1947 = arith.constant 0 : i32
        %dma_start3A_1948 = tpu.memref_slice %arg6[%add3A_1946, %dma_start3A_1947] : memref<512x64xf32, #tpu.memory_space<vmem>> -> memref<1x64xf32, #tpu.memory_space<vmem>>
        %dma_start3A_1949 = tpu.memref_squeeze %dma_start3A_1948 : memref<1x64xf32, #tpu.memory_space<vmem>> -> memref<64xf32, #tpu.memory_space<vmem>>
        %dma_start3A_1950 = arith.constant 0 : i32
        %dma_start3A_1951 = tpu.memref_slice %arg3[%squeeze3A_1942, %squeeze3A_1944, %dma_start3A_1950] : memref<125000x8x64xf32, #tpu.memory_space<hbm>> -> memref<1x1x64xf32, #tpu.memory_space<hbm>>
        %dma_start3A_1952 = tpu.memref_squeeze %dma_start3A_1951 : memref<1x1x64xf32, #tpu.memory_space<hbm>> -> memref<64xf32, #tpu.memory_space<hbm>>
        %dma_start3A_1953 = arith.constant 0 : i32
        %dma_start3A_1954 = tpu.memref_slice %arg6[%add3A_1946, %dma_start3A_1953] : memref<512x64xf32, #tpu.memory_space<vmem>> -> memref<1x64xf32, #tpu.memory_space<vmem>>
        %dma_start3A_1955 = tpu.memref_squeeze %dma_start3A_1954 : memref<1x64xf32, #tpu.memory_space<vmem>> -> memref<64xf32, #tpu.memory_space<vmem>>
        %dma_start3A_1956 = arith.constant 0 : i32
        %dma_start3A_1957 = tpu.memref_slice %arg3[%squeeze3A_1942, %squeeze3A_1944, %dma_start3A_1956] : memref<125000x8x64xf32, #tpu.memory_space<hbm>> -> memref<1x1x64xf32, #tpu.memory_space<hbm>>
        %dma_start3A_1958 = tpu.memref_squeeze %dma_start3A_1957 : memref<1x1x64xf32, #tpu.memory_space<hbm>> -> memref<64xf32, #tpu.memory_space<hbm>>
        tpu.enqueue_dma source(%dma_start3A_1958 : memref<64xf32, #tpu.memory_space<hbm>>) target(%dma_start3A_1955 : memref<64xf32, #tpu.memory_space<vmem>>) target_semaphore(%arg7 : memref<!tpu.dma_semaphore, #tpu.memory_space<semaphore_mem>>)
        %slice3A_1959 = vector.extract_strided_slice %shift_right_logical3A_1829 {offsets = [7], sizes = [1], strides = [1]} : vector<16xi32> to vector<1xi32>
        %squeeze3A_1960 = vector.extract %slice3A_1959[0] : i32 from vector<1xi32>
        %slice3A_1961 = vector.extract_strided_slice %and3A_1832 {offsets = [7], sizes = [1], strides = [1]} : vector<16xi32> to vector<1xi32>
        %squeeze3A_1962 = vector.extract %slice3A_1961[0] : i32 from vector<1xi32>
        %add3A_1963 = arith.constant 7 : i32
        %add3A_1964 = arith.addi %multiple_of3A_1823, %add3A_1963 : i32
        %dma_start3A_1965 = arith.constant 0 : i32
        %dma_start3A_1966 = tpu.memref_slice %arg6[%add3A_1964, %dma_start3A_1965] : memref<512x64xf32, #tpu.memory_space<vmem>> -> memref<1x64xf32, #tpu.memory_space<vmem>>
        %dma_start3A_1967 = tpu.memref_squeeze %dma_start3A_1966 : memref<1x64xf32, #tpu.memory_space<vmem>> -> memref<64xf32, #tpu.memory_space<vmem>>
        %dma_start3A_1968 = arith.constant 0 : i32
        %dma_start3A_1969 = tpu.memref_slice %arg3[%squeeze3A_1960, %squeeze3A_1962, %dma_start3A_1968] : memref<125000x8x64xf32, #tpu.memory_space<hbm>> -> memref<1x1x64xf32, #tpu.memory_space<hbm>>
        %dma_start3A_1970 = tpu.memref_squeeze %dma_start3A_1969 : memref<1x1x64xf32, #tpu.memory_space<hbm>> -> memref<64xf32, #tpu.memory_space<hbm>>
        %dma_start3A_1971 = arith.constant 0 : i32
        %dma_start3A_1972 = tpu.memref_slice %arg6[%add3A_1964, %dma_start3A_1971] : memref<512x64xf32, #tpu.memory_space<vmem>> -> memref<1x64xf32, #tpu.memory_space<vmem>>
        %dma_start3A_1973 = tpu.memref_squeeze %dma_start3A_1972 : memref<1x64xf32, #tpu.memory_space<vmem>> -> memref<64xf32, #tpu.memory_space<vmem>>
        %dma_start3A_1974 = arith.constant 0 : i32
        %dma_start3A_1975 = tpu.memref_slice %arg3[%squeeze3A_1960, %squeeze3A_1962, %dma_start3A_1974] : memref<125000x8x64xf32, #tpu.memory_space<hbm>> -> memref<1x1x64xf32, #tpu.memory_space<hbm>>
        %dma_start3A_1976 = tpu.memref_squeeze %dma_start3A_1975 : memref<1x1x64xf32, #tpu.memory_space<hbm>> -> memref<64xf32, #tpu.memory_space<hbm>>
        tpu.enqueue_dma source(%dma_start3A_1976 : memref<64xf32, #tpu.memory_space<hbm>>) target(%dma_start3A_1973 : memref<64xf32, #tpu.memory_space<vmem>>) target_semaphore(%arg7 : memref<!tpu.dma_semaphore, #tpu.memory_space<semaphore_mem>>)
        %slice3A_1977 = vector.extract_strided_slice %shift_right_logical3A_1829 {offsets = [8], sizes = [1], strides = [1]} : vector<16xi32> to vector<1xi32>
        %squeeze3A_1978 = vector.extract %slice3A_1977[0] : i32 from vector<1xi32>
        %slice3A_1979 = vector.extract_strided_slice %and3A_1832 {offsets = [8], sizes = [1], strides = [1]} : vector<16xi32> to vector<1xi32>
        %squeeze3A_1980 = vector.extract %slice3A_1979[0] : i32 from vector<1xi32>
        %add3A_1981 = arith.constant 8 : i32
        %add3A_1982 = arith.addi %multiple_of3A_1823, %add3A_1981 : i32
        %dma_start3A_1983 = arith.constant 0 : i32
        %dma_start3A_1984 = tpu.memref_slice %arg6[%add3A_1982, %dma_start3A_1983] : memref<512x64xf32, #tpu.memory_space<vmem>> -> memref<1x64xf32, #tpu.memory_space<vmem>>
        %dma_start3A_1985 = tpu.memref_squeeze %dma_start3A_1984 : memref<1x64xf32, #tpu.memory_space<vmem>> -> memref<64xf32, #tpu.memory_space<vmem>>
        %dma_start3A_1986 = arith.constant 0 : i32
        %dma_start3A_1987 = tpu.memref_slice %arg3[%squeeze3A_1978, %squeeze3A_1980, %dma_start3A_1986] : memref<125000x8x64xf32, #tpu.memory_space<hbm>> -> memref<1x1x64xf32, #tpu.memory_space<hbm>>
        %dma_start3A_1988 = tpu.memref_squeeze %dma_start3A_1987 : memref<1x1x64xf32, #tpu.memory_space<hbm>> -> memref<64xf32, #tpu.memory_space<hbm>>
        %dma_start3A_1989 = arith.constant 0 : i32
        %dma_start3A_1990 = tpu.memref_slice %arg6[%add3A_1982, %dma_start3A_1989] : memref<512x64xf32, #tpu.memory_space<vmem>> -> memref<1x64xf32, #tpu.memory_space<vmem>>
        %dma_start3A_1991 = tpu.memref_squeeze %dma_start3A_1990 : memref<1x64xf32, #tpu.memory_space<vmem>> -> memref<64xf32, #tpu.memory_space<vmem>>
        %dma_start3A_1992 = arith.constant 0 : i32
        %dma_start3A_1993 = tpu.memref_slice %arg3[%squeeze3A_1978, %squeeze3A_1980, %dma_start3A_1992] : memref<125000x8x64xf32, #tpu.memory_space<hbm>> -> memref<1x1x64xf32, #tpu.memory_space<hbm>>
        %dma_start3A_1994 = tpu.memref_squeeze %dma_start3A_1993 : memref<1x1x64xf32, #tpu.memory_space<hbm>> -> memref<64xf32, #tpu.memory_space<hbm>>
        tpu.enqueue_dma source(%dma_start3A_1994 : memref<64xf32, #tpu.memory_space<hbm>>) target(%dma_start3A_1991 : memref<64xf32, #tpu.memory_space<vmem>>) target_semaphore(%arg7 : memref<!tpu.dma_semaphore, #tpu.memory_space<semaphore_mem>>)
        %slice3A_1995 = vector.extract_strided_slice %shift_right_logical3A_1829 {offsets = [9], sizes = [1], strides = [1]} : vector<16xi32> to vector<1xi32>
        %squeeze3A_1996 = vector.extract %slice3A_1995[0] : i32 from vector<1xi32>
        %slice3A_1997 = vector.extract_strided_slice %and3A_1832 {offsets = [9], sizes = [1], strides = [1]} : vector<16xi32> to vector<1xi32>
        %squeeze3A_1998 = vector.extract %slice3A_1997[0] : i32 from vector<1xi32>
        %add3A_1999 = arith.constant 9 : i32
        %add3A_2000 = arith.addi %multiple_of3A_1823, %add3A_1999 : i32
        %dma_start3A_2001 = arith.constant 0 : i32
        %dma_start3A_2002 = tpu.memref_slice %arg6[%add3A_2000, %dma_start3A_2001] : memref<512x64xf32, #tpu.memory_space<vmem>> -> memref<1x64xf32, #tpu.memory_space<vmem>>
        %dma_start3A_2003 = tpu.memref_squeeze %dma_start3A_2002 : memref<1x64xf32, #tpu.memory_space<vmem>> -> memref<64xf32, #tpu.memory_space<vmem>>
        %dma_start3A_2004 = arith.constant 0 : i32
        %dma_start3A_2005 = tpu.memref_slice %arg3[%squeeze3A_1996, %squeeze3A_1998, %dma_start3A_2004] : memref<125000x8x64xf32, #tpu.memory_space<hbm>> -> memref<1x1x64xf32, #tpu.memory_space<hbm>>
        %dma_start3A_2006 = tpu.memref_squeeze %dma_start3A_2005 : memref<1x1x64xf32, #tpu.memory_space<hbm>> -> memref<64xf32, #tpu.memory_space<hbm>>
        %dma_start3A_2007 = arith.constant 0 : i32
        %dma_start3A_2008 = tpu.memref_slice %arg6[%add3A_2000, %dma_start3A_2007] : memref<512x64xf32, #tpu.memory_space<vmem>> -> memref<1x64xf32, #tpu.memory_space<vmem>>
        %dma_start3A_2009 = tpu.memref_squeeze %dma_start3A_2008 : memref<1x64xf32, #tpu.memory_space<vmem>> -> memref<64xf32, #tpu.memory_space<vmem>>
        %dma_start3A_2010 = arith.constant 0 : i32
        %dma_start3A_2011 = tpu.memref_slice %arg3[%squeeze3A_1996, %squeeze3A_1998, %dma_start3A_2010] : memref<125000x8x64xf32, #tpu.memory_space<hbm>> -> memref<1x1x64xf32, #tpu.memory_space<hbm>>
        %dma_start3A_2012 = tpu.memref_squeeze %dma_start3A_2011 : memref<1x1x64xf32, #tpu.memory_space<hbm>> -> memref<64xf32, #tpu.memory_space<hbm>>
        tpu.enqueue_dma source(%dma_start3A_2012 : memref<64xf32, #tpu.memory_space<hbm>>) target(%dma_start3A_2009 : memref<64xf32, #tpu.memory_space<vmem>>) target_semaphore(%arg7 : memref<!tpu.dma_semaphore, #tpu.memory_space<semaphore_mem>>)
        %slice3A_2013 = vector.extract_strided_slice %shift_right_logical3A_1829 {offsets = [10], sizes = [1], strides = [1]} : vector<16xi32> to vector<1xi32>
        %squeeze3A_2014 = vector.extract %slice3A_2013[0] : i32 from vector<1xi32>
        %slice3A_2015 = vector.extract_strided_slice %and3A_1832 {offsets = [10], sizes = [1], strides = [1]} : vector<16xi32> to vector<1xi32>
        %squeeze3A_2016 = vector.extract %slice3A_2015[0] : i32 from vector<1xi32>
        %add3A_2017 = arith.constant 10 : i32
        %add3A_2018 = arith.addi %multiple_of3A_1823, %add3A_2017 : i32
        %dma_start3A_2019 = arith.constant 0 : i32
        %dma_start3A_2020 = tpu.memref_slice %arg6[%add3A_2018, %dma_start3A_2019] : memref<512x64xf32, #tpu.memory_space<vmem>> -> memref<1x64xf32, #tpu.memory_space<vmem>>
        %dma_start3A_2021 = tpu.memref_squeeze %dma_start3A_2020 : memref<1x64xf32, #tpu.memory_space<vmem>> -> memref<64xf32, #tpu.memory_space<vmem>>
        %dma_start3A_2022 = arith.constant 0 : i32
        %dma_start3A_2023 = tpu.memref_slice %arg3[%squeeze3A_2014, %squeeze3A_2016, %dma_start3A_2022] : memref<125000x8x64xf32, #tpu.memory_space<hbm>> -> memref<1x1x64xf32, #tpu.memory_space<hbm>>
        %dma_start3A_2024 = tpu.memref_squeeze %dma_start3A_2023 : memref<1x1x64xf32, #tpu.memory_space<hbm>> -> memref<64xf32, #tpu.memory_space<hbm>>
        %dma_start3A_2025 = arith.constant 0 : i32
        %dma_start3A_2026 = tpu.memref_slice %arg6[%add3A_2018, %dma_start3A_2025] : memref<512x64xf32, #tpu.memory_space<vmem>> -> memref<1x64xf32, #tpu.memory_space<vmem>>
        %dma_start3A_2027 = tpu.memref_squeeze %dma_start3A_2026 : memref<1x64xf32, #tpu.memory_space<vmem>> -> memref<64xf32, #tpu.memory_space<vmem>>
        %dma_start3A_2028 = arith.constant 0 : i32
        %dma_start3A_2029 = tpu.memref_slice %arg3[%squeeze3A_2014, %squeeze3A_2016, %dma_start3A_2028] : memref<125000x8x64xf32, #tpu.memory_space<hbm>> -> memref<1x1x64xf32, #tpu.memory_space<hbm>>
        %dma_start3A_2030 = tpu.memref_squeeze %dma_start3A_2029 : memref<1x1x64xf32, #tpu.memory_space<hbm>> -> memref<64xf32, #tpu.memory_space<hbm>>
        tpu.enqueue_dma source(%dma_start3A_2030 : memref<64xf32, #tpu.memory_space<hbm>>) target(%dma_start3A_2027 : memref<64xf32, #tpu.memory_space<vmem>>) target_semaphore(%arg7 : memref<!tpu.dma_semaphore, #tpu.memory_space<semaphore_mem>>)
        %slice3A_2031 = vector.extract_strided_slice %shift_right_logical3A_1829 {offsets = [11], sizes = [1], strides = [1]} : vector<16xi32> to vector<1xi32>
        %squeeze3A_2032 = vector.extract %slice3A_2031[0] : i32 from vector<1xi32>
        %slice3A_2033 = vector.extract_strided_slice %and3A_1832 {offsets = [11], sizes = [1], strides = [1]} : vector<16xi32> to vector<1xi32>
        %squeeze3A_2034 = vector.extract %slice3A_2033[0] : i32 from vector<1xi32>
        %add3A_2035 = arith.constant 11 : i32
        %add3A_2036 = arith.addi %multiple_of3A_1823, %add3A_2035 : i32
        %dma_start3A_2037 = arith.constant 0 : i32
        %dma_start3A_2038 = tpu.memref_slice %arg6[%add3A_2036, %dma_start3A_2037] : memref<512x64xf32, #tpu.memory_space<vmem>> -> memref<1x64xf32, #tpu.memory_space<vmem>>
        %dma_start3A_2039 = tpu.memref_squeeze %dma_start3A_2038 : memref<1x64xf32, #tpu.memory_space<vmem>> -> memref<64xf32, #tpu.memory_space<vmem>>
        %dma_start3A_2040 = arith.constant 0 : i32
        %dma_start3A_2041 = tpu.memref_slice %arg3[%squeeze3A_2032, %squeeze3A_2034, %dma_start3A_2040] : memref<125000x8x64xf32, #tpu.memory_space<hbm>> -> memref<1x1x64xf32, #tpu.memory_space<hbm>>
        %dma_start3A_2042 = tpu.memref_squeeze %dma_start3A_2041 : memref<1x1x64xf32, #tpu.memory_space<hbm>> -> memref<64xf32, #tpu.memory_space<hbm>>
        %dma_start3A_2043 = arith.constant 0 : i32
        %dma_start3A_2044 = tpu.memref_slice %arg6[%add3A_2036, %dma_start3A_2043] : memref<512x64xf32, #tpu.memory_space<vmem>> -> memref<1x64xf32, #tpu.memory_space<vmem>>
        %dma_start3A_2045 = tpu.memref_squeeze %dma_start3A_2044 : memref<1x64xf32, #tpu.memory_space<vmem>> -> memref<64xf32, #tpu.memory_space<vmem>>
        %dma_start3A_2046 = arith.constant 0 : i32
        %dma_start3A_2047 = tpu.memref_slice %arg3[%squeeze3A_2032, %squeeze3A_2034, %dma_start3A_2046] : memref<125000x8x64xf32, #tpu.memory_space<hbm>> -> memref<1x1x64xf32, #tpu.memory_space<hbm>>
        %dma_start3A_2048 = tpu.memref_squeeze %dma_start3A_2047 : memref<1x1x64xf32, #tpu.memory_space<hbm>> -> memref<64xf32, #tpu.memory_space<hbm>>
        tpu.enqueue_dma source(%dma_start3A_2048 : memref<64xf32, #tpu.memory_space<hbm>>) target(%dma_start3A_2045 : memref<64xf32, #tpu.memory_space<vmem>>) target_semaphore(%arg7 : memref<!tpu.dma_semaphore, #tpu.memory_space<semaphore_mem>>)
        %slice3A_2049 = vector.extract_strided_slice %shift_right_logical3A_1829 {offsets = [12], sizes = [1], strides = [1]} : vector<16xi32> to vector<1xi32>
        %squeeze3A_2050 = vector.extract %slice3A_2049[0] : i32 from vector<1xi32>
        %slice3A_2051 = vector.extract_strided_slice %and3A_1832 {offsets = [12], sizes = [1], strides = [1]} : vector<16xi32> to vector<1xi32>
        %squeeze3A_2052 = vector.extract %slice3A_2051[0] : i32 from vector<1xi32>
        %add3A_2053 = arith.constant 12 : i32
        %add3A_2054 = arith.addi %multiple_of3A_1823, %add3A_2053 : i32
        %dma_start3A_2055 = arith.constant 0 : i32
        %dma_start3A_2056 = tpu.memref_slice %arg6[%add3A_2054, %dma_start3A_2055] : memref<512x64xf32, #tpu.memory_space<vmem>> -> memref<1x64xf32, #tpu.memory_space<vmem>>
        %dma_start3A_2057 = tpu.memref_squeeze %dma_start3A_2056 : memref<1x64xf32, #tpu.memory_space<vmem>> -> memref<64xf32, #tpu.memory_space<vmem>>
        %dma_start3A_2058 = arith.constant 0 : i32
        %dma_start3A_2059 = tpu.memref_slice %arg3[%squeeze3A_2050, %squeeze3A_2052, %dma_start3A_2058] : memref<125000x8x64xf32, #tpu.memory_space<hbm>> -> memref<1x1x64xf32, #tpu.memory_space<hbm>>
        %dma_start3A_2060 = tpu.memref_squeeze %dma_start3A_2059 : memref<1x1x64xf32, #tpu.memory_space<hbm>> -> memref<64xf32, #tpu.memory_space<hbm>>
        %dma_start3A_2061 = arith.constant 0 : i32
        %dma_start3A_2062 = tpu.memref_slice %arg6[%add3A_2054, %dma_start3A_2061] : memref<512x64xf32, #tpu.memory_space<vmem>> -> memref<1x64xf32, #tpu.memory_space<vmem>>
        %dma_start3A_2063 = tpu.memref_squeeze %dma_start3A_2062 : memref<1x64xf32, #tpu.memory_space<vmem>> -> memref<64xf32, #tpu.memory_space<vmem>>
        %dma_start3A_2064 = arith.constant 0 : i32
        %dma_start3A_2065 = tpu.memref_slice %arg3[%squeeze3A_2050, %squeeze3A_2052, %dma_start3A_2064] : memref<125000x8x64xf32, #tpu.memory_space<hbm>> -> memref<1x1x64xf32, #tpu.memory_space<hbm>>
        %dma_start3A_2066 = tpu.memref_squeeze %dma_start3A_2065 : memref<1x1x64xf32, #tpu.memory_space<hbm>> -> memref<64xf32, #tpu.memory_space<hbm>>
        tpu.enqueue_dma source(%dma_start3A_2066 : memref<64xf32, #tpu.memory_space<hbm>>) target(%dma_start3A_2063 : memref<64xf32, #tpu.memory_space<vmem>>) target_semaphore(%arg7 : memref<!tpu.dma_semaphore, #tpu.memory_space<semaphore_mem>>)
        %slice3A_2067 = vector.extract_strided_slice %shift_right_logical3A_1829 {offsets = [13], sizes = [1], strides = [1]} : vector<16xi32> to vector<1xi32>
        %squeeze3A_2068 = vector.extract %slice3A_2067[0] : i32 from vector<1xi32>
        %slice3A_2069 = vector.extract_strided_slice %and3A_1832 {offsets = [13], sizes = [1], strides = [1]} : vector<16xi32> to vector<1xi32>
        %squeeze3A_2070 = vector.extract %slice3A_2069[0] : i32 from vector<1xi32>
        %add3A_2071 = arith.constant 13 : i32
        %add3A_2072 = arith.addi %multiple_of3A_1823, %add3A_2071 : i32
        %dma_start3A_2073 = arith.constant 0 : i32
        %dma_start3A_2074 = tpu.memref_slice %arg6[%add3A_2072, %dma_start3A_2073] : memref<512x64xf32, #tpu.memory_space<vmem>> -> memref<1x64xf32, #tpu.memory_space<vmem>>
        %dma_start3A_2075 = tpu.memref_squeeze %dma_start3A_2074 : memref<1x64xf32, #tpu.memory_space<vmem>> -> memref<64xf32, #tpu.memory_space<vmem>>
        %dma_start3A_2076 = arith.constant 0 : i32
        %dma_start3A_2077 = tpu.memref_slice %arg3[%squeeze3A_2068, %squeeze3A_2070, %dma_start3A_2076] : memref<125000x8x64xf32, #tpu.memory_space<hbm>> -> memref<1x1x64xf32, #tpu.memory_space<hbm>>
        %dma_start3A_2078 = tpu.memref_squeeze %dma_start3A_2077 : memref<1x1x64xf32, #tpu.memory_space<hbm>> -> memref<64xf32, #tpu.memory_space<hbm>>
        %dma_start3A_2079 = arith.constant 0 : i32
        %dma_start3A_2080 = tpu.memref_slice %arg6[%add3A_2072, %dma_start3A_2079] : memref<512x64xf32, #tpu.memory_space<vmem>> -> memref<1x64xf32, #tpu.memory_space<vmem>>
        %dma_start3A_2081 = tpu.memref_squeeze %dma_start3A_2080 : memref<1x64xf32, #tpu.memory_space<vmem>> -> memref<64xf32, #tpu.memory_space<vmem>>
        %dma_start3A_2082 = arith.constant 0 : i32
        %dma_start3A_2083 = tpu.memref_slice %arg3[%squeeze3A_2068, %squeeze3A_2070, %dma_start3A_2082] : memref<125000x8x64xf32, #tpu.memory_space<hbm>> -> memref<1x1x64xf32, #tpu.memory_space<hbm>>
        %dma_start3A_2084 = tpu.memref_squeeze %dma_start3A_2083 : memref<1x1x64xf32, #tpu.memory_space<hbm>> -> memref<64xf32, #tpu.memory_space<hbm>>
        tpu.enqueue_dma source(%dma_start3A_2084 : memref<64xf32, #tpu.memory_space<hbm>>) target(%dma_start3A_2081 : memref<64xf32, #tpu.memory_space<vmem>>) target_semaphore(%arg7 : memref<!tpu.dma_semaphore, #tpu.memory_space<semaphore_mem>>)
        %slice3A_2085 = vector.extract_strided_slice %shift_right_logical3A_1829 {offsets = [14], sizes = [1], strides = [1]} : vector<16xi32> to vector<1xi32>
        %squeeze3A_2086 = vector.extract %slice3A_2085[0] : i32 from vector<1xi32>
        %slice3A_2087 = vector.extract_strided_slice %and3A_1832 {offsets = [14], sizes = [1], strides = [1]} : vector<16xi32> to vector<1xi32>
        %squeeze3A_2088 = vector.extract %slice3A_2087[0] : i32 from vector<1xi32>
        %add3A_2089 = arith.constant 14 : i32
        %add3A_2090 = arith.addi %multiple_of3A_1823, %add3A_2089 : i32
        %dma_start3A_2091 = arith.constant 0 : i32
        %dma_start3A_2092 = tpu.memref_slice %arg6[%add3A_2090, %dma_start3A_2091] : memref<512x64xf32, #tpu.memory_space<vmem>> -> memref<1x64xf32, #tpu.memory_space<vmem>>
        %dma_start3A_2093 = tpu.memref_squeeze %dma_start3A_2092 : memref<1x64xf32, #tpu.memory_space<vmem>> -> memref<64xf32, #tpu.memory_space<vmem>>
        %dma_start3A_2094 = arith.constant 0 : i32
        %dma_start3A_2095 = tpu.memref_slice %arg3[%squeeze3A_2086, %squeeze3A_2088, %dma_start3A_2094] : memref<125000x8x64xf32, #tpu.memory_space<hbm>> -> memref<1x1x64xf32, #tpu.memory_space<hbm>>
        %dma_start3A_2096 = tpu.memref_squeeze %dma_start3A_2095 : memref<1x1x64xf32, #tpu.memory_space<hbm>> -> memref<64xf32, #tpu.memory_space<hbm>>
        %dma_start3A_2097 = arith.constant 0 : i32
        %dma_start3A_2098 = tpu.memref_slice %arg6[%add3A_2090, %dma_start3A_2097] : memref<512x64xf32, #tpu.memory_space<vmem>> -> memref<1x64xf32, #tpu.memory_space<vmem>>
        %dma_start3A_2099 = tpu.memref_squeeze %dma_start3A_2098 : memref<1x64xf32, #tpu.memory_space<vmem>> -> memref<64xf32, #tpu.memory_space<vmem>>
        %dma_start3A_2100 = arith.constant 0 : i32
        %dma_start3A_2101 = tpu.memref_slice %arg3[%squeeze3A_2086, %squeeze3A_2088, %dma_start3A_2100] : memref<125000x8x64xf32, #tpu.memory_space<hbm>> -> memref<1x1x64xf32, #tpu.memory_space<hbm>>
        %dma_start3A_2102 = tpu.memref_squeeze %dma_start3A_2101 : memref<1x1x64xf32, #tpu.memory_space<hbm>> -> memref<64xf32, #tpu.memory_space<hbm>>
        tpu.enqueue_dma source(%dma_start3A_2102 : memref<64xf32, #tpu.memory_space<hbm>>) target(%dma_start3A_2099 : memref<64xf32, #tpu.memory_space<vmem>>) target_semaphore(%arg7 : memref<!tpu.dma_semaphore, #tpu.memory_space<semaphore_mem>>)
        %slice3A_2103 = vector.extract_strided_slice %shift_right_logical3A_1829 {offsets = [15], sizes = [1], strides = [1]} : vector<16xi32> to vector<1xi32>
        %squeeze3A_2104 = vector.extract %slice3A_2103[0] : i32 from vector<1xi32>
        %slice3A_2105 = vector.extract_strided_slice %and3A_1832 {offsets = [15], sizes = [1], strides = [1]} : vector<16xi32> to vector<1xi32>
        %squeeze3A_2106 = vector.extract %slice3A_2105[0] : i32 from vector<1xi32>
        %add3A_2107 = arith.constant 15 : i32
        %add3A_2108 = arith.addi %multiple_of3A_1823, %add3A_2107 : i32
        %dma_start3A_2109 = arith.constant 0 : i32
        %dma_start3A_2110 = tpu.memref_slice %arg6[%add3A_2108, %dma_start3A_2109] : memref<512x64xf32, #tpu.memory_space<vmem>> -> memref<1x64xf32, #tpu.memory_space<vmem>>
        %dma_start3A_2111 = tpu.memref_squeeze %dma_start3A_2110 : memref<1x64xf32, #tpu.memory_space<vmem>> -> memref<64xf32, #tpu.memory_space<vmem>>
        %dma_start3A_2112 = arith.constant 0 : i32
        %dma_start3A_2113 = tpu.memref_slice %arg3[%squeeze3A_2104, %squeeze3A_2106, %dma_start3A_2112] : memref<125000x8x64xf32, #tpu.memory_space<hbm>> -> memref<1x1x64xf32, #tpu.memory_space<hbm>>
        %dma_start3A_2114 = tpu.memref_squeeze %dma_start3A_2113 : memref<1x1x64xf32, #tpu.memory_space<hbm>> -> memref<64xf32, #tpu.memory_space<hbm>>
        %dma_start3A_2115 = arith.constant 0 : i32
        %dma_start3A_2116 = tpu.memref_slice %arg6[%add3A_2108, %dma_start3A_2115] : memref<512x64xf32, #tpu.memory_space<vmem>> -> memref<1x64xf32, #tpu.memory_space<vmem>>
        %dma_start3A_2117 = tpu.memref_squeeze %dma_start3A_2116 : memref<1x64xf32, #tpu.memory_space<vmem>> -> memref<64xf32, #tpu.memory_space<vmem>>
        %dma_start3A_2118 = arith.constant 0 : i32
        %dma_start3A_2119 = tpu.memref_slice %arg3[%squeeze3A_2104, %squeeze3A_2106, %dma_start3A_2118] : memref<125000x8x64xf32, #tpu.memory_space<hbm>> -> memref<1x1x64xf32, #tpu.memory_space<hbm>>
        %dma_start3A_2120 = tpu.memref_squeeze %dma_start3A_2119 : memref<1x1x64xf32, #tpu.memory_space<hbm>> -> memref<64xf32, #tpu.memory_space<hbm>>
        tpu.enqueue_dma source(%dma_start3A_2120 : memref<64xf32, #tpu.memory_space<hbm>>) target(%dma_start3A_2117 : memref<64xf32, #tpu.memory_space<vmem>>) target_semaphore(%arg7 : memref<!tpu.dma_semaphore, #tpu.memory_space<semaphore_mem>>)
        %mul3A_2121 = arith.constant 64 : i32
        %mul3A_2122 = arith.muli %add3A_1214, %mul3A_2121 : i32
        %add3A_2123 = arith.constant 48 : i32
        %add3A_2124 = arith.addi %mul3A_2122, %add3A_2123 : i32
        %multiple_of3A_2125 = tpu.assume_multiple %add3A_2124, 16 : i32
        %get3A_2126 = arith.index_cast %multiple_of3A_2125 : i32 to index
        %get3A_2127 = tpu.vector_load %arg5[%get3A_2126] {strides = array<i32>} : memref<512xi32, #tpu.memory_space<vmem>>, vector<16xi32>,
        %get3A_2128 = vector.shape_cast %get3A_2127 : vector<16xi32> to vector<16xi32>
        %shift_right_logical3A_2129 = arith.constant 3 : i32
        %shift_right_logical3A_2130 = vector.broadcast %shift_right_logical3A_2129 : i32 to vector<16xi32>
        %shift_right_logical3A_2131 = arith.shrui %get3A_2128, %shift_right_logical3A_2130 : vector<16xi32>
        %and3A_2132 = arith.constant 7 : i32
        %and3A_2133 = vector.broadcast %and3A_2132 : i32 to vector<16xi32>
        %and3A_2134 = arith.andi %get3A_2128, %and3A_2133 : vector<16xi32>
        %slice3A_2135 = vector.extract_strided_slice %shift_right_logical3A_2131 {offsets = [0], sizes = [1], strides = [1]} : vector<16xi32> to vector<1xi32>
        %squeeze3A_2136 = vector.extract %slice3A_2135[0] : i32 from vector<1xi32>
        %slice3A_2137 = vector.extract_strided_slice %and3A_2134 {offsets = [0], sizes = [1], strides = [1]} : vector<16xi32> to vector<1xi32>
        %squeeze3A_2138 = vector.extract %slice3A_2137[0] : i32 from vector<1xi32>
        %add3A_2139 = arith.constant 0 : i32
        %add3A_2140 = arith.addi %multiple_of3A_2125, %add3A_2139 : i32
        %dma_start3A_2141 = arith.constant 0 : i32
        %dma_start3A_2142 = tpu.memref_slice %arg6[%add3A_2140, %dma_start3A_2141] : memref<512x64xf32, #tpu.memory_space<vmem>> -> memref<1x64xf32, #tpu.memory_space<vmem>>
        %dma_start3A_2143 = tpu.memref_squeeze %dma_start3A_2142 : memref<1x64xf32, #tpu.memory_space<vmem>> -> memref<64xf32, #tpu.memory_space<vmem>>
        %dma_start3A_2144 = arith.constant 0 : i32
        %dma_start3A_2145 = tpu.memref_slice %arg3[%squeeze3A_2136, %squeeze3A_2138, %dma_start3A_2144] : memref<125000x8x64xf32, #tpu.memory_space<hbm>> -> memref<1x1x64xf32, #tpu.memory_space<hbm>>
        %dma_start3A_2146 = tpu.memref_squeeze %dma_start3A_2145 : memref<1x1x64xf32, #tpu.memory_space<hbm>> -> memref<64xf32, #tpu.memory_space<hbm>>
        %dma_start3A_2147 = arith.constant 0 : i32
        %dma_start3A_2148 = tpu.memref_slice %arg6[%add3A_2140, %dma_start3A_2147] : memref<512x64xf32, #tpu.memory_space<vmem>> -> memref<1x64xf32, #tpu.memory_space<vmem>>
        %dma_start3A_2149 = tpu.memref_squeeze %dma_start3A_2148 : memref<1x64xf32, #tpu.memory_space<vmem>> -> memref<64xf32, #tpu.memory_space<vmem>>
        %dma_start3A_2150 = arith.constant 0 : i32
        %dma_start3A_2151 = tpu.memref_slice %arg3[%squeeze3A_2136, %squeeze3A_2138, %dma_start3A_2150] : memref<125000x8x64xf32, #tpu.memory_space<hbm>> -> memref<1x1x64xf32, #tpu.memory_space<hbm>>
        %dma_start3A_2152 = tpu.memref_squeeze %dma_start3A_2151 : memref<1x1x64xf32, #tpu.memory_space<hbm>> -> memref<64xf32, #tpu.memory_space<hbm>>
        tpu.enqueue_dma source(%dma_start3A_2152 : memref<64xf32, #tpu.memory_space<hbm>>) target(%dma_start3A_2149 : memref<64xf32, #tpu.memory_space<vmem>>) target_semaphore(%arg7 : memref<!tpu.dma_semaphore, #tpu.memory_space<semaphore_mem>>)
        %slice3A_2153 = vector.extract_strided_slice %shift_right_logical3A_2131 {offsets = [1], sizes = [1], strides = [1]} : vector<16xi32> to vector<1xi32>
        %squeeze3A_2154 = vector.extract %slice3A_2153[0] : i32 from vector<1xi32>
        %slice3A_2155 = vector.extract_strided_slice %and3A_2134 {offsets = [1], sizes = [1], strides = [1]} : vector<16xi32> to vector<1xi32>
        %squeeze3A_2156 = vector.extract %slice3A_2155[0] : i32 from vector<1xi32>
        %add3A_2157 = arith.constant 1 : i32
        %add3A_2158 = arith.addi %multiple_of3A_2125, %add3A_2157 : i32
        %dma_start3A_2159 = arith.constant 0 : i32
        %dma_start3A_2160 = tpu.memref_slice %arg6[%add3A_2158, %dma_start3A_2159] : memref<512x64xf32, #tpu.memory_space<vmem>> -> memref<1x64xf32, #tpu.memory_space<vmem>>
        %dma_start3A_2161 = tpu.memref_squeeze %dma_start3A_2160 : memref<1x64xf32, #tpu.memory_space<vmem>> -> memref<64xf32, #tpu.memory_space<vmem>>
        %dma_start3A_2162 = arith.constant 0 : i32
        %dma_start3A_2163 = tpu.memref_slice %arg3[%squeeze3A_2154, %squeeze3A_2156, %dma_start3A_2162] : memref<125000x8x64xf32, #tpu.memory_space<hbm>> -> memref<1x1x64xf32, #tpu.memory_space<hbm>>
        %dma_start3A_2164 = tpu.memref_squeeze %dma_start3A_2163 : memref<1x1x64xf32, #tpu.memory_space<hbm>> -> memref<64xf32, #tpu.memory_space<hbm>>
        %dma_start3A_2165 = arith.constant 0 : i32
        %dma_start3A_2166 = tpu.memref_slice %arg6[%add3A_2158, %dma_start3A_2165] : memref<512x64xf32, #tpu.memory_space<vmem>> -> memref<1x64xf32, #tpu.memory_space<vmem>>
        %dma_start3A_2167 = tpu.memref_squeeze %dma_start3A_2166 : memref<1x64xf32, #tpu.memory_space<vmem>> -> memref<64xf32, #tpu.memory_space<vmem>>
        %dma_start3A_2168 = arith.constant 0 : i32
        %dma_start3A_2169 = tpu.memref_slice %arg3[%squeeze3A_2154, %squeeze3A_2156, %dma_start3A_2168] : memref<125000x8x64xf32, #tpu.memory_space<hbm>> -> memref<1x1x64xf32, #tpu.memory_space<hbm>>
        %dma_start3A_2170 = tpu.memref_squeeze %dma_start3A_2169 : memref<1x1x64xf32, #tpu.memory_space<hbm>> -> memref<64xf32, #tpu.memory_space<hbm>>
        tpu.enqueue_dma source(%dma_start3A_2170 : memref<64xf32, #tpu.memory_space<hbm>>) target(%dma_start3A_2167 : memref<64xf32, #tpu.memory_space<vmem>>) target_semaphore(%arg7 : memref<!tpu.dma_semaphore, #tpu.memory_space<semaphore_mem>>)
        %slice3A_2171 = vector.extract_strided_slice %shift_right_logical3A_2131 {offsets = [2], sizes = [1], strides = [1]} : vector<16xi32> to vector<1xi32>
        %squeeze3A_2172 = vector.extract %slice3A_2171[0] : i32 from vector<1xi32>
        %slice3A_2173 = vector.extract_strided_slice %and3A_2134 {offsets = [2], sizes = [1], strides = [1]} : vector<16xi32> to vector<1xi32>
        %squeeze3A_2174 = vector.extract %slice3A_2173[0] : i32 from vector<1xi32>
        %add3A_2175 = arith.constant 2 : i32
        %add3A_2176 = arith.addi %multiple_of3A_2125, %add3A_2175 : i32
        %dma_start3A_2177 = arith.constant 0 : i32
        %dma_start3A_2178 = tpu.memref_slice %arg6[%add3A_2176, %dma_start3A_2177] : memref<512x64xf32, #tpu.memory_space<vmem>> -> memref<1x64xf32, #tpu.memory_space<vmem>>
        %dma_start3A_2179 = tpu.memref_squeeze %dma_start3A_2178 : memref<1x64xf32, #tpu.memory_space<vmem>> -> memref<64xf32, #tpu.memory_space<vmem>>
        %dma_start3A_2180 = arith.constant 0 : i32
        %dma_start3A_2181 = tpu.memref_slice %arg3[%squeeze3A_2172, %squeeze3A_2174, %dma_start3A_2180] : memref<125000x8x64xf32, #tpu.memory_space<hbm>> -> memref<1x1x64xf32, #tpu.memory_space<hbm>>
        %dma_start3A_2182 = tpu.memref_squeeze %dma_start3A_2181 : memref<1x1x64xf32, #tpu.memory_space<hbm>> -> memref<64xf32, #tpu.memory_space<hbm>>
        %dma_start3A_2183 = arith.constant 0 : i32
        %dma_start3A_2184 = tpu.memref_slice %arg6[%add3A_2176, %dma_start3A_2183] : memref<512x64xf32, #tpu.memory_space<vmem>> -> memref<1x64xf32, #tpu.memory_space<vmem>>
        %dma_start3A_2185 = tpu.memref_squeeze %dma_start3A_2184 : memref<1x64xf32, #tpu.memory_space<vmem>> -> memref<64xf32, #tpu.memory_space<vmem>>
        %dma_start3A_2186 = arith.constant 0 : i32
        %dma_start3A_2187 = tpu.memref_slice %arg3[%squeeze3A_2172, %squeeze3A_2174, %dma_start3A_2186] : memref<125000x8x64xf32, #tpu.memory_space<hbm>> -> memref<1x1x64xf32, #tpu.memory_space<hbm>>
        %dma_start3A_2188 = tpu.memref_squeeze %dma_start3A_2187 : memref<1x1x64xf32, #tpu.memory_space<hbm>> -> memref<64xf32, #tpu.memory_space<hbm>>
        tpu.enqueue_dma source(%dma_start3A_2188 : memref<64xf32, #tpu.memory_space<hbm>>) target(%dma_start3A_2185 : memref<64xf32, #tpu.memory_space<vmem>>) target_semaphore(%arg7 : memref<!tpu.dma_semaphore, #tpu.memory_space<semaphore_mem>>)
        %slice3A_2189 = vector.extract_strided_slice %shift_right_logical3A_2131 {offsets = [3], sizes = [1], strides = [1]} : vector<16xi32> to vector<1xi32>
        %squeeze3A_2190 = vector.extract %slice3A_2189[0] : i32 from vector<1xi32>
        %slice3A_2191 = vector.extract_strided_slice %and3A_2134 {offsets = [3], sizes = [1], strides = [1]} : vector<16xi32> to vector<1xi32>
        %squeeze3A_2192 = vector.extract %slice3A_2191[0] : i32 from vector<1xi32>
        %add3A_2193 = arith.constant 3 : i32
        %add3A_2194 = arith.addi %multiple_of3A_2125, %add3A_2193 : i32
        %dma_start3A_2195 = arith.constant 0 : i32
        %dma_start3A_2196 = tpu.memref_slice %arg6[%add3A_2194, %dma_start3A_2195] : memref<512x64xf32, #tpu.memory_space<vmem>> -> memref<1x64xf32, #tpu.memory_space<vmem>>
        %dma_start3A_2197 = tpu.memref_squeeze %dma_start3A_2196 : memref<1x64xf32, #tpu.memory_space<vmem>> -> memref<64xf32, #tpu.memory_space<vmem>>
        %dma_start3A_2198 = arith.constant 0 : i32
        %dma_start3A_2199 = tpu.memref_slice %arg3[%squeeze3A_2190, %squeeze3A_2192, %dma_start3A_2198] : memref<125000x8x64xf32, #tpu.memory_space<hbm>> -> memref<1x1x64xf32, #tpu.memory_space<hbm>>
        %dma_start3A_2200 = tpu.memref_squeeze %dma_start3A_2199 : memref<1x1x64xf32, #tpu.memory_space<hbm>> -> memref<64xf32, #tpu.memory_space<hbm>>
        %dma_start3A_2201 = arith.constant 0 : i32
        %dma_start3A_2202 = tpu.memref_slice %arg6[%add3A_2194, %dma_start3A_2201] : memref<512x64xf32, #tpu.memory_space<vmem>> -> memref<1x64xf32, #tpu.memory_space<vmem>>
        %dma_start3A_2203 = tpu.memref_squeeze %dma_start3A_2202 : memref<1x64xf32, #tpu.memory_space<vmem>> -> memref<64xf32, #tpu.memory_space<vmem>>
        %dma_start3A_2204 = arith.constant 0 : i32
        %dma_start3A_2205 = tpu.memref_slice %arg3[%squeeze3A_2190, %squeeze3A_2192, %dma_start3A_2204] : memref<125000x8x64xf32, #tpu.memory_space<hbm>> -> memref<1x1x64xf32, #tpu.memory_space<hbm>>
        %dma_start3A_2206 = tpu.memref_squeeze %dma_start3A_2205 : memref<1x1x64xf32, #tpu.memory_space<hbm>> -> memref<64xf32, #tpu.memory_space<hbm>>
        tpu.enqueue_dma source(%dma_start3A_2206 : memref<64xf32, #tpu.memory_space<hbm>>) target(%dma_start3A_2203 : memref<64xf32, #tpu.memory_space<vmem>>) target_semaphore(%arg7 : memref<!tpu.dma_semaphore, #tpu.memory_space<semaphore_mem>>)
        %slice3A_2207 = vector.extract_strided_slice %shift_right_logical3A_2131 {offsets = [4], sizes = [1], strides = [1]} : vector<16xi32> to vector<1xi32>
        %squeeze3A_2208 = vector.extract %slice3A_2207[0] : i32 from vector<1xi32>
        %slice3A_2209 = vector.extract_strided_slice %and3A_2134 {offsets = [4], sizes = [1], strides = [1]} : vector<16xi32> to vector<1xi32>
        %squeeze3A_2210 = vector.extract %slice3A_2209[0] : i32 from vector<1xi32>
        %add3A_2211 = arith.constant 4 : i32
        %add3A_2212 = arith.addi %multiple_of3A_2125, %add3A_2211 : i32
        %dma_start3A_2213 = arith.constant 0 : i32
        %dma_start3A_2214 = tpu.memref_slice %arg6[%add3A_2212, %dma_start3A_2213] : memref<512x64xf32, #tpu.memory_space<vmem>> -> memref<1x64xf32, #tpu.memory_space<vmem>>
        %dma_start3A_2215 = tpu.memref_squeeze %dma_start3A_2214 : memref<1x64xf32, #tpu.memory_space<vmem>> -> memref<64xf32, #tpu.memory_space<vmem>>
        %dma_start3A_2216 = arith.constant 0 : i32
        %dma_start3A_2217 = tpu.memref_slice %arg3[%squeeze3A_2208, %squeeze3A_2210, %dma_start3A_2216] : memref<125000x8x64xf32, #tpu.memory_space<hbm>> -> memref<1x1x64xf32, #tpu.memory_space<hbm>>
        %dma_start3A_2218 = tpu.memref_squeeze %dma_start3A_2217 : memref<1x1x64xf32, #tpu.memory_space<hbm>> -> memref<64xf32, #tpu.memory_space<hbm>>
        %dma_start3A_2219 = arith.constant 0 : i32
        %dma_start3A_2220 = tpu.memref_slice %arg6[%add3A_2212, %dma_start3A_2219] : memref<512x64xf32, #tpu.memory_space<vmem>> -> memref<1x64xf32, #tpu.memory_space<vmem>>
        %dma_start3A_2221 = tpu.memref_squeeze %dma_start3A_2220 : memref<1x64xf32, #tpu.memory_space<vmem>> -> memref<64xf32, #tpu.memory_space<vmem>>
        %dma_start3A_2222 = arith.constant 0 : i32
        %dma_start3A_2223 = tpu.memref_slice %arg3[%squeeze3A_2208, %squeeze3A_2210, %dma_start3A_2222] : memref<125000x8x64xf32, #tpu.memory_space<hbm>> -> memref<1x1x64xf32, #tpu.memory_space<hbm>>
        %dma_start3A_2224 = tpu.memref_squeeze %dma_start3A_2223 : memref<1x1x64xf32, #tpu.memory_space<hbm>> -> memref<64xf32, #tpu.memory_space<hbm>>
        tpu.enqueue_dma source(%dma_start3A_2224 : memref<64xf32, #tpu.memory_space<hbm>>) target(%dma_start3A_2221 : memref<64xf32, #tpu.memory_space<vmem>>) target_semaphore(%arg7 : memref<!tpu.dma_semaphore, #tpu.memory_space<semaphore_mem>>)
        %slice3A_2225 = vector.extract_strided_slice %shift_right_logical3A_2131 {offsets = [5], sizes = [1], strides = [1]} : vector<16xi32> to vector<1xi32>
        %squeeze3A_2226 = vector.extract %slice3A_2225[0] : i32 from vector<1xi32>
        %slice3A_2227 = vector.extract_strided_slice %and3A_2134 {offsets = [5], sizes = [1], strides = [1]} : vector<16xi32> to vector<1xi32>
        %squeeze3A_2228 = vector.extract %slice3A_2227[0] : i32 from vector<1xi32>
        %add3A_2229 = arith.constant 5 : i32
        %add3A_2230 = arith.addi %multiple_of3A_2125, %add3A_2229 : i32
        %dma_start3A_2231 = arith.constant 0 : i32
        %dma_start3A_2232 = tpu.memref_slice %arg6[%add3A_2230, %dma_start3A_2231] : memref<512x64xf32, #tpu.memory_space<vmem>> -> memref<1x64xf32, #tpu.memory_space<vmem>>
        %dma_start3A_2233 = tpu.memref_squeeze %dma_start3A_2232 : memref<1x64xf32, #tpu.memory_space<vmem>> -> memref<64xf32, #tpu.memory_space<vmem>>
        %dma_start3A_2234 = arith.constant 0 : i32
        %dma_start3A_2235 = tpu.memref_slice %arg3[%squeeze3A_2226, %squeeze3A_2228, %dma_start3A_2234] : memref<125000x8x64xf32, #tpu.memory_space<hbm>> -> memref<1x1x64xf32, #tpu.memory_space<hbm>>
        %dma_start3A_2236 = tpu.memref_squeeze %dma_start3A_2235 : memref<1x1x64xf32, #tpu.memory_space<hbm>> -> memref<64xf32, #tpu.memory_space<hbm>>
        %dma_start3A_2237 = arith.constant 0 : i32
        %dma_start3A_2238 = tpu.memref_slice %arg6[%add3A_2230, %dma_start3A_2237] : memref<512x64xf32, #tpu.memory_space<vmem>> -> memref<1x64xf32, #tpu.memory_space<vmem>>
        %dma_start3A_2239 = tpu.memref_squeeze %dma_start3A_2238 : memref<1x64xf32, #tpu.memory_space<vmem>> -> memref<64xf32, #tpu.memory_space<vmem>>
        %dma_start3A_2240 = arith.constant 0 : i32
        %dma_start3A_2241 = tpu.memref_slice %arg3[%squeeze3A_2226, %squeeze3A_2228, %dma_start3A_2240] : memref<125000x8x64xf32, #tpu.memory_space<hbm>> -> memref<1x1x64xf32, #tpu.memory_space<hbm>>
        %dma_start3A_2242 = tpu.memref_squeeze %dma_start3A_2241 : memref<1x1x64xf32, #tpu.memory_space<hbm>> -> memref<64xf32, #tpu.memory_space<hbm>>
        tpu.enqueue_dma source(%dma_start3A_2242 : memref<64xf32, #tpu.memory_space<hbm>>) target(%dma_start3A_2239 : memref<64xf32, #tpu.memory_space<vmem>>) target_semaphore(%arg7 : memref<!tpu.dma_semaphore, #tpu.memory_space<semaphore_mem>>)
        %slice3A_2243 = vector.extract_strided_slice %shift_right_logical3A_2131 {offsets = [6], sizes = [1], strides = [1]} : vector<16xi32> to vector<1xi32>
        %squeeze3A_2244 = vector.extract %slice3A_2243[0] : i32 from vector<1xi32>
        %slice3A_2245 = vector.extract_strided_slice %and3A_2134 {offsets = [6], sizes = [1], strides = [1]} : vector<16xi32> to vector<1xi32>
        %squeeze3A_2246 = vector.extract %slice3A_2245[0] : i32 from vector<1xi32>
        %add3A_2247 = arith.constant 6 : i32
        %add3A_2248 = arith.addi %multiple_of3A_2125, %add3A_2247 : i32
        %dma_start3A_2249 = arith.constant 0 : i32
        %dma_start3A_2250 = tpu.memref_slice %arg6[%add3A_2248, %dma_start3A_2249] : memref<512x64xf32, #tpu.memory_space<vmem>> -> memref<1x64xf32, #tpu.memory_space<vmem>>
        %dma_start3A_2251 = tpu.memref_squeeze %dma_start3A_2250 : memref<1x64xf32, #tpu.memory_space<vmem>> -> memref<64xf32, #tpu.memory_space<vmem>>
        %dma_start3A_2252 = arith.constant 0 : i32
        %dma_start3A_2253 = tpu.memref_slice %arg3[%squeeze3A_2244, %squeeze3A_2246, %dma_start3A_2252] : memref<125000x8x64xf32, #tpu.memory_space<hbm>> -> memref<1x1x64xf32, #tpu.memory_space<hbm>>
        %dma_start3A_2254 = tpu.memref_squeeze %dma_start3A_2253 : memref<1x1x64xf32, #tpu.memory_space<hbm>> -> memref<64xf32, #tpu.memory_space<hbm>>
        %dma_start3A_2255 = arith.constant 0 : i32
        %dma_start3A_2256 = tpu.memref_slice %arg6[%add3A_2248, %dma_start3A_2255] : memref<512x64xf32, #tpu.memory_space<vmem>> -> memref<1x64xf32, #tpu.memory_space<vmem>>
        %dma_start3A_2257 = tpu.memref_squeeze %dma_start3A_2256 : memref<1x64xf32, #tpu.memory_space<vmem>> -> memref<64xf32, #tpu.memory_space<vmem>>
        %dma_start3A_2258 = arith.constant 0 : i32
        %dma_start3A_2259 = tpu.memref_slice %arg3[%squeeze3A_2244, %squeeze3A_2246, %dma_start3A_2258] : memref<125000x8x64xf32, #tpu.memory_space<hbm>> -> memref<1x1x64xf32, #tpu.memory_space<hbm>>
        %dma_start3A_2260 = tpu.memref_squeeze %dma_start3A_2259 : memref<1x1x64xf32, #tpu.memory_space<hbm>> -> memref<64xf32, #tpu.memory_space<hbm>>
        tpu.enqueue_dma source(%dma_start3A_2260 : memref<64xf32, #tpu.memory_space<hbm>>) target(%dma_start3A_2257 : memref<64xf32, #tpu.memory_space<vmem>>) target_semaphore(%arg7 : memref<!tpu.dma_semaphore, #tpu.memory_space<semaphore_mem>>)
        %slice3A_2261 = vector.extract_strided_slice %shift_right_logical3A_2131 {offsets = [7], sizes = [1], strides = [1]} : vector<16xi32> to vector<1xi32>
        %squeeze3A_2262 = vector.extract %slice3A_2261[0] : i32 from vector<1xi32>
        %slice3A_2263 = vector.extract_strided_slice %and3A_2134 {offsets = [7], sizes = [1], strides = [1]} : vector<16xi32> to vector<1xi32>
        %squeeze3A_2264 = vector.extract %slice3A_2263[0] : i32 from vector<1xi32>
        %add3A_2265 = arith.constant 7 : i32
        %add3A_2266 = arith.addi %multiple_of3A_2125, %add3A_2265 : i32
        %dma_start3A_2267 = arith.constant 0 : i32
        %dma_start3A_2268 = tpu.memref_slice %arg6[%add3A_2266, %dma_start3A_2267] : memref<512x64xf32, #tpu.memory_space<vmem>> -> memref<1x64xf32, #tpu.memory_space<vmem>>
        %dma_start3A_2269 = tpu.memref_squeeze %dma_start3A_2268 : memref<1x64xf32, #tpu.memory_space<vmem>> -> memref<64xf32, #tpu.memory_space<vmem>>
        %dma_start3A_2270 = arith.constant 0 : i32
        %dma_start3A_2271 = tpu.memref_slice %arg3[%squeeze3A_2262, %squeeze3A_2264, %dma_start3A_2270] : memref<125000x8x64xf32, #tpu.memory_space<hbm>> -> memref<1x1x64xf32, #tpu.memory_space<hbm>>
        %dma_start3A_2272 = tpu.memref_squeeze %dma_start3A_2271 : memref<1x1x64xf32, #tpu.memory_space<hbm>> -> memref<64xf32, #tpu.memory_space<hbm>>
        %dma_start3A_2273 = arith.constant 0 : i32
        %dma_start3A_2274 = tpu.memref_slice %arg6[%add3A_2266, %dma_start3A_2273] : memref<512x64xf32, #tpu.memory_space<vmem>> -> memref<1x64xf32, #tpu.memory_space<vmem>>
        %dma_start3A_2275 = tpu.memref_squeeze %dma_start3A_2274 : memref<1x64xf32, #tpu.memory_space<vmem>> -> memref<64xf32, #tpu.memory_space<vmem>>
        %dma_start3A_2276 = arith.constant 0 : i32
        %dma_start3A_2277 = tpu.memref_slice %arg3[%squeeze3A_2262, %squeeze3A_2264, %dma_start3A_2276] : memref<125000x8x64xf32, #tpu.memory_space<hbm>> -> memref<1x1x64xf32, #tpu.memory_space<hbm>>
        %dma_start3A_2278 = tpu.memref_squeeze %dma_start3A_2277 : memref<1x1x64xf32, #tpu.memory_space<hbm>> -> memref<64xf32, #tpu.memory_space<hbm>>
        tpu.enqueue_dma source(%dma_start3A_2278 : memref<64xf32, #tpu.memory_space<hbm>>) target(%dma_start3A_2275 : memref<64xf32, #tpu.memory_space<vmem>>) target_semaphore(%arg7 : memref<!tpu.dma_semaphore, #tpu.memory_space<semaphore_mem>>)
        %slice3A_2279 = vector.extract_strided_slice %shift_right_logical3A_2131 {offsets = [8], sizes = [1], strides = [1]} : vector<16xi32> to vector<1xi32>
        %squeeze3A_2280 = vector.extract %slice3A_2279[0] : i32 from vector<1xi32>
        %slice3A_2281 = vector.extract_strided_slice %and3A_2134 {offsets = [8], sizes = [1], strides = [1]} : vector<16xi32> to vector<1xi32>
        %squeeze3A_2282 = vector.extract %slice3A_2281[0] : i32 from vector<1xi32>
        %add3A_2283 = arith.constant 8 : i32
        %add3A_2284 = arith.addi %multiple_of3A_2125, %add3A_2283 : i32
        %dma_start3A_2285 = arith.constant 0 : i32
        %dma_start3A_2286 = tpu.memref_slice %arg6[%add3A_2284, %dma_start3A_2285] : memref<512x64xf32, #tpu.memory_space<vmem>> -> memref<1x64xf32, #tpu.memory_space<vmem>>
        %dma_start3A_2287 = tpu.memref_squeeze %dma_start3A_2286 : memref<1x64xf32, #tpu.memory_space<vmem>> -> memref<64xf32, #tpu.memory_space<vmem>>
        %dma_start3A_2288 = arith.constant 0 : i32
        %dma_start3A_2289 = tpu.memref_slice %arg3[%squeeze3A_2280, %squeeze3A_2282, %dma_start3A_2288] : memref<125000x8x64xf32, #tpu.memory_space<hbm>> -> memref<1x1x64xf32, #tpu.memory_space<hbm>>
        %dma_start3A_2290 = tpu.memref_squeeze %dma_start3A_2289 : memref<1x1x64xf32, #tpu.memory_space<hbm>> -> memref<64xf32, #tpu.memory_space<hbm>>
        %dma_start3A_2291 = arith.constant 0 : i32
        %dma_start3A_2292 = tpu.memref_slice %arg6[%add3A_2284, %dma_start3A_2291] : memref<512x64xf32, #tpu.memory_space<vmem>> -> memref<1x64xf32, #tpu.memory_space<vmem>>
        %dma_start3A_2293 = tpu.memref_squeeze %dma_start3A_2292 : memref<1x64xf32, #tpu.memory_space<vmem>> -> memref<64xf32, #tpu.memory_space<vmem>>
        %dma_start3A_2294 = arith.constant 0 : i32
        %dma_start3A_2295 = tpu.memref_slice %arg3[%squeeze3A_2280, %squeeze3A_2282, %dma_start3A_2294] : memref<125000x8x64xf32, #tpu.memory_space<hbm>> -> memref<1x1x64xf32, #tpu.memory_space<hbm>>
        %dma_start3A_2296 = tpu.memref_squeeze %dma_start3A_2295 : memref<1x1x64xf32, #tpu.memory_space<hbm>> -> memref<64xf32, #tpu.memory_space<hbm>>
        tpu.enqueue_dma source(%dma_start3A_2296 : memref<64xf32, #tpu.memory_space<hbm>>) target(%dma_start3A_2293 : memref<64xf32, #tpu.memory_space<vmem>>) target_semaphore(%arg7 : memref<!tpu.dma_semaphore, #tpu.memory_space<semaphore_mem>>)
        %slice3A_2297 = vector.extract_strided_slice %shift_right_logical3A_2131 {offsets = [9], sizes = [1], strides = [1]} : vector<16xi32> to vector<1xi32>
        %squeeze3A_2298 = vector.extract %slice3A_2297[0] : i32 from vector<1xi32>
        %slice3A_2299 = vector.extract_strided_slice %and3A_2134 {offsets = [9], sizes = [1], strides = [1]} : vector<16xi32> to vector<1xi32>
        %squeeze3A_2300 = vector.extract %slice3A_2299[0] : i32 from vector<1xi32>
        %add3A_2301 = arith.constant 9 : i32
        %add3A_2302 = arith.addi %multiple_of3A_2125, %add3A_2301 : i32
        %dma_start3A_2303 = arith.constant 0 : i32
        %dma_start3A_2304 = tpu.memref_slice %arg6[%add3A_2302, %dma_start3A_2303] : memref<512x64xf32, #tpu.memory_space<vmem>> -> memref<1x64xf32, #tpu.memory_space<vmem>>
        %dma_start3A_2305 = tpu.memref_squeeze %dma_start3A_2304 : memref<1x64xf32, #tpu.memory_space<vmem>> -> memref<64xf32, #tpu.memory_space<vmem>>
        %dma_start3A_2306 = arith.constant 0 : i32
        %dma_start3A_2307 = tpu.memref_slice %arg3[%squeeze3A_2298, %squeeze3A_2300, %dma_start3A_2306] : memref<125000x8x64xf32, #tpu.memory_space<hbm>> -> memref<1x1x64xf32, #tpu.memory_space<hbm>>
        %dma_start3A_2308 = tpu.memref_squeeze %dma_start3A_2307 : memref<1x1x64xf32, #tpu.memory_space<hbm>> -> memref<64xf32, #tpu.memory_space<hbm>>
        %dma_start3A_2309 = arith.constant 0 : i32
        %dma_start3A_2310 = tpu.memref_slice %arg6[%add3A_2302, %dma_start3A_2309] : memref<512x64xf32, #tpu.memory_space<vmem>> -> memref<1x64xf32, #tpu.memory_space<vmem>>
        %dma_start3A_2311 = tpu.memref_squeeze %dma_start3A_2310 : memref<1x64xf32, #tpu.memory_space<vmem>> -> memref<64xf32, #tpu.memory_space<vmem>>
        %dma_start3A_2312 = arith.constant 0 : i32
        %dma_start3A_2313 = tpu.memref_slice %arg3[%squeeze3A_2298, %squeeze3A_2300, %dma_start3A_2312] : memref<125000x8x64xf32, #tpu.memory_space<hbm>> -> memref<1x1x64xf32, #tpu.memory_space<hbm>>
        %dma_start3A_2314 = tpu.memref_squeeze %dma_start3A_2313 : memref<1x1x64xf32, #tpu.memory_space<hbm>> -> memref<64xf32, #tpu.memory_space<hbm>>
        tpu.enqueue_dma source(%dma_start3A_2314 : memref<64xf32, #tpu.memory_space<hbm>>) target(%dma_start3A_2311 : memref<64xf32, #tpu.memory_space<vmem>>) target_semaphore(%arg7 : memref<!tpu.dma_semaphore, #tpu.memory_space<semaphore_mem>>)
        %slice3A_2315 = vector.extract_strided_slice %shift_right_logical3A_2131 {offsets = [10], sizes = [1], strides = [1]} : vector<16xi32> to vector<1xi32>
        %squeeze3A_2316 = vector.extract %slice3A_2315[0] : i32 from vector<1xi32>
        %slice3A_2317 = vector.extract_strided_slice %and3A_2134 {offsets = [10], sizes = [1], strides = [1]} : vector<16xi32> to vector<1xi32>
        %squeeze3A_2318 = vector.extract %slice3A_2317[0] : i32 from vector<1xi32>
        %add3A_2319 = arith.constant 10 : i32
        %add3A_2320 = arith.addi %multiple_of3A_2125, %add3A_2319 : i32
        %dma_start3A_2321 = arith.constant 0 : i32
        %dma_start3A_2322 = tpu.memref_slice %arg6[%add3A_2320, %dma_start3A_2321] : memref<512x64xf32, #tpu.memory_space<vmem>> -> memref<1x64xf32, #tpu.memory_space<vmem>>
        %dma_start3A_2323 = tpu.memref_squeeze %dma_start3A_2322 : memref<1x64xf32, #tpu.memory_space<vmem>> -> memref<64xf32, #tpu.memory_space<vmem>>
        %dma_start3A_2324 = arith.constant 0 : i32
        %dma_start3A_2325 = tpu.memref_slice %arg3[%squeeze3A_2316, %squeeze3A_2318, %dma_start3A_2324] : memref<125000x8x64xf32, #tpu.memory_space<hbm>> -> memref<1x1x64xf32, #tpu.memory_space<hbm>>
        %dma_start3A_2326 = tpu.memref_squeeze %dma_start3A_2325 : memref<1x1x64xf32, #tpu.memory_space<hbm>> -> memref<64xf32, #tpu.memory_space<hbm>>
        %dma_start3A_2327 = arith.constant 0 : i32
        %dma_start3A_2328 = tpu.memref_slice %arg6[%add3A_2320, %dma_start3A_2327] : memref<512x64xf32, #tpu.memory_space<vmem>> -> memref<1x64xf32, #tpu.memory_space<vmem>>
        %dma_start3A_2329 = tpu.memref_squeeze %dma_start3A_2328 : memref<1x64xf32, #tpu.memory_space<vmem>> -> memref<64xf32, #tpu.memory_space<vmem>>
        %dma_start3A_2330 = arith.constant 0 : i32
        %dma_start3A_2331 = tpu.memref_slice %arg3[%squeeze3A_2316, %squeeze3A_2318, %dma_start3A_2330] : memref<125000x8x64xf32, #tpu.memory_space<hbm>> -> memref<1x1x64xf32, #tpu.memory_space<hbm>>
        %dma_start3A_2332 = tpu.memref_squeeze %dma_start3A_2331 : memref<1x1x64xf32, #tpu.memory_space<hbm>> -> memref<64xf32, #tpu.memory_space<hbm>>
        tpu.enqueue_dma source(%dma_start3A_2332 : memref<64xf32, #tpu.memory_space<hbm>>) target(%dma_start3A_2329 : memref<64xf32, #tpu.memory_space<vmem>>) target_semaphore(%arg7 : memref<!tpu.dma_semaphore, #tpu.memory_space<semaphore_mem>>)
        %slice3A_2333 = vector.extract_strided_slice %shift_right_logical3A_2131 {offsets = [11], sizes = [1], strides = [1]} : vector<16xi32> to vector<1xi32>
        %squeeze3A_2334 = vector.extract %slice3A_2333[0] : i32 from vector<1xi32>
        %slice3A_2335 = vector.extract_strided_slice %and3A_2134 {offsets = [11], sizes = [1], strides = [1]} : vector<16xi32> to vector<1xi32>
        %squeeze3A_2336 = vector.extract %slice3A_2335[0] : i32 from vector<1xi32>
        %add3A_2337 = arith.constant 11 : i32
        %add3A_2338 = arith.addi %multiple_of3A_2125, %add3A_2337 : i32
        %dma_start3A_2339 = arith.constant 0 : i32
        %dma_start3A_2340 = tpu.memref_slice %arg6[%add3A_2338, %dma_start3A_2339] : memref<512x64xf32, #tpu.memory_space<vmem>> -> memref<1x64xf32, #tpu.memory_space<vmem>>
        %dma_start3A_2341 = tpu.memref_squeeze %dma_start3A_2340 : memref<1x64xf32, #tpu.memory_space<vmem>> -> memref<64xf32, #tpu.memory_space<vmem>>
        %dma_start3A_2342 = arith.constant 0 : i32
        %dma_start3A_2343 = tpu.memref_slice %arg3[%squeeze3A_2334, %squeeze3A_2336, %dma_start3A_2342] : memref<125000x8x64xf32, #tpu.memory_space<hbm>> -> memref<1x1x64xf32, #tpu.memory_space<hbm>>
        %dma_start3A_2344 = tpu.memref_squeeze %dma_start3A_2343 : memref<1x1x64xf32, #tpu.memory_space<hbm>> -> memref<64xf32, #tpu.memory_space<hbm>>
        %dma_start3A_2345 = arith.constant 0 : i32
        %dma_start3A_2346 = tpu.memref_slice %arg6[%add3A_2338, %dma_start3A_2345] : memref<512x64xf32, #tpu.memory_space<vmem>> -> memref<1x64xf32, #tpu.memory_space<vmem>>
        %dma_start3A_2347 = tpu.memref_squeeze %dma_start3A_2346 : memref<1x64xf32, #tpu.memory_space<vmem>> -> memref<64xf32, #tpu.memory_space<vmem>>
        %dma_start3A_2348 = arith.constant 0 : i32
        %dma_start3A_2349 = tpu.memref_slice %arg3[%squeeze3A_2334, %squeeze3A_2336, %dma_start3A_2348] : memref<125000x8x64xf32, #tpu.memory_space<hbm>> -> memref<1x1x64xf32, #tpu.memory_space<hbm>>
        %dma_start3A_2350 = tpu.memref_squeeze %dma_start3A_2349 : memref<1x1x64xf32, #tpu.memory_space<hbm>> -> memref<64xf32, #tpu.memory_space<hbm>>
        tpu.enqueue_dma source(%dma_start3A_2350 : memref<64xf32, #tpu.memory_space<hbm>>) target(%dma_start3A_2347 : memref<64xf32, #tpu.memory_space<vmem>>) target_semaphore(%arg7 : memref<!tpu.dma_semaphore, #tpu.memory_space<semaphore_mem>>)
        %slice3A_2351 = vector.extract_strided_slice %shift_right_logical3A_2131 {offsets = [12], sizes = [1], strides = [1]} : vector<16xi32> to vector<1xi32>
        %squeeze3A_2352 = vector.extract %slice3A_2351[0] : i32 from vector<1xi32>
        %slice3A_2353 = vector.extract_strided_slice %and3A_2134 {offsets = [12], sizes = [1], strides = [1]} : vector<16xi32> to vector<1xi32>
        %squeeze3A_2354 = vector.extract %slice3A_2353[0] : i32 from vector<1xi32>
        %add3A_2355 = arith.constant 12 : i32
        %add3A_2356 = arith.addi %multiple_of3A_2125, %add3A_2355 : i32
        %dma_start3A_2357 = arith.constant 0 : i32
        %dma_start3A_2358 = tpu.memref_slice %arg6[%add3A_2356, %dma_start3A_2357] : memref<512x64xf32, #tpu.memory_space<vmem>> -> memref<1x64xf32, #tpu.memory_space<vmem>>
        %dma_start3A_2359 = tpu.memref_squeeze %dma_start3A_2358 : memref<1x64xf32, #tpu.memory_space<vmem>> -> memref<64xf32, #tpu.memory_space<vmem>>
        %dma_start3A_2360 = arith.constant 0 : i32
        %dma_start3A_2361 = tpu.memref_slice %arg3[%squeeze3A_2352, %squeeze3A_2354, %dma_start3A_2360] : memref<125000x8x64xf32, #tpu.memory_space<hbm>> -> memref<1x1x64xf32, #tpu.memory_space<hbm>>
        %dma_start3A_2362 = tpu.memref_squeeze %dma_start3A_2361 : memref<1x1x64xf32, #tpu.memory_space<hbm>> -> memref<64xf32, #tpu.memory_space<hbm>>
        %dma_start3A_2363 = arith.constant 0 : i32
        %dma_start3A_2364 = tpu.memref_slice %arg6[%add3A_2356, %dma_start3A_2363] : memref<512x64xf32, #tpu.memory_space<vmem>> -> memref<1x64xf32, #tpu.memory_space<vmem>>
        %dma_start3A_2365 = tpu.memref_squeeze %dma_start3A_2364 : memref<1x64xf32, #tpu.memory_space<vmem>> -> memref<64xf32, #tpu.memory_space<vmem>>
        %dma_start3A_2366 = arith.constant 0 : i32
        %dma_start3A_2367 = tpu.memref_slice %arg3[%squeeze3A_2352, %squeeze3A_2354, %dma_start3A_2366] : memref<125000x8x64xf32, #tpu.memory_space<hbm>> -> memref<1x1x64xf32, #tpu.memory_space<hbm>>
        %dma_start3A_2368 = tpu.memref_squeeze %dma_start3A_2367 : memref<1x1x64xf32, #tpu.memory_space<hbm>> -> memref<64xf32, #tpu.memory_space<hbm>>
        tpu.enqueue_dma source(%dma_start3A_2368 : memref<64xf32, #tpu.memory_space<hbm>>) target(%dma_start3A_2365 : memref<64xf32, #tpu.memory_space<vmem>>) target_semaphore(%arg7 : memref<!tpu.dma_semaphore, #tpu.memory_space<semaphore_mem>>)
        %slice3A_2369 = vector.extract_strided_slice %shift_right_logical3A_2131 {offsets = [13], sizes = [1], strides = [1]} : vector<16xi32> to vector<1xi32>
        %squeeze3A_2370 = vector.extract %slice3A_2369[0] : i32 from vector<1xi32>
        %slice3A_2371 = vector.extract_strided_slice %and3A_2134 {offsets = [13], sizes = [1], strides = [1]} : vector<16xi32> to vector<1xi32>
        %squeeze3A_2372 = vector.extract %slice3A_2371[0] : i32 from vector<1xi32>
        %add3A_2373 = arith.constant 13 : i32
        %add3A_2374 = arith.addi %multiple_of3A_2125, %add3A_2373 : i32
        %dma_start3A_2375 = arith.constant 0 : i32
        %dma_start3A_2376 = tpu.memref_slice %arg6[%add3A_2374, %dma_start3A_2375] : memref<512x64xf32, #tpu.memory_space<vmem>> -> memref<1x64xf32, #tpu.memory_space<vmem>>
        %dma_start3A_2377 = tpu.memref_squeeze %dma_start3A_2376 : memref<1x64xf32, #tpu.memory_space<vmem>> -> memref<64xf32, #tpu.memory_space<vmem>>
        %dma_start3A_2378 = arith.constant 0 : i32
        %dma_start3A_2379 = tpu.memref_slice %arg3[%squeeze3A_2370, %squeeze3A_2372, %dma_start3A_2378] : memref<125000x8x64xf32, #tpu.memory_space<hbm>> -> memref<1x1x64xf32, #tpu.memory_space<hbm>>
        %dma_start3A_2380 = tpu.memref_squeeze %dma_start3A_2379 : memref<1x1x64xf32, #tpu.memory_space<hbm>> -> memref<64xf32, #tpu.memory_space<hbm>>
        %dma_start3A_2381 = arith.constant 0 : i32
        %dma_start3A_2382 = tpu.memref_slice %arg6[%add3A_2374, %dma_start3A_2381] : memref<512x64xf32, #tpu.memory_space<vmem>> -> memref<1x64xf32, #tpu.memory_space<vmem>>
        %dma_start3A_2383 = tpu.memref_squeeze %dma_start3A_2382 : memref<1x64xf32, #tpu.memory_space<vmem>> -> memref<64xf32, #tpu.memory_space<vmem>>
        %dma_start3A_2384 = arith.constant 0 : i32
        %dma_start3A_2385 = tpu.memref_slice %arg3[%squeeze3A_2370, %squeeze3A_2372, %dma_start3A_2384] : memref<125000x8x64xf32, #tpu.memory_space<hbm>> -> memref<1x1x64xf32, #tpu.memory_space<hbm>>
        %dma_start3A_2386 = tpu.memref_squeeze %dma_start3A_2385 : memref<1x1x64xf32, #tpu.memory_space<hbm>> -> memref<64xf32, #tpu.memory_space<hbm>>
        tpu.enqueue_dma source(%dma_start3A_2386 : memref<64xf32, #tpu.memory_space<hbm>>) target(%dma_start3A_2383 : memref<64xf32, #tpu.memory_space<vmem>>) target_semaphore(%arg7 : memref<!tpu.dma_semaphore, #tpu.memory_space<semaphore_mem>>)
        %slice3A_2387 = vector.extract_strided_slice %shift_right_logical3A_2131 {offsets = [14], sizes = [1], strides = [1]} : vector<16xi32> to vector<1xi32>
        %squeeze3A_2388 = vector.extract %slice3A_2387[0] : i32 from vector<1xi32>
        %slice3A_2389 = vector.extract_strided_slice %and3A_2134 {offsets = [14], sizes = [1], strides = [1]} : vector<16xi32> to vector<1xi32>
        %squeeze3A_2390 = vector.extract %slice3A_2389[0] : i32 from vector<1xi32>
        %add3A_2391 = arith.constant 14 : i32
        %add3A_2392 = arith.addi %multiple_of3A_2125, %add3A_2391 : i32
        %dma_start3A_2393 = arith.constant 0 : i32
        %dma_start3A_2394 = tpu.memref_slice %arg6[%add3A_2392, %dma_start3A_2393] : memref<512x64xf32, #tpu.memory_space<vmem>> -> memref<1x64xf32, #tpu.memory_space<vmem>>
        %dma_start3A_2395 = tpu.memref_squeeze %dma_start3A_2394 : memref<1x64xf32, #tpu.memory_space<vmem>> -> memref<64xf32, #tpu.memory_space<vmem>>
        %dma_start3A_2396 = arith.constant 0 : i32
        %dma_start3A_2397 = tpu.memref_slice %arg3[%squeeze3A_2388, %squeeze3A_2390, %dma_start3A_2396] : memref<125000x8x64xf32, #tpu.memory_space<hbm>> -> memref<1x1x64xf32, #tpu.memory_space<hbm>>
        %dma_start3A_2398 = tpu.memref_squeeze %dma_start3A_2397 : memref<1x1x64xf32, #tpu.memory_space<hbm>> -> memref<64xf32, #tpu.memory_space<hbm>>
        %dma_start3A_2399 = arith.constant 0 : i32
        %dma_start3A_2400 = tpu.memref_slice %arg6[%add3A_2392, %dma_start3A_2399] : memref<512x64xf32, #tpu.memory_space<vmem>> -> memref<1x64xf32, #tpu.memory_space<vmem>>
        %dma_start3A_2401 = tpu.memref_squeeze %dma_start3A_2400 : memref<1x64xf32, #tpu.memory_space<vmem>> -> memref<64xf32, #tpu.memory_space<vmem>>
        %dma_start3A_2402 = arith.constant 0 : i32
        %dma_start3A_2403 = tpu.memref_slice %arg3[%squeeze3A_2388, %squeeze3A_2390, %dma_start3A_2402] : memref<125000x8x64xf32, #tpu.memory_space<hbm>> -> memref<1x1x64xf32, #tpu.memory_space<hbm>>
        %dma_start3A_2404 = tpu.memref_squeeze %dma_start3A_2403 : memref<1x1x64xf32, #tpu.memory_space<hbm>> -> memref<64xf32, #tpu.memory_space<hbm>>
        tpu.enqueue_dma source(%dma_start3A_2404 : memref<64xf32, #tpu.memory_space<hbm>>) target(%dma_start3A_2401 : memref<64xf32, #tpu.memory_space<vmem>>) target_semaphore(%arg7 : memref<!tpu.dma_semaphore, #tpu.memory_space<semaphore_mem>>)
        %slice3A_2405 = vector.extract_strided_slice %shift_right_logical3A_2131 {offsets = [15], sizes = [1], strides = [1]} : vector<16xi32> to vector<1xi32>
        %squeeze3A_2406 = vector.extract %slice3A_2405[0] : i32 from vector<1xi32>
        %slice3A_2407 = vector.extract_strided_slice %and3A_2134 {offsets = [15], sizes = [1], strides = [1]} : vector<16xi32> to vector<1xi32>
        %squeeze3A_2408 = vector.extract %slice3A_2407[0] : i32 from vector<1xi32>
        %add3A_2409 = arith.constant 15 : i32
        %add3A_2410 = arith.addi %multiple_of3A_2125, %add3A_2409 : i32
        %dma_start3A_2411 = arith.constant 0 : i32
        %dma_start3A_2412 = tpu.memref_slice %arg6[%add3A_2410, %dma_start3A_2411] : memref<512x64xf32, #tpu.memory_space<vmem>> -> memref<1x64xf32, #tpu.memory_space<vmem>>
        %dma_start3A_2413 = tpu.memref_squeeze %dma_start3A_2412 : memref<1x64xf32, #tpu.memory_space<vmem>> -> memref<64xf32, #tpu.memory_space<vmem>>
        %dma_start3A_2414 = arith.constant 0 : i32
        %dma_start3A_2415 = tpu.memref_slice %arg3[%squeeze3A_2406, %squeeze3A_2408, %dma_start3A_2414] : memref<125000x8x64xf32, #tpu.memory_space<hbm>> -> memref<1x1x64xf32, #tpu.memory_space<hbm>>
        %dma_start3A_2416 = tpu.memref_squeeze %dma_start3A_2415 : memref<1x1x64xf32, #tpu.memory_space<hbm>> -> memref<64xf32, #tpu.memory_space<hbm>>
        %dma_start3A_2417 = arith.constant 0 : i32
        %dma_start3A_2418 = tpu.memref_slice %arg6[%add3A_2410, %dma_start3A_2417] : memref<512x64xf32, #tpu.memory_space<vmem>> -> memref<1x64xf32, #tpu.memory_space<vmem>>
        %dma_start3A_2419 = tpu.memref_squeeze %dma_start3A_2418 : memref<1x64xf32, #tpu.memory_space<vmem>> -> memref<64xf32, #tpu.memory_space<vmem>>
        %dma_start3A_2420 = arith.constant 0 : i32
        %dma_start3A_2421 = tpu.memref_slice %arg3[%squeeze3A_2406, %squeeze3A_2408, %dma_start3A_2420] : memref<125000x8x64xf32, #tpu.memory_space<hbm>> -> memref<1x1x64xf32, #tpu.memory_space<hbm>>
        %dma_start3A_2422 = tpu.memref_squeeze %dma_start3A_2421 : memref<1x1x64xf32, #tpu.memory_space<hbm>> -> memref<64xf32, #tpu.memory_space<hbm>>
        tpu.enqueue_dma source(%dma_start3A_2422 : memref<64xf32, #tpu.memory_space<hbm>>) target(%dma_start3A_2419 : memref<64xf32, #tpu.memory_space<vmem>>) target_semaphore(%arg7 : memref<!tpu.dma_semaphore, #tpu.memory_space<semaphore_mem>>)
      } else {
      }
      %mul3A_1202 = arith.constant 64 : i32
      %mul3A_1203 = arith.muli %scan3A_1197, %mul3A_1202 : i32
      %dma_wait3A = arith.constant 0 : i32
      %dma_wait3A_1204 = tpu.memref_slice %arg6[%mul3A_1203, %dma_wait3A] : memref<512x64xf32, #tpu.memory_space<vmem>> -> memref<64x64xf32, #tpu.memory_space<vmem>>
      %dma_wait3A_1205 = arith.constant 0 : i32
      %dma_wait3A_1206 = arith.constant 0 : i32
      %dma_wait3A_1207 = tpu.memref_slice %arg4[%dma_wait3A_1205, %dma_wait3A_1206] : memref<16384x64xf32, #tpu.memory_space<hbm>> -> memref<64x64xf32, #tpu.memory_space<hbm>>
      %dma_wait3A_1208 = arith.constant 0 : i32
      %dma_wait3A_1209 = tpu.memref_slice %arg6[%mul3A_1203, %dma_wait3A_1208] : memref<512x64xf32, #tpu.memory_space<vmem>> -> memref<64x64xf32, #tpu.memory_space<vmem>>
      %dma_wait3A_1210 = arith.constant 0 : i32
      %dma_wait3A_1211 = arith.constant 0 : i32
      %dma_wait3A_1212 = tpu.memref_slice %arg4[%dma_wait3A_1210, %dma_wait3A_1211] : memref<16384x64xf32, #tpu.memory_space<hbm>> -> memref<64x64xf32, #tpu.memory_space<hbm>>
      tpu.wait_dma2 semaphore(%arg7 : memref<!tpu.dma_semaphore, #tpu.memory_space<semaphore_mem>>) src(%dma_wait3A_1212 : memref<64x64xf32, #tpu.memory_space<hbm>>) dst(%dma_wait3A_1209 : memref<64x64xf32, #tpu.memory_space<vmem>>)
    }
    %scan3A_1196 = arith.constant 8 : i32
    "tpu.region"() ({
      %run_scoped3A = tpu.sem_alloc : memref<!tpu.dma_semaphore, #tpu.memory_space<semaphore_mem>>
      %dma_start3A_1197 = arith.constant 0 : i32
      %dma_start3A_1198 = tpu.memref_slice %arg4[%mul3A_2, %dma_start3A_1197] : memref<16384x64xf32, #tpu.memory_space<hbm>> -> memref<512x64xf32, #tpu.memory_space<hbm>>
      %dma_start3A_1199 = arith.constant 0 : i32
      %dma_start3A_1200 = tpu.memref_slice %arg4[%mul3A_2, %dma_start3A_1199] : memref<16384x64xf32, #tpu.memory_space<hbm>> -> memref<512x64xf32, #tpu.memory_space<hbm>>
      tpu.enqueue_dma source(%arg6 : memref<512x64xf32, #tpu.memory_space<vmem>>) target(%dma_start3A_1200 : memref<512x64xf32, #tpu.memory_space<hbm>>) target_semaphore(%run_scoped3A : memref<!tpu.dma_semaphore, #tpu.memory_space<semaphore_mem>>)
      %dma_wait3A = arith.constant 0 : i32
      %dma_wait3A_1201 = tpu.memref_slice %arg4[%mul3A_2, %dma_wait3A] : memref<16384x64xf32, #tpu.memory_space<hbm>> -> memref<512x64xf32, #tpu.memory_space<hbm>>
      %dma_wait3A_1202 = arith.constant 0 : i32
      %dma_wait3A_1203 = tpu.memref_slice %arg4[%mul3A_2, %dma_wait3A_1202] : memref<16384x64xf32, #tpu.memory_space<hbm>> -> memref<512x64xf32, #tpu.memory_space<hbm>>
      tpu.wait_dma2 semaphore(%run_scoped3A : memref<!tpu.dma_semaphore, #tpu.memory_space<semaphore_mem>>) src(%arg6 : memref<512x64xf32, #tpu.memory_space<vmem>>) dst(%dma_wait3A_1203 : memref<512x64xf32, #tpu.memory_space<hbm>>)
      tpu.yield
    }) : () -> ()
    return
  }
}

</mosaic_0001>

<sc_bundles>
// kernel: _gather.3.cloned.1.call-start
scs
__scs_entry_jumppad:
0x0: {  	(pc) =	sbr.rel $0x88, $3  }
0x1: {  	(tag) =	ssettag $0x0;
	lr =	simm.s32 $0x1  }
0x2: {  	[smem:$0x3F9F] =	sst lr;
	_ =	strace $0xD0000000  }
0x3: {  	_ = 	snop  }
0x4: {  	_ = 	snop  }
0x5: {  	_ = 	snop  }
0x6: {  	_ = 	snop  }
0x7: {  	_ = 	snop  }
__scs_overlays_trampoline_lowered:
0x8: {  	[smem:$0x3FAE] =	sst s0  }
0x9: {  	[smem:$0x3FAF] =	sst s1  }
0xa: {  	[smem:$0x3FB0] =	sst s2  }
0xb: {  	[smem:$0x3FB1] =	sst s3  }
0xc: {  	[smem:$0x3FB2] =	sst s4  }
0xd: {  	[smem:$0x3FB3] =	sst s5  }
0xe: {  	[smem:$0x3FB4] =	sst s6  }
0xf: {  	[smem:$0x3FB5] =	sst s7  }
0x10: {  	[smem:$0x3FB6] =	sst s8  }
0x11: {  	[smem:$0x3FB7] =	sst s9;
	s0 =	simm.s32 @!p0 $0x0  }
0x12: {  	s1 =	sld [smem:$0x3F9D];
	s0 =	simm.s32 @p0 $0x1  }
0x13: {  	[smem:$0x3FB8] =	sst s0;
	s0 =	simm.s32 @!p1 $0x0  }
0x14: {  	s2 =	sld [smem:$0x3F9C];
	s0 =	simm.s32 @p1 $0x1  }
0x15: {  	[smem:$0x3FB9] =	sst s0;
	s0 =	simm.s32 @!p2 $0x0  }
0x16: {  	s3 =	sld [smem:$0x3FDB];
	s0 =	simm.s32 @p2 $0x1  }
0x17: {  	s4 =	simm.s32 $0x1BF5;
	[smem:$0x3FBB] =	sst s0  }
0x18: {  	s0 =	sld [smem:$0x3F9E];
	_ =	swait.ge [sflag:s4], $0x0  }
0x19: {  	s7 =	sld [smem:$0x3F9F]  }
0x1a: {  	s8 =	sadd.s32 $0xFFFFE003, lr  }
0x1b: {  	s9 =	sadd.s32 $0xFFFFFEF7, lr;
	s5 =	simm.s32 $0xFFFFFFFF;
	p2 =	slt.u32 s8, $0xFFFFF086  }
0x1c: {  	p1 =	slt.u32 s9, $0xF7A;
	s5 =	simm.s32 @!p2 $0x0  }
0x1d: {  	s5 =	simm.s32 @p1 $0x1;
	p0 =	seq.s32 s7, s2  }
0x1e: {  	s7 =	smul.u32 @!p0 $0xF7A, s2;
	p2 =	seq.s32 @!p0 s5, $0x0  }
0x1f: {  	s9 =	smul.u32 $0xF7A, s1;
	s8 =	simm.s32 @!p0 $0x1BF5;
	p2 =	por !p2, p0  }
0x20: {  	[sflag:s8] =	ssyncset.s32 @!p0 $0xFFFFF086;
	s6 =	sadd.s32 @!p0 s3, s7;
	s7 =	simm.s32 @!p0 $0x108  }
0x21: {  	s3 =	sadd.s32 s3, s9;
	s6 =	sadd.s32 @!p0 $0x88, s6;
	s7 =	simm.s32 @p2 $0x1082  }
0x22: {  	[simem:s7], [sflag:s8] =	dma.local @!p0 [hbm:s6], $0xF7A  }
0x23: {  	s9 =	sor.u32 $0xD0000000, s2;
	s6 =	simm.s32 $0x108;
	_ =	swait.ge @!p0 [sflag:s8], $0x0  }
0x24: {  	s3 =	sadd.s32 $0x88, s3;
	s6 =	simm.s32 @!p1 $0x1082;
	[sflag:s4] =	ssyncset.s32 $0xFFFFF086  }
0x25: {  	[simem:s6], [sflag:s4] =	dma.local [hbm:s3], $0xF7A  }
0x26: {  	[smem:$0x3F9F] =	sst s1;
	(tag) =	ssettag s2;
	_ =	strace s9  }
0x27: {  	s1 =	sld [smem:$0x3FAF]  }
0x28: {  	s2 =	sld [smem:$0x3FB0]  }
0x29: {  	s4 =	sld [smem:$0x3FB2]  }
0x2a: {  	p0 =	seq.s32 s5, $0x0;
	s5 =	sld [smem:$0x3FB3]  }
0x2b: {  	s6 =	sld [smem:$0x3FB4]  }
0x2c: {  	s7 =	sld [smem:$0x3FB5]  }
0x2d: {  	s3 =	simm.s32 $0x108;
	s8 =	sld [smem:$0x3FB6]  }
0x2e: {  	s3 =	simm.s32 @!p0 $0x1082;
	s9 =	sld [smem:$0x3FB7]  }
0x2f: {  	lr =	sadd.s32 s0, s3;
	s0 =	sld [smem:$0x3FAE]  }
0x30: {  	s3 =	sld [smem:$0x3FB1]  }
0x31: {  	[smem:$0x3FBA] =	sst s10  }
0x32: {  	s10 =	sld [smem:$0x3FB8];
	_ =	sdelay $0x3  }
0x33: {  	p0 =	seq.s32 s10, $0x1;
	s10 =	sld [smem:$0x3FBA];
	_ =	sdelay $0x3  }
0x34: {  	[smem:$0x3FBA] =	sst s10  }
0x35: {  	s10 =	sld [smem:$0x3FB9];
	_ =	sdelay $0x3  }
0x36: {  	p1 =	seq.s32 s10, $0x1;
	s10 =	sld [smem:$0x3FBA];
	_ =	sdelay $0x3  }
0x37: {  	[smem:$0x3FBA] =	sst s10  }
0x38: {  	s10 =	sld [smem:$0x3FBB]  }
0x39: {  	_ = 	snop;
	(pc) =	sbr.ind lr, $3  }
0x3a: {  	_ = 	snop  }
0x3b: {  	_ = 	snop  }
0x3c: {  	p2 =	seq.s32 s10, $0x1;
	s10 =	sld [smem:$0x3FBA]  }
0x3d: {  	_ =	shalt  }
0x3e: {  	_ =	shalt  }
0x3f: {  	_ =	shalt  }
0x40: {  	_ =	shalt  }
0x41: {  	_ =	shalt  }
0x42: {  	_ =	shalt  }
0x43: {  	_ =	shalt  }
0x44: {  	_ =	shalt  }
0x45: {  	_ =	shalt  }
0x46: {  	_ =	shalt  }
0x47: {  	_ =	shalt  }
0x48: {  	_ =	shalt  }
0x49: {  	_ =	shalt  }
0x4a: {  	_ =	shalt  }
0x4b: {  	_ =	shalt  }
0x4c: {  	_ =	shalt  }
0x4d: {  	_ =	shalt  }
0x4e: {  	_ =	shalt  }
0x4f: {  	_ =	shalt  }
0x50: {  	_ =	shalt  }
0x51: {  	_ =	shalt  }
0x52: {  	_ =	shalt  }
0x53: {  	_ =	shalt  }
0x54: {  	_ =	shalt  }
0x55: {  	_ =	shalt  }
0x56: {  	_ =	shalt  }
0x57: {  	_ =	shalt  }
0x58: {  	_ =	shalt  }
0x59: {  	_ =	shalt  }
0x5a: {  	_ =	shalt  }
0x5b: {  	_ =	shalt  }
0x5c: {  	_ =	shalt  }
0x5d: {  	_ =	shalt  }
0x5e: {  	_ =	shalt  }
0x5f: {  	_ =	shalt  }
0x60: {  	_ =	shalt  }
0x61: {  	_ =	shalt  }
0x62: {  	_ =	shalt  }
0x63: {  	_ =	shalt  }
0x64: {  	_ =	shalt  }
0x65: {  	_ =	shalt  }
0x66: {  	_ =	shalt  }
0x67: {  	_ =	shalt  }
0x68: {  	_ =	shalt  }
0x69: {  	_ =	shalt  }
0x6a: {  	_ =	shalt  }
0x6b: {  	_ =	shalt  }
0x6c: {  	_ =	shalt  }
0x6d: {  	_ =	shalt  }
0x6e: {  	_ =	shalt  }
0x6f: {  	_ =	shalt  }
0x70: {  	_ =	shalt  }
0x71: {  	_ =	shalt  }
0x72: {  	_ =	shalt  }
0x73: {  	_ =	shalt  }
0x74: {  	_ =	shalt  }
0x75: {  	_ =	shalt  }
0x76: {  	_ =	shalt  }
0x77: {  	_ =	shalt  }
0x78: {  	_ =	shalt  }
0x79: {  	_ =	shalt  }
0x7a: {  	_ =	shalt  }
0x7b: {  	_ =	shalt  }
0x7c: {  	_ =	shalt  }
0x7d: {  	_ =	shalt  }
0x7e: {  	_ =	shalt  }
0x7f: {  	_ =	shalt  }
0x80: {  	_ =	shalt  }
0x81: {  	_ =	shalt  }
0x82: {  	_ =	shalt  }
0x83: {  	_ =	shalt  }
0x84: {  	_ =	shalt  }
0x85: {  	_ =	shalt  }
0x86: {  	_ =	shalt  }
0x87: {  	_ =	shalt  }
.Lfunc_end0:
.L_simem_size_0:
called_computation_lowered:
.L_overlay_start_0:
0x88: {  	s2 =	sld [smem:$0x3FD9]  }
0x89: {  	s3 =	sld [smem:$0x3FFE];
	_ =	sdelay $0x1  }
0x8a: {  	s1 =	srdreg.scid  }
0x8b: {  	s0 =	sand.u32 $0x1, s1  }
0x8c: {  	s17 =	sshll.u32 s0, $0xA;
	s2 =	sadd.s32 s3, s2  }
0x8d: {  	s2 =	sadd.s32 s2, s17  }
0x8e: {  	[smem:$0x3FC6] =	sst s2  }
0x8f: {  	_ = 	snop  }
0x90: {  	s2 =	sld [smem:$0x3FC9];
	(tm) =	ssettm $0x1  }
0x91: {  	s18 =	sld [smem:$0x3FFB];
	_ =	sdelay $0x3  }
0x92: {  	_ =	strace s18  }
0x93: {  	s3 =	sld [smem:$0x3FFC];
	_ =	sdelay $0x3  }
0x94: {  	_ =	strace s3  }
0x95: {  	s3 =	sld [smem:$0x3FFD];
	_ =	sdelay $0x3  }
0x96: {  	_ =	strace s3  }
0x97: {  	_ =	strace $0x8FFFFFFF  }
0x98: {  	s19 =	sld [smem:$0x3FDB];
	_ =	sdelay $0x1  }
0x99: {  	s4 =	simm.s32 $_scs_section_size  }
0x9a: {  	s5 =	simm.s32 $_size__tile_overlayer_lowered;
	s6 =	simm.s32 $_tile_overlayer_lowered  }
0x9b: {  	s22 =	simm.s32 $0x1BFF;
	s21 =	sshll.u32 s6, $0x1;
	s3 =	sadd.s32 s4, s19  }
0x9c: {  	s7 =	simm.s32 $0x0;
	s20 =	sshll.u32 s5, $0x1;
	s5 =	sadd.s32 s21, s3  }
0x9d: {  	[timem:s7], [sflag:s22] =	dma.local [hbm:s5], s20  }
0x9e: {  	_ =	swait.ge [sflag:s22], s20  }
0x9f: {  	s4 =	ssub.s32 $0x0, s20;
	[sflag:s22] =	ssyncset.done $0x0  }
0xa0: {  	[sflag:s22] =	ssyncadd.s32 s4;
	_ =	sdelay $0x1  }
0xa1: {  	s23 =	simm.s32 $0x1B8B  }
0xa2: {  	_ =	swait.ge [sflag:s23], $0x1  }
0xa3: {  	[sflag:s23] =	ssyncset.done $0x0  }
0xa4: {  	s25 =	simm.s32 $0x1B8E;
	s24 =	sld [smem:$0x3FFE];
	[sflag:s23] =	ssyncadd.s32 $0xFFFFFFFF  }
0xa5: {  	s26 =	simm.s32 $execute0_lowered;
	[smem:$0x3FD2] =	sst s25  }
0xa6: {  	s5 =	sshll.u32 s26, $0x1;
	_ =	strace $0x80000046;
	[dreg:$0x1] =	wrdreg $0xFFFFFFFF  }
0xa7: {  	s28 =	simm.s32 $_size_execute0_lowered;
	s3 =	sadd.s32 s3, s5;
	[dreg:$0x0] =	wrdreg $0x0  }
0xa8: {  	s5 =	sshll.u32 s28, $0x1;
	[dreg:$0x2] =	wrdreg s3  }
0xa9: {  	[dreg:$0x3] =	wrdreg s5  }
0xaa: {  	[dreg:$0x4] =	wrdreg $0xC0  }
0xab: {  	_ =	task [dreg:s7], $0x5FFFF  }
0xac: {  	[dreg:$0x1] =	wrdreg $0xFFFFFFFF  }
0xad: {  	[dreg:$0x0] =	wrdreg $0x60  }
0xae: {  	[dreg:$0x2] =	wrdreg s2  }
0xaf: {  	[dreg:$0x3] =	wrdreg s24  }
0xb0: {  	[dreg:$0x4] =	wrdreg $0x9  }
0xb1: {  	_ =	task.clear_ibuf [dreg:s7], $0x5FFFF;
	_ =	strace $0x90000046  }
0xb2: {  	s29 =	simm.s32 $0x9;
	_ =	strace $0x80000048  }
0xb3: {  	_ =	swait.ge [sflag:s29], $0x1  }
0xb4: {  	[sflag:s29] =	ssyncadd.s32 $0xFFFFFFFF  }
0xb5: {  	_ =	strace $0x90000048  }
0xb6: {  	_ =	sfence  }
0xb7: {  	s30 =	sld [smem:$0x0];
	_ =	sdelay $0x2  }
0xb8: {  	s31 =	sshll.u32 s1, $0xD;
	s1 =	sshrl.u32 s1, $0x2  }
0xb9: {  	s3 =	sand.u32 $0x4000, s31;
	s1 =	sadd.s32 s1, s30  }
0xba: {  	s0 =	sor.u32 s3, s0;
	s1 =	sshll.u32 s1, $0x11  }
0xbb: {  	s0 =	sor.u32 s1, s0  }
0xbc: {  	s0 =	sadd.s32 $0x8F2B, s0  }
0xbd: {  	[sflag:s0] =	ssyncadd.remote.s32 $0x1  }
0xbe: {  	_ =	sfence.sel $0xFFFF  }
0xbf: {  	[dreg:$0x0] =	wrdreg $0xFFFFFFFF;
	(pc) =	sbr.abs _section_cstart, $3  }
0xc0: {  	[dreg:$0x1] =	wrdreg $0xFFFFFFFF  }
0xc1: {  	_ =	task.clear_ibuf [dreg:s7], $0x2FFFF;
	_ =	strace $0x9FFFFFFF  }
0xc2: {  	(tm) =	ssettm $0x7FFFFFFF  }
0xc3: {  	_ =	shalt  }
tec
execute0_lowered:
.L_overlay_start_1:
0x0: {  	(tag) =	ssettag $0x1  }
0x1: {  	s0 =	rddreg [dreg:$0x0]  }
0x2: {  	s1 =	rddreg [dreg:$0x1];
	s2 =	simm.s32 $0x0;
	s3 =	srdreg.scid  }
0x3: {  	s5 =	stileid.u32;
	s8 =	simm.s32 $0x200;
	s9 =	simm.s32 $0x1A80  }
0x4: {  	s10 =	simm.s32 $0x1B00;
	s11 =	simm.s32 $0x1B80;
	s12 =	simm.s32 $0x1C00  }
0x5: {  	s13 =	simm.s32 $0x1C80;
	s14 =	simm.s32 $0x1D00;
	s15 =	simm.s32 $0x1D80  }
0x6: {  	s16 =	simm.s32 $0x1E00;
	s17 =	simm.s32 $0x1E80;
	s18 =	simm.s32 $0x1F00  }
0x7: {  	s19 =	simm.s32 $0x1F80;
	s20 =	simm.s32 $0x2000;
	s21 =	simm.s32 $0x2080  }
0x8: {  	s22 =	simm.s32 $0x2100;
	s23 =	simm.s32 $0x2180;
	s24 =	simm.s32 $0x1  }
0x9: {  	s25 =	simm.s32 $0x0;
	[smem:$0x7FF] =	sst s2;
	s4 =	sand.u32 $0x1, s3  }
0xa: {  	s5 =	sshll.u32 s5, $0xA;
	s3 =	sadd.s32 $0x400, s1;
	s6 =	sshll.u32 s4, $0x9  }
.Ltmp0:
0xb: {  	s4 =	ssub.s32 $0x2, s4;
	s5 =	sor.u32 s6, s5;
	(pc) =	sbr.rel .LBB2_1-.Ltmp0, $4  }
0xc: {  	_ =	strace $0x80000047;
	s7 =	sshrl.u32 s4, $0x1;
	s6 =	sshll.u32 s5, $0x4  }
0xd: {  	s5 =	sshrl.u32 s5, $0x3;
	s31 =	ssub.s32 s4, s7;
	s7 =	simm.s32 $0x2  }
0xe: {  	s1 =	sadd.s32 s6, s1;
	s4 =	sadd.s32 s0, s5;
	s6 =	smax.u32 s31, $0x1  }
0xf: {  	s0 =	simm.s32 $0x1980;
	s5 =	sadd.s32 $0xF42800, s1;
	s1 =	simm.s32 $0x1A00  }
.LBB2_5:
0x10: {  	s25 =	sadd.s32 $0x1, s25  }
0x11: {  	p0 =	sne.s32 s25, s6  }
.Ltmp1:
0x12: {  	_ = 	snop;
	(pc) =	sbr.rel @!p0 .LBB2_6-.Ltmp1, $4  }
0x13: {  	[hbm4b:s5+s2] =	stream.linear.scatter [tilespmem:s8], [sflag:$0x2], $0x10000, $0x38;
	[tilespmem:$0x10200] =	vst v63  }
0x14: {  	_ =	swait.ge [sflag:s7], $0x10000  }
0x15: {  	[sflag:s7] =	ssyncset.done $0x0  }
0x16: {  	[sflag:s7] =	ssyncadd.s32 $0xFFFF0000  }
.LBB2_1:
0x17: {  	[tilespmem:s2], [sflag:$0x2] =	stream.linear.gather [hbm4b:s4+s2], $0x200, $0x38;
	[tilespmem:$0x10200] =	vst v63  }
0x18: {  	_ =	swait.ge [sflag:s7], $0x200  }
0x19: {  	[sflag:s7] =	ssyncset.done $0x0  }
0x1a: {  	[sflag:s7] =	ssyncadd.s32 $0xFFFFFE00  }
0x1b: {  	v0 =	vld [tilespmem:$0x0];
	_ =	sdelay $0x4  }
0x1c: {  	v1 =	vshrl.u32 v0, $0x3  }
0x1d: {  	v0 =	vand.u32 $0x7, v0;
	v1 =	vshll.u32 v1, $0xA  }
0x1e: {  	v0 =	vshll.u32 v0, $0x7;
	(v2sf) =	vpush v1, $0x0  }
0x1f: {  	(v2sf) =	vpush v0, $0x0;
	_ =	sdelay $0x2  }
0x20: {  	(v2sf) =	vpush v1, $0x1  }
0x21: {  	(v2sf) =	vpush v0, $0x1;
	_ =	sdelay $0x3  }
0x22: {  	(v2sf) =	vpush v1, $0x2;
	_ =	sdelay $0x1  }
0x23: {  	(v2sf) =	vpush v0, $0x2;
	_ =	sdelay $0x3  }
0x24: {  	s26 =	spop (v2sf)  }
0x25: {  	s28 =	spop (v2sf);
	(v2sf) =	vpush v1, $0x3  }
0x26: {  	(v2sf) =	vpush v0, $0x3  }
0x27: {  	s26 =	sor.u32 s28, s26  }
0x28: {  	s29 =	spop (v2sf);
	s26 =	sshrl.u32 s26, $0x3  }
0x29: {  	s28 =	spop (v2sf);
	(v2sf) =	vpush v1, $0x4;
	s26 =	sadd.s32 s3, s26  }
0x2a: {  	[tilespmem:s8], [sflag:$0x1] =	stream.linear.gather [hbm4b:s26+s2], $0x80, $0x38;
	[tilespmem:$0x10200] =	vst v63  }
0x2b: {  	(v2sf) =	vpush v0, $0x4;
	s26 =	sor.u32 s28, s29  }
0x2c: {  	s26 =	sshrl.u32 s26, $0x3  }
0x2d: {  	s30 =	spop (v2sf);
	s28 =	simm.s32 $0x280;
	s26 =	sadd.s32 s3, s26  }
0x2e: {  	(v2sf) =	vpush v1, $0x5;
	[tilespmem:s28], [sflag:$0x1] =	stream.linear.gather [hbm4b:s26+s2], $0x80, $0x38;
	[tilespmem:$0x10200] =	vst v63  }
0x2f: {  	s28 =	spop (v2sf)  }
0x30: {  	(v2sf) =	vpush v0, $0x5;
	s26 =	sor.u32 s28, s30  }
0x31: {  	s26 =	sshrl.u32 s26, $0x3  }
0x32: {  	s28 =	simm.s32 $0x300;
	s26 =	sadd.s32 s3, s26  }
0x33: {  	[tilespmem:s28], [sflag:$0x1] =	stream.linear.gather [hbm4b:s26+s2], $0x80, $0x38;
	[tilespmem:$0x10200] =	vst v63  }
0x34: {  	s31 =	spop (v2sf)  }
0x35: {  	(v2sf) =	vpush v1, $0x6;
	s28 =	spop (v2sf)  }
0x36: {  	(v2sf) =	vpush v0, $0x6;
	s26 =	sor.u32 s28, s31  }
0x37: {  	s26 =	sshrl.u32 s26, $0x3  }
0x38: {  	s28 =	simm.s32 $0x380;
	s29 =	spop (v2sf);
	s26 =	sadd.s32 s3, s26  }
0x39: {  	(v2sf) =	vpush v1, $0x7;
	[tilespmem:s28], [sflag:$0x1] =	stream.linear.gather [hbm4b:s26+s2], $0x80, $0x38;
	[tilespmem:$0x10200] =	vst v63  }
0x3a: {  	s28 =	spop (v2sf)  }
0x3b: {  	(v2sf) =	vpush v0, $0x7;
	s26 =	sor.u32 s28, s29  }
0x3c: {  	s26 =	sshrl.u32 s26, $0x3  }
0x3d: {  	s28 =	simm.s32 $0x400;
	s30 =	spop (v2sf);
	s26 =	sadd.s32 s3, s26  }
0x3e: {  	(v2sf) =	vpush v1, $0x8;
	[tilespmem:s28], [sflag:$0x1] =	stream.linear.gather [hbm4b:s26+s2], $0x80, $0x38;
	[tilespmem:$0x10200] =	vst v63  }
0x3f: {  	s28 =	spop (v2sf)  }
0x40: {  	(v2sf) =	vpush v0, $0x8;
	s26 =	sor.u32 s28, s30  }
0x41: {  	s26 =	sshrl.u32 s26, $0x3  }
0x42: {  	s28 =	simm.s32 $0x480;
	s26 =	sadd.s32 s3, s26  }
0x43: {  	[tilespmem:s28], [sflag:$0x1] =	stream.linear.gather [hbm4b:s26+s2], $0x80, $0x38;
	[tilespmem:$0x10200] =	vst v63  }
0x44: {  	s31 =	spop (v2sf)  }
0x45: {  	(v2sf) =	vpush v1, $0x9;
	s28 =	spop (v2sf)  }
0x46: {  	(v2sf) =	vpush v0, $0x9;
	s26 =	sor.u32 s28, s31  }
0x47: {  	s26 =	sshrl.u32 s26, $0x3  }
0x48: {  	s28 =	simm.s32 $0x500;
	s29 =	spop (v2sf);
	s26 =	sadd.s32 s3, s26  }
0x49: {  	(v2sf) =	vpush v1, $0xA;
	[tilespmem:s28], [sflag:$0x1] =	stream.linear.gather [hbm4b:s26+s2], $0x80, $0x38;
	[tilespmem:$0x10200] =	vst v63  }
0x4a: {  	s28 =	spop (v2sf)  }
0x4b: {  	(v2sf) =	vpush v0, $0xA;
	s26 =	sor.u32 s28, s29  }
0x4c: {  	s26 =	sshrl.u32 s26, $0x3  }
0x4d: {  	s28 =	simm.s32 $0x580;
	s30 =	spop (v2sf);
	s26 =	sadd.s32 s3, s26  }
0x4e: {  	(v2sf) =	vpush v1, $0xB;
	[tilespmem:s28], [sflag:$0x1] =	stream.linear.gather [hbm4b:s26+s2], $0x80, $0x38;
	[tilespmem:$0x10200] =	vst v63  }
0x4f: {  	s28 =	spop (v2sf)  }
0x50: {  	(v2sf) =	vpush v0, $0xB;
	s26 =	sor.u32 s28, s30  }
0x51: {  	s26 =	sshrl.u32 s26, $0x3  }
0x52: {  	s28 =	simm.s32 $0x600;
	s26 =	sadd.s32 s3, s26  }
0x53: {  	[tilespmem:s28], [sflag:$0x1] =	stream.linear.gather [hbm4b:s26+s2], $0x80, $0x38;
	[tilespmem:$0x10200] =	vst v63  }
0x54: {  	s31 =	spop (v2sf)  }
0x55: {  	(v2sf) =	vpush v1, $0xC;
	s28 =	spop (v2sf)  }
0x56: {  	(v2sf) =	vpush v0, $0xC;
	s26 =	sor.u32 s28, s31  }
0x57: {  	s26 =	sshrl.u32 s26, $0x3  }
0x58: {  	s28 =	simm.s32 $0x680;
	s29 =	spop (v2sf);
	s26 =	sadd.s32 s3, s26  }
0x59: {  	(v2sf) =	vpush v1, $0xD;
	[tilespmem:s28], [sflag:$0x1] =	stream.linear.gather [hbm4b:s26+s2], $0x80, $0x38;
	[tilespmem:$0x10200] =	vst v63  }
0x5a: {  	s28 =	spop (v2sf)  }
0x5b: {  	(v2sf) =	vpush v0, $0xD;
	s26 =	sor.u32 s28, s29  }
0x5c: {  	s26 =	sshrl.u32 s26, $0x3  }
0x5d: {  	s28 =	simm.s32 $0x700;
	s30 =	spop (v2sf);
	s26 =	sadd.s32 s3, s26  }
0x5e: {  	(v2sf) =	vpush v1, $0xE;
	[tilespmem:s28], [sflag:$0x1] =	stream.linear.gather [hbm4b:s26+s2], $0x80, $0x38;
	[tilespmem:$0x10200] =	vst v63  }
0x5f: {  	s28 =	spop (v2sf)  }
0x60: {  	(v2sf) =	vpush v0, $0xE;
	s26 =	sor.u32 s28, s30  }
0x61: {  	s26 =	sshrl.u32 s26, $0x3  }
0x62: {  	s28 =	simm.s32 $0x780;
	s26 =	sadd.s32 s3, s26  }
0x63: {  	[tilespmem:s28], [sflag:$0x1] =	stream.linear.gather [hbm4b:s26+s2], $0x80, $0x38;
	[tilespmem:$0x10200] =	vst v63  }
0x64: {  	s31 =	spop (v2sf)  }
0x65: {  	(v2sf) =	vpush v1, $0xF;
	s28 =	spop (v2sf)  }
0x66: {  	(v2sf) =	vpush v0, $0xF;
	s26 =	sor.u32 s28, s31  }
0x67: {  	s26 =	sshrl.u32 s26, $0x3  }
0x68: {  	s28 =	simm.s32 $0x800;
	s29 =	spop (v2sf);
	s26 =	sadd.s32 s3, s26  }
0x69: {  	[tilespmem:s28], [sflag:$0x1] =	stream.linear.gather [hbm4b:s26+s2], $0x80, $0x38;
	[tilespmem:$0x10200] =	vst v63  }
0x6a: {  	s28 =	spop (v2sf)  }
0x6b: {  	s26 =	sor.u32 s28, s29  }
0x6c: {  	s26 =	sshrl.u32 s26, $0x3  }
0x6d: {  	s28 =	simm.s32 $0x880;
	s30 =	spop (v2sf);
	s26 =	sadd.s32 s3, s26  }
0x6e: {  	[tilespmem:s28], [sflag:$0x1] =	stream.linear.gather [hbm4b:s26+s2], $0x80, $0x38;
	[tilespmem:$0x10200] =	vst v63  }
0x6f: {  	s28 =	spop (v2sf)  }
0x70: {  	s26 =	sor.u32 s28, s30  }
0x71: {  	s26 =	sshrl.u32 s26, $0x3  }
0x72: {  	s28 =	simm.s32 $0x900;
	s26 =	sadd.s32 s3, s26  }
0x73: {  	[tilespmem:s28], [sflag:$0x1] =	stream.linear.gather [hbm4b:s26+s2], $0x80, $0x38;
	[tilespmem:$0x10200] =	vst v63  }
0x74: {  	s31 =	spop (v2sf)  }
0x75: {  	s28 =	spop (v2sf)  }
0x76: {  	s26 =	sor.u32 s28, s31  }
0x77: {  	s26 =	sshrl.u32 s26, $0x3  }
0x78: {  	s28 =	simm.s32 $0x980;
	s26 =	sadd.s32 s3, s26  }
0x79: {  	[tilespmem:s28], [sflag:$0x1] =	stream.linear.gather [hbm4b:s26+s2], $0x80, $0x38;
	[tilespmem:$0x10200] =	vst v63  }
0x7a: {  	v58 =	vld [tilespmem:$0x10];
	_ =	sdelay $0x4  }
0x7b: {  	v59 =	vshrl.u32 v58, $0x3  }
0x7c: {  	v0 =	vand.u32 $0x7, v58;
	v1 =	vshll.u32 v59, $0xA  }
0x7d: {  	v0 =	vshll.u32 v0, $0x7;
	(v2sf) =	vpush v1, $0x0  }
0x7e: {  	(v2sf) =	vpush v0, $0x0;
	_ =	sdelay $0x2  }
0x7f: {  	(v2sf) =	vpush v1, $0x1;
	_ =	sdelay $0x1  }
0x80: {  	(v2sf) =	vpush v0, $0x1;
	_ =	sdelay $0x2  }
0x81: {  	(v2sf) =	vpush v1, $0x2;
	_ =	sdelay $0x1  }
0x82: {  	(v2sf) =	vpush v0, $0x2;
	_ =	sdelay $0x3  }
0x83: {  	s29 =	spop (v2sf)  }
0x84: {  	(v2sf) =	vpush v1, $0x3;
	s28 =	spop (v2sf)  }
0x85: {  	(v2sf) =	vpush v0, $0x3;
	s26 =	sor.u32 s28, s29  }
0x86: {  	s26 =	sshrl.u32 s26, $0x3  }
0x87: {  	s28 =	simm.s32 $0xA00;
	s30 =	spop (v2sf);
	s26 =	sadd.s32 s3, s26  }
0x88: {  	(v2sf) =	vpush v1, $0x4;
	[tilespmem:s28], [sflag:$0x1] =	stream.linear.gather [hbm4b:s26+s2], $0x80, $0x38;
	[tilespmem:$0x10200] =	vst v63  }
0x89: {  	s28 =	spop (v2sf)  }
0x8a: {  	(v2sf) =	vpush v0, $0x4;
	s26 =	sor.u32 s28, s30  }
0x8b: {  	s26 =	sshrl.u32 s26, $0x3  }
0x8c: {  	s28 =	simm.s32 $0xA80;
	s31 =	spop (v2sf);
	s26 =	sadd.s32 s3, s26  }
0x8d: {  	(v2sf) =	vpush v1, $0x5;
	[tilespmem:s28], [sflag:$0x1] =	stream.linear.gather [hbm4b:s26+s2], $0x80, $0x38;
	[tilespmem:$0x10200] =	vst v63  }
0x8e: {  	s28 =	spop (v2sf)  }
0x8f: {  	(v2sf) =	vpush v0, $0x5;
	s26 =	sor.u32 s28, s31  }
0x90: {  	s26 =	sshrl.u32 s26, $0x3  }
0x91: {  	s28 =	simm.s32 $0xB00;
	s26 =	sadd.s32 s3, s26  }
0x92: {  	[tilespmem:s28], [sflag:$0x1] =	stream.linear.gather [hbm4b:s26+s2], $0x80, $0x38;
	[tilespmem:$0x10200] =	vst v63  }
0x93: {  	s29 =	spop (v2sf)  }
0x94: {  	(v2sf) =	vpush v1, $0x6;
	s28 =	spop (v2sf)  }
0x95: {  	(v2sf) =	vpush v0, $0x6;
	s26 =	sor.u32 s28, s29  }
0x96: {  	s26 =	sshrl.u32 s26, $0x3  }
0x97: {  	s28 =	simm.s32 $0xB80;
	s30 =	spop (v2sf);
	s26 =	sadd.s32 s3, s26  }
0x98: {  	(v2sf) =	vpush v1, $0x7;
	[tilespmem:s28], [sflag:$0x1] =	stream.linear.gather [hbm4b:s26+s2], $0x80, $0x38;
	[tilespmem:$0x10200] =	vst v63  }
0x99: {  	s28 =	spop (v2sf)  }
0x9a: {  	(v2sf) =	vpush v0, $0x7;
	s26 =	sor.u32 s28, s30  }
0x9b: {  	s26 =	sshrl.u32 s26, $0x3  }
0x9c: {  	s28 =	simm.s32 $0xC00;
	s31 =	spop (v2sf);
	s26 =	sadd.s32 s3, s26  }
0x9d: {  	(v2sf) =	vpush v1, $0x8;
	[tilespmem:s28], [sflag:$0x1] =	stream.linear.gather [hbm4b:s26+s2], $0x80, $0x38;
	[tilespmem:$0x10200] =	vst v63  }
0x9e: {  	s28 =	spop (v2sf)  }
0x9f: {  	(v2sf) =	vpush v0, $0x8;
	s26 =	sor.u32 s28, s31  }
0xa0: {  	s26 =	sshrl.u32 s26, $0x3  }
0xa1: {  	s28 =	simm.s32 $0xC80;
	s26 =	sadd.s32 s3, s26  }
0xa2: {  	[tilespmem:s28], [sflag:$0x1] =	stream.linear.gather [hbm4b:s26+s2], $0x80, $0x38;
	[tilespmem:$0x10200] =	vst v63  }
0xa3: {  	s29 =	spop (v2sf)  }
0xa4: {  	(v2sf) =	vpush v1, $0x9;
	s28 =	spop (v2sf)  }
0xa5: {  	(v2sf) =	vpush v0, $0x9;
	s26 =	sor.u32 s28, s29  }
0xa6: {  	s26 =	sshrl.u32 s26, $0x3  }
0xa7: {  	s28 =	simm.s32 $0xD00;
	s30 =	spop (v2sf);
	s26 =	sadd.s32 s3, s26  }
0xa8: {  	(v2sf) =	vpush v1, $0xA;
	[tilespmem:s28], [sflag:$0x1] =	stream.linear.gather [hbm4b:s26+s2], $0x80, $0x38;
	[tilespmem:$0x10200] =	vst v63  }
0xa9: {  	s28 =	spop (v2sf)  }
0xaa: {  	(v2sf) =	vpush v0, $0xA;
	s26 =	sor.u32 s28, s30  }
0xab: {  	s26 =	sshrl.u32 s26, $0x3  }
0xac: {  	s28 =	simm.s32 $0xD80;
	s31 =	spop (v2sf);
	s26 =	sadd.s32 s3, s26  }
0xad: {  	(v2sf) =	vpush v1, $0xB;
	[tilespmem:s28], [sflag:$0x1] =	stream.linear.gather [hbm4b:s26+s2], $0x80, $0x38;
	[tilespmem:$0x10200] =	vst v63  }
0xae: {  	s28 =	spop (v2sf)  }
0xaf: {  	(v2sf) =	vpush v0, $0xB;
	s26 =	sor.u32 s28, s31  }
0xb0: {  	s26 =	sshrl.u32 s26, $0x3  }
0xb1: {  	s28 =	simm.s32 $0xE00;
	s26 =	sadd.s32 s3, s26  }
0xb2: {  	[tilespmem:s28], [sflag:$0x1] =	stream.linear.gather [hbm4b:s26+s2], $0x80, $0x38;
	[tilespmem:$0x10200] =	vst v63  }
0xb3: {  	s29 =	spop (v2sf)  }
0xb4: {  	(v2sf) =	vpush v1, $0xC;
	s28 =	spop (v2sf)  }
0xb5: {  	(v2sf) =	vpush v0, $0xC;
	s26 =	sor.u32 s28, s29  }
0xb6: {  	s26 =	sshrl.u32 s26, $0x3  }
0xb7: {  	s28 =	simm.s32 $0xE80;
	s30 =	spop (v2sf);
	s26 =	sadd.s32 s3, s26  }
0xb8: {  	(v2sf) =	vpush v1, $0xD;
	[tilespmem:s28], [sflag:$0x1] =	stream.linear.gather [hbm4b:s26+s2], $0x80, $0x38;
	[tilespmem:$0x10200] =	vst v63  }
0xb9: {  	s28 =	spop (v2sf)  }
0xba: {  	(v2sf) =	vpush v0, $0xD;
	s26 =	sor.u32 s28, s30  }
0xbb: {  	s26 =	sshrl.u32 s26, $0x3  }
0xbc: {  	s28 =	simm.s32 $0xF00;
	s31 =	spop (v2sf);
	s26 =	sadd.s32 s3, s26  }
0xbd: {  	(v2sf) =	vpush v1, $0xE;
	[tilespmem:s28], [sflag:$0x1] =	stream.linear.gather [hbm4b:s26+s2], $0x80, $0x38;
	[tilespmem:$0x10200] =	vst v63  }
0xbe: {  	s28 =	spop (v2sf)  }
0xbf: {  	(v2sf) =	vpush v0, $0xE;
	s26 =	sor.u32 s28, s31  }
0xc0: {  	s26 =	sshrl.u32 s26, $0x3  }
0xc1: {  	s28 =	simm.s32 $0xF80;
	s26 =	sadd.s32 s3, s26  }
0xc2: {  	[tilespmem:s28], [sflag:$0x1] =	stream.linear.gather [hbm4b:s26+s2], $0x80, $0x38;
	[tilespmem:$0x10200] =	vst v63  }
0xc3: {  	s29 =	spop (v2sf)  }
0xc4: {  	(v2sf) =	vpush v1, $0xF;
	s28 =	spop (v2sf)  }
0xc5: {  	(v2sf) =	vpush v0, $0xF;
	s26 =	sor.u32 s28, s29  }
0xc6: {  	s26 =	sshrl.u32 s26, $0x3  }
0xc7: {  	s28 =	simm.s32 $0x1000;
	s30 =	spop (v2sf);
	s26 =	sadd.s32 s3, s26  }
0xc8: {  	[tilespmem:s28], [sflag:$0x1] =	stream.linear.gather [hbm4b:s26+s2], $0x80, $0x38;
	[tilespmem:$0x10200] =	vst v63  }
0xc9: {  	s28 =	spop (v2sf)  }
0xca: {  	s26 =	sor.u32 s28, s30  }
0xcb: {  	s26 =	sshrl.u32 s26, $0x3  }
0xcc: {  	s28 =	simm.s32 $0x1080;
	s31 =	spop (v2sf);
	s26 =	sadd.s32 s3, s26  }
0xcd: {  	[tilespmem:s28], [sflag:$0x1] =	stream.linear.gather [hbm4b:s26+s2], $0x80, $0x38;
	[tilespmem:$0x10200] =	vst v63  }
0xce: {  	s28 =	spop (v2sf)  }
0xcf: {  	s26 =	sor.u32 s28, s31  }
0xd0: {  	s26 =	sshrl.u32 s26, $0x3  }
0xd1: {  	s28 =	simm.s32 $0x1100;
	s26 =	sadd.s32 s3, s26  }
0xd2: {  	[tilespmem:s28], [sflag:$0x1] =	stream.linear.gather [hbm4b:s26+s2], $0x80, $0x38;
	[tilespmem:$0x10200] =	vst v63  }
0xd3: {  	s29 =	spop (v2sf)  }
0xd4: {  	s28 =	spop (v2sf)  }
0xd5: {  	s26 =	sor.u32 s28, s29  }
0xd6: {  	s26 =	sshrl.u32 s26, $0x3  }
0xd7: {  	s28 =	simm.s32 $0x1180;
	s26 =	sadd.s32 s3, s26  }
0xd8: {  	[tilespmem:s28], [sflag:$0x1] =	stream.linear.gather [hbm4b:s26+s2], $0x80, $0x38;
	[tilespmem:$0x10200] =	vst v63  }
0xd9: {  	v60 =	vld [tilespmem:$0x20];
	_ =	sdelay $0x4  }
0xda: {  	v61 =	vshrl.u32 v60, $0x3  }
0xdb: {  	v0 =	vand.u32 $0x7, v60;
	v1 =	vshll.u32 v61, $0xA  }
0xdc: {  	v0 =	vshll.u32 v0, $0x7;
	(v2sf) =	vpush v1, $0x0  }
0xdd: {  	(v2sf) =	vpush v0, $0x0;
	_ =	sdelay $0x2  }
0xde: {  	(v2sf) =	vpush v1, $0x1;
	_ =	sdelay $0x1  }
0xdf: {  	(v2sf) =	vpush v0, $0x1;
	_ =	sdelay $0x2  }
0xe0: {  	(v2sf) =	vpush v1, $0x2;
	_ =	sdelay $0x1  }
0xe1: {  	(v2sf) =	vpush v0, $0x2;
	_ =	sdelay $0x3  }
0xe2: {  	s30 =	spop (v2sf)  }
0xe3: {  	(v2sf) =	vpush v1, $0x3;
	s28 =	spop (v2sf)  }
0xe4: {  	(v2sf) =	vpush v0, $0x3;
	s26 =	sor.u32 s28, s30  }
0xe5: {  	s26 =	sshrl.u32 s26, $0x3  }
0xe6: {  	s28 =	simm.s32 $0x1200;
	s31 =	spop (v2sf);
	s26 =	sadd.s32 s3, s26  }
0xe7: {  	(v2sf) =	vpush v1, $0x4;
	[tilespmem:s28], [sflag:$0x1] =	stream.linear.gather [hbm4b:s26+s2], $0x80, $0x38;
	[tilespmem:$0x10200] =	vst v63  }
0xe8: {  	s28 =	spop (v2sf)  }
0xe9: {  	(v2sf) =	vpush v0, $0x4;
	s26 =	sor.u32 s28, s31  }
0xea: {  	s26 =	sshrl.u32 s26, $0x3  }
0xeb: {  	s28 =	simm.s32 $0x1280;
	s29 =	spop (v2sf);
	s26 =	sadd.s32 s3, s26  }
0xec: {  	(v2sf) =	vpush v1, $0x5;
	[tilespmem:s28], [sflag:$0x1] =	stream.linear.gather [hbm4b:s26+s2], $0x80, $0x38;
	[tilespmem:$0x10200] =	vst v63  }
0xed: {  	s28 =	spop (v2sf)  }
0xee: {  	(v2sf) =	vpush v0, $0x5;
	s26 =	sor.u32 s28, s29  }
0xef: {  	s26 =	sshrl.u32 s26, $0x3  }
0xf0: {  	s28 =	simm.s32 $0x1300;
	s26 =	sadd.s32 s3, s26  }
0xf1: {  	[tilespmem:s28], [sflag:$0x1] =	stream.linear.gather [hbm4b:s26+s2], $0x80, $0x38;
	[tilespmem:$0x10200] =	vst v63  }
0xf2: {  	s30 =	spop (v2sf)  }
0xf3: {  	(v2sf) =	vpush v1, $0x6;
	s28 =	spop (v2sf)  }
0xf4: {  	(v2sf) =	vpush v0, $0x6;
	s26 =	sor.u32 s28, s30  }
0xf5: {  	s26 =	sshrl.u32 s26, $0x3  }
0xf6: {  	s28 =	simm.s32 $0x1380;
	s31 =	spop (v2sf);
	s26 =	sadd.s32 s3, s26  }
0xf7: {  	(v2sf) =	vpush v1, $0x7;
	[tilespmem:s28], [sflag:$0x1] =	stream.linear.gather [hbm4b:s26+s2], $0x80, $0x38;
	[tilespmem:$0x10200] =	vst v63  }
0xf8: {  	s28 =	spop (v2sf)  }
0xf9: {  	(v2sf) =	vpush v0, $0x7;
	s26 =	sor.u32 s28, s31  }
0xfa: {  	s26 =	sshrl.u32 s26, $0x3  }
0xfb: {  	s28 =	simm.s32 $0x1400;
	s29 =	spop (v2sf);
	s26 =	sadd.s32 s3, s26  }
0xfc: {  	(v2sf) =	vpush v1, $0x8;
	[tilespmem:s28], [sflag:$0x1] =	stream.linear.gather [hbm4b:s26+s2], $0x80, $0x38;
	[tilespmem:$0x10200] =	vst v63  }
0xfd: {  	s28 =	spop (v2sf)  }
0xfe: {  	(v2sf) =	vpush v0, $0x8;
	s26 =	sor.u32 s28, s29  }
0xff: {  	s26 =	sshrl.u32 s26, $0x3  }
0x100: {  	s28 =	simm.s32 $0x1480;
	s26 =	sadd.s32 s3, s26  }
0x101: {  	[tilespmem:s28], [sflag:$0x1] =	stream.linear.gather [hbm4b:s26+s2], $0x80, $0x38;
	[tilespmem:$0x10200] =	vst v63  }
0x102: {  	s30 =	spop (v2sf)  }
0x103: {  	(v2sf) =	vpush v1, $0x9;
	s28 =	spop (v2sf)  }
0x104: {  	(v2sf) =	vpush v0, $0x9;
	s26 =	sor.u32 s28, s30  }
0x105: {  	s26 =	sshrl.u32 s26, $0x3  }
0x106: {  	s28 =	simm.s32 $0x1500;
	s31 =	spop (v2sf);
	s26 =	sadd.s32 s3, s26  }
0x107: {  	(v2sf) =	vpush v1, $0xA;
	[tilespmem:s28], [sflag:$0x1] =	stream.linear.gather [hbm4b:s26+s2], $0x80, $0x38;
	[tilespmem:$0x10200] =	vst v63  }
0x108: {  	s28 =	spop (v2sf)  }
0x109: {  	(v2sf) =	vpush v0, $0xA;
	s26 =	sor.u32 s28, s31  }
0x10a: {  	s26 =	sshrl.u32 s26, $0x3  }
0x10b: {  	s28 =	simm.s32 $0x1580;
	s29 =	spop (v2sf);
	s26 =	sadd.s32 s3, s26  }
0x10c: {  	(v2sf) =	vpush v1, $0xB;
	[tilespmem:s28], [sflag:$0x1] =	stream.linear.gather [hbm4b:s26+s2], $0x80, $0x38;
	[tilespmem:$0x10200] =	vst v63  }
0x10d: {  	s28 =	spop (v2sf)  }
0x10e: {  	(v2sf) =	vpush v0, $0xB;
	s26 =	sor.u32 s28, s29  }
0x10f: {  	s26 =	sshrl.u32 s26, $0x3  }
0x110: {  	s28 =	simm.s32 $0x1600;
	s26 =	sadd.s32 s3, s26  }
0x111: {  	[tilespmem:s28], [sflag:$0x1] =	stream.linear.gather [hbm4b:s26+s2], $0x80, $0x38;
	[tilespmem:$0x10200] =	vst v63  }
0x112: {  	s30 =	spop (v2sf)  }
0x113: {  	(v2sf) =	vpush v1, $0xC;
	s28 =	spop (v2sf)  }
0x114: {  	(v2sf) =	vpush v0, $0xC;
	s26 =	sor.u32 s28, s30  }
0x115: {  	s26 =	sshrl.u32 s26, $0x3  }
0x116: {  	s28 =	simm.s32 $0x1680;
	s31 =	spop (v2sf);
	s26 =	sadd.s32 s3, s26  }
0x117: {  	(v2sf) =	vpush v1, $0xD;
	[tilespmem:s28], [sflag:$0x1] =	stream.linear.gather [hbm4b:s26+s2], $0x80, $0x38;
	[tilespmem:$0x10200] =	vst v63  }
0x118: {  	s28 =	spop (v2sf)  }
0x119: {  	(v2sf) =	vpush v0, $0xD;
	s26 =	sor.u32 s28, s31  }
0x11a: {  	s26 =	sshrl.u32 s26, $0x3  }
0x11b: {  	s28 =	simm.s32 $0x1700;
	s29 =	spop (v2sf);
	s26 =	sadd.s32 s3, s26  }
0x11c: {  	(v2sf) =	vpush v1, $0xE;
	[tilespmem:s28], [sflag:$0x1] =	stream.linear.gather [hbm4b:s26+s2], $0x80, $0x38;
	[tilespmem:$0x10200] =	vst v63  }
0x11d: {  	s28 =	spop (v2sf)  }
0x11e: {  	(v2sf) =	vpush v0, $0xE;
	s26 =	sor.u32 s28, s29  }
0x11f: {  	s26 =	sshrl.u32 s26, $0x3  }
0x120: {  	s28 =	simm.s32 $0x1780;
	s26 =	sadd.s32 s3, s26  }
0x121: {  	[tilespmem:s28], [sflag:$0x1] =	stream.linear.gather [hbm4b:s26+s2], $0x80, $0x38;
	[tilespmem:$0x10200] =	vst v63  }
0x122: {  	s30 =	spop (v2sf)  }
0x123: {  	(v2sf) =	vpush v1, $0xF;
	s28 =	spop (v2sf)  }
0x124: {  	(v2sf) =	vpush v0, $0xF;
	s26 =	sor.u32 s28, s30  }
0x125: {  	s26 =	sshrl.u32 s26, $0x3  }
0x126: {  	s28 =	simm.s32 $0x1800;
	s31 =	spop (v2sf);
	s26 =	sadd.s32 s3, s26  }
0x127: {  	[tilespmem:s28], [sflag:$0x1] =	stream.linear.gather [hbm4b:s26+s2], $0x80, $0x38;
	[tilespmem:$0x10200] =	vst v63  }
0x128: {  	s28 =	spop (v2sf)  }
0x129: {  	s26 =	sor.u32 s28, s31  }
0x12a: {  	s26 =	sshrl.u32 s26, $0x3  }
0x12b: {  	s28 =	simm.s32 $0x1880;
	s29 =	spop (v2sf);
	s26 =	sadd.s32 s3, s26  }
0x12c: {  	[tilespmem:s28], [sflag:$0x1] =	stream.linear.gather [hbm4b:s26+s2], $0x80, $0x38;
	[tilespmem:$0x10200] =	vst v63  }
0x12d: {  	s28 =	spop (v2sf)  }
0x12e: {  	s26 =	sor.u32 s28, s29  }
0x12f: {  	s26 =	sshrl.u32 s26, $0x3  }
0x130: {  	s28 =	simm.s32 $0x1900;
	s26 =	sadd.s32 s3, s26  }
0x131: {  	[tilespmem:s28], [sflag:$0x1] =	stream.linear.gather [hbm4b:s26+s2], $0x80, $0x38;
	[tilespmem:$0x10200] =	vst v63  }
0x132: {  	s30 =	spop (v2sf)  }
0x133: {  	s28 =	spop (v2sf)  }
0x134: {  	s26 =	sor.u32 s28, s30  }
0x135: {  	s26 =	sshrl.u32 s26, $0x3  }
0x136: {  	s26 =	sadd.s32 s3, s26  }
0x137: {  	[tilespmem:s0], [sflag:$0x1] =	stream.linear.gather [hbm4b:s26+s2], $0x80, $0x38;
	[tilespmem:$0x10200] =	vst v63  }
0x138: {  	v62 =	vld [tilespmem:$0x30];
	_ =	sdelay $0x4  }
0x139: {  	v63 =	vshrl.u32 v62, $0x3  }
0x13a: {  	v1 =	vshll.u32 v63, $0xA  }
0x13b: {  	(v2sf) =	vpush v1, $0x0;
	_ =	sdelay $0x1  }
0x13c: {  	v0 =	vand.u32 $0x7, v62  }
0x13d: {  	v0 =	vshll.u32 v0, $0x7  }
0x13e: {  	(v2sf) =	vpush v0, $0x0  }
0x13f: {  	(v2sf) =	vpush v1, $0x1;
	_ =	sdelay $0x1  }
0x140: {  	(v2sf) =	vpush v0, $0x1;
	_ =	sdelay $0x1  }
0x141: {  	(v2sf) =	vpush v1, $0x2;
	_ =	sdelay $0x2  }
0x142: {  	(v2sf) =	vpush v0, $0x2;
	_ =	sdelay $0x1  }
0x143: {  	(v2sf) =	vpush v1, $0x3  }
0x144: {  	s31 =	spop (v2sf);
	(v2sf) =	vpush v0, $0x3;
	_ =	sdelay $0x3  }
0x145: {  	s28 =	spop (v2sf);
	(v2sf) =	vpush v1, $0x4  }
0x146: {  	s26 =	sor.u32 s28, s31;
	s28 =	spop (v2sf);
	(v2sf) =	vpush v0, $0x4  }
0x147: {  	s26 =	sshrl.u32 s26, $0x3  }
0x148: {  	s29 =	spop (v2sf);
	s26 =	sadd.s32 s3, s26  }
0x149: {  	(v2sf) =	vpush v1, $0x5;
	[tilespmem:s1], [sflag:$0x1] =	stream.linear.gather [hbm4b:s26+s2], $0x80, $0x38;
	[tilespmem:$0x10200] =	vst v63  }
0x14a: {  	s26 =	sor.u32 s29, s28;
	s28 =	spop (v2sf);
	(v2sf) =	vpush v0, $0x5;
	_ =	sdelay $0x1  }
0x14b: {  	s26 =	sshrl.u32 s26, $0x3  }
0x14c: {  	s30 =	spop (v2sf);
	s26 =	sadd.s32 s3, s26  }
0x14d: {  	(v2sf) =	vpush v1, $0x6;
	[tilespmem:s9], [sflag:$0x1] =	stream.linear.gather [hbm4b:s26+s2], $0x80, $0x38;
	[tilespmem:$0x10200] =	vst v63  }
0x14e: {  	s26 =	sor.u32 s30, s28;
	s28 =	spop (v2sf)  }
0x14f: {  	s31 =	spop (v2sf);
	(v2sf) =	vpush v0, $0x6  }
0x150: {  	s26 =	sshrl.u32 s26, $0x3  }
0x151: {  	s26 =	sadd.s32 s3, s26  }
0x152: {  	[tilespmem:s10], [sflag:$0x1] =	stream.linear.gather [hbm4b:s26+s2], $0x80, $0x38;
	[tilespmem:$0x10200] =	vst v63  }
0x153: {  	s26 =	sor.u32 s31, s28;
	s28 =	spop (v2sf);
	(v2sf) =	vpush v1, $0x7  }
0x154: {  	s26 =	sshrl.u32 s26, $0x3;
	s29 =	spop (v2sf);
	(v2sf) =	vpush v0, $0x7  }
0x155: {  	s26 =	sadd.s32 s3, s26  }
0x156: {  	[tilespmem:s11], [sflag:$0x1] =	stream.linear.gather [hbm4b:s26+s2], $0x80, $0x38;
	[tilespmem:$0x10200] =	vst v63  }
0x157: {  	s26 =	sor.u32 s29, s28;
	s28 =	spop (v2sf);
	(v2sf) =	vpush v1, $0x8  }
0x158: {  	s30 =	spop (v2sf);
	(v2sf) =	vpush v0, $0x8  }
0x159: {  	s26 =	sshrl.u32 s26, $0x3  }
0x15a: {  	s26 =	sadd.s32 s3, s26  }
0x15b: {  	[tilespmem:s12], [sflag:$0x1] =	stream.linear.gather [hbm4b:s26+s2], $0x80, $0x38;
	[tilespmem:$0x10200] =	vst v63  }
0x15c: {  	s26 =	sor.u32 s30, s28;
	s28 =	spop (v2sf);
	(v2sf) =	vpush v1, $0x9;
	_ =	sdelay $0x1  }
0x15d: {  	s31 =	spop (v2sf);
	(v2sf) =	vpush v0, $0x9  }
0x15e: {  	s26 =	sshrl.u32 s26, $0x3  }
0x15f: {  	s26 =	sadd.s32 s3, s26  }
0x160: {  	[tilespmem:s13], [sflag:$0x1] =	stream.linear.gather [hbm4b:s26+s2], $0x80, $0x38;
	[tilespmem:$0x10200] =	vst v63  }
0x161: {  	s26 =	sor.u32 s31, s28;
	s28 =	spop (v2sf);
	(v2sf) =	vpush v1, $0xA  }
0x162: {  	s26 =	sshrl.u32 s26, $0x3;
	s29 =	spop (v2sf);
	(v2sf) =	vpush v0, $0xA  }
0x163: {  	s26 =	sadd.s32 s3, s26  }
0x164: {  	[tilespmem:s14], [sflag:$0x1] =	stream.linear.gather [hbm4b:s26+s2], $0x80, $0x38;
	[tilespmem:$0x10200] =	vst v63  }
0x165: {  	s26 =	sor.u32 s29, s28;
	s28 =	spop (v2sf);
	(v2sf) =	vpush v1, $0xB  }
0x166: {  	s30 =	spop (v2sf);
	(v2sf) =	vpush v0, $0xB  }
0x167: {  	s26 =	sshrl.u32 s26, $0x3  }
0x168: {  	s26 =	sadd.s32 s3, s26  }
0x169: {  	[tilespmem:s15], [sflag:$0x1] =	stream.linear.gather [hbm4b:s26+s2], $0x80, $0x38;
	[tilespmem:$0x10200] =	vst v63  }
0x16a: {  	s26 =	sor.u32 s30, s28;
	s28 =	spop (v2sf);
	(v2sf) =	vpush v1, $0xC;
	_ =	sdelay $0x1  }
0x16b: {  	s31 =	spop (v2sf);
	(v2sf) =	vpush v0, $0xC  }
0x16c: {  	s26 =	sshrl.u32 s26, $0x3  }
0x16d: {  	s26 =	sadd.s32 s3, s26  }
0x16e: {  	[tilespmem:s16], [sflag:$0x1] =	stream.linear.gather [hbm4b:s26+s2], $0x80, $0x38;
	[tilespmem:$0x10200] =	vst v63  }
0x16f: {  	s26 =	sor.u32 s31, s28;
	s28 =	spop (v2sf);
	(v2sf) =	vpush v1, $0xD  }
0x170: {  	s26 =	sshrl.u32 s26, $0x3;
	s29 =	spop (v2sf);
	(v2sf) =	vpush v0, $0xD  }
0x171: {  	s26 =	sadd.s32 s3, s26  }
0x172: {  	[tilespmem:s17], [sflag:$0x1] =	stream.linear.gather [hbm4b:s26+s2], $0x80, $0x38;
	[tilespmem:$0x10200] =	vst v63  }
0x173: {  	s26 =	sor.u32 s29, s28;
	s28 =	spop (v2sf);
	(v2sf) =	vpush v1, $0xE  }
0x174: {  	s30 =	spop (v2sf);
	(v2sf) =	vpush v0, $0xE  }
0x175: {  	s26 =	sshrl.u32 s26, $0x3  }
0x176: {  	s26 =	sadd.s32 s3, s26  }
0x177: {  	[tilespmem:s18], [sflag:$0x1] =	stream.linear.gather [hbm4b:s26+s2], $0x80, $0x38;
	[tilespmem:$0x10200] =	vst v63  }
0x178: {  	s26 =	sor.u32 s30, s28;
	s28 =	spop (v2sf);
	(v2sf) =	vpush v1, $0xF;
	_ =	sdelay $0x1  }
0x179: {  	s26 =	sshrl.u32 s26, $0x3;
	s31 =	spop (v2sf);
	(v2sf) =	vpush v0, $0xF  }
0x17a: {  	s26 =	sadd.s32 s3, s26  }
0x17b: {  	[tilespmem:s19], [sflag:$0x1] =	stream.linear.gather [hbm4b:s26+s2], $0x80, $0x38;
	[tilespmem:$0x10200] =	vst v63  }
0x17c: {  	s26 =	sor.u32 s31, s28  }
0x17d: {  	s28 =	spop (v2sf);
	s26 =	sshrl.u32 s26, $0x3  }
0x17e: {  	s29 =	spop (v2sf);
	s26 =	sadd.s32 s3, s26  }
0x17f: {  	[tilespmem:s20], [sflag:$0x1] =	stream.linear.gather [hbm4b:s26+s2], $0x80, $0x38;
	[tilespmem:$0x10200] =	vst v63  }
0x180: {  	s26 =	sor.u32 s29, s28  }
0x181: {  	s28 =	spop (v2sf);
	s26 =	sshrl.u32 s26, $0x3  }
0x182: {  	s30 =	spop (v2sf);
	s26 =	sadd.s32 s3, s26  }
0x183: {  	[tilespmem:s21], [sflag:$0x1] =	stream.linear.gather [hbm4b:s26+s2], $0x80, $0x38;
	[tilespmem:$0x10200] =	vst v63  }
0x184: {  	s26 =	sor.u32 s30, s28  }
0x185: {  	s26 =	sshrl.u32 s26, $0x3  }
0x186: {  	s28 =	spop (v2sf);
	s26 =	sadd.s32 s3, s26  }
0x187: {  	[tilespmem:s22], [sflag:$0x1] =	stream.linear.gather [hbm4b:s26+s2], $0x80, $0x38;
	[tilespmem:$0x10200] =	vst v63  }
0x188: {  	s31 =	spop (v2sf)  }
.Ltmp2:
0x189: {  	s26 =	sor.u32 s31, s28;
	(pc) =	sbr.rel .LBB2_2-.Ltmp2, $4  }
0x18a: {  	s26 =	sshrl.u32 s26, $0x3  }
0x18b: {  	s26 =	sadd.s32 s3, s26  }
0x18c: {  	[tilespmem:s23], [sflag:$0x1] =	stream.linear.gather [hbm4b:s26+s2], $0x80, $0x38;
	[tilespmem:$0x10200] =	vst v63  }
0x18d: {  	s28 =	simm.s32 $0x0;
	s26 =	simm.s32 $0x70  }
.LBB2_4:
0x18e: {  	s28 =	sadd.s32 $0x8000, s28  }
0x18f: {  	p0 =	sne.s32 s28, $0x40000  }
.Ltmp3:
0x190: {  	_ = 	snop;
	(pc) =	sbr.rel @!p0 .LBB2_5-.Ltmp3, $4  }
0x191: {  	_ = 	snop  }
0x192: {  	_ =	swait.ge [sflag:s24], $0x2000  }
0x193: {  	[sflag:s24] =	ssyncset.done $0x0  }
0x194: {  	s26 =	sadd.s32 $0x40, s26;
	[sflag:s24] =	ssyncadd.s32 $0xFFFFE000  }
.LBB2_2:
0x195: {  	p0 =	seq.s32 s28, $0x38000  }
.Ltmp4:
0x196: {  	_ = 	snop;
	(pc) =	sbr.rel @p0 .LBB2_4-.Ltmp4, $1  }
0x197: {  	_ =	sdelay $0x3  }
0x198: {  	v0 =	vld [tilespmem:s26+$0xFFFFFFD0];
	_ =	sdelay $0x4  }
0x199: {  	v1 =	vshrl.u32 v0, $0x3  }
0x19a: {  	v0 =	vand.u32 $0x7, v0;
	v1 =	vshll.u32 v1, $0xA  }
0x19b: {  	v0 =	vshll.u32 v0, $0x7;
	(v2sf) =	vpush v1, $0x0  }
0x19c: {  	(v2sf) =	vpush v0, $0x0;
	_ =	sdelay $0x4  }
0x19d: {  	(v2sf) =	vpush v1, $0x1  }
0x19e: {  	(v2sf) =	vpush v0, $0x1;
	_ =	sdelay $0x4  }
0x19f: {  	(v2sf) =	vpush v1, $0x2  }
0x1a0: {  	(v2sf) =	vpush v0, $0x2;
	_ =	sdelay $0x1  }
0x1a1: {  	s29 =	spop (v2sf)  }
0x1a2: {  	s30 =	spop (v2sf)  }
0x1a3: {  	s30 =	sor.u32 s30, s29  }
0x1a4: {  	(v2sf) =	vpush v1, $0x3;
	s29 =	sshra.s32 s28, $0x2;
	s30 =	sshrl.u32 s30, $0x3  }
0x1a5: {  	(v2sf) =	vpush v0, $0x3;
	s31 =	sadd.s32 $0x2200, s29;
	s30 =	sadd.s32 s3, s30  }
0x1a6: {  	[tilespmem:s31], [sflag:$0x1] =	stream.linear.gather [hbm4b:s30+s2], $0x80, $0x38;
	[tilespmem:$0x10200] =	vst v63  }
0x1a7: {  	s30 =	spop (v2sf)  }
0x1a8: {  	s31 =	spop (v2sf)  }
0x1a9: {  	s30 =	sor.u32 s31, s30  }
0x1aa: {  	(v2sf) =	vpush v1, $0x4;
	s30 =	sshrl.u32 s30, $0x3  }
0x1ab: {  	(v2sf) =	vpush v0, $0x4;
	s31 =	sadd.s32 $0x2280, s29;
	s30 =	sadd.s32 s3, s30  }
0x1ac: {  	[tilespmem:s31], [sflag:$0x1] =	stream.linear.gather [hbm4b:s30+s2], $0x80, $0x38;
	[tilespmem:$0x10200] =	vst v63  }
0x1ad: {  	s30 =	spop (v2sf)  }
0x1ae: {  	s31 =	spop (v2sf)  }
0x1af: {  	s30 =	sor.u32 s31, s30  }
0x1b0: {  	(v2sf) =	vpush v1, $0x5;
	s30 =	sshrl.u32 s30, $0x3  }
0x1b1: {  	(v2sf) =	vpush v0, $0x5;
	s31 =	sadd.s32 $0x2300, s29;
	s30 =	sadd.s32 s3, s30  }
0x1b2: {  	[tilespmem:s31], [sflag:$0x1] =	stream.linear.gather [hbm4b:s30+s2], $0x80, $0x38;
	[tilespmem:$0x10200] =	vst v63  }
0x1b3: {  	s30 =	spop (v2sf)  }
0x1b4: {  	s31 =	spop (v2sf)  }
0x1b5: {  	s30 =	sor.u32 s31, s30  }
0x1b6: {  	(v2sf) =	vpush v1, $0x6;
	s30 =	sshrl.u32 s30, $0x3  }
0x1b7: {  	(v2sf) =	vpush v0, $0x6;
	s31 =	sadd.s32 $0x2380, s29;
	s30 =	sadd.s32 s3, s30  }
0x1b8: {  	[tilespmem:s31], [sflag:$0x1] =	stream.linear.gather [hbm4b:s30+s2], $0x80, $0x38;
	[tilespmem:$0x10200] =	vst v63  }
0x1b9: {  	s30 =	spop (v2sf)  }
0x1ba: {  	s31 =	spop (v2sf)  }
0x1bb: {  	s30 =	sor.u32 s31, s30  }
0x1bc: {  	(v2sf) =	vpush v1, $0x7;
	s30 =	sshrl.u32 s30, $0x3  }
0x1bd: {  	(v2sf) =	vpush v0, $0x7;
	s31 =	sadd.s32 $0x2400, s29;
	s30 =	sadd.s32 s3, s30  }
0x1be: {  	[tilespmem:s31], [sflag:$0x1] =	stream.linear.gather [hbm4b:s30+s2], $0x80, $0x38;
	[tilespmem:$0x10200] =	vst v63  }
0x1bf: {  	s30 =	spop (v2sf)  }
0x1c0: {  	s31 =	spop (v2sf)  }
0x1c1: {  	s30 =	sor.u32 s31, s30  }
0x1c2: {  	(v2sf) =	vpush v1, $0x8;
	s30 =	sshrl.u32 s30, $0x3  }
0x1c3: {  	(v2sf) =	vpush v0, $0x8;
	s31 =	sadd.s32 $0x2480, s29;
	s30 =	sadd.s32 s3, s30  }
0x1c4: {  	[tilespmem:s31], [sflag:$0x1] =	stream.linear.gather [hbm4b:s30+s2], $0x80, $0x38;
	[tilespmem:$0x10200] =	vst v63  }
0x1c5: {  	s30 =	spop (v2sf)  }
0x1c6: {  	s31 =	spop (v2sf)  }
0x1c7: {  	s30 =	sor.u32 s31, s30  }
0x1c8: {  	(v2sf) =	vpush v1, $0x9;
	s30 =	sshrl.u32 s30, $0x3  }
0x1c9: {  	(v2sf) =	vpush v0, $0x9;
	s31 =	sadd.s32 $0x2500, s29;
	s30 =	sadd.s32 s3, s30  }
0x1ca: {  	[tilespmem:s31], [sflag:$0x1] =	stream.linear.gather [hbm4b:s30+s2], $0x80, $0x38;
	[tilespmem:$0x10200] =	vst v63  }
0x1cb: {  	s30 =	spop (v2sf)  }
0x1cc: {  	s31 =	spop (v2sf)  }
0x1cd: {  	s30 =	sor.u32 s31, s30  }
0x1ce: {  	(v2sf) =	vpush v1, $0xA;
	s30 =	sshrl.u32 s30, $0x3  }
0x1cf: {  	(v2sf) =	vpush v0, $0xA;
	s31 =	sadd.s32 $0x2580, s29;
	s30 =	sadd.s32 s3, s30  }
0x1d0: {  	[tilespmem:s31], [sflag:$0x1] =	stream.linear.gather [hbm4b:s30+s2], $0x80, $0x38;
	[tilespmem:$0x10200] =	vst v63  }
0x1d1: {  	s30 =	spop (v2sf)  }
0x1d2: {  	s31 =	spop (v2sf)  }
0x1d3: {  	s30 =	sor.u32 s31, s30  }
0x1d4: {  	(v2sf) =	vpush v1, $0xB;
	s30 =	sshrl.u32 s30, $0x3  }
0x1d5: {  	(v2sf) =	vpush v0, $0xB;
	s31 =	sadd.s32 $0x2600, s29;
	s30 =	sadd.s32 s3, s30  }
0x1d6: {  	[tilespmem:s31], [sflag:$0x1] =	stream.linear.gather [hbm4b:s30+s2], $0x80, $0x38;
	[tilespmem:$0x10200] =	vst v63  }
0x1d7: {  	s30 =	spop (v2sf)  }
0x1d8: {  	s31 =	spop (v2sf)  }
0x1d9: {  	s30 =	sor.u32 s31, s30  }
0x1da: {  	(v2sf) =	vpush v1, $0xC;
	s30 =	sshrl.u32 s30, $0x3  }
0x1db: {  	(v2sf) =	vpush v0, $0xC;
	s31 =	sadd.s32 $0x2680, s29;
	s30 =	sadd.s32 s3, s30  }
0x1dc: {  	[tilespmem:s31], [sflag:$0x1] =	stream.linear.gather [hbm4b:s30+s2], $0x80, $0x38;
	[tilespmem:$0x10200] =	vst v63  }
0x1dd: {  	s30 =	spop (v2sf)  }
0x1de: {  	s31 =	spop (v2sf)  }
0x1df: {  	s30 =	sor.u32 s31, s30  }
0x1e0: {  	(v2sf) =	vpush v1, $0xD;
	s30 =	sshrl.u32 s30, $0x3  }
0x1e1: {  	(v2sf) =	vpush v0, $0xD;
	s31 =	sadd.s32 $0x2700, s29;
	s30 =	sadd.s32 s3, s30  }
0x1e2: {  	[tilespmem:s31], [sflag:$0x1] =	stream.linear.gather [hbm4b:s30+s2], $0x80, $0x38;
	[tilespmem:$0x10200] =	vst v63  }
0x1e3: {  	s30 =	spop (v2sf)  }
0x1e4: {  	s31 =	spop (v2sf)  }
0x1e5: {  	s30 =	sor.u32 s31, s30  }
0x1e6: {  	(v2sf) =	vpush v1, $0xE;
	s30 =	sshrl.u32 s30, $0x3  }
0x1e7: {  	(v2sf) =	vpush v0, $0xE;
	s31 =	sadd.s32 $0x2780, s29;
	s30 =	sadd.s32 s3, s30  }
0x1e8: {  	[tilespmem:s31], [sflag:$0x1] =	stream.linear.gather [hbm4b:s30+s2], $0x80, $0x38;
	[tilespmem:$0x10200] =	vst v63  }
0x1e9: {  	s30 =	spop (v2sf)  }
0x1ea: {  	s31 =	spop (v2sf)  }
0x1eb: {  	s30 =	sor.u32 s31, s30  }
0x1ec: {  	(v2sf) =	vpush v1, $0xF;
	s30 =	sshrl.u32 s30, $0x3  }
0x1ed: {  	(v2sf) =	vpush v0, $0xF;
	s31 =	sadd.s32 $0x2800, s29;
	s30 =	sadd.s32 s3, s30  }
0x1ee: {  	[tilespmem:s31], [sflag:$0x1] =	stream.linear.gather [hbm4b:s30+s2], $0x80, $0x38;
	[tilespmem:$0x10200] =	vst v63  }
0x1ef: {  	s30 =	spop (v2sf)  }
0x1f0: {  	s31 =	spop (v2sf)  }
0x1f1: {  	s30 =	sor.u32 s31, s30  }
0x1f2: {  	s30 =	sshrl.u32 s30, $0x3  }
0x1f3: {  	s31 =	sadd.s32 $0x2880, s29;
	s30 =	sadd.s32 s3, s30  }
0x1f4: {  	[tilespmem:s31], [sflag:$0x1] =	stream.linear.gather [hbm4b:s30+s2], $0x80, $0x38;
	[tilespmem:$0x10200] =	vst v63  }
0x1f5: {  	s30 =	spop (v2sf)  }
0x1f6: {  	s31 =	spop (v2sf)  }
0x1f7: {  	s30 =	sor.u32 s31, s30  }
0x1f8: {  	s30 =	sshrl.u32 s30, $0x3  }
0x1f9: {  	s31 =	sadd.s32 $0x2900, s29;
	s30 =	sadd.s32 s3, s30  }
0x1fa: {  	[tilespmem:s31], [sflag:$0x1] =	stream.linear.gather [hbm4b:s30+s2], $0x80, $0x38;
	[tilespmem:$0x10200] =	vst v63  }
0x1fb: {  	s30 =	spop (v2sf)  }
0x1fc: {  	s31 =	spop (v2sf)  }
0x1fd: {  	s30 =	sor.u32 s31, s30  }
0x1fe: {  	s30 =	sshrl.u32 s30, $0x3  }
0x1ff: {  	s31 =	sadd.s32 $0x2980, s29;
	s30 =	sadd.s32 s3, s30  }
0x200: {  	[tilespmem:s31], [sflag:$0x1] =	stream.linear.gather [hbm4b:s30+s2], $0x80, $0x38;
	[tilespmem:$0x10200] =	vst v63  }
0x201: {  	v58 =	vld [tilespmem:s26+$0xFFFFFFE0];
	_ =	sdelay $0x4  }
0x202: {  	v59 =	vshrl.u32 v58, $0x3  }
0x203: {  	v0 =	vand.u32 $0x7, v58;
	v1 =	vshll.u32 v59, $0xA  }
0x204: {  	v0 =	vshll.u32 v0, $0x7;
	(v2sf) =	vpush v1, $0x0  }
0x205: {  	(v2sf) =	vpush v0, $0x0;
	_ =	sdelay $0x4  }
0x206: {  	(v2sf) =	vpush v1, $0x1  }
0x207: {  	(v2sf) =	vpush v0, $0x1;
	_ =	sdelay $0x4  }
0x208: {  	(v2sf) =	vpush v1, $0x2  }
0x209: {  	(v2sf) =	vpush v0, $0x2;
	_ =	sdelay $0x1  }
0x20a: {  	s30 =	spop (v2sf)  }
0x20b: {  	s31 =	spop (v2sf)  }
0x20c: {  	s30 =	sor.u32 s31, s30  }
0x20d: {  	(v2sf) =	vpush v1, $0x3;
	s30 =	sshrl.u32 s30, $0x3  }
0x20e: {  	(v2sf) =	vpush v0, $0x3;
	s31 =	sadd.s32 $0x2A00, s29;
	s30 =	sadd.s32 s3, s30  }
0x20f: {  	[tilespmem:s31], [sflag:$0x1] =	stream.linear.gather [hbm4b:s30+s2], $0x80, $0x38;
	[tilespmem:$0x10200] =	vst v63  }
0x210: {  	s30 =	spop (v2sf)  }
0x211: {  	s31 =	spop (v2sf)  }
0x212: {  	s30 =	sor.u32 s31, s30  }
0x213: {  	(v2sf) =	vpush v1, $0x4;
	s30 =	sshrl.u32 s30, $0x3  }
0x214: {  	(v2sf) =	vpush v0, $0x4;
	s31 =	sadd.s32 $0x2A80, s29;
	s30 =	sadd.s32 s3, s30  }
0x215: {  	[tilespmem:s31], [sflag:$0x1] =	stream.linear.gather [hbm4b:s30+s2], $0x80, $0x38;
	[tilespmem:$0x10200] =	vst v63  }
0x216: {  	s30 =	spop (v2sf)  }
0x217: {  	s31 =	spop (v2sf)  }
0x218: {  	s30 =	sor.u32 s31, s30  }
0x219: {  	(v2sf) =	vpush v1, $0x5;
	s30 =	sshrl.u32 s30, $0x3  }
0x21a: {  	(v2sf) =	vpush v0, $0x5;
	s31 =	sadd.s32 $0x2B00, s29;
	s30 =	sadd.s32 s3, s30  }
0x21b: {  	[tilespmem:s31], [sflag:$0x1] =	stream.linear.gather [hbm4b:s30+s2], $0x80, $0x38;
	[tilespmem:$0x10200] =	vst v63  }
0x21c: {  	s30 =	spop (v2sf)  }
0x21d: {  	s31 =	spop (v2sf)  }
0x21e: {  	s30 =	sor.u32 s31, s30  }
0x21f: {  	(v2sf) =	vpush v1, $0x6;
	s30 =	sshrl.u32 s30, $0x3  }
0x220: {  	(v2sf) =	vpush v0, $0x6;
	s31 =	sadd.s32 $0x2B80, s29;
	s30 =	sadd.s32 s3, s30  }
0x221: {  	[tilespmem:s31], [sflag:$0x1] =	stream.linear.gather [hbm4b:s30+s2], $0x80, $0x38;
	[tilespmem:$0x10200] =	vst v63  }
0x222: {  	s30 =	spop (v2sf)  }
0x223: {  	s31 =	spop (v2sf)  }
0x224: {  	s30 =	sor.u32 s31, s30  }
0x225: {  	(v2sf) =	vpush v1, $0x7;
	s30 =	sshrl.u32 s30, $0x3  }
0x226: {  	(v2sf) =	vpush v0, $0x7;
	s31 =	sadd.s32 $0x2C00, s29;
	s30 =	sadd.s32 s3, s30  }
0x227: {  	[tilespmem:s31], [sflag:$0x1] =	stream.linear.gather [hbm4b:s30+s2], $0x80, $0x38;
	[tilespmem:$0x10200] =	vst v63  }
0x228: {  	s30 =	spop (v2sf)  }
0x229: {  	s31 =	spop (v2sf)  }
0x22a: {  	s30 =	sor.u32 s31, s30  }
0x22b: {  	(v2sf) =	vpush v1, $0x8;
	s30 =	sshrl.u32 s30, $0x3  }
0x22c: {  	(v2sf) =	vpush v0, $0x8;
	s31 =	sadd.s32 $0x2C80, s29;
	s30 =	sadd.s32 s3, s30  }
0x22d: {  	[tilespmem:s31], [sflag:$0x1] =	stream.linear.gather [hbm4b:s30+s2], $0x80, $0x38;
	[tilespmem:$0x10200] =	vst v63  }
0x22e: {  	s30 =	spop (v2sf)  }
0x22f: {  	s31 =	spop (v2sf)  }
0x230: {  	s30 =	sor.u32 s31, s30  }
0x231: {  	(v2sf) =	vpush v1, $0x9;
	s30 =	sshrl.u32 s30, $0x3  }
0x232: {  	(v2sf) =	vpush v0, $0x9;
	s31 =	sadd.s32 $0x2D00, s29;
	s30 =	sadd.s32 s3, s30  }
0x233: {  	[tilespmem:s31], [sflag:$0x1] =	stream.linear.gather [hbm4b:s30+s2], $0x80, $0x38;
	[tilespmem:$0x10200] =	vst v63  }
0x234: {  	s30 =	spop (v2sf)  }
0x235: {  	s31 =	spop (v2sf)  }
0x236: {  	s30 =	sor.u32 s31, s30  }
0x237: {  	(v2sf) =	vpush v1, $0xA;
	s30 =	sshrl.u32 s30, $0x3  }
0x238: {  	(v2sf) =	vpush v0, $0xA;
	s31 =	sadd.s32 $0x2D80, s29;
	s30 =	sadd.s32 s3, s30  }
0x239: {  	[tilespmem:s31], [sflag:$0x1] =	stream.linear.gather [hbm4b:s30+s2], $0x80, $0x38;
	[tilespmem:$0x10200] =	vst v63  }
0x23a: {  	s30 =	spop (v2sf)  }
0x23b: {  	s31 =	spop (v2sf)  }
0x23c: {  	s30 =	sor.u32 s31, s30  }
0x23d: {  	(v2sf) =	vpush v1, $0xB;
	s30 =	sshrl.u32 s30, $0x3  }
0x23e: {  	(v2sf) =	vpush v0, $0xB;
	s31 =	sadd.s32 $0x2E00, s29;
	s30 =	sadd.s32 s3, s30  }
0x23f: {  	[tilespmem:s31], [sflag:$0x1] =	stream.linear.gather [hbm4b:s30+s2], $0x80, $0x38;
	[tilespmem:$0x10200] =	vst v63  }
0x240: {  	s30 =	spop (v2sf)  }
0x241: {  	s31 =	spop (v2sf)  }
0x242: {  	s30 =	sor.u32 s31, s30  }
0x243: {  	(v2sf) =	vpush v1, $0xC;
	s30 =	sshrl.u32 s30, $0x3  }
0x244: {  	(v2sf) =	vpush v0, $0xC;
	s31 =	sadd.s32 $0x2E80, s29;
	s30 =	sadd.s32 s3, s30  }
0x245: {  	[tilespmem:s31], [sflag:$0x1] =	stream.linear.gather [hbm4b:s30+s2], $0x80, $0x38;
	[tilespmem:$0x10200] =	vst v63  }
0x246: {  	s30 =	spop (v2sf)  }
0x247: {  	s31 =	spop (v2sf)  }
0x248: {  	s30 =	sor.u32 s31, s30  }
0x249: {  	(v2sf) =	vpush v1, $0xD;
	s30 =	sshrl.u32 s30, $0x3  }
0x24a: {  	(v2sf) =	vpush v0, $0xD;
	s31 =	sadd.s32 $0x2F00, s29;
	s30 =	sadd.s32 s3, s30  }
0x24b: {  	[tilespmem:s31], [sflag:$0x1] =	stream.linear.gather [hbm4b:s30+s2], $0x80, $0x38;
	[tilespmem:$0x10200] =	vst v63  }
0x24c: {  	s30 =	spop (v2sf)  }
0x24d: {  	s31 =	spop (v2sf)  }
0x24e: {  	s30 =	sor.u32 s31, s30  }
0x24f: {  	(v2sf) =	vpush v1, $0xE;
	s30 =	sshrl.u32 s30, $0x3  }
0x250: {  	(v2sf) =	vpush v0, $0xE;
	s31 =	sadd.s32 $0x2F80, s29;
	s30 =	sadd.s32 s3, s30  }
0x251: {  	[tilespmem:s31], [sflag:$0x1] =	stream.linear.gather [hbm4b:s30+s2], $0x80, $0x38;
	[tilespmem:$0x10200] =	vst v63  }
0x252: {  	s30 =	spop (v2sf)  }
0x253: {  	s31 =	spop (v2sf)  }
0x254: {  	s30 =	sor.u32 s31, s30  }
0x255: {  	(v2sf) =	vpush v1, $0xF;
	s30 =	sshrl.u32 s30, $0x3  }
0x256: {  	(v2sf) =	vpush v0, $0xF;
	s31 =	sadd.s32 $0x3000, s29;
	s30 =	sadd.s32 s3, s30  }
0x257: {  	[tilespmem:s31], [sflag:$0x1] =	stream.linear.gather [hbm4b:s30+s2], $0x80, $0x38;
	[tilespmem:$0x10200] =	vst v63  }
0x258: {  	s30 =	spop (v2sf)  }
0x259: {  	s31 =	spop (v2sf)  }
0x25a: {  	s30 =	sor.u32 s31, s30  }
0x25b: {  	s30 =	sshrl.u32 s30, $0x3  }
0x25c: {  	s31 =	sadd.s32 $0x3080, s29;
	s30 =	sadd.s32 s3, s30  }
0x25d: {  	[tilespmem:s31], [sflag:$0x1] =	stream.linear.gather [hbm4b:s30+s2], $0x80, $0x38;
	[tilespmem:$0x10200] =	vst v63  }
0x25e: {  	s30 =	spop (v2sf)  }
0x25f: {  	s31 =	spop (v2sf)  }
0x260: {  	s30 =	sor.u32 s31, s30  }
0x261: {  	s30 =	sshrl.u32 s30, $0x3  }
0x262: {  	s31 =	sadd.s32 $0x3100, s29;
	s30 =	sadd.s32 s3, s30  }
0x263: {  	[tilespmem:s31], [sflag:$0x1] =	stream.linear.gather [hbm4b:s30+s2], $0x80, $0x38;
	[tilespmem:$0x10200] =	vst v63  }
0x264: {  	s30 =	spop (v2sf)  }
0x265: {  	s31 =	spop (v2sf)  }
0x266: {  	s30 =	sor.u32 s31, s30  }
0x267: {  	s30 =	sshrl.u32 s30, $0x3  }
0x268: {  	s31 =	sadd.s32 $0x3180, s29;
	s30 =	sadd.s32 s3, s30  }
0x269: {  	[tilespmem:s31], [sflag:$0x1] =	stream.linear.gather [hbm4b:s30+s2], $0x80, $0x38;
	[tilespmem:$0x10200] =	vst v63  }
0x26a: {  	v60 =	vld [tilespmem:s26+$0xFFFFFFF0];
	_ =	sdelay $0x4  }
0x26b: {  	v61 =	vshrl.u32 v60, $0x3  }
0x26c: {  	v0 =	vand.u32 $0x7, v60;
	v1 =	vshll.u32 v61, $0xA  }
0x26d: {  	v0 =	vshll.u32 v0, $0x7;
	(v2sf) =	vpush v1, $0x0  }
0x26e: {  	(v2sf) =	vpush v0, $0x0;
	_ =	sdelay $0x4  }
0x26f: {  	(v2sf) =	vpush v1, $0x1  }
0x270: {  	(v2sf) =	vpush v0, $0x1;
	_ =	sdelay $0x4  }
0x271: {  	(v2sf) =	vpush v1, $0x2  }
0x272: {  	(v2sf) =	vpush v0, $0x2;
	_ =	sdelay $0x1  }
0x273: {  	s30 =	spop (v2sf)  }
0x274: {  	s31 =	spop (v2sf)  }
0x275: {  	s30 =	sor.u32 s31, s30  }
0x276: {  	(v2sf) =	vpush v1, $0x3;
	s30 =	sshrl.u32 s30, $0x3  }
0x277: {  	(v2sf) =	vpush v0, $0x3;
	s31 =	sadd.s32 $0x3200, s29;
	s30 =	sadd.s32 s3, s30  }
0x278: {  	[tilespmem:s31], [sflag:$0x1] =	stream.linear.gather [hbm4b:s30+s2], $0x80, $0x38;
	[tilespmem:$0x10200] =	vst v63  }
0x279: {  	s30 =	spop (v2sf)  }
0x27a: {  	s31 =	spop (v2sf)  }
0x27b: {  	s30 =	sor.u32 s31, s30  }
0x27c: {  	(v2sf) =	vpush v1, $0x4;
	s30 =	sshrl.u32 s30, $0x3  }
0x27d: {  	(v2sf) =	vpush v0, $0x4;
	s31 =	sadd.s32 $0x3280, s29;
	s30 =	sadd.s32 s3, s30  }
0x27e: {  	[tilespmem:s31], [sflag:$0x1] =	stream.linear.gather [hbm4b:s30+s2], $0x80, $0x38;
	[tilespmem:$0x10200] =	vst v63  }
0x27f: {  	s30 =	spop (v2sf)  }
0x280: {  	s31 =	spop (v2sf)  }
0x281: {  	s30 =	sor.u32 s31, s30  }
0x282: {  	(v2sf) =	vpush v1, $0x5;
	s30 =	sshrl.u32 s30, $0x3  }
0x283: {  	(v2sf) =	vpush v0, $0x5;
	s31 =	sadd.s32 $0x3300, s29;
	s30 =	sadd.s32 s3, s30  }
0x284: {  	[tilespmem:s31], [sflag:$0x1] =	stream.linear.gather [hbm4b:s30+s2], $0x80, $0x38;
	[tilespmem:$0x10200] =	vst v63  }
0x285: {  	s30 =	spop (v2sf)  }
0x286: {  	s31 =	spop (v2sf)  }
0x287: {  	s30 =	sor.u32 s31, s30  }
0x288: {  	(v2sf) =	vpush v1, $0x6;
	s30 =	sshrl.u32 s30, $0x3  }
0x289: {  	(v2sf) =	vpush v0, $0x6;
	s31 =	sadd.s32 $0x3380, s29;
	s30 =	sadd.s32 s3, s30  }
0x28a: {  	[tilespmem:s31], [sflag:$0x1] =	stream.linear.gather [hbm4b:s30+s2], $0x80, $0x38;
	[tilespmem:$0x10200] =	vst v63  }
0x28b: {  	s30 =	spop (v2sf)  }
0x28c: {  	s31 =	spop (v2sf)  }
0x28d: {  	s30 =	sor.u32 s31, s30  }
0x28e: {  	(v2sf) =	vpush v1, $0x7;
	s30 =	sshrl.u32 s30, $0x3  }
0x28f: {  	(v2sf) =	vpush v0, $0x7;
	s31 =	sadd.s32 $0x3400, s29;
	s30 =	sadd.s32 s3, s30  }
0x290: {  	[tilespmem:s31], [sflag:$0x1] =	stream.linear.gather [hbm4b:s30+s2], $0x80, $0x38;
	[tilespmem:$0x10200] =	vst v63  }
0x291: {  	s30 =	spop (v2sf)  }
0x292: {  	s31 =	spop (v2sf)  }
0x293: {  	s30 =	sor.u32 s31, s30  }
0x294: {  	(v2sf) =	vpush v1, $0x8;
	s30 =	sshrl.u32 s30, $0x3  }
0x295: {  	(v2sf) =	vpush v0, $0x8;
	s31 =	sadd.s32 $0x3480, s29;
	s30 =	sadd.s32 s3, s30  }
0x296: {  	[tilespmem:s31], [sflag:$0x1] =	stream.linear.gather [hbm4b:s30+s2], $0x80, $0x38;
	[tilespmem:$0x10200] =	vst v63  }
0x297: {  	s30 =	spop (v2sf)  }
0x298: {  	s31 =	spop (v2sf)  }
0x299: {  	s30 =	sor.u32 s31, s30  }
0x29a: {  	(v2sf) =	vpush v1, $0x9;
	s30 =	sshrl.u32 s30, $0x3  }
0x29b: {  	(v2sf) =	vpush v0, $0x9;
	s31 =	sadd.s32 $0x3500, s29;
	s30 =	sadd.s32 s3, s30  }
0x29c: {  	[tilespmem:s31], [sflag:$0x1] =	stream.linear.gather [hbm4b:s30+s2], $0x80, $0x38;
	[tilespmem:$0x10200] =	vst v63  }
0x29d: {  	s30 =	spop (v2sf)  }
0x29e: {  	s31 =	spop (v2sf)  }
0x29f: {  	s30 =	sor.u32 s31, s30  }
0x2a0: {  	(v2sf) =	vpush v1, $0xA;
	s30 =	sshrl.u32 s30, $0x3  }
0x2a1: {  	(v2sf) =	vpush v0, $0xA;
	s31 =	sadd.s32 $0x3580, s29;
	s30 =	sadd.s32 s3, s30  }
0x2a2: {  	[tilespmem:s31], [sflag:$0x1] =	stream.linear.gather [hbm4b:s30+s2], $0x80, $0x38;
	[tilespmem:$0x10200] =	vst v63  }
0x2a3: {  	s30 =	spop (v2sf)  }
0x2a4: {  	s31 =	spop (v2sf)  }
0x2a5: {  	s30 =	sor.u32 s31, s30  }
0x2a6: {  	(v2sf) =	vpush v1, $0xB;
	s30 =	sshrl.u32 s30, $0x3  }
0x2a7: {  	(v2sf) =	vpush v0, $0xB;
	s31 =	sadd.s32 $0x3600, s29;
	s30 =	sadd.s32 s3, s30  }
0x2a8: {  	[tilespmem:s31], [sflag:$0x1] =	stream.linear.gather [hbm4b:s30+s2], $0x80, $0x38;
	[tilespmem:$0x10200] =	vst v63  }
0x2a9: {  	s30 =	spop (v2sf)  }
0x2aa: {  	s31 =	spop (v2sf)  }
0x2ab: {  	s30 =	sor.u32 s31, s30  }
0x2ac: {  	(v2sf) =	vpush v1, $0xC;
	s30 =	sshrl.u32 s30, $0x3  }
0x2ad: {  	(v2sf) =	vpush v0, $0xC;
	s31 =	sadd.s32 $0x3680, s29;
	s30 =	sadd.s32 s3, s30  }
0x2ae: {  	[tilespmem:s31], [sflag:$0x1] =	stream.linear.gather [hbm4b:s30+s2], $0x80, $0x38;
	[tilespmem:$0x10200] =	vst v63  }
0x2af: {  	s30 =	spop (v2sf)  }
0x2b0: {  	s31 =	spop (v2sf)  }
0x2b1: {  	s30 =	sor.u32 s31, s30  }
0x2b2: {  	(v2sf) =	vpush v1, $0xD;
	s30 =	sshrl.u32 s30, $0x3  }
0x2b3: {  	(v2sf) =	vpush v0, $0xD;
	s31 =	sadd.s32 $0x3700, s29;
	s30 =	sadd.s32 s3, s30  }
0x2b4: {  	[tilespmem:s31], [sflag:$0x1] =	stream.linear.gather [hbm4b:s30+s2], $0x80, $0x38;
	[tilespmem:$0x10200] =	vst v63  }
0x2b5: {  	s30 =	spop (v2sf)  }
0x2b6: {  	s31 =	spop (v2sf)  }
0x2b7: {  	s30 =	sor.u32 s31, s30  }
0x2b8: {  	(v2sf) =	vpush v1, $0xE;
	s30 =	sshrl.u32 s30, $0x3  }
0x2b9: {  	(v2sf) =	vpush v0, $0xE;
	s31 =	sadd.s32 $0x3780, s29;
	s30 =	sadd.s32 s3, s30  }
0x2ba: {  	[tilespmem:s31], [sflag:$0x1] =	stream.linear.gather [hbm4b:s30+s2], $0x80, $0x38;
	[tilespmem:$0x10200] =	vst v63  }
0x2bb: {  	s30 =	spop (v2sf)  }
0x2bc: {  	s31 =	spop (v2sf)  }
0x2bd: {  	s30 =	sor.u32 s31, s30  }
0x2be: {  	(v2sf) =	vpush v1, $0xF;
	s30 =	sshrl.u32 s30, $0x3  }
0x2bf: {  	(v2sf) =	vpush v0, $0xF;
	s31 =	sadd.s32 $0x3800, s29;
	s30 =	sadd.s32 s3, s30  }
0x2c0: {  	[tilespmem:s31], [sflag:$0x1] =	stream.linear.gather [hbm4b:s30+s2], $0x80, $0x38;
	[tilespmem:$0x10200] =	vst v63  }
0x2c1: {  	s30 =	spop (v2sf)  }
0x2c2: {  	s31 =	spop (v2sf)  }
0x2c3: {  	s30 =	sor.u32 s31, s30  }
0x2c4: {  	s30 =	sshrl.u32 s30, $0x3  }
0x2c5: {  	s31 =	sadd.s32 $0x3880, s29;
	s30 =	sadd.s32 s3, s30  }
0x2c6: {  	[tilespmem:s31], [sflag:$0x1] =	stream.linear.gather [hbm4b:s30+s2], $0x80, $0x38;
	[tilespmem:$0x10200] =	vst v63  }
0x2c7: {  	s30 =	spop (v2sf)  }
0x2c8: {  	s31 =	spop (v2sf)  }
0x2c9: {  	s30 =	sor.u32 s31, s30  }
0x2ca: {  	s30 =	sshrl.u32 s30, $0x3  }
0x2cb: {  	s31 =	sadd.s32 $0x3900, s29;
	s30 =	sadd.s32 s3, s30  }
0x2cc: {  	[tilespmem:s31], [sflag:$0x1] =	stream.linear.gather [hbm4b:s30+s2], $0x80, $0x38;
	[tilespmem:$0x10200] =	vst v63  }
0x2cd: {  	s30 =	spop (v2sf)  }
0x2ce: {  	s31 =	spop (v2sf)  }
0x2cf: {  	s30 =	sor.u32 s31, s30  }
0x2d0: {  	s30 =	sshrl.u32 s30, $0x3  }
0x2d1: {  	s31 =	sadd.s32 $0x3980, s29;
	s30 =	sadd.s32 s3, s30  }
0x2d2: {  	[tilespmem:s31], [sflag:$0x1] =	stream.linear.gather [hbm4b:s30+s2], $0x80, $0x38;
	[tilespmem:$0x10200] =	vst v63  }
0x2d3: {  	v62 =	vld [tilespmem:s26+$0x0];
	_ =	sdelay $0x4  }
0x2d4: {  	v63 =	vshrl.u32 v62, $0x3  }
0x2d5: {  	v0 =	vand.u32 $0x7, v62;
	v1 =	vshll.u32 v63, $0xA  }
0x2d6: {  	v0 =	vshll.u32 v0, $0x7;
	(v2sf) =	vpush v1, $0x0  }
0x2d7: {  	(v2sf) =	vpush v0, $0x0;
	_ =	sdelay $0x4  }
0x2d8: {  	(v2sf) =	vpush v1, $0x1  }
0x2d9: {  	(v2sf) =	vpush v0, $0x1;
	_ =	sdelay $0x4  }
0x2da: {  	(v2sf) =	vpush v1, $0x2  }
0x2db: {  	(v2sf) =	vpush v0, $0x2;
	_ =	sdelay $0x1  }
0x2dc: {  	s30 =	spop (v2sf)  }
0x2dd: {  	s31 =	spop (v2sf)  }
0x2de: {  	s30 =	sor.u32 s31, s30  }
0x2df: {  	(v2sf) =	vpush v1, $0x3;
	s30 =	sshrl.u32 s30, $0x3  }
0x2e0: {  	(v2sf) =	vpush v0, $0x3;
	s31 =	sadd.s32 $0x3A00, s29;
	s30 =	sadd.s32 s3, s30  }
0x2e1: {  	[tilespmem:s31], [sflag:$0x1] =	stream.linear.gather [hbm4b:s30+s2], $0x80, $0x38;
	[tilespmem:$0x10200] =	vst v63  }
0x2e2: {  	s30 =	spop (v2sf)  }
0x2e3: {  	s31 =	spop (v2sf)  }
0x2e4: {  	s30 =	sor.u32 s31, s30  }
0x2e5: {  	(v2sf) =	vpush v1, $0x4;
	s30 =	sshrl.u32 s30, $0x3  }
0x2e6: {  	(v2sf) =	vpush v0, $0x4;
	s31 =	sadd.s32 $0x3A80, s29;
	s30 =	sadd.s32 s3, s30  }
0x2e7: {  	[tilespmem:s31], [sflag:$0x1] =	stream.linear.gather [hbm4b:s30+s2], $0x80, $0x38;
	[tilespmem:$0x10200] =	vst v63  }
0x2e8: {  	s30 =	spop (v2sf)  }
0x2e9: {  	s31 =	spop (v2sf)  }
0x2ea: {  	s30 =	sor.u32 s31, s30  }
0x2eb: {  	(v2sf) =	vpush v1, $0x5;
	s30 =	sshrl.u32 s30, $0x3  }
0x2ec: {  	(v2sf) =	vpush v0, $0x5;
	s31 =	sadd.s32 $0x3B00, s29;
	s30 =	sadd.s32 s3, s30  }
0x2ed: {  	[tilespmem:s31], [sflag:$0x1] =	stream.linear.gather [hbm4b:s30+s2], $0x80, $0x38;
	[tilespmem:$0x10200] =	vst v63  }
0x2ee: {  	s30 =	spop (v2sf)  }
0x2ef: {  	s31 =	spop (v2sf)  }
0x2f0: {  	s30 =	sor.u32 s31, s30  }
0x2f1: {  	(v2sf) =	vpush v1, $0x6;
	s30 =	sshrl.u32 s30, $0x3  }
0x2f2: {  	(v2sf) =	vpush v0, $0x6;
	s31 =	sadd.s32 $0x3B80, s29;
	s30 =	sadd.s32 s3, s30  }
0x2f3: {  	[tilespmem:s31], [sflag:$0x1] =	stream.linear.gather [hbm4b:s30+s2], $0x80, $0x38;
	[tilespmem:$0x10200] =	vst v63  }
0x2f4: {  	s30 =	spop (v2sf)  }
0x2f5: {  	s31 =	spop (v2sf)  }
0x2f6: {  	s30 =	sor.u32 s31, s30  }
0x2f7: {  	(v2sf) =	vpush v1, $0x7;
	s30 =	sshrl.u32 s30, $0x3  }
0x2f8: {  	(v2sf) =	vpush v0, $0x7;
	s31 =	sadd.s32 $0x3C00, s29;
	s30 =	sadd.s32 s3, s30  }
0x2f9: {  	[tilespmem:s31], [sflag:$0x1] =	stream.linear.gather [hbm4b:s30+s2], $0x80, $0x38;
	[tilespmem:$0x10200] =	vst v63  }
0x2fa: {  	s30 =	spop (v2sf)  }
0x2fb: {  	s31 =	spop (v2sf)  }
0x2fc: {  	s30 =	sor.u32 s31, s30  }
0x2fd: {  	(v2sf) =	vpush v1, $0x8;
	s30 =	sshrl.u32 s30, $0x3  }
0x2fe: {  	(v2sf) =	vpush v0, $0x8;
	s31 =	sadd.s32 $0x3C80, s29;
	s30 =	sadd.s32 s3, s30  }
0x2ff: {  	[tilespmem:s31], [sflag:$0x1] =	stream.linear.gather [hbm4b:s30+s2], $0x80, $0x38;
	[tilespmem:$0x10200] =	vst v63  }
0x300: {  	s30 =	spop (v2sf)  }
0x301: {  	s31 =	spop (v2sf)  }
0x302: {  	s30 =	sor.u32 s31, s30  }
0x303: {  	(v2sf) =	vpush v1, $0x9;
	s30 =	sshrl.u32 s30, $0x3  }
0x304: {  	(v2sf) =	vpush v0, $0x9;
	s31 =	sadd.s32 $0x3D00, s29;
	s30 =	sadd.s32 s3, s30  }
0x305: {  	[tilespmem:s31], [sflag:$0x1] =	stream.linear.gather [hbm4b:s30+s2], $0x80, $0x38;
	[tilespmem:$0x10200] =	vst v63  }
0x306: {  	s30 =	spop (v2sf)  }
0x307: {  	s31 =	spop (v2sf)  }
0x308: {  	s30 =	sor.u32 s31, s30  }
0x309: {  	(v2sf) =	vpush v1, $0xA;
	s30 =	sshrl.u32 s30, $0x3  }
0x30a: {  	(v2sf) =	vpush v0, $0xA;
	s31 =	sadd.s32 $0x3D80, s29;
	s30 =	sadd.s32 s3, s30  }
0x30b: {  	[tilespmem:s31], [sflag:$0x1] =	stream.linear.gather [hbm4b:s30+s2], $0x80, $0x38;
	[tilespmem:$0x10200] =	vst v63  }
0x30c: {  	s30 =	spop (v2sf)  }
0x30d: {  	s31 =	spop (v2sf)  }
0x30e: {  	s30 =	sor.u32 s31, s30  }
0x30f: {  	(v2sf) =	vpush v1, $0xB;
	s30 =	sshrl.u32 s30, $0x3  }
0x310: {  	(v2sf) =	vpush v0, $0xB;
	s31 =	sadd.s32 $0x3E00, s29;
	s30 =	sadd.s32 s3, s30  }
0x311: {  	[tilespmem:s31], [sflag:$0x1] =	stream.linear.gather [hbm4b:s30+s2], $0x80, $0x38;
	[tilespmem:$0x10200] =	vst v63  }
0x312: {  	s30 =	spop (v2sf)  }
0x313: {  	s31 =	spop (v2sf)  }
0x314: {  	s30 =	sor.u32 s31, s30  }
0x315: {  	(v2sf) =	vpush v1, $0xC;
	s30 =	sshrl.u32 s30, $0x3  }
0x316: {  	(v2sf) =	vpush v0, $0xC;
	s31 =	sadd.s32 $0x3E80, s29;
	s30 =	sadd.s32 s3, s30  }
0x317: {  	[tilespmem:s31], [sflag:$0x1] =	stream.linear.gather [hbm4b:s30+s2], $0x80, $0x38;
	[tilespmem:$0x10200] =	vst v63  }
0x318: {  	s30 =	spop (v2sf)  }
0x319: {  	s31 =	spop (v2sf)  }
0x31a: {  	s30 =	sor.u32 s31, s30  }
0x31b: {  	(v2sf) =	vpush v1, $0xD;
	s30 =	sshrl.u32 s30, $0x3  }
0x31c: {  	(v2sf) =	vpush v0, $0xD;
	s31 =	sadd.s32 $0x3F00, s29;
	s30 =	sadd.s32 s3, s30  }
0x31d: {  	[tilespmem:s31], [sflag:$0x1] =	stream.linear.gather [hbm4b:s30+s2], $0x80, $0x38;
	[tilespmem:$0x10200] =	vst v63  }
0x31e: {  	s30 =	spop (v2sf)  }
0x31f: {  	s31 =	spop (v2sf)  }
0x320: {  	s30 =	sor.u32 s31, s30  }
0x321: {  	(v2sf) =	vpush v1, $0xE;
	s30 =	sshrl.u32 s30, $0x3  }
0x322: {  	(v2sf) =	vpush v0, $0xE;
	s31 =	sadd.s32 $0x3F80, s29;
	s30 =	sadd.s32 s3, s30  }
0x323: {  	[tilespmem:s31], [sflag:$0x1] =	stream.linear.gather [hbm4b:s30+s2], $0x80, $0x38;
	[tilespmem:$0x10200] =	vst v63  }
0x324: {  	s30 =	spop (v2sf)  }
0x325: {  	s31 =	spop (v2sf)  }
0x326: {  	s30 =	sor.u32 s31, s30  }
0x327: {  	(v2sf) =	vpush v1, $0xF;
	s30 =	sshrl.u32 s30, $0x3  }
0x328: {  	(v2sf) =	vpush v0, $0xF;
	s31 =	sadd.s32 $0x4000, s29;
	s30 =	sadd.s32 s3, s30  }
0x329: {  	[tilespmem:s31], [sflag:$0x1] =	stream.linear.gather [hbm4b:s30+s2], $0x80, $0x38;
	[tilespmem:$0x10200] =	vst v63  }
0x32a: {  	s30 =	spop (v2sf)  }
0x32b: {  	s31 =	spop (v2sf)  }
0x32c: {  	s30 =	sor.u32 s31, s30  }
0x32d: {  	s30 =	sshrl.u32 s30, $0x3  }
0x32e: {  	s31 =	sadd.s32 $0x4080, s29;
	s30 =	sadd.s32 s3, s30  }
0x32f: {  	[tilespmem:s31], [sflag:$0x1] =	stream.linear.gather [hbm4b:s30+s2], $0x80, $0x38;
	[tilespmem:$0x10200] =	vst v63  }
0x330: {  	s30 =	spop (v2sf)  }
0x331: {  	s31 =	spop (v2sf)  }
0x332: {  	s30 =	sor.u32 s31, s30  }
0x333: {  	s30 =	sshrl.u32 s30, $0x3  }
0x334: {  	s31 =	sadd.s32 $0x4100, s29;
	s30 =	sadd.s32 s3, s30  }
0x335: {  	[tilespmem:s31], [sflag:$0x1] =	stream.linear.gather [hbm4b:s30+s2], $0x80, $0x38;
	[tilespmem:$0x10200] =	vst v63  }
0x336: {  	s30 =	spop (v2sf)  }
.Ltmp5:
0x337: {  	s31 =	spop (v2sf);
	(pc) =	sbr.rel .LBB2_4-.Ltmp5, $4  }
0x338: {  	s30 =	sor.u32 s31, s30  }
0x339: {  	s30 =	sshrl.u32 s30, $0x3  }
0x33a: {  	s29 =	sadd.s32 $0x4180, s29;
	s30 =	sadd.s32 s3, s30  }
0x33b: {  	[tilespmem:s29], [sflag:$0x1] =	stream.linear.gather [hbm4b:s30+s2], $0x80, $0x38;
	[tilespmem:$0x10200] =	vst v63  }
.LBB2_6:
0x33c: {  	_ =	sfence.sel $0x180000  }
0x33d: {  	[bflag:$0x0] =	sbarrier.arrive $0xFFFF  }
0x33e: {  	_ =	strace $0x90000047  }
0x33f: {  	s0 =	stileid.u32;
	[bflag:$0x2] =	sbarrier.arrive $0xFFFF  }
0x340: {  	p0 =	sne.s32 s0, $0x0;
	s0 =	rddreg [dreg:$0x2]  }
0x341: {  	s0 =	sadd.s32 @!p0 $0x100000, s0  }
0x342: {  	[sflag:s0] =	ssyncadd.tile.s32 @!p0 $0x1;
	_ =	shalt  }
.Lfunc_end2:
_tile_overlayer_lowered:
.L_overlay_start_2:
0x343: {  	(tag) =	ssettag $0x2  }
0x344: {  	s0 =	rddreg [dreg:$0x0];
	s2 =	stileid.u32  }
0x345: {  	s1 =	rddreg [dreg:$0x1];
	p0 =	sne.s32 s2, $0x0  }
0x346: {  	s3 =	rddreg [dreg:$0x2];
	[bflag:$0x3] =	sbarrier.arrive $0xFFFF;
	s2 =	simm.s32 @!p0 $0x1C02  }
0x347: {  	[timem:s3], [sflag:s2] =	dma.local @!p0 [hbm:s0], s1  }
0x348: {  	s0 =	simm.s32 @!p0 $0x2  }
0x349: {  	_ =	swait.ge @!p0 [sflag:s0], s1  }
0x34a: {  	s1 =	ssub.s32 @!p0 $0x0, s1;
	[sflag:s0] =	ssyncset.done @!p0 $0x0  }
0x34b: {  	[sflag:s0] =	ssyncadd.s32 @!p0 s1  }
0x34c: {  	[bflag:$0x3] =	sbarrier.arrive $0xFFFF  }
0x34d: {  	_ =	shalt  }

</sc_bundles>
